<compile_context>
chip_gen: v7x
topology: tpu7x:2x2x1
jax: 0.10.2.dev20260603
libtpu: 0.0.44.dev20260713+nightly
codegen_flags: <defaults>
</compile_context>

<pallas_src>
import functools

import jax
import jax.numpy as jnp
from jax import lax
from jax.experimental import pallas as pl
from jax.experimental.pallas import tpu as pltpu
from jax.experimental.pallas import tpu_sc as plsc

N = 10000
E = 160000
D_IN = 128
HID = 32
E_IN = 16
E_HID = 128
STEPS = 2
ALPHA = 0.1
BETA = 1.0 / STEPS

SC_CORES = 2
SC_SUBCORES = 16
SC_W = SC_CORES * SC_SUBCORES
GCH = 128
NPAD = 10240
NPT = NPAD // SC_SUBCORES

TILE_E = 3200

HALF_A = 83200
HALF_B = E - HALF_A
EPWA = HALF_A // SC_W
NCHA = EPWA // GCH
TAILA = EPWA - NCHA * GCH
EPWB = HALF_B // SC_W
NCHB = EPWB // GCH
TAILB = EPWB - NCHB * GCH



def _lin0_body(nf, w0t, b0, out):
    out[...] = jnp.maximum(
        jnp.dot(nf[...], w0t[...], preferred_element_type=jnp.float32) + b0[...],
        0.0)


def _edge_body(ef, hp, we1t, be1, we2t, b2, rrep, msgp):
    hpv = hp[...]
    h = jnp.concatenate([hpv[:, HID * q:HID * (q + 1)] for q in range(4)],
                        axis=0)
    t = jnp.maximum(
        jnp.dot(ef[...], we1t[...], preferred_element_type=jnp.float32) + be1[...],
        0.0)
    wm = jnp.dot(t.astype(jnp.bfloat16), we2t[...],
                 preferred_element_type=jnp.float32)
    hr = jnp.dot(h.astype(jnp.bfloat16), rrep[...],
                 preferred_element_type=jnp.float32)
    prod = hr * wm
    t1 = prod[:, 0:128]
    for k in range(1, 8):
        t1 = t1 + prod[:, k * 128:(k + 1) * 128]
    s = t1[:, 0:64] + t1[:, 64:128]
    m2 = jnp.dot(h, b2[...], preferred_element_type=jnp.float32)
    msg = s[:, 0:32] + s[:, 32:64] + m2
    q4 = TILE_E // 4
    msgp[...] = jnp.concatenate([msg[q4 * q:q4 * (q + 1), :] for q in range(4)],
                                axis=1)


def _node_body(a0, a1, b0_, b1_, out, h0, w1t, b1, bc, new):
    agg = (a0[...] + a1[...]) + (b0_[...] + b1_[...])
    conv = agg + out[...] + bc[...]
    temp = ALPHA * conv + (1.0 - ALPHA) * h0[...]
    lin = jnp.dot(temp, w1t[...], preferred_element_type=jnp.float32) + b1[...]
    new[...] = jnp.maximum(BETA * lin + (1.0 - BETA) * temp, 0.0)


def _bn_body(x, gamma, beta_bn, wyt, by, wy2t, by2, y1, y2):
    v = x[...]
    mu = jnp.mean(v, axis=0, keepdims=True)
    d = v - mu
    var = jnp.mean(d * d, axis=0, keepdims=True)
    yb = d * (gamma[...] * lax.rsqrt(var + 1e-5)) + beta_bn[...]
    y1[...] = jax.nn.sigmoid(
        jnp.dot(yb, wyt[...], preferred_element_type=jnp.float32) + by[...])
    y2[...] = jax.nn.sigmoid(
        jnp.dot(yb, wy2t[...], preferred_element_type=jnp.float32) + by2[...])



def _lin0(n_feat, w0t, b0):
    return pl.pallas_call(
        _lin0_body,
        out_shape=jax.ShapeDtypeStruct((N, HID), jnp.float32),
    )(n_feat, w0t, b0)


def _edge(e_feat, hp, we1t, be1, we2t, b2, rrep, half, tile_off):
    grid = (half // TILE_E,)
    fixed = lambda i: (0, 0)
    return pl.pallas_call(
        _edge_body,
        grid=grid,
        in_specs=[
            pl.BlockSpec((TILE_E, E_IN), lambda i: (i + tile_off, 0)),
            pl.BlockSpec((TILE_E // 4, 4 * HID), lambda i: (i, 0)),
            pl.BlockSpec((E_IN, E_HID), fixed),
            pl.BlockSpec((1, E_HID), fixed),
            pl.BlockSpec((E_HID, HID * HID), fixed),
            pl.BlockSpec((HID, HID), fixed),
            pl.BlockSpec((HID, HID * HID), fixed),
        ],
        out_specs=pl.BlockSpec((TILE_E // 4, 4 * HID), lambda i: (i, 0)),
        out_shape=jax.ShapeDtypeStruct((half // 4, 4 * HID), jnp.float32),
        compiler_params=pltpu.CompilerParams(
            dimension_semantics=("arbitrary",)),
    )(e_feat, hp, we1t, be1, we2t, b2, rrep)


def _node(a0, a1, b0_, b1_, out, h0, w1t, b1, bc):
    return pl.pallas_call(
        _node_body,
        out_shape=jax.ShapeDtypeStruct((N, HID), jnp.float32),
    )(a0, a1, b0_, b1_, out, h0, w1t, b1, bc)


def _bn_heads(x, gamma, beta_bn, wyt, by, wy2t, by2):
    return pl.pallas_call(
        _bn_body,
        out_shape=(jax.ShapeDtypeStruct((N, 2), jnp.float32),
                   jax.ShapeDtypeStruct((N, 2), jnp.float32)),
    )(x, gamma, beta_bn, wyt, by, wy2t, by2)



def _gather_body_fn(epw, nchm, tail):
    def body_fn(table_hbm, idxm_hbm, idxt_hbm, out_hbm, idx_v, idxt_v,
                rows_a, rows_b, rowst_v, gsem_a, gsem_b, ssem_a, ssem_b,
                tsem):
        c = lax.axis_index("c")
        s = lax.axis_index("s")
        wid = s * SC_CORES + c
        base = wid * epw
        pltpu.sync_copy(idxm_hbm.at[wid], idx_v)
        pltpu.sync_copy(idxt_hbm.at[wid], idxt_v)

        def issue(j, buf, sem):
            pltpu.async_copy(table_hbm.at[idx_v.at[j]], buf, sem)

        def wait_g(buf, sem):
            pltpu.make_async_copy(table_hbm.at[idx_v.at[0]], buf, sem).wait()

        def store(j, buf, sem):
            pltpu.async_copy(buf, out_hbm.at[pl.ds(base + j * GCH, GCH)], sem)

        def wait_s(buf, sem):
            pltpu.make_async_copy(out_hbm.at[pl.ds(base, GCH)], buf, sem).wait()

        issue(0, rows_a, gsem_a)
        issue(1, rows_b, gsem_b)

        def body(g, carry):
            j0 = 2 * g
            wait_g(rows_a, gsem_a)
            store(j0, rows_a, ssem_a)
            wait_g(rows_b, gsem_b)
            store(j0 + 1, rows_b, ssem_b)

            @pl.when(j0 + 2 < nchm)
            def _():
                wait_s(rows_a, ssem_a)
                issue(j0 + 2, rows_a, gsem_a)

            @pl.when(j0 + 3 < nchm)
            def _():
                wait_s(rows_b, ssem_b)
                issue(j0 + 3, rows_b, gsem_b)

            return carry

        lax.fori_loop(0, nchm // 2, body, 0)
        if nchm % 2:
            wait_g(rows_a, gsem_a)
            store(nchm - 1, rows_a, ssem_a)
        pltpu.async_copy(table_hbm.at[idxt_v], rowst_v, tsem).wait()
        pltpu.sync_copy(rowst_v, out_hbm.at[pl.ds(base + nchm * GCH, tail)])
        wait_s(rows_a, ssem_a)
        wait_s(rows_b, ssem_b)

    return body_fn


def _scatter_body_fn(epw, nchm, tail):
    def body_fn(msg_hbm, idxm_hbm, idxt_hbm, zer_hbm, out_hbm, idx_v,
                idxt_v, rows_a, rows_b, rowst_v, agg_sh, lsem_a, lsem_b,
                tsem):
        c = lax.axis_index("c")
        s = lax.axis_index("s")
        wid = s * SC_CORES + c
        base = wid * epw
        pltpu.sync_copy(zer_hbm, agg_sh.at[pl.ds(s * NPT, NPT)])
        pltpu.sync_copy(idxm_hbm.at[wid], idx_v)
        pltpu.sync_copy(idxt_hbm.at[wid], idxt_v)
        plsc.subcore_barrier()

        def load(j, buf, sem):
            pltpu.async_copy(msg_hbm.at[pl.ds(base + j * GCH, GCH)], buf, sem)

        def wait_l(buf, sem):
            pltpu.make_async_copy(msg_hbm.at[pl.ds(base, GCH)], buf, sem).wait()

        load(0, rows_a, lsem_a)
        load(1, rows_b, lsem_b)

        def body(g, carry):
            j0 = 2 * g
            wait_l(rows_a, lsem_a)
            pltpu.sync_copy(rows_a, agg_sh.at[idx_v.at[j0]], add=True)

            @pl.when(j0 + 2 < nchm)
            def _():
                load(j0 + 2, rows_a, lsem_a)

            wait_l(rows_b, lsem_b)
            pltpu.sync_copy(rows_b, agg_sh.at[idx_v.at[j0 + 1]], add=True)

            @pl.when(j0 + 3 < nchm)
            def _():
                load(j0 + 3, rows_b, lsem_b)

            return carry

        lax.fori_loop(0, nchm // 2, body, 0)
        if nchm % 2:
            wait_l(rows_a, lsem_a)
            pltpu.sync_copy(rows_a, agg_sh.at[idx_v.at[nchm - 1]], add=True)
        pltpu.async_copy(
            msg_hbm.at[pl.ds(base + nchm * GCH, tail)], rowst_v, tsem).wait()
        pltpu.sync_copy(rowst_v, agg_sh.at[idxt_v], add=True)
        plsc.subcore_barrier()
        pltpu.sync_copy(agg_sh.at[pl.ds(s * NPT, NPT)],
                        out_hbm.at[pl.ds(c * NPAD + s * NPT, NPT)])

    return body_fn


@functools.lru_cache(maxsize=None)
def _sc_kernels():
    mesh = plsc.VectorSubcoreMesh(core_axis_name="c", subcore_axis_name="s")
    params = pltpu.CompilerParams(use_tc_tiling_on_sc=False)

    def make_pair(half, epw, nchm, tail):
        gather = pl.kernel(
            _gather_body_fn(epw, nchm, tail),
            out_type=jax.ShapeDtypeStruct((half, HID), jnp.float32),
            mesh=mesh,
            scratch_types=[
                pltpu.VMEM((nchm, GCH), jnp.int32),
                pltpu.VMEM((tail,), jnp.int32),
                pltpu.VMEM((GCH, HID), jnp.float32),
                pltpu.VMEM((GCH, HID), jnp.float32),
                pltpu.VMEM((tail, HID), jnp.float32),
                pltpu.SemaphoreType.DMA,
                pltpu.SemaphoreType.DMA,
                pltpu.SemaphoreType.DMA,
                pltpu.SemaphoreType.DMA,
                pltpu.SemaphoreType.DMA,
            ],
            compiler_params=params,
        )
        scatter = pl.kernel(
            _scatter_body_fn(epw, nchm, tail),
            out_type=jax.ShapeDtypeStruct((SC_CORES * NPAD, HID), jnp.float32),
            mesh=mesh,
            scratch_types=[
                pltpu.VMEM((nchm, GCH), jnp.int32),
                pltpu.VMEM((tail,), jnp.int32),
                pltpu.VMEM((GCH, HID), jnp.float32),
                pltpu.VMEM((GCH, HID), jnp.float32),
                pltpu.VMEM((tail, HID), jnp.float32),
                pltpu.VMEM_SHARED((NPAD, HID), jnp.float32),
                pltpu.SemaphoreType.DMA,
                pltpu.SemaphoreType.DMA,
                pltpu.SemaphoreType.DMA,
            ],
            compiler_params=params,
        )
        return gather, scatter

    return (make_pair(HALF_A, EPWA, NCHA, TAILA),
            make_pair(HALF_B, EPWB, NCHB, TAILB))



def kernel(n_feat, e_feat, edge_index, W0, b0, We1, be1, We2, be2, bc, W1,
           b1, gamma, beta_bn, Wy, by, Wy2, by2):
    s_arr = jnp.arange(E, dtype=jnp.int32)
    rem = s_arr % TILE_E
    slot_idx = (s_arr - rem) + (rem % 4) * (TILE_E // 4) + rem // 4

    def _to_slots(x):
        return jnp.take(x, slot_idx, axis=0)

    def _split(w, epw, nchm):
        m = w[:, :nchm * GCH].reshape(SC_W, nchm, GCH)
        return m, w[:, nchm * GCH:]

    src_s = _to_slots(edge_index[0])
    dst_s = _to_slots(edge_index[1])
    srcmA, srctA = _split(src_s[:HALF_A].reshape(SC_W, EPWA), EPWA, NCHA)
    srcmB, srctB = _split(src_s[HALF_A:].reshape(SC_W, EPWB), EPWB, NCHB)
    dstmA, dsttA = _split(dst_s[:HALF_A].reshape(SC_W, EPWA), EPWA, NCHA)
    dstmB, dsttB = _split(dst_s[HALF_A:].reshape(SC_W, EPWB), EPWB, NCHB)

    w0t = W0.T
    we1t = We1.T
    we2t = We2.T.astype(jnp.bfloat16)
    w1t = W1.T
    wyt = Wy.T
    wy2t = Wy2.T
    b0r = b0.reshape(1, HID)
    be1r = be1.reshape(1, E_HID)
    b2 = be2.reshape(HID, HID)
    b1r = b1.reshape(1, HID)
    bcr = bc.reshape(1, HID)
    gr = gamma.reshape(1, HID)
    betar = beta_bn.reshape(1, HID)
    byr = by.reshape(1, 2)
    by2r = by2.reshape(1, 2)
    rrep = jnp.repeat(jnp.eye(HID, dtype=jnp.bfloat16), HID, axis=1)
    zer = jnp.zeros((NPT, HID), jnp.float32)

    (gA, sA), (gB, sB) = _sc_kernels()
    out = _lin0(n_feat, w0t, b0r)
    h0 = out
    for _ in range(STEPS):
        hpA = gA(out, srcmA, srctA).reshape(HALF_A // 4, 4 * HID)
        hpB = gB(out, srcmB, srctB).reshape(HALF_B // 4, 4 * HID)
        mA = _edge(e_feat, hpA, we1t, be1r, we2t, b2, rrep, HALF_A, 0)
        pA = sA(mA.reshape(HALF_A, HID), dstmA, dsttA,
                zer).reshape(SC_CORES, NPAD, HID)
        mB = _edge(e_feat, hpB, we1t, be1r, we2t, b2, rrep, HALF_B,
                   HALF_A // TILE_E)
        pB = sB(mB.reshape(HALF_B, HID), dstmB, dsttB,
                zer).reshape(SC_CORES, NPAD, HID)
        out = _node(pA[0, :N], pA[1, :N], pB[0, :N], pB[1, :N], out, h0,
                    w1t, b1r, bcr)
    return _bn_heads(out, gr, betar, wyt, byr, wy2t, by2r)

# --- scband reference (transcript-rebuilt; emitter-appended) ---
"""Pipeline reference for scband-mpnn-64561948393537 (READ-ONLY COPY).

The authoritative reference and input builder live on the scoring server;
editing this copy changes nothing except your own understanding.
"""

import jax, jax.numpy as jnp
import numpy as np

N = 10000
E = 160000
D_IN = 128
HID = 32
E_IN = 16
E_HID = 128
STEPS = 2
ALPHA = 0.1


def _lin(key, out_f, in_f):
    k1, k2 = jax.random.split(key)
    bound = 1.0 / np.sqrt(in_f)
    W = jax.random.uniform(k1, (out_f, in_f), minval=-bound, maxval=bound, dtype=jnp.float32)
    b = jax.random.uniform(k2, (out_f,), minval=-bound, maxval=bound, dtype=jnp.float32)
    return W, b


def setup_inputs(seed: int = 0):
    key = jax.random.key(seed)
    ks = jax.random.split(key, 12)
    n_feat = jax.random.normal(ks[0], (N, D_IN), dtype=jnp.float32)
    e_feat = jax.random.normal(ks[1], (E, E_IN), dtype=jnp.float32)
    edge_index = jax.random.randint(ks[2], (2, E), 0, N, dtype=jnp.int32)
    W0, b0 = _lin(ks[3], HID, D_IN)
    We1, be1 = _lin(ks[4], E_HID, E_IN)
    We2, be2 = _lin(ks[5], HID * HID, E_HID)
    bc = jnp.zeros((HID,), jnp.float32)
    W1, b1 = _lin(ks[6], HID, HID)
    gamma = jnp.ones((HID,), jnp.float32)
    beta_bn = jnp.zeros((HID,), jnp.float32)
    Wy, by = _lin(ks[7], 2, HID)
    Wy2, by2 = _lin(ks[8], 2, HID)
    return {
        'n_feat': n_feat, 'e_feat': e_feat, 'edge_index': edge_index,
        'W0': W0, 'b0': b0, 'We1': We1, 'be1': be1, 'We2': We2, 'be2': be2,
        'bc': bc, 'W1': W1, 'b1': b1, 'gamma': gamma, 'beta_bn': beta_bn,
        'Wy': Wy, 'by': by, 'Wy2': Wy2, 'by2': by2,
    }


def reference(n_feat, e_feat, edge_index, W0, b0, We1, be1, We2, be2, bc, W1, b1, gamma, beta_bn, Wy, by, Wy2, by2):
    src = edge_index[0]
    dst = edge_index[1]
    # lin0 + relu
    out = jax.nn.relu(n_feat @ W0.T + b0)
    h0 = out
    # NNConv edge network (dropout = identity in eval); e_feat is constant across steps
    ew = jax.nn.relu(e_feat @ We1.T + be1) @ We2.T + be2  # [E, HID*HID]
    Wmat = ew.reshape(E, HID, HID)  # [E, in, out]
    beta = 1.0 / STEPS
    for _ in range(STEPS):
        h_src = out[src]  # gather [E, HID]
        msg = jnp.einsum('ei,eio->eo', h_src, Wmat)  # per-edge matvec
        agg = jax.ops.segment_sum(msg, dst, num_segments=N)  # scatter-add (sum aggregator)
        conv = agg + out + bc  # residual (Identity: in==out) + bias
        temp = ALPHA * conv + (1.0 - ALPHA) * h0
        out = jax.nn.relu(beta * (temp @ W1.T + b1) + (1.0 - beta) * temp)
    # BatchNorm1d with batch statistics (training-mode normalization, biased var)
    mu = out.mean(axis=0)
    var = out.var(axis=0)
    y_bn = (out - mu) / jnp.sqrt(var + 1e-5) * gamma + beta_bn
    y1 = jax.nn.sigmoid(y_bn @ Wy.T + by)
    y2 = jax.nn.sigmoid(y_bn @ Wy2.T + by2)
    return (y1, y2)

if __name__ == "__main__":
    import jax
    _d = setup_inputs()
    print(jax.jit(kernel)(*tuple(_d.values())))

</pallas_src>

<mosaic_0001>
#map = affine_map<(d0, d1) -> (0, 0)>
#map1 = affine_map<(d0, d1) -> (0, 0, 0)>
module attributes {stable_mosaic.version = 14 : i64} {
  func.func @body_fn(%arg0: i32, %arg1: i32, %arg2: memref<10000x32xf32, #tpu.memory_space<hbm>>, %arg3: memref<32x20x128xi32, #tpu.memory_space<hbm>>, %arg4: memref<32x40xi32, #tpu.memory_space<hbm>>, %arg5: memref<83200x32xf32, #tpu.memory_space<hbm>>, %arg6: memref<20x128xi32, #tpu.memory_space<vmem>>, %arg7: memref<40xi32, #tpu.memory_space<vmem>>, %arg8: memref<128x32xf32, #tpu.memory_space<vmem>>, %arg9: memref<128x32xf32, #tpu.memory_space<vmem>>, %arg10: memref<40x32xf32, #tpu.memory_space<vmem>>, %arg11: memref<!tpu.dma_semaphore, #tpu.memory_space<semaphore_mem>>, %arg12: memref<!tpu.dma_semaphore, #tpu.memory_space<semaphore_mem>>, %arg13: memref<!tpu.dma_semaphore, #tpu.memory_space<semaphore_mem>>, %arg14: memref<!tpu.dma_semaphore, #tpu.memory_space<semaphore_mem>>, %arg15: memref<!tpu.dma_semaphore, #tpu.memory_space<semaphore_mem>>) attributes {dimension_semantics = [#tpu.dimension_semantics<core_parallel>, #tpu.dimension_semantics<subcore_parallel>], iteration_bounds = array<i64: 2, 16>, scalar_prefetch = 0 : i64, scratch_operands = 10 : i64, tpu.core_type = #tpu.core_type<sc_vector_subcore>, window_params = [{transform_indices = #map}, {transform_indices = #map1}, {transform_indices = #map}, {transform_indices = #map}]} {
    %mul3A = arith.constant 2 : i32
    %mul3A_0 = arith.muli %arg1, %mul3A : i32
    %add3A = arith.addi %mul3A_0, %arg0 : i32
    %mul3A_1 = arith.constant 2600 : i32
    %mul3A_2 = arith.muli %add3A, %mul3A_1 : i32
    "tpu.region"() ({
      %run_scoped3A = tpu.sem_alloc : memref<!tpu.dma_semaphore, #tpu.memory_space<semaphore_mem>>
      %dma_start3A_36 = arith.constant 0 : i32
      %dma_start3A_37 = arith.constant 0 : i32
      %dma_start3A_38 = tpu.memref_slice %arg3[%add3A, %dma_start3A_36, %dma_start3A_37] : memref<32x20x128xi32, #tpu.memory_space<hbm>> -> memref<1x20x128xi32, #tpu.memory_space<hbm>>
      %dma_start3A_39 = tpu.memref_squeeze %dma_start3A_38 : memref<1x20x128xi32, #tpu.memory_space<hbm>> -> memref<20x128xi32, #tpu.memory_space<hbm>>
      %dma_start3A_40 = arith.constant 0 : i32
      %dma_start3A_41 = arith.constant 0 : i32
      %dma_start3A_42 = tpu.memref_slice %arg3[%add3A, %dma_start3A_40, %dma_start3A_41] : memref<32x20x128xi32, #tpu.memory_space<hbm>> -> memref<1x20x128xi32, #tpu.memory_space<hbm>>
      %dma_start3A_43 = tpu.memref_squeeze %dma_start3A_42 : memref<1x20x128xi32, #tpu.memory_space<hbm>> -> memref<20x128xi32, #tpu.memory_space<hbm>>
      tpu.enqueue_dma source(%dma_start3A_43 : memref<20x128xi32, #tpu.memory_space<hbm>>) target(%arg6 : memref<20x128xi32, #tpu.memory_space<vmem>>) target_semaphore(%run_scoped3A : memref<!tpu.dma_semaphore, #tpu.memory_space<semaphore_mem>>)
      %dma_wait3A_44 = arith.constant 0 : i32
      %dma_wait3A_45 = arith.constant 0 : i32
      %dma_wait3A_46 = tpu.memref_slice %arg3[%add3A, %dma_wait3A_44, %dma_wait3A_45] : memref<32x20x128xi32, #tpu.memory_space<hbm>> -> memref<1x20x128xi32, #tpu.memory_space<hbm>>
      %dma_wait3A_47 = tpu.memref_squeeze %dma_wait3A_46 : memref<1x20x128xi32, #tpu.memory_space<hbm>> -> memref<20x128xi32, #tpu.memory_space<hbm>>
      %dma_wait3A_48 = arith.constant 0 : i32
      %dma_wait3A_49 = arith.constant 0 : i32
      %dma_wait3A_50 = tpu.memref_slice %arg3[%add3A, %dma_wait3A_48, %dma_wait3A_49] : memref<32x20x128xi32, #tpu.memory_space<hbm>> -> memref<1x20x128xi32, #tpu.memory_space<hbm>>
      %dma_wait3A_51 = tpu.memref_squeeze %dma_wait3A_50 : memref<1x20x128xi32, #tpu.memory_space<hbm>> -> memref<20x128xi32, #tpu.memory_space<hbm>>
      tpu.wait_dma2 semaphore(%run_scoped3A : memref<!tpu.dma_semaphore, #tpu.memory_space<semaphore_mem>>) src(%dma_wait3A_51 : memref<20x128xi32, #tpu.memory_space<hbm>>) dst(%arg6 : memref<20x128xi32, #tpu.memory_space<vmem>>)
      tpu.yield
    }) : () -> ()
    "tpu.region"() ({
      %run_scoped3A = tpu.sem_alloc : memref<!tpu.dma_semaphore, #tpu.memory_space<semaphore_mem>>
      %dma_start3A_36 = arith.constant 0 : i32
      %dma_start3A_37 = tpu.memref_slice %arg4[%add3A, %dma_start3A_36] : memref<32x40xi32, #tpu.memory_space<hbm>> -> memref<1x40xi32, #tpu.memory_space<hbm>>
      %dma_start3A_38 = tpu.memref_squeeze %dma_start3A_37 : memref<1x40xi32, #tpu.memory_space<hbm>> -> memref<40xi32, #tpu.memory_space<hbm>>
      %dma_start3A_39 = arith.constant 0 : i32
      %dma_start3A_40 = tpu.memref_slice %arg4[%add3A, %dma_start3A_39] : memref<32x40xi32, #tpu.memory_space<hbm>> -> memref<1x40xi32, #tpu.memory_space<hbm>>
      %dma_start3A_41 = tpu.memref_squeeze %dma_start3A_40 : memref<1x40xi32, #tpu.memory_space<hbm>> -> memref<40xi32, #tpu.memory_space<hbm>>
      tpu.enqueue_dma source(%dma_start3A_41 : memref<40xi32, #tpu.memory_space<hbm>>) target(%arg7 : memref<40xi32, #tpu.memory_space<vmem>>) target_semaphore(%run_scoped3A : memref<!tpu.dma_semaphore, #tpu.memory_space<semaphore_mem>>)
      %dma_wait3A_42 = arith.constant 0 : i32
      %dma_wait3A_43 = tpu.memref_slice %arg4[%add3A, %dma_wait3A_42] : memref<32x40xi32, #tpu.memory_space<hbm>> -> memref<1x40xi32, #tpu.memory_space<hbm>>
      %dma_wait3A_44 = tpu.memref_squeeze %dma_wait3A_43 : memref<1x40xi32, #tpu.memory_space<hbm>> -> memref<40xi32, #tpu.memory_space<hbm>>
      %dma_wait3A_45 = arith.constant 0 : i32
      %dma_wait3A_46 = tpu.memref_slice %arg4[%add3A, %dma_wait3A_45] : memref<32x40xi32, #tpu.memory_space<hbm>> -> memref<1x40xi32, #tpu.memory_space<hbm>>
      %dma_wait3A_47 = tpu.memref_squeeze %dma_wait3A_46 : memref<1x40xi32, #tpu.memory_space<hbm>> -> memref<40xi32, #tpu.memory_space<hbm>>
      tpu.wait_dma2 semaphore(%run_scoped3A : memref<!tpu.dma_semaphore, #tpu.memory_space<semaphore_mem>>) src(%dma_wait3A_47 : memref<40xi32, #tpu.memory_space<hbm>>) dst(%arg7 : memref<40xi32, #tpu.memory_space<vmem>>)
      tpu.yield
    }) : () -> ()
    %dma_start3A = arith.constant 0 : i32
    %dma_start3A_3 = arith.constant 0 : i32
    %dma_start3A_4 = tpu.memref_slice %arg6[%dma_start3A, %dma_start3A_3] : memref<20x128xi32, #tpu.memory_space<vmem>> -> memref<1x128xi32, #tpu.memory_space<vmem>>
    %dma_start3A_5 = tpu.memref_squeeze %dma_start3A_4 : memref<1x128xi32, #tpu.memory_space<vmem>> -> memref<128xi32, #tpu.memory_space<vmem>>
    %dma_start3A_6 = arith.constant 0 : i32
    %dma_start3A_7 = arith.constant 0 : i32
    %dma_start3A_8 = tpu.memref_slice %arg2[%dma_start3A_6, %dma_start3A_7] : memref<10000x32xf32, #tpu.memory_space<hbm>> -> memref<10000x32xf32, #tpu.memory_space<hbm>>
    tpu.enqueue_indirect_dma source(%dma_start3A_8 : memref<10000x32xf32, #tpu.memory_space<hbm>>) target(%arg8 : memref<128x32xf32, #tpu.memory_space<vmem>>) offsets(%dma_start3A_5 : memref<128xi32, #tpu.memory_space<vmem>>) semaphore(%arg11 : memref<!tpu.dma_semaphore, #tpu.memory_space<semaphore_mem>>)
    %dma_start3A_9 = arith.constant 1 : i32
    %dma_start3A_10 = arith.constant 0 : i32
    %dma_start3A_11 = tpu.memref_slice %arg6[%dma_start3A_9, %dma_start3A_10] : memref<20x128xi32, #tpu.memory_space<vmem>> -> memref<1x128xi32, #tpu.memory_space<vmem>>
    %dma_start3A_12 = tpu.memref_squeeze %dma_start3A_11 : memref<1x128xi32, #tpu.memory_space<vmem>> -> memref<128xi32, #tpu.memory_space<vmem>>
    %dma_start3A_13 = arith.constant 0 : i32
    %dma_start3A_14 = arith.constant 0 : i32
    %dma_start3A_15 = tpu.memref_slice %arg2[%dma_start3A_13, %dma_start3A_14] : memref<10000x32xf32, #tpu.memory_space<hbm>> -> memref<10000x32xf32, #tpu.memory_space<hbm>>
    tpu.enqueue_indirect_dma source(%dma_start3A_15 : memref<10000x32xf32, #tpu.memory_space<hbm>>) target(%arg9 : memref<128x32xf32, #tpu.memory_space<vmem>>) offsets(%dma_start3A_12 : memref<128xi32, #tpu.memory_space<vmem>>) semaphore(%arg12 : memref<!tpu.dma_semaphore, #tpu.memory_space<semaphore_mem>>)
    %scan3A = arith.constant 0 : i32
    %scan3A_16 = arith.constant 0 : i32
    %scan3A_17 = arith.constant 10 : i32
    %scan3A_18 = arith.addi %scan3A_16, %scan3A_17 : i32
    %scan3A_19 = arith.constant 1 : i32
    scf.for %scan3A_36 = %scan3A_16 to %scan3A_18 step %scan3A_19  : i32 {
      %mul3A_37 = arith.constant 2 : i32
      %mul3A_38 = arith.muli %mul3A_37, %scan3A_36 : i32
      %dma_wait3A_39 = arith.constant 0 : i32
      %dma_wait3A_40 = arith.constant 0 : i32
      %dma_wait3A_41 = tpu.memref_slice %arg6[%dma_wait3A_39, %dma_wait3A_40] : memref<20x128xi32, #tpu.memory_space<vmem>> -> memref<1x128xi32, #tpu.memory_space<vmem>>
      %dma_wait3A_42 = tpu.memref_squeeze %dma_wait3A_41 : memref<1x128xi32, #tpu.memory_space<vmem>> -> memref<128xi32, #tpu.memory_space<vmem>>
      %dma_wait3A_43 = arith.constant 0 : i32
      %dma_wait3A_44 = arith.constant 0 : i32
      %dma_wait3A_45 = tpu.memref_slice %arg2[%dma_wait3A_43, %dma_wait3A_44] : memref<10000x32xf32, #tpu.memory_space<hbm>> -> memref<10000x32xf32, #tpu.memory_space<hbm>>
      tpu.wait_indirect_dma semaphore(%arg11 : memref<!tpu.dma_semaphore, #tpu.memory_space<semaphore_mem>>) src(%dma_wait3A_45 : memref<10000x32xf32, #tpu.memory_space<hbm>>) dst(%arg8 : memref<128x32xf32, #tpu.memory_space<vmem>>)
      %mul3A_46 = arith.constant 128 : i32
      %mul3A_47 = arith.muli %mul3A_38, %mul3A_46 : i32
      %add3A_48 = arith.addi %mul3A_2, %mul3A_47 : i32
      %dma_start3A_49 = arith.constant 0 : i32
      %dma_start3A_50 = tpu.memref_slice %arg5[%add3A_48, %dma_start3A_49] : memref<83200x32xf32, #tpu.memory_space<hbm>> -> memref<128x32xf32, #tpu.memory_space<hbm>>
      %dma_start3A_51 = arith.constant 0 : i32
      %dma_start3A_52 = tpu.memref_slice %arg5[%add3A_48, %dma_start3A_51] : memref<83200x32xf32, #tpu.memory_space<hbm>> -> memref<128x32xf32, #tpu.memory_space<hbm>>
      tpu.enqueue_dma source(%arg8 : memref<128x32xf32, #tpu.memory_space<vmem>>) target(%dma_start3A_52 : memref<128x32xf32, #tpu.memory_space<hbm>>) target_semaphore(%arg13 : memref<!tpu.dma_semaphore, #tpu.memory_space<semaphore_mem>>)
      %dma_wait3A_53 = arith.constant 0 : i32
      %dma_wait3A_54 = arith.constant 0 : i32
      %dma_wait3A_55 = tpu.memref_slice %arg6[%dma_wait3A_53, %dma_wait3A_54] : memref<20x128xi32, #tpu.memory_space<vmem>> -> memref<1x128xi32, #tpu.memory_space<vmem>>
      %dma_wait3A_56 = tpu.memref_squeeze %dma_wait3A_55 : memref<1x128xi32, #tpu.memory_space<vmem>> -> memref<128xi32, #tpu.memory_space<vmem>>
      %dma_wait3A_57 = arith.constant 0 : i32
      %dma_wait3A_58 = arith.constant 0 : i32
      %dma_wait3A_59 = tpu.memref_slice %arg2[%dma_wait3A_57, %dma_wait3A_58] : memref<10000x32xf32, #tpu.memory_space<hbm>> -> memref<10000x32xf32, #tpu.memory_space<hbm>>
      tpu.wait_indirect_dma semaphore(%arg12 : memref<!tpu.dma_semaphore, #tpu.memory_space<semaphore_mem>>) src(%dma_wait3A_59 : memref<10000x32xf32, #tpu.memory_space<hbm>>) dst(%arg9 : memref<128x32xf32, #tpu.memory_space<vmem>>)
      %add3A_60 = arith.constant 1 : i32
      %add3A_61 = arith.addi %mul3A_38, %add3A_60 : i32
      %mul3A_62 = arith.constant 128 : i32
      %mul3A_63 = arith.muli %add3A_61, %mul3A_62 : i32
      %add3A_64 = arith.addi %mul3A_2, %mul3A_63 : i32
      %dma_start3A_65 = arith.constant 0 : i32
      %dma_start3A_66 = tpu.memref_slice %arg5[%add3A_64, %dma_start3A_65] : memref<83200x32xf32, #tpu.memory_space<hbm>> -> memref<128x32xf32, #tpu.memory_space<hbm>>
      %dma_start3A_67 = arith.constant 0 : i32
      %dma_start3A_68 = tpu.memref_slice %arg5[%add3A_64, %dma_start3A_67] : memref<83200x32xf32, #tpu.memory_space<hbm>> -> memref<128x32xf32, #tpu.memory_space<hbm>>
      tpu.enqueue_dma source(%arg9 : memref<128x32xf32, #tpu.memory_space<vmem>>) target(%dma_start3A_68 : memref<128x32xf32, #tpu.memory_space<hbm>>) target_semaphore(%arg14 : memref<!tpu.dma_semaphore, #tpu.memory_space<semaphore_mem>>)
      %add3A_69 = arith.constant 2 : i32
      %add3A_70 = arith.addi %mul3A_38, %add3A_69 : i32
      %lt3A = arith.constant 20 : i32
      %lt3A_71 = arith.cmpi slt, %add3A_70, %lt3A : i32
      %convert_element_type3A = arith.extui %lt3A_71 : i1 to i32
      %cond3A = arith.constant 0 : i32
      %cond3A_72 = arith.cmpi ne, %convert_element_type3A, %cond3A : i32
      scf.if %cond3A_72 {
        %dma_wait3A_80 = arith.constant 0 : i32
        %dma_wait3A_81 = tpu.memref_slice %arg5[%mul3A_2, %dma_wait3A_80] : memref<83200x32xf32, #tpu.memory_space<hbm>> -> memref<128x32xf32, #tpu.memory_space<hbm>>
        %dma_wait3A_82 = arith.constant 0 : i32
        %dma_wait3A_83 = tpu.memref_slice %arg5[%mul3A_2, %dma_wait3A_82] : memref<83200x32xf32, #tpu.memory_space<hbm>> -> memref<128x32xf32, #tpu.memory_space<hbm>>
        tpu.wait_dma2 semaphore(%arg13 : memref<!tpu.dma_semaphore, #tpu.memory_space<semaphore_mem>>) src(%dma_wait3A_83 : memref<128x32xf32, #tpu.memory_space<hbm>>) dst(%arg8 : memref<128x32xf32, #tpu.memory_space<vmem>>)
        %add3A_84 = arith.constant 2 : i32
        %add3A_85 = arith.addi %mul3A_38, %add3A_84 : i32
        %dma_start3A_86 = arith.constant 0 : i32
        %dma_start3A_87 = tpu.memref_slice %arg6[%add3A_85, %dma_start3A_86] : memref<20x128xi32, #tpu.memory_space<vmem>> -> memref<1x128xi32, #tpu.memory_space<vmem>>
        %dma_start3A_88 = tpu.memref_squeeze %dma_start3A_87 : memref<1x128xi32, #tpu.memory_space<vmem>> -> memref<128xi32, #tpu.memory_space<vmem>>
        %dma_start3A_89 = arith.constant 0 : i32
        %dma_start3A_90 = arith.constant 0 : i32
        %dma_start3A_91 = tpu.memref_slice %arg2[%dma_start3A_89, %dma_start3A_90] : memref<10000x32xf32, #tpu.memory_space<hbm>> -> memref<10000x32xf32, #tpu.memory_space<hbm>>
        tpu.enqueue_indirect_dma source(%dma_start3A_91 : memref<10000x32xf32, #tpu.memory_space<hbm>>) target(%arg8 : memref<128x32xf32, #tpu.memory_space<vmem>>) offsets(%dma_start3A_88 : memref<128xi32, #tpu.memory_space<vmem>>) semaphore(%arg11 : memref<!tpu.dma_semaphore, #tpu.memory_space<semaphore_mem>>)
      } else {
      }
      %add3A_73 = arith.constant 3 : i32
      %add3A_74 = arith.addi %mul3A_38, %add3A_73 : i32
      %lt3A_75 = arith.constant 20 : i32
      %lt3A_76 = arith.cmpi slt, %add3A_74, %lt3A_75 : i32
      %convert_element_type3A_77 = arith.extui %lt3A_76 : i1 to i32
      %cond3A_78 = arith.constant 0 : i32
      %cond3A_79 = arith.cmpi ne, %convert_element_type3A_77, %cond3A_78 : i32
      scf.if %cond3A_79 {
        %dma_wait3A_80 = arith.constant 0 : i32
        %dma_wait3A_81 = tpu.memref_slice %arg5[%mul3A_2, %dma_wait3A_80] : memref<83200x32xf32, #tpu.memory_space<hbm>> -> memref<128x32xf32, #tpu.memory_space<hbm>>
        %dma_wait3A_82 = arith.constant 0 : i32
        %dma_wait3A_83 = tpu.memref_slice %arg5[%mul3A_2, %dma_wait3A_82] : memref<83200x32xf32, #tpu.memory_space<hbm>> -> memref<128x32xf32, #tpu.memory_space<hbm>>
        tpu.wait_dma2 semaphore(%arg14 : memref<!tpu.dma_semaphore, #tpu.memory_space<semaphore_mem>>) src(%dma_wait3A_83 : memref<128x32xf32, #tpu.memory_space<hbm>>) dst(%arg9 : memref<128x32xf32, #tpu.memory_space<vmem>>)
        %add3A_84 = arith.constant 3 : i32
        %add3A_85 = arith.addi %mul3A_38, %add3A_84 : i32
        %dma_start3A_86 = arith.constant 0 : i32
        %dma_start3A_87 = tpu.memref_slice %arg6[%add3A_85, %dma_start3A_86] : memref<20x128xi32, #tpu.memory_space<vmem>> -> memref<1x128xi32, #tpu.memory_space<vmem>>
        %dma_start3A_88 = tpu.memref_squeeze %dma_start3A_87 : memref<1x128xi32, #tpu.memory_space<vmem>> -> memref<128xi32, #tpu.memory_space<vmem>>
        %dma_start3A_89 = arith.constant 0 : i32
        %dma_start3A_90 = arith.constant 0 : i32
        %dma_start3A_91 = tpu.memref_slice %arg2[%dma_start3A_89, %dma_start3A_90] : memref<10000x32xf32, #tpu.memory_space<hbm>> -> memref<10000x32xf32, #tpu.memory_space<hbm>>
        tpu.enqueue_indirect_dma source(%dma_start3A_91 : memref<10000x32xf32, #tpu.memory_space<hbm>>) target(%arg9 : memref<128x32xf32, #tpu.memory_space<vmem>>) offsets(%dma_start3A_88 : memref<128xi32, #tpu.memory_space<vmem>>) semaphore(%arg12 : memref<!tpu.dma_semaphore, #tpu.memory_space<semaphore_mem>>)
      } else {
      }
    }
    %scan3A_20 = arith.constant 10 : i32
    %dma_start3A_21 = arith.constant 0 : i32
    %dma_start3A_22 = arith.constant 0 : i32
    %dma_start3A_23 = tpu.memref_slice %arg2[%dma_start3A_21, %dma_start3A_22] : memref<10000x32xf32, #tpu.memory_space<hbm>> -> memref<10000x32xf32, #tpu.memory_space<hbm>>
    tpu.enqueue_indirect_dma source(%dma_start3A_23 : memref<10000x32xf32, #tpu.memory_space<hbm>>) target(%arg10 : memref<40x32xf32, #tpu.memory_space<vmem>>) offsets(%arg7 : memref<40xi32, #tpu.memory_space<vmem>>) semaphore(%arg15 : memref<!tpu.dma_semaphore, #tpu.memory_space<semaphore_mem>>)
    %dma_wait3A = arith.constant 0 : i32
    %dma_wait3A_24 = arith.constant 0 : i32
    %dma_wait3A_25 = tpu.memref_slice %arg2[%dma_wait3A, %dma_wait3A_24] : memref<10000x32xf32, #tpu.memory_space<hbm>> -> memref<10000x32xf32, #tpu.memory_space<hbm>>
    tpu.wait_indirect_dma semaphore(%arg15 : memref<!tpu.dma_semaphore, #tpu.memory_space<semaphore_mem>>) src(%dma_wait3A_25 : memref<10000x32xf32, #tpu.memory_space<hbm>>) dst(%arg10 : memref<40x32xf32, #tpu.memory_space<vmem>>)
    %add3A_26 = arith.constant 2560 : i32
    %add3A_27 = arith.addi %mul3A_2, %add3A_26 : i32
    "tpu.region"() ({
      %run_scoped3A = tpu.sem_alloc : memref<!tpu.dma_semaphore, #tpu.memory_space<semaphore_mem>>
      %dma_start3A_36 = arith.constant 0 : i32
      %dma_start3A_37 = tpu.memref_slice %arg5[%add3A_27, %dma_start3A_36] : memref<83200x32xf32, #tpu.memory_space<hbm>> -> memref<40x32xf32, #tpu.memory_space<hbm>>
      %dma_start3A_38 = arith.constant 0 : i32
      %dma_start3A_39 = tpu.memref_slice %arg5[%add3A_27, %dma_start3A_38] : memref<83200x32xf32, #tpu.memory_space<hbm>> -> memref<40x32xf32, #tpu.memory_space<hbm>>
      tpu.enqueue_dma source(%arg10 : memref<40x32xf32, #tpu.memory_space<vmem>>) target(%dma_start3A_39 : memref<40x32xf32, #tpu.memory_space<hbm>>) target_semaphore(%run_scoped3A : memref<!tpu.dma_semaphore, #tpu.memory_space<semaphore_mem>>)
      %dma_wait3A_40 = arith.constant 0 : i32
      %dma_wait3A_41 = tpu.memref_slice %arg5[%add3A_27, %dma_wait3A_40] : memref<83200x32xf32, #tpu.memory_space<hbm>> -> memref<40x32xf32, #tpu.memory_space<hbm>>
      %dma_wait3A_42 = arith.constant 0 : i32
      %dma_wait3A_43 = tpu.memref_slice %arg5[%add3A_27, %dma_wait3A_42] : memref<83200x32xf32, #tpu.memory_space<hbm>> -> memref<40x32xf32, #tpu.memory_space<hbm>>
      tpu.wait_dma2 semaphore(%run_scoped3A : memref<!tpu.dma_semaphore, #tpu.memory_space<semaphore_mem>>) src(%arg10 : memref<40x32xf32, #tpu.memory_space<vmem>>) dst(%dma_wait3A_43 : memref<40x32xf32, #tpu.memory_space<hbm>>)
      tpu.yield
    }) : () -> ()
    %dma_wait3A_28 = arith.constant 0 : i32
    %dma_wait3A_29 = tpu.memref_slice %arg5[%mul3A_2, %dma_wait3A_28] : memref<83200x32xf32, #tpu.memory_space<hbm>> -> memref<128x32xf32, #tpu.memory_space<hbm>>
    %dma_wait3A_30 = arith.constant 0 : i32
    %dma_wait3A_31 = tpu.memref_slice %arg5[%mul3A_2, %dma_wait3A_30] : memref<83200x32xf32, #tpu.memory_space<hbm>> -> memref<128x32xf32, #tpu.memory_space<hbm>>
    tpu.wait_dma2 semaphore(%arg13 : memref<!tpu.dma_semaphore, #tpu.memory_space<semaphore_mem>>) src(%dma_wait3A_31 : memref<128x32xf32, #tpu.memory_space<hbm>>) dst(%arg8 : memref<128x32xf32, #tpu.memory_space<vmem>>)
    %dma_wait3A_32 = arith.constant 0 : i32
    %dma_wait3A_33 = tpu.memref_slice %arg5[%mul3A_2, %dma_wait3A_32] : memref<83200x32xf32, #tpu.memory_space<hbm>> -> memref<128x32xf32, #tpu.memory_space<hbm>>
    %dma_wait3A_34 = arith.constant 0 : i32
    %dma_wait3A_35 = tpu.memref_slice %arg5[%mul3A_2, %dma_wait3A_34] : memref<83200x32xf32, #tpu.memory_space<hbm>> -> memref<128x32xf32, #tpu.memory_space<hbm>>
    tpu.wait_dma2 semaphore(%arg14 : memref<!tpu.dma_semaphore, #tpu.memory_space<semaphore_mem>>) src(%dma_wait3A_35 : memref<128x32xf32, #tpu.memory_space<hbm>>) dst(%arg9 : memref<128x32xf32, #tpu.memory_space<vmem>>)
    return
  }
}

#map = affine_map<(d0, d1) -> (0, 0)>
#map1 = affine_map<(d0, d1) -> (0, 0, 0)>
module attributes {stable_mosaic.version = 14 : i64} {
  func.func @body_fn(%arg0: i32, %arg1: i32, %arg2: memref<83200x32xf32, #tpu.memory_space<hbm>>, %arg3: memref<32x20x128xi32, #tpu.memory_space<hbm>>, %arg4: memref<32x40xi32, #tpu.memory_space<hbm>>, %arg5: memref<640x32xf32, #tpu.memory_space<hbm>>, %arg6: memref<20480x32xf32, #tpu.memory_space<hbm>>, %arg7: memref<20x128xi32, #tpu.memory_space<vmem>>, %arg8: memref<40xi32, #tpu.memory_space<vmem>>, %arg9: memref<128x32xf32, #tpu.memory_space<vmem>>, %arg10: memref<128x32xf32, #tpu.memory_space<vmem>>, %arg11: memref<40x32xf32, #tpu.memory_space<vmem>>, %arg12: memref<10240x32xf32, #tpu.memory_space<vmem_shared>>, %arg13: memref<!tpu.dma_semaphore, #tpu.memory_space<semaphore_mem>>, %arg14: memref<!tpu.dma_semaphore, #tpu.memory_space<semaphore_mem>>, %arg15: memref<!tpu.dma_semaphore, #tpu.memory_space<semaphore_mem>>) attributes {dimension_semantics = [#tpu.dimension_semantics<core_parallel>, #tpu.dimension_semantics<subcore_parallel>], iteration_bounds = array<i64: 2, 16>, scalar_prefetch = 0 : i64, scratch_operands = 9 : i64, tpu.core_type = #tpu.core_type<sc_vector_subcore>, window_params = [{transform_indices = #map}, {transform_indices = #map1}, {transform_indices = #map}, {transform_indices = #map}, {transform_indices = #map}]} {
    %mul3A = arith.constant 2 : i32
    %mul3A_0 = arith.muli %arg1, %mul3A : i32
    %add3A = arith.addi %mul3A_0, %arg0 : i32
    %mul3A_1 = arith.constant 2600 : i32
    %mul3A_2 = arith.muli %add3A, %mul3A_1 : i32
    %mul3A_3 = arith.constant 640 : i32
    %mul3A_4 = arith.muli %arg1, %mul3A_3 : i32
    "tpu.region"() ({
      %run_scoped3A = tpu.sem_alloc : memref<!tpu.dma_semaphore, #tpu.memory_space<semaphore_mem>>
      %dma_start3A_38 = arith.constant 0 : i32
      %dma_start3A_39 = tpu.memref_slice %arg12[%mul3A_4, %dma_start3A_38] : memref<10240x32xf32, #tpu.memory_space<vmem_shared>> -> memref<640x32xf32, #tpu.memory_space<vmem_shared>>
      tpu.enqueue_dma source(%arg5 : memref<640x32xf32, #tpu.memory_space<hbm>>) target(%dma_start3A_39 : memref<640x32xf32, #tpu.memory_space<vmem_shared>>) target_semaphore(%run_scoped3A : memref<!tpu.dma_semaphore, #tpu.memory_space<semaphore_mem>>)
      %dma_wait3A_40 = arith.constant 0 : i32
      %dma_wait3A_41 = tpu.memref_slice %arg12[%mul3A_4, %dma_wait3A_40] : memref<10240x32xf32, #tpu.memory_space<vmem_shared>> -> memref<640x32xf32, #tpu.memory_space<vmem_shared>>
      tpu.wait_dma2 semaphore(%run_scoped3A : memref<!tpu.dma_semaphore, #tpu.memory_space<semaphore_mem>>) src(%arg5 : memref<640x32xf32, #tpu.memory_space<hbm>>) dst(%dma_wait3A_41 : memref<640x32xf32, #tpu.memory_space<vmem_shared>>)
      tpu.yield
    }) : () -> ()
    "tpu.region"() ({
      %run_scoped3A = tpu.sem_alloc : memref<!tpu.dma_semaphore, #tpu.memory_space<semaphore_mem>>
      %dma_start3A_38 = arith.constant 0 : i32
      %dma_start3A_39 = arith.constant 0 : i32
      %dma_start3A_40 = tpu.memref_slice %arg3[%add3A, %dma_start3A_38, %dma_start3A_39] : memref<32x20x128xi32, #tpu.memory_space<hbm>> -> memref<1x20x128xi32, #tpu.memory_space<hbm>>
      %dma_start3A_41 = tpu.memref_squeeze %dma_start3A_40 : memref<1x20x128xi32, #tpu.memory_space<hbm>> -> memref<20x128xi32, #tpu.memory_space<hbm>>
      %dma_start3A_42 = arith.constant 0 : i32
      %dma_start3A_43 = arith.constant 0 : i32
      %dma_start3A_44 = tpu.memref_slice %arg3[%add3A, %dma_start3A_42, %dma_start3A_43] : memref<32x20x128xi32, #tpu.memory_space<hbm>> -> memref<1x20x128xi32, #tpu.memory_space<hbm>>
      %dma_start3A_45 = tpu.memref_squeeze %dma_start3A_44 : memref<1x20x128xi32, #tpu.memory_space<hbm>> -> memref<20x128xi32, #tpu.memory_space<hbm>>
      tpu.enqueue_dma source(%dma_start3A_45 : memref<20x128xi32, #tpu.memory_space<hbm>>) target(%arg7 : memref<20x128xi32, #tpu.memory_space<vmem>>) target_semaphore(%run_scoped3A : memref<!tpu.dma_semaphore, #tpu.memory_space<semaphore_mem>>)
      %dma_wait3A_46 = arith.constant 0 : i32
      %dma_wait3A_47 = arith.constant 0 : i32
      %dma_wait3A_48 = tpu.memref_slice %arg3[%add3A, %dma_wait3A_46, %dma_wait3A_47] : memref<32x20x128xi32, #tpu.memory_space<hbm>> -> memref<1x20x128xi32, #tpu.memory_space<hbm>>
      %dma_wait3A_49 = tpu.memref_squeeze %dma_wait3A_48 : memref<1x20x128xi32, #tpu.memory_space<hbm>> -> memref<20x128xi32, #tpu.memory_space<hbm>>
      %dma_wait3A_50 = arith.constant 0 : i32
      %dma_wait3A_51 = arith.constant 0 : i32
      %dma_wait3A_52 = tpu.memref_slice %arg3[%add3A, %dma_wait3A_50, %dma_wait3A_51] : memref<32x20x128xi32, #tpu.memory_space<hbm>> -> memref<1x20x128xi32, #tpu.memory_space<hbm>>
      %dma_wait3A_53 = tpu.memref_squeeze %dma_wait3A_52 : memref<1x20x128xi32, #tpu.memory_space<hbm>> -> memref<20x128xi32, #tpu.memory_space<hbm>>
      tpu.wait_dma2 semaphore(%run_scoped3A : memref<!tpu.dma_semaphore, #tpu.memory_space<semaphore_mem>>) src(%dma_wait3A_53 : memref<20x128xi32, #tpu.memory_space<hbm>>) dst(%arg7 : memref<20x128xi32, #tpu.memory_space<vmem>>)
      tpu.yield
    }) : () -> ()
    "tpu.region"() ({
      %run_scoped3A = tpu.sem_alloc : memref<!tpu.dma_semaphore, #tpu.memory_space<semaphore_mem>>
      %dma_start3A_38 = arith.constant 0 : i32
      %dma_start3A_39 = tpu.memref_slice %arg4[%add3A, %dma_start3A_38] : memref<32x40xi32, #tpu.memory_space<hbm>> -> memref<1x40xi32, #tpu.memory_space<hbm>>
      %dma_start3A_40 = tpu.memref_squeeze %dma_start3A_39 : memref<1x40xi32, #tpu.memory_space<hbm>> -> memref<40xi32, #tpu.memory_space<hbm>>
      %dma_start3A_41 = arith.constant 0 : i32
      %dma_start3A_42 = tpu.memref_slice %arg4[%add3A, %dma_start3A_41] : memref<32x40xi32, #tpu.memory_space<hbm>> -> memref<1x40xi32, #tpu.memory_space<hbm>>
      %dma_start3A_43 = tpu.memref_squeeze %dma_start3A_42 : memref<1x40xi32, #tpu.memory_space<hbm>> -> memref<40xi32, #tpu.memory_space<hbm>>
      tpu.enqueue_dma source(%dma_start3A_43 : memref<40xi32, #tpu.memory_space<hbm>>) target(%arg8 : memref<40xi32, #tpu.memory_space<vmem>>) target_semaphore(%run_scoped3A : memref<!tpu.dma_semaphore, #tpu.memory_space<semaphore_mem>>)
      %dma_wait3A_44 = arith.constant 0 : i32
      %dma_wait3A_45 = tpu.memref_slice %arg4[%add3A, %dma_wait3A_44] : memref<32x40xi32, #tpu.memory_space<hbm>> -> memref<1x40xi32, #tpu.memory_space<hbm>>
      %dma_wait3A_46 = tpu.memref_squeeze %dma_wait3A_45 : memref<1x40xi32, #tpu.memory_space<hbm>> -> memref<40xi32, #tpu.memory_space<hbm>>
      %dma_wait3A_47 = arith.constant 0 : i32
      %dma_wait3A_48 = tpu.memref_slice %arg4[%add3A, %dma_wait3A_47] : memref<32x40xi32, #tpu.memory_space<hbm>> -> memref<1x40xi32, #tpu.memory_space<hbm>>
      %dma_wait3A_49 = tpu.memref_squeeze %dma_wait3A_48 : memref<1x40xi32, #tpu.memory_space<hbm>> -> memref<40xi32, #tpu.memory_space<hbm>>
      tpu.wait_dma2 semaphore(%run_scoped3A : memref<!tpu.dma_semaphore, #tpu.memory_space<semaphore_mem>>) src(%dma_wait3A_49 : memref<40xi32, #tpu.memory_space<hbm>>) dst(%arg8 : memref<40xi32, #tpu.memory_space<vmem>>)
      tpu.yield
    }) : () -> ()
    %barrier3A = arith.constant 0 : index
    tpu.barrier barrier_id(%barrier3A)
    %add3A_5 = arith.constant 0 : i32
    %add3A_6 = arith.addi %mul3A_2, %add3A_5 : i32
    %dma_start3A = arith.constant 0 : i32
    %dma_start3A_7 = tpu.memref_slice %arg2[%add3A_6, %dma_start3A] : memref<83200x32xf32, #tpu.memory_space<hbm>> -> memref<128x32xf32, #tpu.memory_space<hbm>>
    %dma_start3A_8 = arith.constant 0 : i32
    %dma_start3A_9 = tpu.memref_slice %arg2[%add3A_6, %dma_start3A_8] : memref<83200x32xf32, #tpu.memory_space<hbm>> -> memref<128x32xf32, #tpu.memory_space<hbm>>
    tpu.enqueue_dma source(%dma_start3A_9 : memref<128x32xf32, #tpu.memory_space<hbm>>) target(%arg9 : memref<128x32xf32, #tpu.memory_space<vmem>>) target_semaphore(%arg13 : memref<!tpu.dma_semaphore, #tpu.memory_space<semaphore_mem>>)
    %add3A_10 = arith.constant 128 : i32
    %add3A_11 = arith.addi %mul3A_2, %add3A_10 : i32
    %dma_start3A_12 = arith.constant 0 : i32
    %dma_start3A_13 = tpu.memref_slice %arg2[%add3A_11, %dma_start3A_12] : memref<83200x32xf32, #tpu.memory_space<hbm>> -> memref<128x32xf32, #tpu.memory_space<hbm>>
    %dma_start3A_14 = arith.constant 0 : i32
    %dma_start3A_15 = tpu.memref_slice %arg2[%add3A_11, %dma_start3A_14] : memref<83200x32xf32, #tpu.memory_space<hbm>> -> memref<128x32xf32, #tpu.memory_space<hbm>>
    tpu.enqueue_dma source(%dma_start3A_15 : memref<128x32xf32, #tpu.memory_space<hbm>>) target(%arg10 : memref<128x32xf32, #tpu.memory_space<vmem>>) target_semaphore(%arg14 : memref<!tpu.dma_semaphore, #tpu.memory_space<semaphore_mem>>)
    %scan3A = arith.constant 0 : i32
    %scan3A_16 = arith.constant 0 : i32
    %scan3A_17 = arith.constant 10 : i32
    %scan3A_18 = arith.addi %scan3A_16, %scan3A_17 : i32
    %scan3A_19 = arith.constant 1 : i32
    scf.for %scan3A_38 = %scan3A_16 to %scan3A_18 step %scan3A_19  : i32 {
      %mul3A_39 = arith.constant 2 : i32
      %mul3A_40 = arith.muli %mul3A_39, %scan3A_38 : i32
      %dma_wait3A_41 = arith.constant 0 : i32
      %dma_wait3A_42 = tpu.memref_slice %arg2[%mul3A_2, %dma_wait3A_41] : memref<83200x32xf32, #tpu.memory_space<hbm>> -> memref<128x32xf32, #tpu.memory_space<hbm>>
      %dma_wait3A_43 = arith.constant 0 : i32
      %dma_wait3A_44 = tpu.memref_slice %arg2[%mul3A_2, %dma_wait3A_43] : memref<83200x32xf32, #tpu.memory_space<hbm>> -> memref<128x32xf32, #tpu.memory_space<hbm>>
      tpu.wait_dma2 semaphore(%arg13 : memref<!tpu.dma_semaphore, #tpu.memory_space<semaphore_mem>>) src(%dma_wait3A_44 : memref<128x32xf32, #tpu.memory_space<hbm>>) dst(%arg9 : memref<128x32xf32, #tpu.memory_space<vmem>>)
      "tpu.region"() ({
        %run_scoped3A = tpu.sem_alloc : memref<!tpu.dma_semaphore, #tpu.memory_space<semaphore_mem>>
        %dma_start3A_62 = arith.constant 0 : i32
        %dma_start3A_63 = tpu.memref_slice %arg7[%mul3A_40, %dma_start3A_62] : memref<20x128xi32, #tpu.memory_space<vmem>> -> memref<1x128xi32, #tpu.memory_space<vmem>>
        %dma_start3A_64 = tpu.memref_squeeze %dma_start3A_63 : memref<1x128xi32, #tpu.memory_space<vmem>> -> memref<128xi32, #tpu.memory_space<vmem>>
        %dma_start3A_65 = arith.constant 0 : i32
        %dma_start3A_66 = arith.constant 0 : i32
        %dma_start3A_67 = tpu.memref_slice %arg12[%dma_start3A_65, %dma_start3A_66] : memref<10240x32xf32, #tpu.memory_space<vmem_shared>> -> memref<10240x32xf32, #tpu.memory_space<vmem_shared>>
        tpu.enqueue_indirect_dma source(%arg9 : memref<128x32xf32, #tpu.memory_space<vmem>>) target(%dma_start3A_67 : memref<10240x32xf32, #tpu.memory_space<vmem_shared>>) offsets(%dma_start3A_64 : memref<128xi32, #tpu.memory_space<vmem>>) semaphore(%run_scoped3A : memref<!tpu.dma_semaphore, #tpu.memory_space<semaphore_mem>>) {add = true}
        %dma_wait3A_68 = arith.constant 0 : i32
        %dma_wait3A_69 = tpu.memref_slice %arg7[%mul3A_40, %dma_wait3A_68] : memref<20x128xi32, #tpu.memory_space<vmem>> -> memref<1x128xi32, #tpu.memory_space<vmem>>
        %dma_wait3A_70 = tpu.memref_squeeze %dma_wait3A_69 : memref<1x128xi32, #tpu.memory_space<vmem>> -> memref<128xi32, #tpu.memory_space<vmem>>
        %dma_wait3A_71 = arith.constant 0 : i32
        %dma_wait3A_72 = arith.constant 0 : i32
        %dma_wait3A_73 = tpu.memref_slice %arg12[%dma_wait3A_71, %dma_wait3A_72] : memref<10240x32xf32, #tpu.memory_space<vmem_shared>> -> memref<10240x32xf32, #tpu.memory_space<vmem_shared>>
        tpu.wait_indirect_dma semaphore(%run_scoped3A : memref<!tpu.dma_semaphore, #tpu.memory_space<semaphore_mem>>) src(%arg9 : memref<128x32xf32, #tpu.memory_space<vmem>>) dst(%dma_wait3A_73 : memref<10240x32xf32, #tpu.memory_space<vmem_shared>>)
        tpu.yield
      }) : () -> ()
      %add3A_45 = arith.constant 2 : i32
      %add3A_46 = arith.addi %mul3A_40, %add3A_45 : i32
      %lt3A = arith.constant 20 : i32
      %lt3A_47 = arith.cmpi slt, %add3A_46, %lt3A : i32
      %convert_element_type3A = arith.extui %lt3A_47 : i1 to i32
      %cond3A = arith.constant 0 : i32
      %cond3A_48 = arith.cmpi ne, %convert_element_type3A, %cond3A : i32
      scf.if %cond3A_48 {
        %add3A_62 = arith.constant 2 : i32
        %add3A_63 = arith.addi %mul3A_40, %add3A_62 : i32
        %mul3A_64 = arith.constant 128 : i32
        %mul3A_65 = arith.muli %add3A_63, %mul3A_64 : i32
        %add3A_66 = arith.addi %mul3A_2, %mul3A_65 : i32
        %dma_start3A_67 = arith.constant 0 : i32
        %dma_start3A_68 = tpu.memref_slice %arg2[%add3A_66, %dma_start3A_67] : memref<83200x32xf32, #tpu.memory_space<hbm>> -> memref<128x32xf32, #tpu.memory_space<hbm>>
        %dma_start3A_69 = arith.constant 0 : i32
        %dma_start3A_70 = tpu.memref_slice %arg2[%add3A_66, %dma_start3A_69] : memref<83200x32xf32, #tpu.memory_space<hbm>> -> memref<128x32xf32, #tpu.memory_space<hbm>>
        tpu.enqueue_dma source(%dma_start3A_70 : memref<128x32xf32, #tpu.memory_space<hbm>>) target(%arg9 : memref<128x32xf32, #tpu.memory_space<vmem>>) target_semaphore(%arg13 : memref<!tpu.dma_semaphore, #tpu.memory_space<semaphore_mem>>)
      } else {
      }
      %dma_wait3A_49 = arith.constant 0 : i32
      %dma_wait3A_50 = tpu.memref_slice %arg2[%mul3A_2, %dma_wait3A_49] : memref<83200x32xf32, #tpu.memory_space<hbm>> -> memref<128x32xf32, #tpu.memory_space<hbm>>
      %dma_wait3A_51 = arith.constant 0 : i32
      %dma_wait3A_52 = tpu.memref_slice %arg2[%mul3A_2, %dma_wait3A_51] : memref<83200x32xf32, #tpu.memory_space<hbm>> -> memref<128x32xf32, #tpu.memory_space<hbm>>
      tpu.wait_dma2 semaphore(%arg14 : memref<!tpu.dma_semaphore, #tpu.memory_space<semaphore_mem>>) src(%dma_wait3A_52 : memref<128x32xf32, #tpu.memory_space<hbm>>) dst(%arg10 : memref<128x32xf32, #tpu.memory_space<vmem>>)
      %add3A_53 = arith.constant 1 : i32
      %add3A_54 = arith.addi %mul3A_40, %add3A_53 : i32
      "tpu.region"() ({
        %run_scoped3A = tpu.sem_alloc : memref<!tpu.dma_semaphore, #tpu.memory_space<semaphore_mem>>
        %dma_start3A_62 = arith.constant 0 : i32
        %dma_start3A_63 = tpu.memref_slice %arg7[%add3A_54, %dma_start3A_62] : memref<20x128xi32, #tpu.memory_space<vmem>> -> memref<1x128xi32, #tpu.memory_space<vmem>>
        %dma_start3A_64 = tpu.memref_squeeze %dma_start3A_63 : memref<1x128xi32, #tpu.memory_space<vmem>> -> memref<128xi32, #tpu.memory_space<vmem>>
        %dma_start3A_65 = arith.constant 0 : i32
        %dma_start3A_66 = arith.constant 0 : i32
        %dma_start3A_67 = tpu.memref_slice %arg12[%dma_start3A_65, %dma_start3A_66] : memref<10240x32xf32, #tpu.memory_space<vmem_shared>> -> memref<10240x32xf32, #tpu.memory_space<vmem_shared>>
        tpu.enqueue_indirect_dma source(%arg10 : memref<128x32xf32, #tpu.memory_space<vmem>>) target(%dma_start3A_67 : memref<10240x32xf32, #tpu.memory_space<vmem_shared>>) offsets(%dma_start3A_64 : memref<128xi32, #tpu.memory_space<vmem>>) semaphore(%run_scoped3A : memref<!tpu.dma_semaphore, #tpu.memory_space<semaphore_mem>>) {add = true}
        %dma_wait3A_68 = arith.constant 0 : i32
        %dma_wait3A_69 = tpu.memref_slice %arg7[%add3A_54, %dma_wait3A_68] : memref<20x128xi32, #tpu.memory_space<vmem>> -> memref<1x128xi32, #tpu.memory_space<vmem>>
        %dma_wait3A_70 = tpu.memref_squeeze %dma_wait3A_69 : memref<1x128xi32, #tpu.memory_space<vmem>> -> memref<128xi32, #tpu.memory_space<vmem>>
        %dma_wait3A_71 = arith.constant 0 : i32
        %dma_wait3A_72 = arith.constant 0 : i32
        %dma_wait3A_73 = tpu.memref_slice %arg12[%dma_wait3A_71, %dma_wait3A_72] : memref<10240x32xf32, #tpu.memory_space<vmem_shared>> -> memref<10240x32xf32, #tpu.memory_space<vmem_shared>>
        tpu.wait_indirect_dma semaphore(%run_scoped3A : memref<!tpu.dma_semaphore, #tpu.memory_space<semaphore_mem>>) src(%arg10 : memref<128x32xf32, #tpu.memory_space<vmem>>) dst(%dma_wait3A_73 : memref<10240x32xf32, #tpu.memory_space<vmem_shared>>)
        tpu.yield
      }) : () -> ()
      %add3A_55 = arith.constant 3 : i32
      %add3A_56 = arith.addi %mul3A_40, %add3A_55 : i32
      %lt3A_57 = arith.constant 20 : i32
      %lt3A_58 = arith.cmpi slt, %add3A_56, %lt3A_57 : i32
      %convert_element_type3A_59 = arith.extui %lt3A_58 : i1 to i32
      %cond3A_60 = arith.constant 0 : i32
      %cond3A_61 = arith.cmpi ne, %convert_element_type3A_59, %cond3A_60 : i32
      scf.if %cond3A_61 {
        %add3A_62 = arith.constant 3 : i32
        %add3A_63 = arith.addi %mul3A_40, %add3A_62 : i32
        %mul3A_64 = arith.constant 128 : i32
        %mul3A_65 = arith.muli %add3A_63, %mul3A_64 : i32
        %add3A_66 = arith.addi %mul3A_2, %mul3A_65 : i32
        %dma_start3A_67 = arith.constant 0 : i32
        %dma_start3A_68 = tpu.memref_slice %arg2[%add3A_66, %dma_start3A_67] : memref<83200x32xf32, #tpu.memory_space<hbm>> -> memref<128x32xf32, #tpu.memory_space<hbm>>
        %dma_start3A_69 = arith.constant 0 : i32
        %dma_start3A_70 = tpu.memref_slice %arg2[%add3A_66, %dma_start3A_69] : memref<83200x32xf32, #tpu.memory_space<hbm>> -> memref<128x32xf32, #tpu.memory_space<hbm>>
        tpu.enqueue_dma source(%dma_start3A_70 : memref<128x32xf32, #tpu.memory_space<hbm>>) target(%arg10 : memref<128x32xf32, #tpu.memory_space<vmem>>) target_semaphore(%arg14 : memref<!tpu.dma_semaphore, #tpu.memory_space<semaphore_mem>>)
      } else {
      }
    }
    %scan3A_20 = arith.constant 10 : i32
    %add3A_21 = arith.constant 2560 : i32
    %add3A_22 = arith.addi %mul3A_2, %add3A_21 : i32
    %dma_start3A_23 = arith.constant 0 : i32
    %dma_start3A_24 = tpu.memref_slice %arg2[%add3A_22, %dma_start3A_23] : memref<83200x32xf32, #tpu.memory_space<hbm>> -> memref<40x32xf32, #tpu.memory_space<hbm>>
    %dma_start3A_25 = arith.constant 0 : i32
    %dma_start3A_26 = tpu.memref_slice %arg2[%add3A_22, %dma_start3A_25] : memref<83200x32xf32, #tpu.memory_space<hbm>> -> memref<40x32xf32, #tpu.memory_space<hbm>>
    tpu.enqueue_dma source(%dma_start3A_26 : memref<40x32xf32, #tpu.memory_space<hbm>>) target(%arg11 : memref<40x32xf32, #tpu.memory_space<vmem>>) target_semaphore(%arg15 : memref<!tpu.dma_semaphore, #tpu.memory_space<semaphore_mem>>)
    %dma_wait3A = arith.constant 0 : i32
    %dma_wait3A_27 = tpu.memref_slice %arg2[%add3A_22, %dma_wait3A] : memref<83200x32xf32, #tpu.memory_space<hbm>> -> memref<40x32xf32, #tpu.memory_space<hbm>>
    %dma_wait3A_28 = arith.constant 0 : i32
    %dma_wait3A_29 = tpu.memref_slice %arg2[%add3A_22, %dma_wait3A_28] : memref<83200x32xf32, #tpu.memory_space<hbm>> -> memref<40x32xf32, #tpu.memory_space<hbm>>
    tpu.wait_dma2 semaphore(%arg15 : memref<!tpu.dma_semaphore, #tpu.memory_space<semaphore_mem>>) src(%dma_wait3A_29 : memref<40x32xf32, #tpu.memory_space<hbm>>) dst(%arg11 : memref<40x32xf32, #tpu.memory_space<vmem>>)
    "tpu.region"() ({
      %run_scoped3A = tpu.sem_alloc : memref<!tpu.dma_semaphore, #tpu.memory_space<semaphore_mem>>
      %dma_start3A_38 = arith.constant 0 : i32
      %dma_start3A_39 = arith.constant 0 : i32
      %dma_start3A_40 = tpu.memref_slice %arg12[%dma_start3A_38, %dma_start3A_39] : memref<10240x32xf32, #tpu.memory_space<vmem_shared>> -> memref<10240x32xf32, #tpu.memory_space<vmem_shared>>
      tpu.enqueue_indirect_dma source(%arg11 : memref<40x32xf32, #tpu.memory_space<vmem>>) target(%dma_start3A_40 : memref<10240x32xf32, #tpu.memory_space<vmem_shared>>) offsets(%arg8 : memref<40xi32, #tpu.memory_space<vmem>>) semaphore(%run_scoped3A : memref<!tpu.dma_semaphore, #tpu.memory_space<semaphore_mem>>) {add = true}
      %dma_wait3A_41 = arith.constant 0 : i32
      %dma_wait3A_42 = arith.constant 0 : i32
      %dma_wait3A_43 = tpu.memref_slice %arg12[%dma_wait3A_41, %dma_wait3A_42] : memref<10240x32xf32, #tpu.memory_space<vmem_shared>> -> memref<10240x32xf32, #tpu.memory_space<vmem_shared>>
      tpu.wait_indirect_dma semaphore(%run_scoped3A : memref<!tpu.dma_semaphore, #tpu.memory_space<semaphore_mem>>) src(%arg11 : memref<40x32xf32, #tpu.memory_space<vmem>>) dst(%dma_wait3A_43 : memref<10240x32xf32, #tpu.memory_space<vmem_shared>>)
      tpu.yield
    }) : () -> ()
    %barrier3A_30 = arith.constant 0 : index
    tpu.barrier barrier_id(%barrier3A_30)
    %mul3A_31 = arith.constant 640 : i32
    %mul3A_32 = arith.muli %arg1, %mul3A_31 : i32
    %mul3A_33 = arith.constant 10240 : i32
    %mul3A_34 = arith.muli %arg0, %mul3A_33 : i32
    %mul3A_35 = arith.constant 640 : i32
    %mul3A_36 = arith.muli %arg1, %mul3A_35 : i32
    %add3A_37 = arith.addi %mul3A_34, %mul3A_36 : i32
    "tpu.region"() ({
      %run_scoped3A = tpu.sem_alloc : memref<!tpu.dma_semaphore, #tpu.memory_space<semaphore_mem>>
      %dma_start3A_38 = arith.constant 0 : i32
      %dma_start3A_39 = tpu.memref_slice %arg6[%add3A_37, %dma_start3A_38] : memref<20480x32xf32, #tpu.memory_space<hbm>> -> memref<640x32xf32, #tpu.memory_space<hbm>>
      %dma_start3A_40 = arith.constant 0 : i32
      %dma_start3A_41 = tpu.memref_slice %arg12[%mul3A_32, %dma_start3A_40] : memref<10240x32xf32, #tpu.memory_space<vmem_shared>> -> memref<640x32xf32, #tpu.memory_space<vmem_shared>>
      tpu.enqueue_dma source(%dma_start3A_41 : memref<640x32xf32, #tpu.memory_space<vmem_shared>>) target(%dma_start3A_39 : memref<640x32xf32, #tpu.memory_space<hbm>>) target_semaphore(%run_scoped3A : memref<!tpu.dma_semaphore, #tpu.memory_space<semaphore_mem>>)
      %dma_wait3A_42 = arith.constant 0 : i32
      %dma_wait3A_43 = tpu.memref_slice %arg6[%add3A_37, %dma_wait3A_42] : memref<20480x32xf32, #tpu.memory_space<hbm>> -> memref<640x32xf32, #tpu.memory_space<hbm>>
      %dma_wait3A_44 = arith.constant 0 : i32
      %dma_wait3A_45 = tpu.memref_slice %arg12[%mul3A_32, %dma_wait3A_44] : memref<10240x32xf32, #tpu.memory_space<vmem_shared>> -> memref<640x32xf32, #tpu.memory_space<vmem_shared>>
      tpu.wait_dma2 semaphore(%run_scoped3A : memref<!tpu.dma_semaphore, #tpu.memory_space<semaphore_mem>>) src(%dma_wait3A_45 : memref<640x32xf32, #tpu.memory_space<vmem_shared>>) dst(%dma_wait3A_43 : memref<640x32xf32, #tpu.memory_space<hbm>>)
      tpu.yield
    }) : () -> ()
    return
  }
}

#map = affine_map<(d0, d1) -> (0, 0)>
#map1 = affine_map<(d0, d1) -> (0, 0, 0)>
module attributes {stable_mosaic.version = 14 : i64} {
  func.func @body_fn(%arg0: i32, %arg1: i32, %arg2: memref<10000x32xf32, #tpu.memory_space<hbm>>, %arg3: memref<32x18x128xi32, #tpu.memory_space<hbm>>, %arg4: memref<32x96xi32, #tpu.memory_space<hbm>>, %arg5: memref<76800x32xf32, #tpu.memory_space<hbm>>, %arg6: memref<18x128xi32, #tpu.memory_space<vmem>>, %arg7: memref<96xi32, #tpu.memory_space<vmem>>, %arg8: memref<128x32xf32, #tpu.memory_space<vmem>>, %arg9: memref<128x32xf32, #tpu.memory_space<vmem>>, %arg10: memref<96x32xf32, #tpu.memory_space<vmem>>, %arg11: memref<!tpu.dma_semaphore, #tpu.memory_space<semaphore_mem>>, %arg12: memref<!tpu.dma_semaphore, #tpu.memory_space<semaphore_mem>>, %arg13: memref<!tpu.dma_semaphore, #tpu.memory_space<semaphore_mem>>, %arg14: memref<!tpu.dma_semaphore, #tpu.memory_space<semaphore_mem>>, %arg15: memref<!tpu.dma_semaphore, #tpu.memory_space<semaphore_mem>>) attributes {dimension_semantics = [#tpu.dimension_semantics<core_parallel>, #tpu.dimension_semantics<subcore_parallel>], iteration_bounds = array<i64: 2, 16>, scalar_prefetch = 0 : i64, scratch_operands = 10 : i64, tpu.core_type = #tpu.core_type<sc_vector_subcore>, window_params = [{transform_indices = #map}, {transform_indices = #map1}, {transform_indices = #map}, {transform_indices = #map}]} {
    %mul3A = arith.constant 2 : i32
    %mul3A_0 = arith.muli %arg1, %mul3A : i32
    %add3A = arith.addi %mul3A_0, %arg0 : i32
    %mul3A_1 = arith.constant 2400 : i32
    %mul3A_2 = arith.muli %add3A, %mul3A_1 : i32
    "tpu.region"() ({
      %run_scoped3A = tpu.sem_alloc : memref<!tpu.dma_semaphore, #tpu.memory_space<semaphore_mem>>
      %dma_start3A_36 = arith.constant 0 : i32
      %dma_start3A_37 = arith.constant 0 : i32
      %dma_start3A_38 = tpu.memref_slice %arg3[%add3A, %dma_start3A_36, %dma_start3A_37] : memref<32x18x128xi32, #tpu.memory_space<hbm>> -> memref<1x18x128xi32, #tpu.memory_space<hbm>>
      %dma_start3A_39 = tpu.memref_squeeze %dma_start3A_38 : memref<1x18x128xi32, #tpu.memory_space<hbm>> -> memref<18x128xi32, #tpu.memory_space<hbm>>
      %dma_start3A_40 = arith.constant 0 : i32
      %dma_start3A_41 = arith.constant 0 : i32
      %dma_start3A_42 = tpu.memref_slice %arg3[%add3A, %dma_start3A_40, %dma_start3A_41] : memref<32x18x128xi32, #tpu.memory_space<hbm>> -> memref<1x18x128xi32, #tpu.memory_space<hbm>>
      %dma_start3A_43 = tpu.memref_squeeze %dma_start3A_42 : memref<1x18x128xi32, #tpu.memory_space<hbm>> -> memref<18x128xi32, #tpu.memory_space<hbm>>
      tpu.enqueue_dma source(%dma_start3A_43 : memref<18x128xi32, #tpu.memory_space<hbm>>) target(%arg6 : memref<18x128xi32, #tpu.memory_space<vmem>>) target_semaphore(%run_scoped3A : memref<!tpu.dma_semaphore, #tpu.memory_space<semaphore_mem>>)
      %dma_wait3A_44 = arith.constant 0 : i32
      %dma_wait3A_45 = arith.constant 0 : i32
      %dma_wait3A_46 = tpu.memref_slice %arg3[%add3A, %dma_wait3A_44, %dma_wait3A_45] : memref<32x18x128xi32, #tpu.memory_space<hbm>> -> memref<1x18x128xi32, #tpu.memory_space<hbm>>
      %dma_wait3A_47 = tpu.memref_squeeze %dma_wait3A_46 : memref<1x18x128xi32, #tpu.memory_space<hbm>> -> memref<18x128xi32, #tpu.memory_space<hbm>>
      %dma_wait3A_48 = arith.constant 0 : i32
      %dma_wait3A_49 = arith.constant 0 : i32
      %dma_wait3A_50 = tpu.memref_slice %arg3[%add3A, %dma_wait3A_48, %dma_wait3A_49] : memref<32x18x128xi32, #tpu.memory_space<hbm>> -> memref<1x18x128xi32, #tpu.memory_space<hbm>>
      %dma_wait3A_51 = tpu.memref_squeeze %dma_wait3A_50 : memref<1x18x128xi32, #tpu.memory_space<hbm>> -> memref<18x128xi32, #tpu.memory_space<hbm>>
      tpu.wait_dma2 semaphore(%run_scoped3A : memref<!tpu.dma_semaphore, #tpu.memory_space<semaphore_mem>>) src(%dma_wait3A_51 : memref<18x128xi32, #tpu.memory_space<hbm>>) dst(%arg6 : memref<18x128xi32, #tpu.memory_space<vmem>>)
      tpu.yield
    }) : () -> ()
    "tpu.region"() ({
      %run_scoped3A = tpu.sem_alloc : memref<!tpu.dma_semaphore, #tpu.memory_space<semaphore_mem>>
      %dma_start3A_36 = arith.constant 0 : i32
      %dma_start3A_37 = tpu.memref_slice %arg4[%add3A, %dma_start3A_36] : memref<32x96xi32, #tpu.memory_space<hbm>> -> memref<1x96xi32, #tpu.memory_space<hbm>>
      %dma_start3A_38 = tpu.memref_squeeze %dma_start3A_37 : memref<1x96xi32, #tpu.memory_space<hbm>> -> memref<96xi32, #tpu.memory_space<hbm>>
      %dma_start3A_39 = arith.constant 0 : i32
      %dma_start3A_40 = tpu.memref_slice %arg4[%add3A, %dma_start3A_39] : memref<32x96xi32, #tpu.memory_space<hbm>> -> memref<1x96xi32, #tpu.memory_space<hbm>>
      %dma_start3A_41 = tpu.memref_squeeze %dma_start3A_40 : memref<1x96xi32, #tpu.memory_space<hbm>> -> memref<96xi32, #tpu.memory_space<hbm>>
      tpu.enqueue_dma source(%dma_start3A_41 : memref<96xi32, #tpu.memory_space<hbm>>) target(%arg7 : memref<96xi32, #tpu.memory_space<vmem>>) target_semaphore(%run_scoped3A : memref<!tpu.dma_semaphore, #tpu.memory_space<semaphore_mem>>)
      %dma_wait3A_42 = arith.constant 0 : i32
      %dma_wait3A_43 = tpu.memref_slice %arg4[%add3A, %dma_wait3A_42] : memref<32x96xi32, #tpu.memory_space<hbm>> -> memref<1x96xi32, #tpu.memory_space<hbm>>
      %dma_wait3A_44 = tpu.memref_squeeze %dma_wait3A_43 : memref<1x96xi32, #tpu.memory_space<hbm>> -> memref<96xi32, #tpu.memory_space<hbm>>
      %dma_wait3A_45 = arith.constant 0 : i32
      %dma_wait3A_46 = tpu.memref_slice %arg4[%add3A, %dma_wait3A_45] : memref<32x96xi32, #tpu.memory_space<hbm>> -> memref<1x96xi32, #tpu.memory_space<hbm>>
      %dma_wait3A_47 = tpu.memref_squeeze %dma_wait3A_46 : memref<1x96xi32, #tpu.memory_space<hbm>> -> memref<96xi32, #tpu.memory_space<hbm>>
      tpu.wait_dma2 semaphore(%run_scoped3A : memref<!tpu.dma_semaphore, #tpu.memory_space<semaphore_mem>>) src(%dma_wait3A_47 : memref<96xi32, #tpu.memory_space<hbm>>) dst(%arg7 : memref<96xi32, #tpu.memory_space<vmem>>)
      tpu.yield
    }) : () -> ()
    %dma_start3A = arith.constant 0 : i32
    %dma_start3A_3 = arith.constant 0 : i32
    %dma_start3A_4 = tpu.memref_slice %arg6[%dma_start3A, %dma_start3A_3] : memref<18x128xi32, #tpu.memory_space<vmem>> -> memref<1x128xi32, #tpu.memory_space<vmem>>
    %dma_start3A_5 = tpu.memref_squeeze %dma_start3A_4 : memref<1x128xi32, #tpu.memory_space<vmem>> -> memref<128xi32, #tpu.memory_space<vmem>>
    %dma_start3A_6 = arith.constant 0 : i32
    %dma_start3A_7 = arith.constant 0 : i32
    %dma_start3A_8 = tpu.memref_slice %arg2[%dma_start3A_6, %dma_start3A_7] : memref<10000x32xf32, #tpu.memory_space<hbm>> -> memref<10000x32xf32, #tpu.memory_space<hbm>>
    tpu.enqueue_indirect_dma source(%dma_start3A_8 : memref<10000x32xf32, #tpu.memory_space<hbm>>) target(%arg8 : memref<128x32xf32, #tpu.memory_space<vmem>>) offsets(%dma_start3A_5 : memref<128xi32, #tpu.memory_space<vmem>>) semaphore(%arg11 : memref<!tpu.dma_semaphore, #tpu.memory_space<semaphore_mem>>)
    %dma_start3A_9 = arith.constant 1 : i32
    %dma_start3A_10 = arith.constant 0 : i32
    %dma_start3A_11 = tpu.memref_slice %arg6[%dma_start3A_9, %dma_start3A_10] : memref<18x128xi32, #tpu.memory_space<vmem>> -> memref<1x128xi32, #tpu.memory_space<vmem>>
    %dma_start3A_12 = tpu.memref_squeeze %dma_start3A_11 : memref<1x128xi32, #tpu.memory_space<vmem>> -> memref<128xi32, #tpu.memory_space<vmem>>
    %dma_start3A_13 = arith.constant 0 : i32
    %dma_start3A_14 = arith.constant 0 : i32
    %dma_start3A_15 = tpu.memref_slice %arg2[%dma_start3A_13, %dma_start3A_14] : memref<10000x32xf32, #tpu.memory_space<hbm>> -> memref<10000x32xf32, #tpu.memory_space<hbm>>
    tpu.enqueue_indirect_dma source(%dma_start3A_15 : memref<10000x32xf32, #tpu.memory_space<hbm>>) target(%arg9 : memref<128x32xf32, #tpu.memory_space<vmem>>) offsets(%dma_start3A_12 : memref<128xi32, #tpu.memory_space<vmem>>) semaphore(%arg12 : memref<!tpu.dma_semaphore, #tpu.memory_space<semaphore_mem>>)
    %scan3A = arith.constant 0 : i32
    %scan3A_16 = arith.constant 0 : i32
    %scan3A_17 = arith.constant 9 : i32
    %scan3A_18 = arith.addi %scan3A_16, %scan3A_17 : i32
    %scan3A_19 = arith.constant 1 : i32
    scf.for %scan3A_36 = %scan3A_16 to %scan3A_18 step %scan3A_19  : i32 {
      %mul3A_37 = arith.constant 2 : i32
      %mul3A_38 = arith.muli %mul3A_37, %scan3A_36 : i32
      %dma_wait3A_39 = arith.constant 0 : i32
      %dma_wait3A_40 = arith.constant 0 : i32
      %dma_wait3A_41 = tpu.memref_slice %arg6[%dma_wait3A_39, %dma_wait3A_40] : memref<18x128xi32, #tpu.memory_space<vmem>> -> memref<1x128xi32, #tpu.memory_space<vmem>>
      %dma_wait3A_42 = tpu.memref_squeeze %dma_wait3A_41 : memref<1x128xi32, #tpu.memory_space<vmem>> -> memref<128xi32, #tpu.memory_space<vmem>>
      %dma_wait3A_43 = arith.constant 0 : i32
      %dma_wait3A_44 = arith.constant 0 : i32
      %dma_wait3A_45 = tpu.memref_slice %arg2[%dma_wait3A_43, %dma_wait3A_44] : memref<10000x32xf32, #tpu.memory_space<hbm>> -> memref<10000x32xf32, #tpu.memory_space<hbm>>
      tpu.wait_indirect_dma semaphore(%arg11 : memref<!tpu.dma_semaphore, #tpu.memory_space<semaphore_mem>>) src(%dma_wait3A_45 : memref<10000x32xf32, #tpu.memory_space<hbm>>) dst(%arg8 : memref<128x32xf32, #tpu.memory_space<vmem>>)
      %mul3A_46 = arith.constant 128 : i32
      %mul3A_47 = arith.muli %mul3A_38, %mul3A_46 : i32
      %add3A_48 = arith.addi %mul3A_2, %mul3A_47 : i32
      %dma_start3A_49 = arith.constant 0 : i32
      %dma_start3A_50 = tpu.memref_slice %arg5[%add3A_48, %dma_start3A_49] : memref<76800x32xf32, #tpu.memory_space<hbm>> -> memref<128x32xf32, #tpu.memory_space<hbm>>
      %dma_start3A_51 = arith.constant 0 : i32
      %dma_start3A_52 = tpu.memref_slice %arg5[%add3A_48, %dma_start3A_51] : memref<76800x32xf32, #tpu.memory_space<hbm>> -> memref<128x32xf32, #tpu.memory_space<hbm>>
      tpu.enqueue_dma source(%arg8 : memref<128x32xf32, #tpu.memory_space<vmem>>) target(%dma_start3A_52 : memref<128x32xf32, #tpu.memory_space<hbm>>) target_semaphore(%arg13 : memref<!tpu.dma_semaphore, #tpu.memory_space<semaphore_mem>>)
      %dma_wait3A_53 = arith.constant 0 : i32
      %dma_wait3A_54 = arith.constant 0 : i32
      %dma_wait3A_55 = tpu.memref_slice %arg6[%dma_wait3A_53, %dma_wait3A_54] : memref<18x128xi32, #tpu.memory_space<vmem>> -> memref<1x128xi32, #tpu.memory_space<vmem>>
      %dma_wait3A_56 = tpu.memref_squeeze %dma_wait3A_55 : memref<1x128xi32, #tpu.memory_space<vmem>> -> memref<128xi32, #tpu.memory_space<vmem>>
      %dma_wait3A_57 = arith.constant 0 : i32
      %dma_wait3A_58 = arith.constant 0 : i32
      %dma_wait3A_59 = tpu.memref_slice %arg2[%dma_wait3A_57, %dma_wait3A_58] : memref<10000x32xf32, #tpu.memory_space<hbm>> -> memref<10000x32xf32, #tpu.memory_space<hbm>>
      tpu.wait_indirect_dma semaphore(%arg12 : memref<!tpu.dma_semaphore, #tpu.memory_space<semaphore_mem>>) src(%dma_wait3A_59 : memref<10000x32xf32, #tpu.memory_space<hbm>>) dst(%arg9 : memref<128x32xf32, #tpu.memory_space<vmem>>)
      %add3A_60 = arith.constant 1 : i32
      %add3A_61 = arith.addi %mul3A_38, %add3A_60 : i32
      %mul3A_62 = arith.constant 128 : i32
      %mul3A_63 = arith.muli %add3A_61, %mul3A_62 : i32
      %add3A_64 = arith.addi %mul3A_2, %mul3A_63 : i32
      %dma_start3A_65 = arith.constant 0 : i32
      %dma_start3A_66 = tpu.memref_slice %arg5[%add3A_64, %dma_start3A_65] : memref<76800x32xf32, #tpu.memory_space<hbm>> -> memref<128x32xf32, #tpu.memory_space<hbm>>
      %dma_start3A_67 = arith.constant 0 : i32
      %dma_start3A_68 = tpu.memref_slice %arg5[%add3A_64, %dma_start3A_67] : memref<76800x32xf32, #tpu.memory_space<hbm>> -> memref<128x32xf32, #tpu.memory_space<hbm>>
      tpu.enqueue_dma source(%arg9 : memref<128x32xf32, #tpu.memory_space<vmem>>) target(%dma_start3A_68 : memref<128x32xf32, #tpu.memory_space<hbm>>) target_semaphore(%arg14 : memref<!tpu.dma_semaphore, #tpu.memory_space<semaphore_mem>>)
      %add3A_69 = arith.constant 2 : i32
      %add3A_70 = arith.addi %mul3A_38, %add3A_69 : i32
      %lt3A = arith.constant 18 : i32
      %lt3A_71 = arith.cmpi slt, %add3A_70, %lt3A : i32
      %convert_element_type3A = arith.extui %lt3A_71 : i1 to i32
      %cond3A = arith.constant 0 : i32
      %cond3A_72 = arith.cmpi ne, %convert_element_type3A, %cond3A : i32
      scf.if %cond3A_72 {
        %dma_wait3A_80 = arith.constant 0 : i32
        %dma_wait3A_81 = tpu.memref_slice %arg5[%mul3A_2, %dma_wait3A_80] : memref<76800x32xf32, #tpu.memory_space<hbm>> -> memref<128x32xf32, #tpu.memory_space<hbm>>
        %dma_wait3A_82 = arith.constant 0 : i32
        %dma_wait3A_83 = tpu.memref_slice %arg5[%mul3A_2, %dma_wait3A_82] : memref<76800x32xf32, #tpu.memory_space<hbm>> -> memref<128x32xf32, #tpu.memory_space<hbm>>
        tpu.wait_dma2 semaphore(%arg13 : memref<!tpu.dma_semaphore, #tpu.memory_space<semaphore_mem>>) src(%dma_wait3A_83 : memref<128x32xf32, #tpu.memory_space<hbm>>) dst(%arg8 : memref<128x32xf32, #tpu.memory_space<vmem>>)
        %add3A_84 = arith.constant 2 : i32
        %add3A_85 = arith.addi %mul3A_38, %add3A_84 : i32
        %dma_start3A_86 = arith.constant 0 : i32
        %dma_start3A_87 = tpu.memref_slice %arg6[%add3A_85, %dma_start3A_86] : memref<18x128xi32, #tpu.memory_space<vmem>> -> memref<1x128xi32, #tpu.memory_space<vmem>>
        %dma_start3A_88 = tpu.memref_squeeze %dma_start3A_87 : memref<1x128xi32, #tpu.memory_space<vmem>> -> memref<128xi32, #tpu.memory_space<vmem>>
        %dma_start3A_89 = arith.constant 0 : i32
        %dma_start3A_90 = arith.constant 0 : i32
        %dma_start3A_91 = tpu.memref_slice %arg2[%dma_start3A_89, %dma_start3A_90] : memref<10000x32xf32, #tpu.memory_space<hbm>> -> memref<10000x32xf32, #tpu.memory_space<hbm>>
        tpu.enqueue_indirect_dma source(%dma_start3A_91 : memref<10000x32xf32, #tpu.memory_space<hbm>>) target(%arg8 : memref<128x32xf32, #tpu.memory_space<vmem>>) offsets(%dma_start3A_88 : memref<128xi32, #tpu.memory_space<vmem>>) semaphore(%arg11 : memref<!tpu.dma_semaphore, #tpu.memory_space<semaphore_mem>>)
      } else {
      }
      %add3A_73 = arith.constant 3 : i32
      %add3A_74 = arith.addi %mul3A_38, %add3A_73 : i32
      %lt3A_75 = arith.constant 18 : i32
      %lt3A_76 = arith.cmpi slt, %add3A_74, %lt3A_75 : i32
      %convert_element_type3A_77 = arith.extui %lt3A_76 : i1 to i32
      %cond3A_78 = arith.constant 0 : i32
      %cond3A_79 = arith.cmpi ne, %convert_element_type3A_77, %cond3A_78 : i32
      scf.if %cond3A_79 {
        %dma_wait3A_80 = arith.constant 0 : i32
        %dma_wait3A_81 = tpu.memref_slice %arg5[%mul3A_2, %dma_wait3A_80] : memref<76800x32xf32, #tpu.memory_space<hbm>> -> memref<128x32xf32, #tpu.memory_space<hbm>>
        %dma_wait3A_82 = arith.constant 0 : i32
        %dma_wait3A_83 = tpu.memref_slice %arg5[%mul3A_2, %dma_wait3A_82] : memref<76800x32xf32, #tpu.memory_space<hbm>> -> memref<128x32xf32, #tpu.memory_space<hbm>>
        tpu.wait_dma2 semaphore(%arg14 : memref<!tpu.dma_semaphore, #tpu.memory_space<semaphore_mem>>) src(%dma_wait3A_83 : memref<128x32xf32, #tpu.memory_space<hbm>>) dst(%arg9 : memref<128x32xf32, #tpu.memory_space<vmem>>)
        %add3A_84 = arith.constant 3 : i32
        %add3A_85 = arith.addi %mul3A_38, %add3A_84 : i32
        %dma_start3A_86 = arith.constant 0 : i32
        %dma_start3A_87 = tpu.memref_slice %arg6[%add3A_85, %dma_start3A_86] : memref<18x128xi32, #tpu.memory_space<vmem>> -> memref<1x128xi32, #tpu.memory_space<vmem>>
        %dma_start3A_88 = tpu.memref_squeeze %dma_start3A_87 : memref<1x128xi32, #tpu.memory_space<vmem>> -> memref<128xi32, #tpu.memory_space<vmem>>
        %dma_start3A_89 = arith.constant 0 : i32
        %dma_start3A_90 = arith.constant 0 : i32
        %dma_start3A_91 = tpu.memref_slice %arg2[%dma_start3A_89, %dma_start3A_90] : memref<10000x32xf32, #tpu.memory_space<hbm>> -> memref<10000x32xf32, #tpu.memory_space<hbm>>
        tpu.enqueue_indirect_dma source(%dma_start3A_91 : memref<10000x32xf32, #tpu.memory_space<hbm>>) target(%arg9 : memref<128x32xf32, #tpu.memory_space<vmem>>) offsets(%dma_start3A_88 : memref<128xi32, #tpu.memory_space<vmem>>) semaphore(%arg12 : memref<!tpu.dma_semaphore, #tpu.memory_space<semaphore_mem>>)
      } else {
      }
    }
    %scan3A_20 = arith.constant 9 : i32
    %dma_start3A_21 = arith.constant 0 : i32
    %dma_start3A_22 = arith.constant 0 : i32
    %dma_start3A_23 = tpu.memref_slice %arg2[%dma_start3A_21, %dma_start3A_22] : memref<10000x32xf32, #tpu.memory_space<hbm>> -> memref<10000x32xf32, #tpu.memory_space<hbm>>
    tpu.enqueue_indirect_dma source(%dma_start3A_23 : memref<10000x32xf32, #tpu.memory_space<hbm>>) target(%arg10 : memref<96x32xf32, #tpu.memory_space<vmem>>) offsets(%arg7 : memref<96xi32, #tpu.memory_space<vmem>>) semaphore(%arg15 : memref<!tpu.dma_semaphore, #tpu.memory_space<semaphore_mem>>)
    %dma_wait3A = arith.constant 0 : i32
    %dma_wait3A_24 = arith.constant 0 : i32
    %dma_wait3A_25 = tpu.memref_slice %arg2[%dma_wait3A, %dma_wait3A_24] : memref<10000x32xf32, #tpu.memory_space<hbm>> -> memref<10000x32xf32, #tpu.memory_space<hbm>>
    tpu.wait_indirect_dma semaphore(%arg15 : memref<!tpu.dma_semaphore, #tpu.memory_space<semaphore_mem>>) src(%dma_wait3A_25 : memref<10000x32xf32, #tpu.memory_space<hbm>>) dst(%arg10 : memref<96x32xf32, #tpu.memory_space<vmem>>)
    %add3A_26 = arith.constant 2304 : i32
    %add3A_27 = arith.addi %mul3A_2, %add3A_26 : i32
    "tpu.region"() ({
      %run_scoped3A = tpu.sem_alloc : memref<!tpu.dma_semaphore, #tpu.memory_space<semaphore_mem>>
      %dma_start3A_36 = arith.constant 0 : i32
      %dma_start3A_37 = tpu.memref_slice %arg5[%add3A_27, %dma_start3A_36] : memref<76800x32xf32, #tpu.memory_space<hbm>> -> memref<96x32xf32, #tpu.memory_space<hbm>>
      %dma_start3A_38 = arith.constant 0 : i32
      %dma_start3A_39 = tpu.memref_slice %arg5[%add3A_27, %dma_start3A_38] : memref<76800x32xf32, #tpu.memory_space<hbm>> -> memref<96x32xf32, #tpu.memory_space<hbm>>
      tpu.enqueue_dma source(%arg10 : memref<96x32xf32, #tpu.memory_space<vmem>>) target(%dma_start3A_39 : memref<96x32xf32, #tpu.memory_space<hbm>>) target_semaphore(%run_scoped3A : memref<!tpu.dma_semaphore, #tpu.memory_space<semaphore_mem>>)
      %dma_wait3A_40 = arith.constant 0 : i32
      %dma_wait3A_41 = tpu.memref_slice %arg5[%add3A_27, %dma_wait3A_40] : memref<76800x32xf32, #tpu.memory_space<hbm>> -> memref<96x32xf32, #tpu.memory_space<hbm>>
      %dma_wait3A_42 = arith.constant 0 : i32
      %dma_wait3A_43 = tpu.memref_slice %arg5[%add3A_27, %dma_wait3A_42] : memref<76800x32xf32, #tpu.memory_space<hbm>> -> memref<96x32xf32, #tpu.memory_space<hbm>>
      tpu.wait_dma2 semaphore(%run_scoped3A : memref<!tpu.dma_semaphore, #tpu.memory_space<semaphore_mem>>) src(%arg10 : memref<96x32xf32, #tpu.memory_space<vmem>>) dst(%dma_wait3A_43 : memref<96x32xf32, #tpu.memory_space<hbm>>)
      tpu.yield
    }) : () -> ()
    %dma_wait3A_28 = arith.constant 0 : i32
    %dma_wait3A_29 = tpu.memref_slice %arg5[%mul3A_2, %dma_wait3A_28] : memref<76800x32xf32, #tpu.memory_space<hbm>> -> memref<128x32xf32, #tpu.memory_space<hbm>>
    %dma_wait3A_30 = arith.constant 0 : i32
    %dma_wait3A_31 = tpu.memref_slice %arg5[%mul3A_2, %dma_wait3A_30] : memref<76800x32xf32, #tpu.memory_space<hbm>> -> memref<128x32xf32, #tpu.memory_space<hbm>>
    tpu.wait_dma2 semaphore(%arg13 : memref<!tpu.dma_semaphore, #tpu.memory_space<semaphore_mem>>) src(%dma_wait3A_31 : memref<128x32xf32, #tpu.memory_space<hbm>>) dst(%arg8 : memref<128x32xf32, #tpu.memory_space<vmem>>)
    %dma_wait3A_32 = arith.constant 0 : i32
    %dma_wait3A_33 = tpu.memref_slice %arg5[%mul3A_2, %dma_wait3A_32] : memref<76800x32xf32, #tpu.memory_space<hbm>> -> memref<128x32xf32, #tpu.memory_space<hbm>>
    %dma_wait3A_34 = arith.constant 0 : i32
    %dma_wait3A_35 = tpu.memref_slice %arg5[%mul3A_2, %dma_wait3A_34] : memref<76800x32xf32, #tpu.memory_space<hbm>> -> memref<128x32xf32, #tpu.memory_space<hbm>>
    tpu.wait_dma2 semaphore(%arg14 : memref<!tpu.dma_semaphore, #tpu.memory_space<semaphore_mem>>) src(%dma_wait3A_35 : memref<128x32xf32, #tpu.memory_space<hbm>>) dst(%arg9 : memref<128x32xf32, #tpu.memory_space<vmem>>)
    return
  }
}

#map = affine_map<(d0, d1) -> (0, 0)>
#map1 = affine_map<(d0, d1) -> (0, 0, 0)>
module attributes {stable_mosaic.version = 14 : i64} {
  func.func @body_fn(%arg0: i32, %arg1: i32, %arg2: memref<76800x32xf32, #tpu.memory_space<hbm>>, %arg3: memref<32x18x128xi32, #tpu.memory_space<hbm>>, %arg4: memref<32x96xi32, #tpu.memory_space<hbm>>, %arg5: memref<640x32xf32, #tpu.memory_space<hbm>>, %arg6: memref<20480x32xf32, #tpu.memory_space<hbm>>, %arg7: memref<18x128xi32, #tpu.memory_space<vmem>>, %arg8: memref<96xi32, #tpu.memory_space<vmem>>, %arg9: memref<128x32xf32, #tpu.memory_space<vmem>>, %arg10: memref<128x32xf32, #tpu.memory_space<vmem>>, %arg11: memref<96x32xf32, #tpu.memory_space<vmem>>, %arg12: memref<10240x32xf32, #tpu.memory_space<vmem_shared>>, %arg13: memref<!tpu.dma_semaphore, #tpu.memory_space<semaphore_mem>>, %arg14: memref<!tpu.dma_semaphore, #tpu.memory_space<semaphore_mem>>, %arg15: memref<!tpu.dma_semaphore, #tpu.memory_space<semaphore_mem>>) attributes {dimension_semantics = [#tpu.dimension_semantics<core_parallel>, #tpu.dimension_semantics<subcore_parallel>], iteration_bounds = array<i64: 2, 16>, scalar_prefetch = 0 : i64, scratch_operands = 9 : i64, tpu.core_type = #tpu.core_type<sc_vector_subcore>, window_params = [{transform_indices = #map}, {transform_indices = #map1}, {transform_indices = #map}, {transform_indices = #map}, {transform_indices = #map}]} {
    %mul3A = arith.constant 2 : i32
    %mul3A_0 = arith.muli %arg1, %mul3A : i32
    %add3A = arith.addi %mul3A_0, %arg0 : i32
    %mul3A_1 = arith.constant 2400 : i32
    %mul3A_2 = arith.muli %add3A, %mul3A_1 : i32
    %mul3A_3 = arith.constant 640 : i32
    %mul3A_4 = arith.muli %arg1, %mul3A_3 : i32
    "tpu.region"() ({
      %run_scoped3A = tpu.sem_alloc : memref<!tpu.dma_semaphore, #tpu.memory_space<semaphore_mem>>
      %dma_start3A_38 = arith.constant 0 : i32
      %dma_start3A_39 = tpu.memref_slice %arg12[%mul3A_4, %dma_start3A_38] : memref<10240x32xf32, #tpu.memory_space<vmem_shared>> -> memref<640x32xf32, #tpu.memory_space<vmem_shared>>
      tpu.enqueue_dma source(%arg5 : memref<640x32xf32, #tpu.memory_space<hbm>>) target(%dma_start3A_39 : memref<640x32xf32, #tpu.memory_space<vmem_shared>>) target_semaphore(%run_scoped3A : memref<!tpu.dma_semaphore, #tpu.memory_space<semaphore_mem>>)
      %dma_wait3A_40 = arith.constant 0 : i32
      %dma_wait3A_41 = tpu.memref_slice %arg12[%mul3A_4, %dma_wait3A_40] : memref<10240x32xf32, #tpu.memory_space<vmem_shared>> -> memref<640x32xf32, #tpu.memory_space<vmem_shared>>
      tpu.wait_dma2 semaphore(%run_scoped3A : memref<!tpu.dma_semaphore, #tpu.memory_space<semaphore_mem>>) src(%arg5 : memref<640x32xf32, #tpu.memory_space<hbm>>) dst(%dma_wait3A_41 : memref<640x32xf32, #tpu.memory_space<vmem_shared>>)
      tpu.yield
    }) : () -> ()
    "tpu.region"() ({
      %run_scoped3A = tpu.sem_alloc : memref<!tpu.dma_semaphore, #tpu.memory_space<semaphore_mem>>
      %dma_start3A_38 = arith.constant 0 : i32
      %dma_start3A_39 = arith.constant 0 : i32
      %dma_start3A_40 = tpu.memref_slice %arg3[%add3A, %dma_start3A_38, %dma_start3A_39] : memref<32x18x128xi32, #tpu.memory_space<hbm>> -> memref<1x18x128xi32, #tpu.memory_space<hbm>>
      %dma_start3A_41 = tpu.memref_squeeze %dma_start3A_40 : memref<1x18x128xi32, #tpu.memory_space<hbm>> -> memref<18x128xi32, #tpu.memory_space<hbm>>
      %dma_start3A_42 = arith.constant 0 : i32
      %dma_start3A_43 = arith.constant 0 : i32
      %dma_start3A_44 = tpu.memref_slice %arg3[%add3A, %dma_start3A_42, %dma_start3A_43] : memref<32x18x128xi32, #tpu.memory_space<hbm>> -> memref<1x18x128xi32, #tpu.memory_space<hbm>>
      %dma_start3A_45 = tpu.memref_squeeze %dma_start3A_44 : memref<1x18x128xi32, #tpu.memory_space<hbm>> -> memref<18x128xi32, #tpu.memory_space<hbm>>
      tpu.enqueue_dma source(%dma_start3A_45 : memref<18x128xi32, #tpu.memory_space<hbm>>) target(%arg7 : memref<18x128xi32, #tpu.memory_space<vmem>>) target_semaphore(%run_scoped3A : memref<!tpu.dma_semaphore, #tpu.memory_space<semaphore_mem>>)
      %dma_wait3A_46 = arith.constant 0 : i32
      %dma_wait3A_47 = arith.constant 0 : i32
      %dma_wait3A_48 = tpu.memref_slice %arg3[%add3A, %dma_wait3A_46, %dma_wait3A_47] : memref<32x18x128xi32, #tpu.memory_space<hbm>> -> memref<1x18x128xi32, #tpu.memory_space<hbm>>
      %dma_wait3A_49 = tpu.memref_squeeze %dma_wait3A_48 : memref<1x18x128xi32, #tpu.memory_space<hbm>> -> memref<18x128xi32, #tpu.memory_space<hbm>>
      %dma_wait3A_50 = arith.constant 0 : i32
      %dma_wait3A_51 = arith.constant 0 : i32
      %dma_wait3A_52 = tpu.memref_slice %arg3[%add3A, %dma_wait3A_50, %dma_wait3A_51] : memref<32x18x128xi32, #tpu.memory_space<hbm>> -> memref<1x18x128xi32, #tpu.memory_space<hbm>>
      %dma_wait3A_53 = tpu.memref_squeeze %dma_wait3A_52 : memref<1x18x128xi32, #tpu.memory_space<hbm>> -> memref<18x128xi32, #tpu.memory_space<hbm>>
      tpu.wait_dma2 semaphore(%run_scoped3A : memref<!tpu.dma_semaphore, #tpu.memory_space<semaphore_mem>>) src(%dma_wait3A_53 : memref<18x128xi32, #tpu.memory_space<hbm>>) dst(%arg7 : memref<18x128xi32, #tpu.memory_space<vmem>>)
      tpu.yield
    }) : () -> ()
    "tpu.region"() ({
      %run_scoped3A = tpu.sem_alloc : memref<!tpu.dma_semaphore, #tpu.memory_space<semaphore_mem>>
      %dma_start3A_38 = arith.constant 0 : i32
      %dma_start3A_39 = tpu.memref_slice %arg4[%add3A, %dma_start3A_38] : memref<32x96xi32, #tpu.memory_space<hbm>> -> memref<1x96xi32, #tpu.memory_space<hbm>>
      %dma_start3A_40 = tpu.memref_squeeze %dma_start3A_39 : memref<1x96xi32, #tpu.memory_space<hbm>> -> memref<96xi32, #tpu.memory_space<hbm>>
      %dma_start3A_41 = arith.constant 0 : i32
      %dma_start3A_42 = tpu.memref_slice %arg4[%add3A, %dma_start3A_41] : memref<32x96xi32, #tpu.memory_space<hbm>> -> memref<1x96xi32, #tpu.memory_space<hbm>>
      %dma_start3A_43 = tpu.memref_squeeze %dma_start3A_42 : memref<1x96xi32, #tpu.memory_space<hbm>> -> memref<96xi32, #tpu.memory_space<hbm>>
      tpu.enqueue_dma source(%dma_start3A_43 : memref<96xi32, #tpu.memory_space<hbm>>) target(%arg8 : memref<96xi32, #tpu.memory_space<vmem>>) target_semaphore(%run_scoped3A : memref<!tpu.dma_semaphore, #tpu.memory_space<semaphore_mem>>)
      %dma_wait3A_44 = arith.constant 0 : i32
      %dma_wait3A_45 = tpu.memref_slice %arg4[%add3A, %dma_wait3A_44] : memref<32x96xi32, #tpu.memory_space<hbm>> -> memref<1x96xi32, #tpu.memory_space<hbm>>
      %dma_wait3A_46 = tpu.memref_squeeze %dma_wait3A_45 : memref<1x96xi32, #tpu.memory_space<hbm>> -> memref<96xi32, #tpu.memory_space<hbm>>
      %dma_wait3A_47 = arith.constant 0 : i32
      %dma_wait3A_48 = tpu.memref_slice %arg4[%add3A, %dma_wait3A_47] : memref<32x96xi32, #tpu.memory_space<hbm>> -> memref<1x96xi32, #tpu.memory_space<hbm>>
      %dma_wait3A_49 = tpu.memref_squeeze %dma_wait3A_48 : memref<1x96xi32, #tpu.memory_space<hbm>> -> memref<96xi32, #tpu.memory_space<hbm>>
      tpu.wait_dma2 semaphore(%run_scoped3A : memref<!tpu.dma_semaphore, #tpu.memory_space<semaphore_mem>>) src(%dma_wait3A_49 : memref<96xi32, #tpu.memory_space<hbm>>) dst(%arg8 : memref<96xi32, #tpu.memory_space<vmem>>)
      tpu.yield
    }) : () -> ()
    %barrier3A = arith.constant 0 : index
    tpu.barrier barrier_id(%barrier3A)
    %add3A_5 = arith.constant 0 : i32
    %add3A_6 = arith.addi %mul3A_2, %add3A_5 : i32
    %dma_start3A = arith.constant 0 : i32
    %dma_start3A_7 = tpu.memref_slice %arg2[%add3A_6, %dma_start3A] : memref<76800x32xf32, #tpu.memory_space<hbm>> -> memref<128x32xf32, #tpu.memory_space<hbm>>
    %dma_start3A_8 = arith.constant 0 : i32
    %dma_start3A_9 = tpu.memref_slice %arg2[%add3A_6, %dma_start3A_8] : memref<76800x32xf32, #tpu.memory_space<hbm>> -> memref<128x32xf32, #tpu.memory_space<hbm>>
    tpu.enqueue_dma source(%dma_start3A_9 : memref<128x32xf32, #tpu.memory_space<hbm>>) target(%arg9 : memref<128x32xf32, #tpu.memory_space<vmem>>) target_semaphore(%arg13 : memref<!tpu.dma_semaphore, #tpu.memory_space<semaphore_mem>>)
    %add3A_10 = arith.constant 128 : i32
    %add3A_11 = arith.addi %mul3A_2, %add3A_10 : i32
    %dma_start3A_12 = arith.constant 0 : i32
    %dma_start3A_13 = tpu.memref_slice %arg2[%add3A_11, %dma_start3A_12] : memref<76800x32xf32, #tpu.memory_space<hbm>> -> memref<128x32xf32, #tpu.memory_space<hbm>>
    %dma_start3A_14 = arith.constant 0 : i32
    %dma_start3A_15 = tpu.memref_slice %arg2[%add3A_11, %dma_start3A_14] : memref<76800x32xf32, #tpu.memory_space<hbm>> -> memref<128x32xf32, #tpu.memory_space<hbm>>
    tpu.enqueue_dma source(%dma_start3A_15 : memref<128x32xf32, #tpu.memory_space<hbm>>) target(%arg10 : memref<128x32xf32, #tpu.memory_space<vmem>>) target_semaphore(%arg14 : memref<!tpu.dma_semaphore, #tpu.memory_space<semaphore_mem>>)
    %scan3A = arith.constant 0 : i32
    %scan3A_16 = arith.constant 0 : i32
    %scan3A_17 = arith.constant 9 : i32
    %scan3A_18 = arith.addi %scan3A_16, %scan3A_17 : i32
    %scan3A_19 = arith.constant 1 : i32
    scf.for %scan3A_38 = %scan3A_16 to %scan3A_18 step %scan3A_19  : i32 {
      %mul3A_39 = arith.constant 2 : i32
      %mul3A_40 = arith.muli %mul3A_39, %scan3A_38 : i32
      %dma_wait3A_41 = arith.constant 0 : i32
      %dma_wait3A_42 = tpu.memref_slice %arg2[%mul3A_2, %dma_wait3A_41] : memref<76800x32xf32, #tpu.memory_space<hbm>> -> memref<128x32xf32, #tpu.memory_space<hbm>>
      %dma_wait3A_43 = arith.constant 0 : i32
      %dma_wait3A_44 = tpu.memref_slice %arg2[%mul3A_2, %dma_wait3A_43] : memref<76800x32xf32, #tpu.memory_space<hbm>> -> memref<128x32xf32, #tpu.memory_space<hbm>>
      tpu.wait_dma2 semaphore(%arg13 : memref<!tpu.dma_semaphore, #tpu.memory_space<semaphore_mem>>) src(%dma_wait3A_44 : memref<128x32xf32, #tpu.memory_space<hbm>>) dst(%arg9 : memref<128x32xf32, #tpu.memory_space<vmem>>)
      "tpu.region"() ({
        %run_scoped3A = tpu.sem_alloc : memref<!tpu.dma_semaphore, #tpu.memory_space<semaphore_mem>>
        %dma_start3A_62 = arith.constant 0 : i32
        %dma_start3A_63 = tpu.memref_slice %arg7[%mul3A_40, %dma_start3A_62] : memref<18x128xi32, #tpu.memory_space<vmem>> -> memref<1x128xi32, #tpu.memory_space<vmem>>
        %dma_start3A_64 = tpu.memref_squeeze %dma_start3A_63 : memref<1x128xi32, #tpu.memory_space<vmem>> -> memref<128xi32, #tpu.memory_space<vmem>>
        %dma_start3A_65 = arith.constant 0 : i32
        %dma_start3A_66 = arith.constant 0 : i32
        %dma_start3A_67 = tpu.memref_slice %arg12[%dma_start3A_65, %dma_start3A_66] : memref<10240x32xf32, #tpu.memory_space<vmem_shared>> -> memref<10240x32xf32, #tpu.memory_space<vmem_shared>>
        tpu.enqueue_indirect_dma source(%arg9 : memref<128x32xf32, #tpu.memory_space<vmem>>) target(%dma_start3A_67 : memref<10240x32xf32, #tpu.memory_space<vmem_shared>>) offsets(%dma_start3A_64 : memref<128xi32, #tpu.memory_space<vmem>>) semaphore(%run_scoped3A : memref<!tpu.dma_semaphore, #tpu.memory_space<semaphore_mem>>) {add = true}
        %dma_wait3A_68 = arith.constant 0 : i32
        %dma_wait3A_69 = tpu.memref_slice %arg7[%mul3A_40, %dma_wait3A_68] : memref<18x128xi32, #tpu.memory_space<vmem>> -> memref<1x128xi32, #tpu.memory_space<vmem>>
        %dma_wait3A_70 = tpu.memref_squeeze %dma_wait3A_69 : memref<1x128xi32, #tpu.memory_space<vmem>> -> memref<128xi32, #tpu.memory_space<vmem>>
        %dma_wait3A_71 = arith.constant 0 : i32
        %dma_wait3A_72 = arith.constant 0 : i32
        %dma_wait3A_73 = tpu.memref_slice %arg12[%dma_wait3A_71, %dma_wait3A_72] : memref<10240x32xf32, #tpu.memory_space<vmem_shared>> -> memref<10240x32xf32, #tpu.memory_space<vmem_shared>>
        tpu.wait_indirect_dma semaphore(%run_scoped3A : memref<!tpu.dma_semaphore, #tpu.memory_space<semaphore_mem>>) src(%arg9 : memref<128x32xf32, #tpu.memory_space<vmem>>) dst(%dma_wait3A_73 : memref<10240x32xf32, #tpu.memory_space<vmem_shared>>)
        tpu.yield
      }) : () -> ()
      %add3A_45 = arith.constant 2 : i32
      %add3A_46 = arith.addi %mul3A_40, %add3A_45 : i32
      %lt3A = arith.constant 18 : i32
      %lt3A_47 = arith.cmpi slt, %add3A_46, %lt3A : i32
      %convert_element_type3A = arith.extui %lt3A_47 : i1 to i32
      %cond3A = arith.constant 0 : i32
      %cond3A_48 = arith.cmpi ne, %convert_element_type3A, %cond3A : i32
      scf.if %cond3A_48 {
        %add3A_62 = arith.constant 2 : i32
        %add3A_63 = arith.addi %mul3A_40, %add3A_62 : i32
        %mul3A_64 = arith.constant 128 : i32
        %mul3A_65 = arith.muli %add3A_63, %mul3A_64 : i32
        %add3A_66 = arith.addi %mul3A_2, %mul3A_65 : i32
        %dma_start3A_67 = arith.constant 0 : i32
        %dma_start3A_68 = tpu.memref_slice %arg2[%add3A_66, %dma_start3A_67] : memref<76800x32xf32, #tpu.memory_space<hbm>> -> memref<128x32xf32, #tpu.memory_space<hbm>>
        %dma_start3A_69 = arith.constant 0 : i32
        %dma_start3A_70 = tpu.memref_slice %arg2[%add3A_66, %dma_start3A_69] : memref<76800x32xf32, #tpu.memory_space<hbm>> -> memref<128x32xf32, #tpu.memory_space<hbm>>
        tpu.enqueue_dma source(%dma_start3A_70 : memref<128x32xf32, #tpu.memory_space<hbm>>) target(%arg9 : memref<128x32xf32, #tpu.memory_space<vmem>>) target_semaphore(%arg13 : memref<!tpu.dma_semaphore, #tpu.memory_space<semaphore_mem>>)
      } else {
      }
      %dma_wait3A_49 = arith.constant 0 : i32
      %dma_wait3A_50 = tpu.memref_slice %arg2[%mul3A_2, %dma_wait3A_49] : memref<76800x32xf32, #tpu.memory_space<hbm>> -> memref<128x32xf32, #tpu.memory_space<hbm>>
      %dma_wait3A_51 = arith.constant 0 : i32
      %dma_wait3A_52 = tpu.memref_slice %arg2[%mul3A_2, %dma_wait3A_51] : memref<76800x32xf32, #tpu.memory_space<hbm>> -> memref<128x32xf32, #tpu.memory_space<hbm>>
      tpu.wait_dma2 semaphore(%arg14 : memref<!tpu.dma_semaphore, #tpu.memory_space<semaphore_mem>>) src(%dma_wait3A_52 : memref<128x32xf32, #tpu.memory_space<hbm>>) dst(%arg10 : memref<128x32xf32, #tpu.memory_space<vmem>>)
      %add3A_53 = arith.constant 1 : i32
      %add3A_54 = arith.addi %mul3A_40, %add3A_53 : i32
      "tpu.region"() ({
        %run_scoped3A = tpu.sem_alloc : memref<!tpu.dma_semaphore, #tpu.memory_space<semaphore_mem>>
        %dma_start3A_62 = arith.constant 0 : i32
        %dma_start3A_63 = tpu.memref_slice %arg7[%add3A_54, %dma_start3A_62] : memref<18x128xi32, #tpu.memory_space<vmem>> -> memref<1x128xi32, #tpu.memory_space<vmem>>
        %dma_start3A_64 = tpu.memref_squeeze %dma_start3A_63 : memref<1x128xi32, #tpu.memory_space<vmem>> -> memref<128xi32, #tpu.memory_space<vmem>>
        %dma_start3A_65 = arith.constant 0 : i32
        %dma_start3A_66 = arith.constant 0 : i32
        %dma_start3A_67 = tpu.memref_slice %arg12[%dma_start3A_65, %dma_start3A_66] : memref<10240x32xf32, #tpu.memory_space<vmem_shared>> -> memref<10240x32xf32, #tpu.memory_space<vmem_shared>>
        tpu.enqueue_indirect_dma source(%arg10 : memref<128x32xf32, #tpu.memory_space<vmem>>) target(%dma_start3A_67 : memref<10240x32xf32, #tpu.memory_space<vmem_shared>>) offsets(%dma_start3A_64 : memref<128xi32, #tpu.memory_space<vmem>>) semaphore(%run_scoped3A : memref<!tpu.dma_semaphore, #tpu.memory_space<semaphore_mem>>) {add = true}
        %dma_wait3A_68 = arith.constant 0 : i32
        %dma_wait3A_69 = tpu.memref_slice %arg7[%add3A_54, %dma_wait3A_68] : memref<18x128xi32, #tpu.memory_space<vmem>> -> memref<1x128xi32, #tpu.memory_space<vmem>>
        %dma_wait3A_70 = tpu.memref_squeeze %dma_wait3A_69 : memref<1x128xi32, #tpu.memory_space<vmem>> -> memref<128xi32, #tpu.memory_space<vmem>>
        %dma_wait3A_71 = arith.constant 0 : i32
        %dma_wait3A_72 = arith.constant 0 : i32
        %dma_wait3A_73 = tpu.memref_slice %arg12[%dma_wait3A_71, %dma_wait3A_72] : memref<10240x32xf32, #tpu.memory_space<vmem_shared>> -> memref<10240x32xf32, #tpu.memory_space<vmem_shared>>
        tpu.wait_indirect_dma semaphore(%run_scoped3A : memref<!tpu.dma_semaphore, #tpu.memory_space<semaphore_mem>>) src(%arg10 : memref<128x32xf32, #tpu.memory_space<vmem>>) dst(%dma_wait3A_73 : memref<10240x32xf32, #tpu.memory_space<vmem_shared>>)
        tpu.yield
      }) : () -> ()
      %add3A_55 = arith.constant 3 : i32
      %add3A_56 = arith.addi %mul3A_40, %add3A_55 : i32
      %lt3A_57 = arith.constant 18 : i32
      %lt3A_58 = arith.cmpi slt, %add3A_56, %lt3A_57 : i32
      %convert_element_type3A_59 = arith.extui %lt3A_58 : i1 to i32
      %cond3A_60 = arith.constant 0 : i32
      %cond3A_61 = arith.cmpi ne, %convert_element_type3A_59, %cond3A_60 : i32
      scf.if %cond3A_61 {
        %add3A_62 = arith.constant 3 : i32
        %add3A_63 = arith.addi %mul3A_40, %add3A_62 : i32
        %mul3A_64 = arith.constant 128 : i32
        %mul3A_65 = arith.muli %add3A_63, %mul3A_64 : i32
        %add3A_66 = arith.addi %mul3A_2, %mul3A_65 : i32
        %dma_start3A_67 = arith.constant 0 : i32
        %dma_start3A_68 = tpu.memref_slice %arg2[%add3A_66, %dma_start3A_67] : memref<76800x32xf32, #tpu.memory_space<hbm>> -> memref<128x32xf32, #tpu.memory_space<hbm>>
        %dma_start3A_69 = arith.constant 0 : i32
        %dma_start3A_70 = tpu.memref_slice %arg2[%add3A_66, %dma_start3A_69] : memref<76800x32xf32, #tpu.memory_space<hbm>> -> memref<128x32xf32, #tpu.memory_space<hbm>>
        tpu.enqueue_dma source(%dma_start3A_70 : memref<128x32xf32, #tpu.memory_space<hbm>>) target(%arg10 : memref<128x32xf32, #tpu.memory_space<vmem>>) target_semaphore(%arg14 : memref<!tpu.dma_semaphore, #tpu.memory_space<semaphore_mem>>)
      } else {
      }
    }
    %scan3A_20 = arith.constant 9 : i32
    %add3A_21 = arith.constant 2304 : i32
    %add3A_22 = arith.addi %mul3A_2, %add3A_21 : i32
    %dma_start3A_23 = arith.constant 0 : i32
    %dma_start3A_24 = tpu.memref_slice %arg2[%add3A_22, %dma_start3A_23] : memref<76800x32xf32, #tpu.memory_space<hbm>> -> memref<96x32xf32, #tpu.memory_space<hbm>>
    %dma_start3A_25 = arith.constant 0 : i32
    %dma_start3A_26 = tpu.memref_slice %arg2[%add3A_22, %dma_start3A_25] : memref<76800x32xf32, #tpu.memory_space<hbm>> -> memref<96x32xf32, #tpu.memory_space<hbm>>
    tpu.enqueue_dma source(%dma_start3A_26 : memref<96x32xf32, #tpu.memory_space<hbm>>) target(%arg11 : memref<96x32xf32, #tpu.memory_space<vmem>>) target_semaphore(%arg15 : memref<!tpu.dma_semaphore, #tpu.memory_space<semaphore_mem>>)
    %dma_wait3A = arith.constant 0 : i32
    %dma_wait3A_27 = tpu.memref_slice %arg2[%add3A_22, %dma_wait3A] : memref<76800x32xf32, #tpu.memory_space<hbm>> -> memref<96x32xf32, #tpu.memory_space<hbm>>
    %dma_wait3A_28 = arith.constant 0 : i32
    %dma_wait3A_29 = tpu.memref_slice %arg2[%add3A_22, %dma_wait3A_28] : memref<76800x32xf32, #tpu.memory_space<hbm>> -> memref<96x32xf32, #tpu.memory_space<hbm>>
    tpu.wait_dma2 semaphore(%arg15 : memref<!tpu.dma_semaphore, #tpu.memory_space<semaphore_mem>>) src(%dma_wait3A_29 : memref<96x32xf32, #tpu.memory_space<hbm>>) dst(%arg11 : memref<96x32xf32, #tpu.memory_space<vmem>>)
    "tpu.region"() ({
      %run_scoped3A = tpu.sem_alloc : memref<!tpu.dma_semaphore, #tpu.memory_space<semaphore_mem>>
      %dma_start3A_38 = arith.constant 0 : i32
      %dma_start3A_39 = arith.constant 0 : i32
      %dma_start3A_40 = tpu.memref_slice %arg12[%dma_start3A_38, %dma_start3A_39] : memref<10240x32xf32, #tpu.memory_space<vmem_shared>> -> memref<10240x32xf32, #tpu.memory_space<vmem_shared>>
      tpu.enqueue_indirect_dma source(%arg11 : memref<96x32xf32, #tpu.memory_space<vmem>>) target(%dma_start3A_40 : memref<10240x32xf32, #tpu.memory_space<vmem_shared>>) offsets(%arg8 : memref<96xi32, #tpu.memory_space<vmem>>) semaphore(%run_scoped3A : memref<!tpu.dma_semaphore, #tpu.memory_space<semaphore_mem>>) {add = true}
      %dma_wait3A_41 = arith.constant 0 : i32
      %dma_wait3A_42 = arith.constant 0 : i32
      %dma_wait3A_43 = tpu.memref_slice %arg12[%dma_wait3A_41, %dma_wait3A_42] : memref<10240x32xf32, #tpu.memory_space<vmem_shared>> -> memref<10240x32xf32, #tpu.memory_space<vmem_shared>>
      tpu.wait_indirect_dma semaphore(%run_scoped3A : memref<!tpu.dma_semaphore, #tpu.memory_space<semaphore_mem>>) src(%arg11 : memref<96x32xf32, #tpu.memory_space<vmem>>) dst(%dma_wait3A_43 : memref<10240x32xf32, #tpu.memory_space<vmem_shared>>)
      tpu.yield
    }) : () -> ()
    %barrier3A_30 = arith.constant 0 : index
    tpu.barrier barrier_id(%barrier3A_30)
    %mul3A_31 = arith.constant 640 : i32
    %mul3A_32 = arith.muli %arg1, %mul3A_31 : i32
    %mul3A_33 = arith.constant 10240 : i32
    %mul3A_34 = arith.muli %arg0, %mul3A_33 : i32
    %mul3A_35 = arith.constant 640 : i32
    %mul3A_36 = arith.muli %arg1, %mul3A_35 : i32
    %add3A_37 = arith.addi %mul3A_34, %mul3A_36 : i32
    "tpu.region"() ({
      %run_scoped3A = tpu.sem_alloc : memref<!tpu.dma_semaphore, #tpu.memory_space<semaphore_mem>>
      %dma_start3A_38 = arith.constant 0 : i32
      %dma_start3A_39 = tpu.memref_slice %arg6[%add3A_37, %dma_start3A_38] : memref<20480x32xf32, #tpu.memory_space<hbm>> -> memref<640x32xf32, #tpu.memory_space<hbm>>
      %dma_start3A_40 = arith.constant 0 : i32
      %dma_start3A_41 = tpu.memref_slice %arg12[%mul3A_32, %dma_start3A_40] : memref<10240x32xf32, #tpu.memory_space<vmem_shared>> -> memref<640x32xf32, #tpu.memory_space<vmem_shared>>
      tpu.enqueue_dma source(%dma_start3A_41 : memref<640x32xf32, #tpu.memory_space<vmem_shared>>) target(%dma_start3A_39 : memref<640x32xf32, #tpu.memory_space<hbm>>) target_semaphore(%run_scoped3A : memref<!tpu.dma_semaphore, #tpu.memory_space<semaphore_mem>>)
      %dma_wait3A_42 = arith.constant 0 : i32
      %dma_wait3A_43 = tpu.memref_slice %arg6[%add3A_37, %dma_wait3A_42] : memref<20480x32xf32, #tpu.memory_space<hbm>> -> memref<640x32xf32, #tpu.memory_space<hbm>>
      %dma_wait3A_44 = arith.constant 0 : i32
      %dma_wait3A_45 = tpu.memref_slice %arg12[%mul3A_32, %dma_wait3A_44] : memref<10240x32xf32, #tpu.memory_space<vmem_shared>> -> memref<640x32xf32, #tpu.memory_space<vmem_shared>>
      tpu.wait_dma2 semaphore(%run_scoped3A : memref<!tpu.dma_semaphore, #tpu.memory_space<semaphore_mem>>) src(%dma_wait3A_45 : memref<640x32xf32, #tpu.memory_space<vmem_shared>>) dst(%dma_wait3A_43 : memref<640x32xf32, #tpu.memory_space<hbm>>)
      tpu.yield
    }) : () -> ()
    return
  }
}

#map = affine_map<(d0, d1) -> (0, 0)>
#map1 = affine_map<(d0, d1) -> (0, 0, 0)>
module attributes {stable_mosaic.version = 14 : i64} {
  func.func @body_fn(%arg0: i32, %arg1: i32, %arg2: memref<10000x32xf32, #tpu.memory_space<hbm>>, %arg3: memref<32x20x128xi32, #tpu.memory_space<hbm>>, %arg4: memref<32x40xi32, #tpu.memory_space<hbm>>, %arg5: memref<83200x32xf32, #tpu.memory_space<hbm>>, %arg6: memref<20x128xi32, #tpu.memory_space<vmem>>, %arg7: memref<40xi32, #tpu.memory_space<vmem>>, %arg8: memref<128x32xf32, #tpu.memory_space<vmem>>, %arg9: memref<128x32xf32, #tpu.memory_space<vmem>>, %arg10: memref<40x32xf32, #tpu.memory_space<vmem>>, %arg11: memref<!tpu.dma_semaphore, #tpu.memory_space<semaphore_mem>>, %arg12: memref<!tpu.dma_semaphore, #tpu.memory_space<semaphore_mem>>, %arg13: memref<!tpu.dma_semaphore, #tpu.memory_space<semaphore_mem>>, %arg14: memref<!tpu.dma_semaphore, #tpu.memory_space<semaphore_mem>>, %arg15: memref<!tpu.dma_semaphore, #tpu.memory_space<semaphore_mem>>) attributes {dimension_semantics = [#tpu.dimension_semantics<core_parallel>, #tpu.dimension_semantics<subcore_parallel>], iteration_bounds = array<i64: 2, 16>, scalar_prefetch = 0 : i64, scratch_operands = 10 : i64, tpu.core_type = #tpu.core_type<sc_vector_subcore>, window_params = [{transform_indices = #map}, {transform_indices = #map1}, {transform_indices = #map}, {transform_indices = #map}]} {
    %mul3A = arith.constant 2 : i32
    %mul3A_0 = arith.muli %arg1, %mul3A : i32
    %add3A = arith.addi %mul3A_0, %arg0 : i32
    %mul3A_1 = arith.constant 2600 : i32
    %mul3A_2 = arith.muli %add3A, %mul3A_1 : i32
    "tpu.region"() ({
      %run_scoped3A = tpu.sem_alloc : memref<!tpu.dma_semaphore, #tpu.memory_space<semaphore_mem>>
      %dma_start3A_36 = arith.constant 0 : i32
      %dma_start3A_37 = arith.constant 0 : i32
      %dma_start3A_38 = tpu.memref_slice %arg3[%add3A, %dma_start3A_36, %dma_start3A_37] : memref<32x20x128xi32, #tpu.memory_space<hbm>> -> memref<1x20x128xi32, #tpu.memory_space<hbm>>
      %dma_start3A_39 = tpu.memref_squeeze %dma_start3A_38 : memref<1x20x128xi32, #tpu.memory_space<hbm>> -> memref<20x128xi32, #tpu.memory_space<hbm>>
      %dma_start3A_40 = arith.constant 0 : i32
      %dma_start3A_41 = arith.constant 0 : i32
      %dma_start3A_42 = tpu.memref_slice %arg3[%add3A, %dma_start3A_40, %dma_start3A_41] : memref<32x20x128xi32, #tpu.memory_space<hbm>> -> memref<1x20x128xi32, #tpu.memory_space<hbm>>
      %dma_start3A_43 = tpu.memref_squeeze %dma_start3A_42 : memref<1x20x128xi32, #tpu.memory_space<hbm>> -> memref<20x128xi32, #tpu.memory_space<hbm>>
      tpu.enqueue_dma source(%dma_start3A_43 : memref<20x128xi32, #tpu.memory_space<hbm>>) target(%arg6 : memref<20x128xi32, #tpu.memory_space<vmem>>) target_semaphore(%run_scoped3A : memref<!tpu.dma_semaphore, #tpu.memory_space<semaphore_mem>>)
      %dma_wait3A_44 = arith.constant 0 : i32
      %dma_wait3A_45 = arith.constant 0 : i32
      %dma_wait3A_46 = tpu.memref_slice %arg3[%add3A, %dma_wait3A_44, %dma_wait3A_45] : memref<32x20x128xi32, #tpu.memory_space<hbm>> -> memref<1x20x128xi32, #tpu.memory_space<hbm>>
      %dma_wait3A_47 = tpu.memref_squeeze %dma_wait3A_46 : memref<1x20x128xi32, #tpu.memory_space<hbm>> -> memref<20x128xi32, #tpu.memory_space<hbm>>
      %dma_wait3A_48 = arith.constant 0 : i32
      %dma_wait3A_49 = arith.constant 0 : i32
      %dma_wait3A_50 = tpu.memref_slice %arg3[%add3A, %dma_wait3A_48, %dma_wait3A_49] : memref<32x20x128xi32, #tpu.memory_space<hbm>> -> memref<1x20x128xi32, #tpu.memory_space<hbm>>
      %dma_wait3A_51 = tpu.memref_squeeze %dma_wait3A_50 : memref<1x20x128xi32, #tpu.memory_space<hbm>> -> memref<20x128xi32, #tpu.memory_space<hbm>>
      tpu.wait_dma2 semaphore(%run_scoped3A : memref<!tpu.dma_semaphore, #tpu.memory_space<semaphore_mem>>) src(%dma_wait3A_51 : memref<20x128xi32, #tpu.memory_space<hbm>>) dst(%arg6 : memref<20x128xi32, #tpu.memory_space<vmem>>)
      tpu.yield
    }) : () -> ()
    "tpu.region"() ({
      %run_scoped3A = tpu.sem_alloc : memref<!tpu.dma_semaphore, #tpu.memory_space<semaphore_mem>>
      %dma_start3A_36 = arith.constant 0 : i32
      %dma_start3A_37 = tpu.memref_slice %arg4[%add3A, %dma_start3A_36] : memref<32x40xi32, #tpu.memory_space<hbm>> -> memref<1x40xi32, #tpu.memory_space<hbm>>
      %dma_start3A_38 = tpu.memref_squeeze %dma_start3A_37 : memref<1x40xi32, #tpu.memory_space<hbm>> -> memref<40xi32, #tpu.memory_space<hbm>>
      %dma_start3A_39 = arith.constant 0 : i32
      %dma_start3A_40 = tpu.memref_slice %arg4[%add3A, %dma_start3A_39] : memref<32x40xi32, #tpu.memory_space<hbm>> -> memref<1x40xi32, #tpu.memory_space<hbm>>
      %dma_start3A_41 = tpu.memref_squeeze %dma_start3A_40 : memref<1x40xi32, #tpu.memory_space<hbm>> -> memref<40xi32, #tpu.memory_space<hbm>>
      tpu.enqueue_dma source(%dma_start3A_41 : memref<40xi32, #tpu.memory_space<hbm>>) target(%arg7 : memref<40xi32, #tpu.memory_space<vmem>>) target_semaphore(%run_scoped3A : memref<!tpu.dma_semaphore, #tpu.memory_space<semaphore_mem>>)
      %dma_wait3A_42 = arith.constant 0 : i32
      %dma_wait3A_43 = tpu.memref_slice %arg4[%add3A, %dma_wait3A_42] : memref<32x40xi32, #tpu.memory_space<hbm>> -> memref<1x40xi32, #tpu.memory_space<hbm>>
      %dma_wait3A_44 = tpu.memref_squeeze %dma_wait3A_43 : memref<1x40xi32, #tpu.memory_space<hbm>> -> memref<40xi32, #tpu.memory_space<hbm>>
      %dma_wait3A_45 = arith.constant 0 : i32
      %dma_wait3A_46 = tpu.memref_slice %arg4[%add3A, %dma_wait3A_45] : memref<32x40xi32, #tpu.memory_space<hbm>> -> memref<1x40xi32, #tpu.memory_space<hbm>>
      %dma_wait3A_47 = tpu.memref_squeeze %dma_wait3A_46 : memref<1x40xi32, #tpu.memory_space<hbm>> -> memref<40xi32, #tpu.memory_space<hbm>>
      tpu.wait_dma2 semaphore(%run_scoped3A : memref<!tpu.dma_semaphore, #tpu.memory_space<semaphore_mem>>) src(%dma_wait3A_47 : memref<40xi32, #tpu.memory_space<hbm>>) dst(%arg7 : memref<40xi32, #tpu.memory_space<vmem>>)
      tpu.yield
    }) : () -> ()
    %dma_start3A = arith.constant 0 : i32
    %dma_start3A_3 = arith.constant 0 : i32
    %dma_start3A_4 = tpu.memref_slice %arg6[%dma_start3A, %dma_start3A_3] : memref<20x128xi32, #tpu.memory_space<vmem>> -> memref<1x128xi32, #tpu.memory_space<vmem>>
    %dma_start3A_5 = tpu.memref_squeeze %dma_start3A_4 : memref<1x128xi32, #tpu.memory_space<vmem>> -> memref<128xi32, #tpu.memory_space<vmem>>
    %dma_start3A_6 = arith.constant 0 : i32
    %dma_start3A_7 = arith.constant 0 : i32
    %dma_start3A_8 = tpu.memref_slice %arg2[%dma_start3A_6, %dma_start3A_7] : memref<10000x32xf32, #tpu.memory_space<hbm>> -> memref<10000x32xf32, #tpu.memory_space<hbm>>
    tpu.enqueue_indirect_dma source(%dma_start3A_8 : memref<10000x32xf32, #tpu.memory_space<hbm>>) target(%arg8 : memref<128x32xf32, #tpu.memory_space<vmem>>) offsets(%dma_start3A_5 : memref<128xi32, #tpu.memory_space<vmem>>) semaphore(%arg11 : memref<!tpu.dma_semaphore, #tpu.memory_space<semaphore_mem>>)
    %dma_start3A_9 = arith.constant 1 : i32
    %dma_start3A_10 = arith.constant 0 : i32
    %dma_start3A_11 = tpu.memref_slice %arg6[%dma_start3A_9, %dma_start3A_10] : memref<20x128xi32, #tpu.memory_space<vmem>> -> memref<1x128xi32, #tpu.memory_space<vmem>>
    %dma_start3A_12 = tpu.memref_squeeze %dma_start3A_11 : memref<1x128xi32, #tpu.memory_space<vmem>> -> memref<128xi32, #tpu.memory_space<vmem>>
    %dma_start3A_13 = arith.constant 0 : i32
    %dma_start3A_14 = arith.constant 0 : i32
    %dma_start3A_15 = tpu.memref_slice %arg2[%dma_start3A_13, %dma_start3A_14] : memref<10000x32xf32, #tpu.memory_space<hbm>> -> memref<10000x32xf32, #tpu.memory_space<hbm>>
    tpu.enqueue_indirect_dma source(%dma_start3A_15 : memref<10000x32xf32, #tpu.memory_space<hbm>>) target(%arg9 : memref<128x32xf32, #tpu.memory_space<vmem>>) offsets(%dma_start3A_12 : memref<128xi32, #tpu.memory_space<vmem>>) semaphore(%arg12 : memref<!tpu.dma_semaphore, #tpu.memory_space<semaphore_mem>>)
    %scan3A = arith.constant 0 : i32
    %scan3A_16 = arith.constant 0 : i32
    %scan3A_17 = arith.constant 10 : i32
    %scan3A_18 = arith.addi %scan3A_16, %scan3A_17 : i32
    %scan3A_19 = arith.constant 1 : i32
    scf.for %scan3A_36 = %scan3A_16 to %scan3A_18 step %scan3A_19  : i32 {
      %mul3A_37 = arith.constant 2 : i32
      %mul3A_38 = arith.muli %mul3A_37, %scan3A_36 : i32
      %dma_wait3A_39 = arith.constant 0 : i32
      %dma_wait3A_40 = arith.constant 0 : i32
      %dma_wait3A_41 = tpu.memref_slice %arg6[%dma_wait3A_39, %dma_wait3A_40] : memref<20x128xi32, #tpu.memory_space<vmem>> -> memref<1x128xi32, #tpu.memory_space<vmem>>
      %dma_wait3A_42 = tpu.memref_squeeze %dma_wait3A_41 : memref<1x128xi32, #tpu.memory_space<vmem>> -> memref<128xi32, #tpu.memory_space<vmem>>
      %dma_wait3A_43 = arith.constant 0 : i32
      %dma_wait3A_44 = arith.constant 0 : i32
      %dma_wait3A_45 = tpu.memref_slice %arg2[%dma_wait3A_43, %dma_wait3A_44] : memref<10000x32xf32, #tpu.memory_space<hbm>> -> memref<10000x32xf32, #tpu.memory_space<hbm>>
      tpu.wait_indirect_dma semaphore(%arg11 : memref<!tpu.dma_semaphore, #tpu.memory_space<semaphore_mem>>) src(%dma_wait3A_45 : memref<10000x32xf32, #tpu.memory_space<hbm>>) dst(%arg8 : memref<128x32xf32, #tpu.memory_space<vmem>>)
      %mul3A_46 = arith.constant 128 : i32
      %mul3A_47 = arith.muli %mul3A_38, %mul3A_46 : i32
      %add3A_48 = arith.addi %mul3A_2, %mul3A_47 : i32
      %dma_start3A_49 = arith.constant 0 : i32
      %dma_start3A_50 = tpu.memref_slice %arg5[%add3A_48, %dma_start3A_49] : memref<83200x32xf32, #tpu.memory_space<hbm>> -> memref<128x32xf32, #tpu.memory_space<hbm>>
      %dma_start3A_51 = arith.constant 0 : i32
      %dma_start3A_52 = tpu.memref_slice %arg5[%add3A_48, %dma_start3A_51] : memref<83200x32xf32, #tpu.memory_space<hbm>> -> memref<128x32xf32, #tpu.memory_space<hbm>>
      tpu.enqueue_dma source(%arg8 : memref<128x32xf32, #tpu.memory_space<vmem>>) target(%dma_start3A_52 : memref<128x32xf32, #tpu.memory_space<hbm>>) target_semaphore(%arg13 : memref<!tpu.dma_semaphore, #tpu.memory_space<semaphore_mem>>)
      %dma_wait3A_53 = arith.constant 0 : i32
      %dma_wait3A_54 = arith.constant 0 : i32
      %dma_wait3A_55 = tpu.memref_slice %arg6[%dma_wait3A_53, %dma_wait3A_54] : memref<20x128xi32, #tpu.memory_space<vmem>> -> memref<1x128xi32, #tpu.memory_space<vmem>>
      %dma_wait3A_56 = tpu.memref_squeeze %dma_wait3A_55 : memref<1x128xi32, #tpu.memory_space<vmem>> -> memref<128xi32, #tpu.memory_space<vmem>>
      %dma_wait3A_57 = arith.constant 0 : i32
      %dma_wait3A_58 = arith.constant 0 : i32
      %dma_wait3A_59 = tpu.memref_slice %arg2[%dma_wait3A_57, %dma_wait3A_58] : memref<10000x32xf32, #tpu.memory_space<hbm>> -> memref<10000x32xf32, #tpu.memory_space<hbm>>
      tpu.wait_indirect_dma semaphore(%arg12 : memref<!tpu.dma_semaphore, #tpu.memory_space<semaphore_mem>>) src(%dma_wait3A_59 : memref<10000x32xf32, #tpu.memory_space<hbm>>) dst(%arg9 : memref<128x32xf32, #tpu.memory_space<vmem>>)
      %add3A_60 = arith.constant 1 : i32
      %add3A_61 = arith.addi %mul3A_38, %add3A_60 : i32
      %mul3A_62 = arith.constant 128 : i32
      %mul3A_63 = arith.muli %add3A_61, %mul3A_62 : i32
      %add3A_64 = arith.addi %mul3A_2, %mul3A_63 : i32
      %dma_start3A_65 = arith.constant 0 : i32
      %dma_start3A_66 = tpu.memref_slice %arg5[%add3A_64, %dma_start3A_65] : memref<83200x32xf32, #tpu.memory_space<hbm>> -> memref<128x32xf32, #tpu.memory_space<hbm>>
      %dma_start3A_67 = arith.constant 0 : i32
      %dma_start3A_68 = tpu.memref_slice %arg5[%add3A_64, %dma_start3A_67] : memref<83200x32xf32, #tpu.memory_space<hbm>> -> memref<128x32xf32, #tpu.memory_space<hbm>>
      tpu.enqueue_dma source(%arg9 : memref<128x32xf32, #tpu.memory_space<vmem>>) target(%dma_start3A_68 : memref<128x32xf32, #tpu.memory_space<hbm>>) target_semaphore(%arg14 : memref<!tpu.dma_semaphore, #tpu.memory_space<semaphore_mem>>)
      %add3A_69 = arith.constant 2 : i32
      %add3A_70 = arith.addi %mul3A_38, %add3A_69 : i32
      %lt3A = arith.constant 20 : i32
      %lt3A_71 = arith.cmpi slt, %add3A_70, %lt3A : i32
      %convert_element_type3A = arith.extui %lt3A_71 : i1 to i32
      %cond3A = arith.constant 0 : i32
      %cond3A_72 = arith.cmpi ne, %convert_element_type3A, %cond3A : i32
      scf.if %cond3A_72 {
        %dma_wait3A_80 = arith.constant 0 : i32
        %dma_wait3A_81 = tpu.memref_slice %arg5[%mul3A_2, %dma_wait3A_80] : memref<83200x32xf32, #tpu.memory_space<hbm>> -> memref<128x32xf32, #tpu.memory_space<hbm>>
        %dma_wait3A_82 = arith.constant 0 : i32
        %dma_wait3A_83 = tpu.memref_slice %arg5[%mul3A_2, %dma_wait3A_82] : memref<83200x32xf32, #tpu.memory_space<hbm>> -> memref<128x32xf32, #tpu.memory_space<hbm>>
        tpu.wait_dma2 semaphore(%arg13 : memref<!tpu.dma_semaphore, #tpu.memory_space<semaphore_mem>>) src(%dma_wait3A_83 : memref<128x32xf32, #tpu.memory_space<hbm>>) dst(%arg8 : memref<128x32xf32, #tpu.memory_space<vmem>>)
        %add3A_84 = arith.constant 2 : i32
        %add3A_85 = arith.addi %mul3A_38, %add3A_84 : i32
        %dma_start3A_86 = arith.constant 0 : i32
        %dma_start3A_87 = tpu.memref_slice %arg6[%add3A_85, %dma_start3A_86] : memref<20x128xi32, #tpu.memory_space<vmem>> -> memref<1x128xi32, #tpu.memory_space<vmem>>
        %dma_start3A_88 = tpu.memref_squeeze %dma_start3A_87 : memref<1x128xi32, #tpu.memory_space<vmem>> -> memref<128xi32, #tpu.memory_space<vmem>>
        %dma_start3A_89 = arith.constant 0 : i32
        %dma_start3A_90 = arith.constant 0 : i32
        %dma_start3A_91 = tpu.memref_slice %arg2[%dma_start3A_89, %dma_start3A_90] : memref<10000x32xf32, #tpu.memory_space<hbm>> -> memref<10000x32xf32, #tpu.memory_space<hbm>>
        tpu.enqueue_indirect_dma source(%dma_start3A_91 : memref<10000x32xf32, #tpu.memory_space<hbm>>) target(%arg8 : memref<128x32xf32, #tpu.memory_space<vmem>>) offsets(%dma_start3A_88 : memref<128xi32, #tpu.memory_space<vmem>>) semaphore(%arg11 : memref<!tpu.dma_semaphore, #tpu.memory_space<semaphore_mem>>)
      } else {
      }
      %add3A_73 = arith.constant 3 : i32
      %add3A_74 = arith.addi %mul3A_38, %add3A_73 : i32
      %lt3A_75 = arith.constant 20 : i32
      %lt3A_76 = arith.cmpi slt, %add3A_74, %lt3A_75 : i32
      %convert_element_type3A_77 = arith.extui %lt3A_76 : i1 to i32
      %cond3A_78 = arith.constant 0 : i32
      %cond3A_79 = arith.cmpi ne, %convert_element_type3A_77, %cond3A_78 : i32
      scf.if %cond3A_79 {
        %dma_wait3A_80 = arith.constant 0 : i32
        %dma_wait3A_81 = tpu.memref_slice %arg5[%mul3A_2, %dma_wait3A_80] : memref<83200x32xf32, #tpu.memory_space<hbm>> -> memref<128x32xf32, #tpu.memory_space<hbm>>
        %dma_wait3A_82 = arith.constant 0 : i32
        %dma_wait3A_83 = tpu.memref_slice %arg5[%mul3A_2, %dma_wait3A_82] : memref<83200x32xf32, #tpu.memory_space<hbm>> -> memref<128x32xf32, #tpu.memory_space<hbm>>
        tpu.wait_dma2 semaphore(%arg14 : memref<!tpu.dma_semaphore, #tpu.memory_space<semaphore_mem>>) src(%dma_wait3A_83 : memref<128x32xf32, #tpu.memory_space<hbm>>) dst(%arg9 : memref<128x32xf32, #tpu.memory_space<vmem>>)
        %add3A_84 = arith.constant 3 : i32
        %add3A_85 = arith.addi %mul3A_38, %add3A_84 : i32
        %dma_start3A_86 = arith.constant 0 : i32
        %dma_start3A_87 = tpu.memref_slice %arg6[%add3A_85, %dma_start3A_86] : memref<20x128xi32, #tpu.memory_space<vmem>> -> memref<1x128xi32, #tpu.memory_space<vmem>>
        %dma_start3A_88 = tpu.memref_squeeze %dma_start3A_87 : memref<1x128xi32, #tpu.memory_space<vmem>> -> memref<128xi32, #tpu.memory_space<vmem>>
        %dma_start3A_89 = arith.constant 0 : i32
        %dma_start3A_90 = arith.constant 0 : i32
        %dma_start3A_91 = tpu.memref_slice %arg2[%dma_start3A_89, %dma_start3A_90] : memref<10000x32xf32, #tpu.memory_space<hbm>> -> memref<10000x32xf32, #tpu.memory_space<hbm>>
        tpu.enqueue_indirect_dma source(%dma_start3A_91 : memref<10000x32xf32, #tpu.memory_space<hbm>>) target(%arg9 : memref<128x32xf32, #tpu.memory_space<vmem>>) offsets(%dma_start3A_88 : memref<128xi32, #tpu.memory_space<vmem>>) semaphore(%arg12 : memref<!tpu.dma_semaphore, #tpu.memory_space<semaphore_mem>>)
      } else {
      }
    }
    %scan3A_20 = arith.constant 10 : i32
    %dma_start3A_21 = arith.constant 0 : i32
    %dma_start3A_22 = arith.constant 0 : i32
    %dma_start3A_23 = tpu.memref_slice %arg2[%dma_start3A_21, %dma_start3A_22] : memref<10000x32xf32, #tpu.memory_space<hbm>> -> memref<10000x32xf32, #tpu.memory_space<hbm>>
    tpu.enqueue_indirect_dma source(%dma_start3A_23 : memref<10000x32xf32, #tpu.memory_space<hbm>>) target(%arg10 : memref<40x32xf32, #tpu.memory_space<vmem>>) offsets(%arg7 : memref<40xi32, #tpu.memory_space<vmem>>) semaphore(%arg15 : memref<!tpu.dma_semaphore, #tpu.memory_space<semaphore_mem>>)
    %dma_wait3A = arith.constant 0 : i32
    %dma_wait3A_24 = arith.constant 0 : i32
    %dma_wait3A_25 = tpu.memref_slice %arg2[%dma_wait3A, %dma_wait3A_24] : memref<10000x32xf32, #tpu.memory_space<hbm>> -> memref<10000x32xf32, #tpu.memory_space<hbm>>
    tpu.wait_indirect_dma semaphore(%arg15 : memref<!tpu.dma_semaphore, #tpu.memory_space<semaphore_mem>>) src(%dma_wait3A_25 : memref<10000x32xf32, #tpu.memory_space<hbm>>) dst(%arg10 : memref<40x32xf32, #tpu.memory_space<vmem>>)
    %add3A_26 = arith.constant 2560 : i32
    %add3A_27 = arith.addi %mul3A_2, %add3A_26 : i32
    "tpu.region"() ({
      %run_scoped3A = tpu.sem_alloc : memref<!tpu.dma_semaphore, #tpu.memory_space<semaphore_mem>>
      %dma_start3A_36 = arith.constant 0 : i32
      %dma_start3A_37 = tpu.memref_slice %arg5[%add3A_27, %dma_start3A_36] : memref<83200x32xf32, #tpu.memory_space<hbm>> -> memref<40x32xf32, #tpu.memory_space<hbm>>
      %dma_start3A_38 = arith.constant 0 : i32
      %dma_start3A_39 = tpu.memref_slice %arg5[%add3A_27, %dma_start3A_38] : memref<83200x32xf32, #tpu.memory_space<hbm>> -> memref<40x32xf32, #tpu.memory_space<hbm>>
      tpu.enqueue_dma source(%arg10 : memref<40x32xf32, #tpu.memory_space<vmem>>) target(%dma_start3A_39 : memref<40x32xf32, #tpu.memory_space<hbm>>) target_semaphore(%run_scoped3A : memref<!tpu.dma_semaphore, #tpu.memory_space<semaphore_mem>>)
      %dma_wait3A_40 = arith.constant 0 : i32
      %dma_wait3A_41 = tpu.memref_slice %arg5[%add3A_27, %dma_wait3A_40] : memref<83200x32xf32, #tpu.memory_space<hbm>> -> memref<40x32xf32, #tpu.memory_space<hbm>>
      %dma_wait3A_42 = arith.constant 0 : i32
      %dma_wait3A_43 = tpu.memref_slice %arg5[%add3A_27, %dma_wait3A_42] : memref<83200x32xf32, #tpu.memory_space<hbm>> -> memref<40x32xf32, #tpu.memory_space<hbm>>
      tpu.wait_dma2 semaphore(%run_scoped3A : memref<!tpu.dma_semaphore, #tpu.memory_space<semaphore_mem>>) src(%arg10 : memref<40x32xf32, #tpu.memory_space<vmem>>) dst(%dma_wait3A_43 : memref<40x32xf32, #tpu.memory_space<hbm>>)
      tpu.yield
    }) : () -> ()
    %dma_wait3A_28 = arith.constant 0 : i32
    %dma_wait3A_29 = tpu.memref_slice %arg5[%mul3A_2, %dma_wait3A_28] : memref<83200x32xf32, #tpu.memory_space<hbm>> -> memref<128x32xf32, #tpu.memory_space<hbm>>
    %dma_wait3A_30 = arith.constant 0 : i32
    %dma_wait3A_31 = tpu.memref_slice %arg5[%mul3A_2, %dma_wait3A_30] : memref<83200x32xf32, #tpu.memory_space<hbm>> -> memref<128x32xf32, #tpu.memory_space<hbm>>
    tpu.wait_dma2 semaphore(%arg13 : memref<!tpu.dma_semaphore, #tpu.memory_space<semaphore_mem>>) src(%dma_wait3A_31 : memref<128x32xf32, #tpu.memory_space<hbm>>) dst(%arg8 : memref<128x32xf32, #tpu.memory_space<vmem>>)
    %dma_wait3A_32 = arith.constant 0 : i32
    %dma_wait3A_33 = tpu.memref_slice %arg5[%mul3A_2, %dma_wait3A_32] : memref<83200x32xf32, #tpu.memory_space<hbm>> -> memref<128x32xf32, #tpu.memory_space<hbm>>
    %dma_wait3A_34 = arith.constant 0 : i32
    %dma_wait3A_35 = tpu.memref_slice %arg5[%mul3A_2, %dma_wait3A_34] : memref<83200x32xf32, #tpu.memory_space<hbm>> -> memref<128x32xf32, #tpu.memory_space<hbm>>
    tpu.wait_dma2 semaphore(%arg14 : memref<!tpu.dma_semaphore, #tpu.memory_space<semaphore_mem>>) src(%dma_wait3A_35 : memref<128x32xf32, #tpu.memory_space<hbm>>) dst(%arg9 : memref<128x32xf32, #tpu.memory_space<vmem>>)
    return
  }
}

#map = affine_map<(d0, d1) -> (0, 0)>
#map1 = affine_map<(d0, d1) -> (0, 0, 0)>
module attributes {stable_mosaic.version = 14 : i64} {
  func.func @body_fn(%arg0: i32, %arg1: i32, %arg2: memref<10000x32xf32, #tpu.memory_space<hbm>>, %arg3: memref<32x18x128xi32, #tpu.memory_space<hbm>>, %arg4: memref<32x96xi32, #tpu.memory_space<hbm>>, %arg5: memref<76800x32xf32, #tpu.memory_space<hbm>>, %arg6: memref<18x128xi32, #tpu.memory_space<vmem>>, %arg7: memref<96xi32, #tpu.memory_space<vmem>>, %arg8: memref<128x32xf32, #tpu.memory_space<vmem>>, %arg9: memref<128x32xf32, #tpu.memory_space<vmem>>, %arg10: memref<96x32xf32, #tpu.memory_space<vmem>>, %arg11: memref<!tpu.dma_semaphore, #tpu.memory_space<semaphore_mem>>, %arg12: memref<!tpu.dma_semaphore, #tpu.memory_space<semaphore_mem>>, %arg13: memref<!tpu.dma_semaphore, #tpu.memory_space<semaphore_mem>>, %arg14: memref<!tpu.dma_semaphore, #tpu.memory_space<semaphore_mem>>, %arg15: memref<!tpu.dma_semaphore, #tpu.memory_space<semaphore_mem>>) attributes {dimension_semantics = [#tpu.dimension_semantics<core_parallel>, #tpu.dimension_semantics<subcore_parallel>], iteration_bounds = array<i64: 2, 16>, scalar_prefetch = 0 : i64, scratch_operands = 10 : i64, tpu.core_type = #tpu.core_type<sc_vector_subcore>, window_params = [{transform_indices = #map}, {transform_indices = #map1}, {transform_indices = #map}, {transform_indices = #map}]} {
    %mul3A = arith.constant 2 : i32
    %mul3A_0 = arith.muli %arg1, %mul3A : i32
    %add3A = arith.addi %mul3A_0, %arg0 : i32
    %mul3A_1 = arith.constant 2400 : i32
    %mul3A_2 = arith.muli %add3A, %mul3A_1 : i32
    "tpu.region"() ({
      %run_scoped3A = tpu.sem_alloc : memref<!tpu.dma_semaphore, #tpu.memory_space<semaphore_mem>>
      %dma_start3A_36 = arith.constant 0 : i32
      %dma_start3A_37 = arith.constant 0 : i32
      %dma_start3A_38 = tpu.memref_slice %arg3[%add3A, %dma_start3A_36, %dma_start3A_37] : memref<32x18x128xi32, #tpu.memory_space<hbm>> -> memref<1x18x128xi32, #tpu.memory_space<hbm>>
      %dma_start3A_39 = tpu.memref_squeeze %dma_start3A_38 : memref<1x18x128xi32, #tpu.memory_space<hbm>> -> memref<18x128xi32, #tpu.memory_space<hbm>>
      %dma_start3A_40 = arith.constant 0 : i32
      %dma_start3A_41 = arith.constant 0 : i32
      %dma_start3A_42 = tpu.memref_slice %arg3[%add3A, %dma_start3A_40, %dma_start3A_41] : memref<32x18x128xi32, #tpu.memory_space<hbm>> -> memref<1x18x128xi32, #tpu.memory_space<hbm>>
      %dma_start3A_43 = tpu.memref_squeeze %dma_start3A_42 : memref<1x18x128xi32, #tpu.memory_space<hbm>> -> memref<18x128xi32, #tpu.memory_space<hbm>>
      tpu.enqueue_dma source(%dma_start3A_43 : memref<18x128xi32, #tpu.memory_space<hbm>>) target(%arg6 : memref<18x128xi32, #tpu.memory_space<vmem>>) target_semaphore(%run_scoped3A : memref<!tpu.dma_semaphore, #tpu.memory_space<semaphore_mem>>)
      %dma_wait3A_44 = arith.constant 0 : i32
      %dma_wait3A_45 = arith.constant 0 : i32
      %dma_wait3A_46 = tpu.memref_slice %arg3[%add3A, %dma_wait3A_44, %dma_wait3A_45] : memref<32x18x128xi32, #tpu.memory_space<hbm>> -> memref<1x18x128xi32, #tpu.memory_space<hbm>>
      %dma_wait3A_47 = tpu.memref_squeeze %dma_wait3A_46 : memref<1x18x128xi32, #tpu.memory_space<hbm>> -> memref<18x128xi32, #tpu.memory_space<hbm>>
      %dma_wait3A_48 = arith.constant 0 : i32
      %dma_wait3A_49 = arith.constant 0 : i32
      %dma_wait3A_50 = tpu.memref_slice %arg3[%add3A, %dma_wait3A_48, %dma_wait3A_49] : memref<32x18x128xi32, #tpu.memory_space<hbm>> -> memref<1x18x128xi32, #tpu.memory_space<hbm>>
      %dma_wait3A_51 = tpu.memref_squeeze %dma_wait3A_50 : memref<1x18x128xi32, #tpu.memory_space<hbm>> -> memref<18x128xi32, #tpu.memory_space<hbm>>
      tpu.wait_dma2 semaphore(%run_scoped3A : memref<!tpu.dma_semaphore, #tpu.memory_space<semaphore_mem>>) src(%dma_wait3A_51 : memref<18x128xi32, #tpu.memory_space<hbm>>) dst(%arg6 : memref<18x128xi32, #tpu.memory_space<vmem>>)
      tpu.yield
    }) : () -> ()
    "tpu.region"() ({
      %run_scoped3A = tpu.sem_alloc : memref<!tpu.dma_semaphore, #tpu.memory_space<semaphore_mem>>
      %dma_start3A_36 = arith.constant 0 : i32
      %dma_start3A_37 = tpu.memref_slice %arg4[%add3A, %dma_start3A_36] : memref<32x96xi32, #tpu.memory_space<hbm>> -> memref<1x96xi32, #tpu.memory_space<hbm>>
      %dma_start3A_38 = tpu.memref_squeeze %dma_start3A_37 : memref<1x96xi32, #tpu.memory_space<hbm>> -> memref<96xi32, #tpu.memory_space<hbm>>
      %dma_start3A_39 = arith.constant 0 : i32
      %dma_start3A_40 = tpu.memref_slice %arg4[%add3A, %dma_start3A_39] : memref<32x96xi32, #tpu.memory_space<hbm>> -> memref<1x96xi32, #tpu.memory_space<hbm>>
      %dma_start3A_41 = tpu.memref_squeeze %dma_start3A_40 : memref<1x96xi32, #tpu.memory_space<hbm>> -> memref<96xi32, #tpu.memory_space<hbm>>
      tpu.enqueue_dma source(%dma_start3A_41 : memref<96xi32, #tpu.memory_space<hbm>>) target(%arg7 : memref<96xi32, #tpu.memory_space<vmem>>) target_semaphore(%run_scoped3A : memref<!tpu.dma_semaphore, #tpu.memory_space<semaphore_mem>>)
      %dma_wait3A_42 = arith.constant 0 : i32
      %dma_wait3A_43 = tpu.memref_slice %arg4[%add3A, %dma_wait3A_42] : memref<32x96xi32, #tpu.memory_space<hbm>> -> memref<1x96xi32, #tpu.memory_space<hbm>>
      %dma_wait3A_44 = tpu.memref_squeeze %dma_wait3A_43 : memref<1x96xi32, #tpu.memory_space<hbm>> -> memref<96xi32, #tpu.memory_space<hbm>>
      %dma_wait3A_45 = arith.constant 0 : i32
      %dma_wait3A_46 = tpu.memref_slice %arg4[%add3A, %dma_wait3A_45] : memref<32x96xi32, #tpu.memory_space<hbm>> -> memref<1x96xi32, #tpu.memory_space<hbm>>
      %dma_wait3A_47 = tpu.memref_squeeze %dma_wait3A_46 : memref<1x96xi32, #tpu.memory_space<hbm>> -> memref<96xi32, #tpu.memory_space<hbm>>
      tpu.wait_dma2 semaphore(%run_scoped3A : memref<!tpu.dma_semaphore, #tpu.memory_space<semaphore_mem>>) src(%dma_wait3A_47 : memref<96xi32, #tpu.memory_space<hbm>>) dst(%arg7 : memref<96xi32, #tpu.memory_space<vmem>>)
      tpu.yield
    }) : () -> ()
    %dma_start3A = arith.constant 0 : i32
    %dma_start3A_3 = arith.constant 0 : i32
    %dma_start3A_4 = tpu.memref_slice %arg6[%dma_start3A, %dma_start3A_3] : memref<18x128xi32, #tpu.memory_space<vmem>> -> memref<1x128xi32, #tpu.memory_space<vmem>>
    %dma_start3A_5 = tpu.memref_squeeze %dma_start3A_4 : memref<1x128xi32, #tpu.memory_space<vmem>> -> memref<128xi32, #tpu.memory_space<vmem>>
    %dma_start3A_6 = arith.constant 0 : i32
    %dma_start3A_7 = arith.constant 0 : i32
    %dma_start3A_8 = tpu.memref_slice %arg2[%dma_start3A_6, %dma_start3A_7] : memref<10000x32xf32, #tpu.memory_space<hbm>> -> memref<10000x32xf32, #tpu.memory_space<hbm>>
    tpu.enqueue_indirect_dma source(%dma_start3A_8 : memref<10000x32xf32, #tpu.memory_space<hbm>>) target(%arg8 : memref<128x32xf32, #tpu.memory_space<vmem>>) offsets(%dma_start3A_5 : memref<128xi32, #tpu.memory_space<vmem>>) semaphore(%arg11 : memref<!tpu.dma_semaphore, #tpu.memory_space<semaphore_mem>>)
    %dma_start3A_9 = arith.constant 1 : i32
    %dma_start3A_10 = arith.constant 0 : i32
    %dma_start3A_11 = tpu.memref_slice %arg6[%dma_start3A_9, %dma_start3A_10] : memref<18x128xi32, #tpu.memory_space<vmem>> -> memref<1x128xi32, #tpu.memory_space<vmem>>
    %dma_start3A_12 = tpu.memref_squeeze %dma_start3A_11 : memref<1x128xi32, #tpu.memory_space<vmem>> -> memref<128xi32, #tpu.memory_space<vmem>>
    %dma_start3A_13 = arith.constant 0 : i32
    %dma_start3A_14 = arith.constant 0 : i32
    %dma_start3A_15 = tpu.memref_slice %arg2[%dma_start3A_13, %dma_start3A_14] : memref<10000x32xf32, #tpu.memory_space<hbm>> -> memref<10000x32xf32, #tpu.memory_space<hbm>>
    tpu.enqueue_indirect_dma source(%dma_start3A_15 : memref<10000x32xf32, #tpu.memory_space<hbm>>) target(%arg9 : memref<128x32xf32, #tpu.memory_space<vmem>>) offsets(%dma_start3A_12 : memref<128xi32, #tpu.memory_space<vmem>>) semaphore(%arg12 : memref<!tpu.dma_semaphore, #tpu.memory_space<semaphore_mem>>)
    %scan3A = arith.constant 0 : i32
    %scan3A_16 = arith.constant 0 : i32
    %scan3A_17 = arith.constant 9 : i32
    %scan3A_18 = arith.addi %scan3A_16, %scan3A_17 : i32
    %scan3A_19 = arith.constant 1 : i32
    scf.for %scan3A_36 = %scan3A_16 to %scan3A_18 step %scan3A_19  : i32 {
      %mul3A_37 = arith.constant 2 : i32
      %mul3A_38 = arith.muli %mul3A_37, %scan3A_36 : i32
      %dma_wait3A_39 = arith.constant 0 : i32
      %dma_wait3A_40 = arith.constant 0 : i32
      %dma_wait3A_41 = tpu.memref_slice %arg6[%dma_wait3A_39, %dma_wait3A_40] : memref<18x128xi32, #tpu.memory_space<vmem>> -> memref<1x128xi32, #tpu.memory_space<vmem>>
      %dma_wait3A_42 = tpu.memref_squeeze %dma_wait3A_41 : memref<1x128xi32, #tpu.memory_space<vmem>> -> memref<128xi32, #tpu.memory_space<vmem>>
      %dma_wait3A_43 = arith.constant 0 : i32
      %dma_wait3A_44 = arith.constant 0 : i32
      %dma_wait3A_45 = tpu.memref_slice %arg2[%dma_wait3A_43, %dma_wait3A_44] : memref<10000x32xf32, #tpu.memory_space<hbm>> -> memref<10000x32xf32, #tpu.memory_space<hbm>>
      tpu.wait_indirect_dma semaphore(%arg11 : memref<!tpu.dma_semaphore, #tpu.memory_space<semaphore_mem>>) src(%dma_wait3A_45 : memref<10000x32xf32, #tpu.memory_space<hbm>>) dst(%arg8 : memref<128x32xf32, #tpu.memory_space<vmem>>)
      %mul3A_46 = arith.constant 128 : i32
      %mul3A_47 = arith.muli %mul3A_38, %mul3A_46 : i32
      %add3A_48 = arith.addi %mul3A_2, %mul3A_47 : i32
      %dma_start3A_49 = arith.constant 0 : i32
      %dma_start3A_50 = tpu.memref_slice %arg5[%add3A_48, %dma_start3A_49] : memref<76800x32xf32, #tpu.memory_space<hbm>> -> memref<128x32xf32, #tpu.memory_space<hbm>>
      %dma_start3A_51 = arith.constant 0 : i32
      %dma_start3A_52 = tpu.memref_slice %arg5[%add3A_48, %dma_start3A_51] : memref<76800x32xf32, #tpu.memory_space<hbm>> -> memref<128x32xf32, #tpu.memory_space<hbm>>
      tpu.enqueue_dma source(%arg8 : memref<128x32xf32, #tpu.memory_space<vmem>>) target(%dma_start3A_52 : memref<128x32xf32, #tpu.memory_space<hbm>>) target_semaphore(%arg13 : memref<!tpu.dma_semaphore, #tpu.memory_space<semaphore_mem>>)
      %dma_wait3A_53 = arith.constant 0 : i32
      %dma_wait3A_54 = arith.constant 0 : i32
      %dma_wait3A_55 = tpu.memref_slice %arg6[%dma_wait3A_53, %dma_wait3A_54] : memref<18x128xi32, #tpu.memory_space<vmem>> -> memref<1x128xi32, #tpu.memory_space<vmem>>
      %dma_wait3A_56 = tpu.memref_squeeze %dma_wait3A_55 : memref<1x128xi32, #tpu.memory_space<vmem>> -> memref<128xi32, #tpu.memory_space<vmem>>
      %dma_wait3A_57 = arith.constant 0 : i32
      %dma_wait3A_58 = arith.constant 0 : i32
      %dma_wait3A_59 = tpu.memref_slice %arg2[%dma_wait3A_57, %dma_wait3A_58] : memref<10000x32xf32, #tpu.memory_space<hbm>> -> memref<10000x32xf32, #tpu.memory_space<hbm>>
      tpu.wait_indirect_dma semaphore(%arg12 : memref<!tpu.dma_semaphore, #tpu.memory_space<semaphore_mem>>) src(%dma_wait3A_59 : memref<10000x32xf32, #tpu.memory_space<hbm>>) dst(%arg9 : memref<128x32xf32, #tpu.memory_space<vmem>>)
      %add3A_60 = arith.constant 1 : i32
      %add3A_61 = arith.addi %mul3A_38, %add3A_60 : i32
      %mul3A_62 = arith.constant 128 : i32
      %mul3A_63 = arith.muli %add3A_61, %mul3A_62 : i32
      %add3A_64 = arith.addi %mul3A_2, %mul3A_63 : i32
      %dma_start3A_65 = arith.constant 0 : i32
      %dma_start3A_66 = tpu.memref_slice %arg5[%add3A_64, %dma_start3A_65] : memref<76800x32xf32, #tpu.memory_space<hbm>> -> memref<128x32xf32, #tpu.memory_space<hbm>>
      %dma_start3A_67 = arith.constant 0 : i32
      %dma_start3A_68 = tpu.memref_slice %arg5[%add3A_64, %dma_start3A_67] : memref<76800x32xf32, #tpu.memory_space<hbm>> -> memref<128x32xf32, #tpu.memory_space<hbm>>
      tpu.enqueue_dma source(%arg9 : memref<128x32xf32, #tpu.memory_space<vmem>>) target(%dma_start3A_68 : memref<128x32xf32, #tpu.memory_space<hbm>>) target_semaphore(%arg14 : memref<!tpu.dma_semaphore, #tpu.memory_space<semaphore_mem>>)
      %add3A_69 = arith.constant 2 : i32
      %add3A_70 = arith.addi %mul3A_38, %add3A_69 : i32
      %lt3A = arith.constant 18 : i32
      %lt3A_71 = arith.cmpi slt, %add3A_70, %lt3A : i32
      %convert_element_type3A = arith.extui %lt3A_71 : i1 to i32
      %cond3A = arith.constant 0 : i32
      %cond3A_72 = arith.cmpi ne, %convert_element_type3A, %cond3A : i32
      scf.if %cond3A_72 {
        %dma_wait3A_80 = arith.constant 0 : i32
        %dma_wait3A_81 = tpu.memref_slice %arg5[%mul3A_2, %dma_wait3A_80] : memref<76800x32xf32, #tpu.memory_space<hbm>> -> memref<128x32xf32, #tpu.memory_space<hbm>>
        %dma_wait3A_82 = arith.constant 0 : i32
        %dma_wait3A_83 = tpu.memref_slice %arg5[%mul3A_2, %dma_wait3A_82] : memref<76800x32xf32, #tpu.memory_space<hbm>> -> memref<128x32xf32, #tpu.memory_space<hbm>>
        tpu.wait_dma2 semaphore(%arg13 : memref<!tpu.dma_semaphore, #tpu.memory_space<semaphore_mem>>) src(%dma_wait3A_83 : memref<128x32xf32, #tpu.memory_space<hbm>>) dst(%arg8 : memref<128x32xf32, #tpu.memory_space<vmem>>)
        %add3A_84 = arith.constant 2 : i32
        %add3A_85 = arith.addi %mul3A_38, %add3A_84 : i32
        %dma_start3A_86 = arith.constant 0 : i32
        %dma_start3A_87 = tpu.memref_slice %arg6[%add3A_85, %dma_start3A_86] : memref<18x128xi32, #tpu.memory_space<vmem>> -> memref<1x128xi32, #tpu.memory_space<vmem>>
        %dma_start3A_88 = tpu.memref_squeeze %dma_start3A_87 : memref<1x128xi32, #tpu.memory_space<vmem>> -> memref<128xi32, #tpu.memory_space<vmem>>
        %dma_start3A_89 = arith.constant 0 : i32
        %dma_start3A_90 = arith.constant 0 : i32
        %dma_start3A_91 = tpu.memref_slice %arg2[%dma_start3A_89, %dma_start3A_90] : memref<10000x32xf32, #tpu.memory_space<hbm>> -> memref<10000x32xf32, #tpu.memory_space<hbm>>
        tpu.enqueue_indirect_dma source(%dma_start3A_91 : memref<10000x32xf32, #tpu.memory_space<hbm>>) target(%arg8 : memref<128x32xf32, #tpu.memory_space<vmem>>) offsets(%dma_start3A_88 : memref<128xi32, #tpu.memory_space<vmem>>) semaphore(%arg11 : memref<!tpu.dma_semaphore, #tpu.memory_space<semaphore_mem>>)
      } else {
      }
      %add3A_73 = arith.constant 3 : i32
      %add3A_74 = arith.addi %mul3A_38, %add3A_73 : i32
      %lt3A_75 = arith.constant 18 : i32
      %lt3A_76 = arith.cmpi slt, %add3A_74, %lt3A_75 : i32
      %convert_element_type3A_77 = arith.extui %lt3A_76 : i1 to i32
      %cond3A_78 = arith.constant 0 : i32
      %cond3A_79 = arith.cmpi ne, %convert_element_type3A_77, %cond3A_78 : i32
      scf.if %cond3A_79 {
        %dma_wait3A_80 = arith.constant 0 : i32
        %dma_wait3A_81 = tpu.memref_slice %arg5[%mul3A_2, %dma_wait3A_80] : memref<76800x32xf32, #tpu.memory_space<hbm>> -> memref<128x32xf32, #tpu.memory_space<hbm>>
        %dma_wait3A_82 = arith.constant 0 : i32
        %dma_wait3A_83 = tpu.memref_slice %arg5[%mul3A_2, %dma_wait3A_82] : memref<76800x32xf32, #tpu.memory_space<hbm>> -> memref<128x32xf32, #tpu.memory_space<hbm>>
        tpu.wait_dma2 semaphore(%arg14 : memref<!tpu.dma_semaphore, #tpu.memory_space<semaphore_mem>>) src(%dma_wait3A_83 : memref<128x32xf32, #tpu.memory_space<hbm>>) dst(%arg9 : memref<128x32xf32, #tpu.memory_space<vmem>>)
        %add3A_84 = arith.constant 3 : i32
        %add3A_85 = arith.addi %mul3A_38, %add3A_84 : i32
        %dma_start3A_86 = arith.constant 0 : i32
        %dma_start3A_87 = tpu.memref_slice %arg6[%add3A_85, %dma_start3A_86] : memref<18x128xi32, #tpu.memory_space<vmem>> -> memref<1x128xi32, #tpu.memory_space<vmem>>
        %dma_start3A_88 = tpu.memref_squeeze %dma_start3A_87 : memref<1x128xi32, #tpu.memory_space<vmem>> -> memref<128xi32, #tpu.memory_space<vmem>>
        %dma_start3A_89 = arith.constant 0 : i32
        %dma_start3A_90 = arith.constant 0 : i32
        %dma_start3A_91 = tpu.memref_slice %arg2[%dma_start3A_89, %dma_start3A_90] : memref<10000x32xf32, #tpu.memory_space<hbm>> -> memref<10000x32xf32, #tpu.memory_space<hbm>>
        tpu.enqueue_indirect_dma source(%dma_start3A_91 : memref<10000x32xf32, #tpu.memory_space<hbm>>) target(%arg9 : memref<128x32xf32, #tpu.memory_space<vmem>>) offsets(%dma_start3A_88 : memref<128xi32, #tpu.memory_space<vmem>>) semaphore(%arg12 : memref<!tpu.dma_semaphore, #tpu.memory_space<semaphore_mem>>)
      } else {
      }
    }
    %scan3A_20 = arith.constant 9 : i32
    %dma_start3A_21 = arith.constant 0 : i32
    %dma_start3A_22 = arith.constant 0 : i32
    %dma_start3A_23 = tpu.memref_slice %arg2[%dma_start3A_21, %dma_start3A_22] : memref<10000x32xf32, #tpu.memory_space<hbm>> -> memref<10000x32xf32, #tpu.memory_space<hbm>>
    tpu.enqueue_indirect_dma source(%dma_start3A_23 : memref<10000x32xf32, #tpu.memory_space<hbm>>) target(%arg10 : memref<96x32xf32, #tpu.memory_space<vmem>>) offsets(%arg7 : memref<96xi32, #tpu.memory_space<vmem>>) semaphore(%arg15 : memref<!tpu.dma_semaphore, #tpu.memory_space<semaphore_mem>>)
    %dma_wait3A = arith.constant 0 : i32
    %dma_wait3A_24 = arith.constant 0 : i32
    %dma_wait3A_25 = tpu.memref_slice %arg2[%dma_wait3A, %dma_wait3A_24] : memref<10000x32xf32, #tpu.memory_space<hbm>> -> memref<10000x32xf32, #tpu.memory_space<hbm>>
    tpu.wait_indirect_dma semaphore(%arg15 : memref<!tpu.dma_semaphore, #tpu.memory_space<semaphore_mem>>) src(%dma_wait3A_25 : memref<10000x32xf32, #tpu.memory_space<hbm>>) dst(%arg10 : memref<96x32xf32, #tpu.memory_space<vmem>>)
    %add3A_26 = arith.constant 2304 : i32
    %add3A_27 = arith.addi %mul3A_2, %add3A_26 : i32
    "tpu.region"() ({
      %run_scoped3A = tpu.sem_alloc : memref<!tpu.dma_semaphore, #tpu.memory_space<semaphore_mem>>
      %dma_start3A_36 = arith.constant 0 : i32
      %dma_start3A_37 = tpu.memref_slice %arg5[%add3A_27, %dma_start3A_36] : memref<76800x32xf32, #tpu.memory_space<hbm>> -> memref<96x32xf32, #tpu.memory_space<hbm>>
      %dma_start3A_38 = arith.constant 0 : i32
      %dma_start3A_39 = tpu.memref_slice %arg5[%add3A_27, %dma_start3A_38] : memref<76800x32xf32, #tpu.memory_space<hbm>> -> memref<96x32xf32, #tpu.memory_space<hbm>>
      tpu.enqueue_dma source(%arg10 : memref<96x32xf32, #tpu.memory_space<vmem>>) target(%dma_start3A_39 : memref<96x32xf32, #tpu.memory_space<hbm>>) target_semaphore(%run_scoped3A : memref<!tpu.dma_semaphore, #tpu.memory_space<semaphore_mem>>)
      %dma_wait3A_40 = arith.constant 0 : i32
      %dma_wait3A_41 = tpu.memref_slice %arg5[%add3A_27, %dma_wait3A_40] : memref<76800x32xf32, #tpu.memory_space<hbm>> -> memref<96x32xf32, #tpu.memory_space<hbm>>
      %dma_wait3A_42 = arith.constant 0 : i32
      %dma_wait3A_43 = tpu.memref_slice %arg5[%add3A_27, %dma_wait3A_42] : memref<76800x32xf32, #tpu.memory_space<hbm>> -> memref<96x32xf32, #tpu.memory_space<hbm>>
      tpu.wait_dma2 semaphore(%run_scoped3A : memref<!tpu.dma_semaphore, #tpu.memory_space<semaphore_mem>>) src(%arg10 : memref<96x32xf32, #tpu.memory_space<vmem>>) dst(%dma_wait3A_43 : memref<96x32xf32, #tpu.memory_space<hbm>>)
      tpu.yield
    }) : () -> ()
    %dma_wait3A_28 = arith.constant 0 : i32
    %dma_wait3A_29 = tpu.memref_slice %arg5[%mul3A_2, %dma_wait3A_28] : memref<76800x32xf32, #tpu.memory_space<hbm>> -> memref<128x32xf32, #tpu.memory_space<hbm>>
    %dma_wait3A_30 = arith.constant 0 : i32
    %dma_wait3A_31 = tpu.memref_slice %arg5[%mul3A_2, %dma_wait3A_30] : memref<76800x32xf32, #tpu.memory_space<hbm>> -> memref<128x32xf32, #tpu.memory_space<hbm>>
    tpu.wait_dma2 semaphore(%arg13 : memref<!tpu.dma_semaphore, #tpu.memory_space<semaphore_mem>>) src(%dma_wait3A_31 : memref<128x32xf32, #tpu.memory_space<hbm>>) dst(%arg8 : memref<128x32xf32, #tpu.memory_space<vmem>>)
    %dma_wait3A_32 = arith.constant 0 : i32
    %dma_wait3A_33 = tpu.memref_slice %arg5[%mul3A_2, %dma_wait3A_32] : memref<76800x32xf32, #tpu.memory_space<hbm>> -> memref<128x32xf32, #tpu.memory_space<hbm>>
    %dma_wait3A_34 = arith.constant 0 : i32
    %dma_wait3A_35 = tpu.memref_slice %arg5[%mul3A_2, %dma_wait3A_34] : memref<76800x32xf32, #tpu.memory_space<hbm>> -> memref<128x32xf32, #tpu.memory_space<hbm>>
    tpu.wait_dma2 semaphore(%arg14 : memref<!tpu.dma_semaphore, #tpu.memory_space<semaphore_mem>>) src(%dma_wait3A_35 : memref<128x32xf32, #tpu.memory_space<hbm>>) dst(%arg9 : memref<128x32xf32, #tpu.memory_space<vmem>>)
    return
  }
}

#map = affine_map<(d0, d1) -> (0, 0)>
#map1 = affine_map<(d0, d1) -> (0, 0, 0)>
module attributes {stable_mosaic.version = 14 : i64} {
  func.func @body_fn(%arg0: i32, %arg1: i32, %arg2: memref<76800x32xf32, #tpu.memory_space<hbm>>, %arg3: memref<32x18x128xi32, #tpu.memory_space<hbm>>, %arg4: memref<32x96xi32, #tpu.memory_space<hbm>>, %arg5: memref<640x32xf32, #tpu.memory_space<hbm>>, %arg6: memref<20480x32xf32, #tpu.memory_space<hbm>>, %arg7: memref<18x128xi32, #tpu.memory_space<vmem>>, %arg8: memref<96xi32, #tpu.memory_space<vmem>>, %arg9: memref<128x32xf32, #tpu.memory_space<vmem>>, %arg10: memref<128x32xf32, #tpu.memory_space<vmem>>, %arg11: memref<96x32xf32, #tpu.memory_space<vmem>>, %arg12: memref<10240x32xf32, #tpu.memory_space<vmem_shared>>, %arg13: memref<!tpu.dma_semaphore, #tpu.memory_space<semaphore_mem>>, %arg14: memref<!tpu.dma_semaphore, #tpu.memory_space<semaphore_mem>>, %arg15: memref<!tpu.dma_semaphore, #tpu.memory_space<semaphore_mem>>) attributes {dimension_semantics = [#tpu.dimension_semantics<core_parallel>, #tpu.dimension_semantics<subcore_parallel>], iteration_bounds = array<i64: 2, 16>, scalar_prefetch = 0 : i64, scratch_operands = 9 : i64, tpu.core_type = #tpu.core_type<sc_vector_subcore>, window_params = [{transform_indices = #map}, {transform_indices = #map1}, {transform_indices = #map}, {transform_indices = #map}, {transform_indices = #map}]} {
    %mul3A = arith.constant 2 : i32
    %mul3A_0 = arith.muli %arg1, %mul3A : i32
    %add3A = arith.addi %mul3A_0, %arg0 : i32
    %mul3A_1 = arith.constant 2400 : i32
    %mul3A_2 = arith.muli %add3A, %mul3A_1 : i32
    %mul3A_3 = arith.constant 640 : i32
    %mul3A_4 = arith.muli %arg1, %mul3A_3 : i32
    "tpu.region"() ({
      %run_scoped3A = tpu.sem_alloc : memref<!tpu.dma_semaphore, #tpu.memory_space<semaphore_mem>>
      %dma_start3A_38 = arith.constant 0 : i32
      %dma_start3A_39 = tpu.memref_slice %arg12[%mul3A_4, %dma_start3A_38] : memref<10240x32xf32, #tpu.memory_space<vmem_shared>> -> memref<640x32xf32, #tpu.memory_space<vmem_shared>>
      tpu.enqueue_dma source(%arg5 : memref<640x32xf32, #tpu.memory_space<hbm>>) target(%dma_start3A_39 : memref<640x32xf32, #tpu.memory_space<vmem_shared>>) target_semaphore(%run_scoped3A : memref<!tpu.dma_semaphore, #tpu.memory_space<semaphore_mem>>)
      %dma_wait3A_40 = arith.constant 0 : i32
      %dma_wait3A_41 = tpu.memref_slice %arg12[%mul3A_4, %dma_wait3A_40] : memref<10240x32xf32, #tpu.memory_space<vmem_shared>> -> memref<640x32xf32, #tpu.memory_space<vmem_shared>>
      tpu.wait_dma2 semaphore(%run_scoped3A : memref<!tpu.dma_semaphore, #tpu.memory_space<semaphore_mem>>) src(%arg5 : memref<640x32xf32, #tpu.memory_space<hbm>>) dst(%dma_wait3A_41 : memref<640x32xf32, #tpu.memory_space<vmem_shared>>)
      tpu.yield
    }) : () -> ()
    "tpu.region"() ({
      %run_scoped3A = tpu.sem_alloc : memref<!tpu.dma_semaphore, #tpu.memory_space<semaphore_mem>>
      %dma_start3A_38 = arith.constant 0 : i32
      %dma_start3A_39 = arith.constant 0 : i32
      %dma_start3A_40 = tpu.memref_slice %arg3[%add3A, %dma_start3A_38, %dma_start3A_39] : memref<32x18x128xi32, #tpu.memory_space<hbm>> -> memref<1x18x128xi32, #tpu.memory_space<hbm>>
      %dma_start3A_41 = tpu.memref_squeeze %dma_start3A_40 : memref<1x18x128xi32, #tpu.memory_space<hbm>> -> memref<18x128xi32, #tpu.memory_space<hbm>>
      %dma_start3A_42 = arith.constant 0 : i32
      %dma_start3A_43 = arith.constant 0 : i32
      %dma_start3A_44 = tpu.memref_slice %arg3[%add3A, %dma_start3A_42, %dma_start3A_43] : memref<32x18x128xi32, #tpu.memory_space<hbm>> -> memref<1x18x128xi32, #tpu.memory_space<hbm>>
      %dma_start3A_45 = tpu.memref_squeeze %dma_start3A_44 : memref<1x18x128xi32, #tpu.memory_space<hbm>> -> memref<18x128xi32, #tpu.memory_space<hbm>>
      tpu.enqueue_dma source(%dma_start3A_45 : memref<18x128xi32, #tpu.memory_space<hbm>>) target(%arg7 : memref<18x128xi32, #tpu.memory_space<vmem>>) target_semaphore(%run_scoped3A : memref<!tpu.dma_semaphore, #tpu.memory_space<semaphore_mem>>)
      %dma_wait3A_46 = arith.constant 0 : i32
      %dma_wait3A_47 = arith.constant 0 : i32
      %dma_wait3A_48 = tpu.memref_slice %arg3[%add3A, %dma_wait3A_46, %dma_wait3A_47] : memref<32x18x128xi32, #tpu.memory_space<hbm>> -> memref<1x18x128xi32, #tpu.memory_space<hbm>>
      %dma_wait3A_49 = tpu.memref_squeeze %dma_wait3A_48 : memref<1x18x128xi32, #tpu.memory_space<hbm>> -> memref<18x128xi32, #tpu.memory_space<hbm>>
      %dma_wait3A_50 = arith.constant 0 : i32
      %dma_wait3A_51 = arith.constant 0 : i32
      %dma_wait3A_52 = tpu.memref_slice %arg3[%add3A, %dma_wait3A_50, %dma_wait3A_51] : memref<32x18x128xi32, #tpu.memory_space<hbm>> -> memref<1x18x128xi32, #tpu.memory_space<hbm>>
      %dma_wait3A_53 = tpu.memref_squeeze %dma_wait3A_52 : memref<1x18x128xi32, #tpu.memory_space<hbm>> -> memref<18x128xi32, #tpu.memory_space<hbm>>
      tpu.wait_dma2 semaphore(%run_scoped3A : memref<!tpu.dma_semaphore, #tpu.memory_space<semaphore_mem>>) src(%dma_wait3A_53 : memref<18x128xi32, #tpu.memory_space<hbm>>) dst(%arg7 : memref<18x128xi32, #tpu.memory_space<vmem>>)
      tpu.yield
    }) : () -> ()
    "tpu.region"() ({
      %run_scoped3A = tpu.sem_alloc : memref<!tpu.dma_semaphore, #tpu.memory_space<semaphore_mem>>
      %dma_start3A_38 = arith.constant 0 : i32
      %dma_start3A_39 = tpu.memref_slice %arg4[%add3A, %dma_start3A_38] : memref<32x96xi32, #tpu.memory_space<hbm>> -> memref<1x96xi32, #tpu.memory_space<hbm>>
      %dma_start3A_40 = tpu.memref_squeeze %dma_start3A_39 : memref<1x96xi32, #tpu.memory_space<hbm>> -> memref<96xi32, #tpu.memory_space<hbm>>
      %dma_start3A_41 = arith.constant 0 : i32
      %dma_start3A_42 = tpu.memref_slice %arg4[%add3A, %dma_start3A_41] : memref<32x96xi32, #tpu.memory_space<hbm>> -> memref<1x96xi32, #tpu.memory_space<hbm>>
      %dma_start3A_43 = tpu.memref_squeeze %dma_start3A_42 : memref<1x96xi32, #tpu.memory_space<hbm>> -> memref<96xi32, #tpu.memory_space<hbm>>
      tpu.enqueue_dma source(%dma_start3A_43 : memref<96xi32, #tpu.memory_space<hbm>>) target(%arg8 : memref<96xi32, #tpu.memory_space<vmem>>) target_semaphore(%run_scoped3A : memref<!tpu.dma_semaphore, #tpu.memory_space<semaphore_mem>>)
      %dma_wait3A_44 = arith.constant 0 : i32
      %dma_wait3A_45 = tpu.memref_slice %arg4[%add3A, %dma_wait3A_44] : memref<32x96xi32, #tpu.memory_space<hbm>> -> memref<1x96xi32, #tpu.memory_space<hbm>>
      %dma_wait3A_46 = tpu.memref_squeeze %dma_wait3A_45 : memref<1x96xi32, #tpu.memory_space<hbm>> -> memref<96xi32, #tpu.memory_space<hbm>>
      %dma_wait3A_47 = arith.constant 0 : i32
      %dma_wait3A_48 = tpu.memref_slice %arg4[%add3A, %dma_wait3A_47] : memref<32x96xi32, #tpu.memory_space<hbm>> -> memref<1x96xi32, #tpu.memory_space<hbm>>
      %dma_wait3A_49 = tpu.memref_squeeze %dma_wait3A_48 : memref<1x96xi32, #tpu.memory_space<hbm>> -> memref<96xi32, #tpu.memory_space<hbm>>
      tpu.wait_dma2 semaphore(%run_scoped3A : memref<!tpu.dma_semaphore, #tpu.memory_space<semaphore_mem>>) src(%dma_wait3A_49 : memref<96xi32, #tpu.memory_space<hbm>>) dst(%arg8 : memref<96xi32, #tpu.memory_space<vmem>>)
      tpu.yield
    }) : () -> ()
    %barrier3A = arith.constant 0 : index
    tpu.barrier barrier_id(%barrier3A)
    %add3A_5 = arith.constant 0 : i32
    %add3A_6 = arith.addi %mul3A_2, %add3A_5 : i32
    %dma_start3A = arith.constant 0 : i32
    %dma_start3A_7 = tpu.memref_slice %arg2[%add3A_6, %dma_start3A] : memref<76800x32xf32, #tpu.memory_space<hbm>> -> memref<128x32xf32, #tpu.memory_space<hbm>>
    %dma_start3A_8 = arith.constant 0 : i32
    %dma_start3A_9 = tpu.memref_slice %arg2[%add3A_6, %dma_start3A_8] : memref<76800x32xf32, #tpu.memory_space<hbm>> -> memref<128x32xf32, #tpu.memory_space<hbm>>
    tpu.enqueue_dma source(%dma_start3A_9 : memref<128x32xf32, #tpu.memory_space<hbm>>) target(%arg9 : memref<128x32xf32, #tpu.memory_space<vmem>>) target_semaphore(%arg13 : memref<!tpu.dma_semaphore, #tpu.memory_space<semaphore_mem>>)
    %add3A_10 = arith.constant 128 : i32
    %add3A_11 = arith.addi %mul3A_2, %add3A_10 : i32
    %dma_start3A_12 = arith.constant 0 : i32
    %dma_start3A_13 = tpu.memref_slice %arg2[%add3A_11, %dma_start3A_12] : memref<76800x32xf32, #tpu.memory_space<hbm>> -> memref<128x32xf32, #tpu.memory_space<hbm>>
    %dma_start3A_14 = arith.constant 0 : i32
    %dma_start3A_15 = tpu.memref_slice %arg2[%add3A_11, %dma_start3A_14] : memref<76800x32xf32, #tpu.memory_space<hbm>> -> memref<128x32xf32, #tpu.memory_space<hbm>>
    tpu.enqueue_dma source(%dma_start3A_15 : memref<128x32xf32, #tpu.memory_space<hbm>>) target(%arg10 : memref<128x32xf32, #tpu.memory_space<vmem>>) target_semaphore(%arg14 : memref<!tpu.dma_semaphore, #tpu.memory_space<semaphore_mem>>)
    %scan3A = arith.constant 0 : i32
    %scan3A_16 = arith.constant 0 : i32
    %scan3A_17 = arith.constant 9 : i32
    %scan3A_18 = arith.addi %scan3A_16, %scan3A_17 : i32
    %scan3A_19 = arith.constant 1 : i32
    scf.for %scan3A_38 = %scan3A_16 to %scan3A_18 step %scan3A_19  : i32 {
      %mul3A_39 = arith.constant 2 : i32
      %mul3A_40 = arith.muli %mul3A_39, %scan3A_38 : i32
      %dma_wait3A_41 = arith.constant 0 : i32
      %dma_wait3A_42 = tpu.memref_slice %arg2[%mul3A_2, %dma_wait3A_41] : memref<76800x32xf32, #tpu.memory_space<hbm>> -> memref<128x32xf32, #tpu.memory_space<hbm>>
      %dma_wait3A_43 = arith.constant 0 : i32
      %dma_wait3A_44 = tpu.memref_slice %arg2[%mul3A_2, %dma_wait3A_43] : memref<76800x32xf32, #tpu.memory_space<hbm>> -> memref<128x32xf32, #tpu.memory_space<hbm>>
      tpu.wait_dma2 semaphore(%arg13 : memref<!tpu.dma_semaphore, #tpu.memory_space<semaphore_mem>>) src(%dma_wait3A_44 : memref<128x32xf32, #tpu.memory_space<hbm>>) dst(%arg9 : memref<128x32xf32, #tpu.memory_space<vmem>>)
      "tpu.region"() ({
        %run_scoped3A = tpu.sem_alloc : memref<!tpu.dma_semaphore, #tpu.memory_space<semaphore_mem>>
        %dma_start3A_62 = arith.constant 0 : i32
        %dma_start3A_63 = tpu.memref_slice %arg7[%mul3A_40, %dma_start3A_62] : memref<18x128xi32, #tpu.memory_space<vmem>> -> memref<1x128xi32, #tpu.memory_space<vmem>>
        %dma_start3A_64 = tpu.memref_squeeze %dma_start3A_63 : memref<1x128xi32, #tpu.memory_space<vmem>> -> memref<128xi32, #tpu.memory_space<vmem>>
        %dma_start3A_65 = arith.constant 0 : i32
        %dma_start3A_66 = arith.constant 0 : i32
        %dma_start3A_67 = tpu.memref_slice %arg12[%dma_start3A_65, %dma_start3A_66] : memref<10240x32xf32, #tpu.memory_space<vmem_shared>> -> memref<10240x32xf32, #tpu.memory_space<vmem_shared>>
        tpu.enqueue_indirect_dma source(%arg9 : memref<128x32xf32, #tpu.memory_space<vmem>>) target(%dma_start3A_67 : memref<10240x32xf32, #tpu.memory_space<vmem_shared>>) offsets(%dma_start3A_64 : memref<128xi32, #tpu.memory_space<vmem>>) semaphore(%run_scoped3A : memref<!tpu.dma_semaphore, #tpu.memory_space<semaphore_mem>>) {add = true}
        %dma_wait3A_68 = arith.constant 0 : i32
        %dma_wait3A_69 = tpu.memref_slice %arg7[%mul3A_40, %dma_wait3A_68] : memref<18x128xi32, #tpu.memory_space<vmem>> -> memref<1x128xi32, #tpu.memory_space<vmem>>
        %dma_wait3A_70 = tpu.memref_squeeze %dma_wait3A_69 : memref<1x128xi32, #tpu.memory_space<vmem>> -> memref<128xi32, #tpu.memory_space<vmem>>
        %dma_wait3A_71 = arith.constant 0 : i32
        %dma_wait3A_72 = arith.constant 0 : i32
        %dma_wait3A_73 = tpu.memref_slice %arg12[%dma_wait3A_71, %dma_wait3A_72] : memref<10240x32xf32, #tpu.memory_space<vmem_shared>> -> memref<10240x32xf32, #tpu.memory_space<vmem_shared>>
        tpu.wait_indirect_dma semaphore(%run_scoped3A : memref<!tpu.dma_semaphore, #tpu.memory_space<semaphore_mem>>) src(%arg9 : memref<128x32xf32, #tpu.memory_space<vmem>>) dst(%dma_wait3A_73 : memref<10240x32xf32, #tpu.memory_space<vmem_shared>>)
        tpu.yield
      }) : () -> ()
      %add3A_45 = arith.constant 2 : i32
      %add3A_46 = arith.addi %mul3A_40, %add3A_45 : i32
      %lt3A = arith.constant 18 : i32
      %lt3A_47 = arith.cmpi slt, %add3A_46, %lt3A : i32
      %convert_element_type3A = arith.extui %lt3A_47 : i1 to i32
      %cond3A = arith.constant 0 : i32
      %cond3A_48 = arith.cmpi ne, %convert_element_type3A, %cond3A : i32
      scf.if %cond3A_48 {
        %add3A_62 = arith.constant 2 : i32
        %add3A_63 = arith.addi %mul3A_40, %add3A_62 : i32
        %mul3A_64 = arith.constant 128 : i32
        %mul3A_65 = arith.muli %add3A_63, %mul3A_64 : i32
        %add3A_66 = arith.addi %mul3A_2, %mul3A_65 : i32
        %dma_start3A_67 = arith.constant 0 : i32
        %dma_start3A_68 = tpu.memref_slice %arg2[%add3A_66, %dma_start3A_67] : memref<76800x32xf32, #tpu.memory_space<hbm>> -> memref<128x32xf32, #tpu.memory_space<hbm>>
        %dma_start3A_69 = arith.constant 0 : i32
        %dma_start3A_70 = tpu.memref_slice %arg2[%add3A_66, %dma_start3A_69] : memref<76800x32xf32, #tpu.memory_space<hbm>> -> memref<128x32xf32, #tpu.memory_space<hbm>>
        tpu.enqueue_dma source(%dma_start3A_70 : memref<128x32xf32, #tpu.memory_space<hbm>>) target(%arg9 : memref<128x32xf32, #tpu.memory_space<vmem>>) target_semaphore(%arg13 : memref<!tpu.dma_semaphore, #tpu.memory_space<semaphore_mem>>)
      } else {
      }
      %dma_wait3A_49 = arith.constant 0 : i32
      %dma_wait3A_50 = tpu.memref_slice %arg2[%mul3A_2, %dma_wait3A_49] : memref<76800x32xf32, #tpu.memory_space<hbm>> -> memref<128x32xf32, #tpu.memory_space<hbm>>
      %dma_wait3A_51 = arith.constant 0 : i32
      %dma_wait3A_52 = tpu.memref_slice %arg2[%mul3A_2, %dma_wait3A_51] : memref<76800x32xf32, #tpu.memory_space<hbm>> -> memref<128x32xf32, #tpu.memory_space<hbm>>
      tpu.wait_dma2 semaphore(%arg14 : memref<!tpu.dma_semaphore, #tpu.memory_space<semaphore_mem>>) src(%dma_wait3A_52 : memref<128x32xf32, #tpu.memory_space<hbm>>) dst(%arg10 : memref<128x32xf32, #tpu.memory_space<vmem>>)
      %add3A_53 = arith.constant 1 : i32
      %add3A_54 = arith.addi %mul3A_40, %add3A_53 : i32
      "tpu.region"() ({
        %run_scoped3A = tpu.sem_alloc : memref<!tpu.dma_semaphore, #tpu.memory_space<semaphore_mem>>
        %dma_start3A_62 = arith.constant 0 : i32
        %dma_start3A_63 = tpu.memref_slice %arg7[%add3A_54, %dma_start3A_62] : memref<18x128xi32, #tpu.memory_space<vmem>> -> memref<1x128xi32, #tpu.memory_space<vmem>>
        %dma_start3A_64 = tpu.memref_squeeze %dma_start3A_63 : memref<1x128xi32, #tpu.memory_space<vmem>> -> memref<128xi32, #tpu.memory_space<vmem>>
        %dma_start3A_65 = arith.constant 0 : i32
        %dma_start3A_66 = arith.constant 0 : i32
        %dma_start3A_67 = tpu.memref_slice %arg12[%dma_start3A_65, %dma_start3A_66] : memref<10240x32xf32, #tpu.memory_space<vmem_shared>> -> memref<10240x32xf32, #tpu.memory_space<vmem_shared>>
        tpu.enqueue_indirect_dma source(%arg10 : memref<128x32xf32, #tpu.memory_space<vmem>>) target(%dma_start3A_67 : memref<10240x32xf32, #tpu.memory_space<vmem_shared>>) offsets(%dma_start3A_64 : memref<128xi32, #tpu.memory_space<vmem>>) semaphore(%run_scoped3A : memref<!tpu.dma_semaphore, #tpu.memory_space<semaphore_mem>>) {add = true}
        %dma_wait3A_68 = arith.constant 0 : i32
        %dma_wait3A_69 = tpu.memref_slice %arg7[%add3A_54, %dma_wait3A_68] : memref<18x128xi32, #tpu.memory_space<vmem>> -> memref<1x128xi32, #tpu.memory_space<vmem>>
        %dma_wait3A_70 = tpu.memref_squeeze %dma_wait3A_69 : memref<1x128xi32, #tpu.memory_space<vmem>> -> memref<128xi32, #tpu.memory_space<vmem>>
        %dma_wait3A_71 = arith.constant 0 : i32
        %dma_wait3A_72 = arith.constant 0 : i32
        %dma_wait3A_73 = tpu.memref_slice %arg12[%dma_wait3A_71, %dma_wait3A_72] : memref<10240x32xf32, #tpu.memory_space<vmem_shared>> -> memref<10240x32xf32, #tpu.memory_space<vmem_shared>>
        tpu.wait_indirect_dma semaphore(%run_scoped3A : memref<!tpu.dma_semaphore, #tpu.memory_space<semaphore_mem>>) src(%arg10 : memref<128x32xf32, #tpu.memory_space<vmem>>) dst(%dma_wait3A_73 : memref<10240x32xf32, #tpu.memory_space<vmem_shared>>)
        tpu.yield
      }) : () -> ()
      %add3A_55 = arith.constant 3 : i32
      %add3A_56 = arith.addi %mul3A_40, %add3A_55 : i32
      %lt3A_57 = arith.constant 18 : i32
      %lt3A_58 = arith.cmpi slt, %add3A_56, %lt3A_57 : i32
      %convert_element_type3A_59 = arith.extui %lt3A_58 : i1 to i32
      %cond3A_60 = arith.constant 0 : i32
      %cond3A_61 = arith.cmpi ne, %convert_element_type3A_59, %cond3A_60 : i32
      scf.if %cond3A_61 {
        %add3A_62 = arith.constant 3 : i32
        %add3A_63 = arith.addi %mul3A_40, %add3A_62 : i32
        %mul3A_64 = arith.constant 128 : i32
        %mul3A_65 = arith.muli %add3A_63, %mul3A_64 : i32
        %add3A_66 = arith.addi %mul3A_2, %mul3A_65 : i32
        %dma_start3A_67 = arith.constant 0 : i32
        %dma_start3A_68 = tpu.memref_slice %arg2[%add3A_66, %dma_start3A_67] : memref<76800x32xf32, #tpu.memory_space<hbm>> -> memref<128x32xf32, #tpu.memory_space<hbm>>
        %dma_start3A_69 = arith.constant 0 : i32
        %dma_start3A_70 = tpu.memref_slice %arg2[%add3A_66, %dma_start3A_69] : memref<76800x32xf32, #tpu.memory_space<hbm>> -> memref<128x32xf32, #tpu.memory_space<hbm>>
        tpu.enqueue_dma source(%dma_start3A_70 : memref<128x32xf32, #tpu.memory_space<hbm>>) target(%arg10 : memref<128x32xf32, #tpu.memory_space<vmem>>) target_semaphore(%arg14 : memref<!tpu.dma_semaphore, #tpu.memory_space<semaphore_mem>>)
      } else {
      }
    }
    %scan3A_20 = arith.constant 9 : i32
    %add3A_21 = arith.constant 2304 : i32
    %add3A_22 = arith.addi %mul3A_2, %add3A_21 : i32
    %dma_start3A_23 = arith.constant 0 : i32
    %dma_start3A_24 = tpu.memref_slice %arg2[%add3A_22, %dma_start3A_23] : memref<76800x32xf32, #tpu.memory_space<hbm>> -> memref<96x32xf32, #tpu.memory_space<hbm>>
    %dma_start3A_25 = arith.constant 0 : i32
    %dma_start3A_26 = tpu.memref_slice %arg2[%add3A_22, %dma_start3A_25] : memref<76800x32xf32, #tpu.memory_space<hbm>> -> memref<96x32xf32, #tpu.memory_space<hbm>>
    tpu.enqueue_dma source(%dma_start3A_26 : memref<96x32xf32, #tpu.memory_space<hbm>>) target(%arg11 : memref<96x32xf32, #tpu.memory_space<vmem>>) target_semaphore(%arg15 : memref<!tpu.dma_semaphore, #tpu.memory_space<semaphore_mem>>)
    %dma_wait3A = arith.constant 0 : i32
    %dma_wait3A_27 = tpu.memref_slice %arg2[%add3A_22, %dma_wait3A] : memref<76800x32xf32, #tpu.memory_space<hbm>> -> memref<96x32xf32, #tpu.memory_space<hbm>>
    %dma_wait3A_28 = arith.constant 0 : i32
    %dma_wait3A_29 = tpu.memref_slice %arg2[%add3A_22, %dma_wait3A_28] : memref<76800x32xf32, #tpu.memory_space<hbm>> -> memref<96x32xf32, #tpu.memory_space<hbm>>
    tpu.wait_dma2 semaphore(%arg15 : memref<!tpu.dma_semaphore, #tpu.memory_space<semaphore_mem>>) src(%dma_wait3A_29 : memref<96x32xf32, #tpu.memory_space<hbm>>) dst(%arg11 : memref<96x32xf32, #tpu.memory_space<vmem>>)
    "tpu.region"() ({
      %run_scoped3A = tpu.sem_alloc : memref<!tpu.dma_semaphore, #tpu.memory_space<semaphore_mem>>
      %dma_start3A_38 = arith.constant 0 : i32
      %dma_start3A_39 = arith.constant 0 : i32
      %dma_start3A_40 = tpu.memref_slice %arg12[%dma_start3A_38, %dma_start3A_39] : memref<10240x32xf32, #tpu.memory_space<vmem_shared>> -> memref<10240x32xf32, #tpu.memory_space<vmem_shared>>
      tpu.enqueue_indirect_dma source(%arg11 : memref<96x32xf32, #tpu.memory_space<vmem>>) target(%dma_start3A_40 : memref<10240x32xf32, #tpu.memory_space<vmem_shared>>) offsets(%arg8 : memref<96xi32, #tpu.memory_space<vmem>>) semaphore(%run_scoped3A : memref<!tpu.dma_semaphore, #tpu.memory_space<semaphore_mem>>) {add = true}
      %dma_wait3A_41 = arith.constant 0 : i32
      %dma_wait3A_42 = arith.constant 0 : i32
      %dma_wait3A_43 = tpu.memref_slice %arg12[%dma_wait3A_41, %dma_wait3A_42] : memref<10240x32xf32, #tpu.memory_space<vmem_shared>> -> memref<10240x32xf32, #tpu.memory_space<vmem_shared>>
      tpu.wait_indirect_dma semaphore(%run_scoped3A : memref<!tpu.dma_semaphore, #tpu.memory_space<semaphore_mem>>) src(%arg11 : memref<96x32xf32, #tpu.memory_space<vmem>>) dst(%dma_wait3A_43 : memref<10240x32xf32, #tpu.memory_space<vmem_shared>>)
      tpu.yield
    }) : () -> ()
    %barrier3A_30 = arith.constant 0 : index
    tpu.barrier barrier_id(%barrier3A_30)
    %mul3A_31 = arith.constant 640 : i32
    %mul3A_32 = arith.muli %arg1, %mul3A_31 : i32
    %mul3A_33 = arith.constant 10240 : i32
    %mul3A_34 = arith.muli %arg0, %mul3A_33 : i32
    %mul3A_35 = arith.constant 640 : i32
    %mul3A_36 = arith.muli %arg1, %mul3A_35 : i32
    %add3A_37 = arith.addi %mul3A_34, %mul3A_36 : i32
    "tpu.region"() ({
      %run_scoped3A = tpu.sem_alloc : memref<!tpu.dma_semaphore, #tpu.memory_space<semaphore_mem>>
      %dma_start3A_38 = arith.constant 0 : i32
      %dma_start3A_39 = tpu.memref_slice %arg6[%add3A_37, %dma_start3A_38] : memref<20480x32xf32, #tpu.memory_space<hbm>> -> memref<640x32xf32, #tpu.memory_space<hbm>>
      %dma_start3A_40 = arith.constant 0 : i32
      %dma_start3A_41 = tpu.memref_slice %arg12[%mul3A_32, %dma_start3A_40] : memref<10240x32xf32, #tpu.memory_space<vmem_shared>> -> memref<640x32xf32, #tpu.memory_space<vmem_shared>>
      tpu.enqueue_dma source(%dma_start3A_41 : memref<640x32xf32, #tpu.memory_space<vmem_shared>>) target(%dma_start3A_39 : memref<640x32xf32, #tpu.memory_space<hbm>>) target_semaphore(%run_scoped3A : memref<!tpu.dma_semaphore, #tpu.memory_space<semaphore_mem>>)
      %dma_wait3A_42 = arith.constant 0 : i32
      %dma_wait3A_43 = tpu.memref_slice %arg6[%add3A_37, %dma_wait3A_42] : memref<20480x32xf32, #tpu.memory_space<hbm>> -> memref<640x32xf32, #tpu.memory_space<hbm>>
      %dma_wait3A_44 = arith.constant 0 : i32
      %dma_wait3A_45 = tpu.memref_slice %arg12[%mul3A_32, %dma_wait3A_44] : memref<10240x32xf32, #tpu.memory_space<vmem_shared>> -> memref<640x32xf32, #tpu.memory_space<vmem_shared>>
      tpu.wait_dma2 semaphore(%run_scoped3A : memref<!tpu.dma_semaphore, #tpu.memory_space<semaphore_mem>>) src(%dma_wait3A_45 : memref<640x32xf32, #tpu.memory_space<vmem_shared>>) dst(%dma_wait3A_43 : memref<640x32xf32, #tpu.memory_space<hbm>>)
      tpu.yield
    }) : () -> ()
    return
  }
}

#map = affine_map<(d0, d1) -> (0, 0)>
#map1 = affine_map<(d0, d1) -> (0, 0, 0)>
module attributes {stable_mosaic.version = 14 : i64} {
  func.func @body_fn(%arg0: i32, %arg1: i32, %arg2: memref<83200x32xf32, #tpu.memory_space<hbm>>, %arg3: memref<32x20x128xi32, #tpu.memory_space<hbm>>, %arg4: memref<32x40xi32, #tpu.memory_space<hbm>>, %arg5: memref<640x32xf32, #tpu.memory_space<hbm>>, %arg6: memref<20480x32xf32, #tpu.memory_space<hbm>>, %arg7: memref<20x128xi32, #tpu.memory_space<vmem>>, %arg8: memref<40xi32, #tpu.memory_space<vmem>>, %arg9: memref<128x32xf32, #tpu.memory_space<vmem>>, %arg10: memref<128x32xf32, #tpu.memory_space<vmem>>, %arg11: memref<40x32xf32, #tpu.memory_space<vmem>>, %arg12: memref<10240x32xf32, #tpu.memory_space<vmem_shared>>, %arg13: memref<!tpu.dma_semaphore, #tpu.memory_space<semaphore_mem>>, %arg14: memref<!tpu.dma_semaphore, #tpu.memory_space<semaphore_mem>>, %arg15: memref<!tpu.dma_semaphore, #tpu.memory_space<semaphore_mem>>) attributes {dimension_semantics = [#tpu.dimension_semantics<core_parallel>, #tpu.dimension_semantics<subcore_parallel>], iteration_bounds = array<i64: 2, 16>, scalar_prefetch = 0 : i64, scratch_operands = 9 : i64, tpu.core_type = #tpu.core_type<sc_vector_subcore>, window_params = [{transform_indices = #map}, {transform_indices = #map1}, {transform_indices = #map}, {transform_indices = #map}, {transform_indices = #map}]} {
    %mul3A = arith.constant 2 : i32
    %mul3A_0 = arith.muli %arg1, %mul3A : i32
    %add3A = arith.addi %mul3A_0, %arg0 : i32
    %mul3A_1 = arith.constant 2600 : i32
    %mul3A_2 = arith.muli %add3A, %mul3A_1 : i32
    %mul3A_3 = arith.constant 640 : i32
    %mul3A_4 = arith.muli %arg1, %mul3A_3 : i32
    "tpu.region"() ({
      %run_scoped3A = tpu.sem_alloc : memref<!tpu.dma_semaphore, #tpu.memory_space<semaphore_mem>>
      %dma_start3A_38 = arith.constant 0 : i32
      %dma_start3A_39 = tpu.memref_slice %arg12[%mul3A_4, %dma_start3A_38] : memref<10240x32xf32, #tpu.memory_space<vmem_shared>> -> memref<640x32xf32, #tpu.memory_space<vmem_shared>>
      tpu.enqueue_dma source(%arg5 : memref<640x32xf32, #tpu.memory_space<hbm>>) target(%dma_start3A_39 : memref<640x32xf32, #tpu.memory_space<vmem_shared>>) target_semaphore(%run_scoped3A : memref<!tpu.dma_semaphore, #tpu.memory_space<semaphore_mem>>)
      %dma_wait3A_40 = arith.constant 0 : i32
      %dma_wait3A_41 = tpu.memref_slice %arg12[%mul3A_4, %dma_wait3A_40] : memref<10240x32xf32, #tpu.memory_space<vmem_shared>> -> memref<640x32xf32, #tpu.memory_space<vmem_shared>>
      tpu.wait_dma2 semaphore(%run_scoped3A : memref<!tpu.dma_semaphore, #tpu.memory_space<semaphore_mem>>) src(%arg5 : memref<640x32xf32, #tpu.memory_space<hbm>>) dst(%dma_wait3A_41 : memref<640x32xf32, #tpu.memory_space<vmem_shared>>)
      tpu.yield
    }) : () -> ()
    "tpu.region"() ({
      %run_scoped3A = tpu.sem_alloc : memref<!tpu.dma_semaphore, #tpu.memory_space<semaphore_mem>>
      %dma_start3A_38 = arith.constant 0 : i32
      %dma_start3A_39 = arith.constant 0 : i32
      %dma_start3A_40 = tpu.memref_slice %arg3[%add3A, %dma_start3A_38, %dma_start3A_39] : memref<32x20x128xi32, #tpu.memory_space<hbm>> -> memref<1x20x128xi32, #tpu.memory_space<hbm>>
      %dma_start3A_41 = tpu.memref_squeeze %dma_start3A_40 : memref<1x20x128xi32, #tpu.memory_space<hbm>> -> memref<20x128xi32, #tpu.memory_space<hbm>>
      %dma_start3A_42 = arith.constant 0 : i32
      %dma_start3A_43 = arith.constant 0 : i32
      %dma_start3A_44 = tpu.memref_slice %arg3[%add3A, %dma_start3A_42, %dma_start3A_43] : memref<32x20x128xi32, #tpu.memory_space<hbm>> -> memref<1x20x128xi32, #tpu.memory_space<hbm>>
      %dma_start3A_45 = tpu.memref_squeeze %dma_start3A_44 : memref<1x20x128xi32, #tpu.memory_space<hbm>> -> memref<20x128xi32, #tpu.memory_space<hbm>>
      tpu.enqueue_dma source(%dma_start3A_45 : memref<20x128xi32, #tpu.memory_space<hbm>>) target(%arg7 : memref<20x128xi32, #tpu.memory_space<vmem>>) target_semaphore(%run_scoped3A : memref<!tpu.dma_semaphore, #tpu.memory_space<semaphore_mem>>)
      %dma_wait3A_46 = arith.constant 0 : i32
      %dma_wait3A_47 = arith.constant 0 : i32
      %dma_wait3A_48 = tpu.memref_slice %arg3[%add3A, %dma_wait3A_46, %dma_wait3A_47] : memref<32x20x128xi32, #tpu.memory_space<hbm>> -> memref<1x20x128xi32, #tpu.memory_space<hbm>>
      %dma_wait3A_49 = tpu.memref_squeeze %dma_wait3A_48 : memref<1x20x128xi32, #tpu.memory_space<hbm>> -> memref<20x128xi32, #tpu.memory_space<hbm>>
      %dma_wait3A_50 = arith.constant 0 : i32
      %dma_wait3A_51 = arith.constant 0 : i32
      %dma_wait3A_52 = tpu.memref_slice %arg3[%add3A, %dma_wait3A_50, %dma_wait3A_51] : memref<32x20x128xi32, #tpu.memory_space<hbm>> -> memref<1x20x128xi32, #tpu.memory_space<hbm>>
      %dma_wait3A_53 = tpu.memref_squeeze %dma_wait3A_52 : memref<1x20x128xi32, #tpu.memory_space<hbm>> -> memref<20x128xi32, #tpu.memory_space<hbm>>
      tpu.wait_dma2 semaphore(%run_scoped3A : memref<!tpu.dma_semaphore, #tpu.memory_space<semaphore_mem>>) src(%dma_wait3A_53 : memref<20x128xi32, #tpu.memory_space<hbm>>) dst(%arg7 : memref<20x128xi32, #tpu.memory_space<vmem>>)
      tpu.yield
    }) : () -> ()
    "tpu.region"() ({
      %run_scoped3A = tpu.sem_alloc : memref<!tpu.dma_semaphore, #tpu.memory_space<semaphore_mem>>
      %dma_start3A_38 = arith.constant 0 : i32
      %dma_start3A_39 = tpu.memref_slice %arg4[%add3A, %dma_start3A_38] : memref<32x40xi32, #tpu.memory_space<hbm>> -> memref<1x40xi32, #tpu.memory_space<hbm>>
      %dma_start3A_40 = tpu.memref_squeeze %dma_start3A_39 : memref<1x40xi32, #tpu.memory_space<hbm>> -> memref<40xi32, #tpu.memory_space<hbm>>
      %dma_start3A_41 = arith.constant 0 : i32
      %dma_start3A_42 = tpu.memref_slice %arg4[%add3A, %dma_start3A_41] : memref<32x40xi32, #tpu.memory_space<hbm>> -> memref<1x40xi32, #tpu.memory_space<hbm>>
      %dma_start3A_43 = tpu.memref_squeeze %dma_start3A_42 : memref<1x40xi32, #tpu.memory_space<hbm>> -> memref<40xi32, #tpu.memory_space<hbm>>
      tpu.enqueue_dma source(%dma_start3A_43 : memref<40xi32, #tpu.memory_space<hbm>>) target(%arg8 : memref<40xi32, #tpu.memory_space<vmem>>) target_semaphore(%run_scoped3A : memref<!tpu.dma_semaphore, #tpu.memory_space<semaphore_mem>>)
      %dma_wait3A_44 = arith.constant 0 : i32
      %dma_wait3A_45 = tpu.memref_slice %arg4[%add3A, %dma_wait3A_44] : memref<32x40xi32, #tpu.memory_space<hbm>> -> memref<1x40xi32, #tpu.memory_space<hbm>>
      %dma_wait3A_46 = tpu.memref_squeeze %dma_wait3A_45 : memref<1x40xi32, #tpu.memory_space<hbm>> -> memref<40xi32, #tpu.memory_space<hbm>>
      %dma_wait3A_47 = arith.constant 0 : i32
      %dma_wait3A_48 = tpu.memref_slice %arg4[%add3A, %dma_wait3A_47] : memref<32x40xi32, #tpu.memory_space<hbm>> -> memref<1x40xi32, #tpu.memory_space<hbm>>
      %dma_wait3A_49 = tpu.memref_squeeze %dma_wait3A_48 : memref<1x40xi32, #tpu.memory_space<hbm>> -> memref<40xi32, #tpu.memory_space<hbm>>
      tpu.wait_dma2 semaphore(%run_scoped3A : memref<!tpu.dma_semaphore, #tpu.memory_space<semaphore_mem>>) src(%dma_wait3A_49 : memref<40xi32, #tpu.memory_space<hbm>>) dst(%arg8 : memref<40xi32, #tpu.memory_space<vmem>>)
      tpu.yield
    }) : () -> ()
    %barrier3A = arith.constant 0 : index
    tpu.barrier barrier_id(%barrier3A)
    %add3A_5 = arith.constant 0 : i32
    %add3A_6 = arith.addi %mul3A_2, %add3A_5 : i32
    %dma_start3A = arith.constant 0 : i32
    %dma_start3A_7 = tpu.memref_slice %arg2[%add3A_6, %dma_start3A] : memref<83200x32xf32, #tpu.memory_space<hbm>> -> memref<128x32xf32, #tpu.memory_space<hbm>>
    %dma_start3A_8 = arith.constant 0 : i32
    %dma_start3A_9 = tpu.memref_slice %arg2[%add3A_6, %dma_start3A_8] : memref<83200x32xf32, #tpu.memory_space<hbm>> -> memref<128x32xf32, #tpu.memory_space<hbm>>
    tpu.enqueue_dma source(%dma_start3A_9 : memref<128x32xf32, #tpu.memory_space<hbm>>) target(%arg9 : memref<128x32xf32, #tpu.memory_space<vmem>>) target_semaphore(%arg13 : memref<!tpu.dma_semaphore, #tpu.memory_space<semaphore_mem>>)
    %add3A_10 = arith.constant 128 : i32
    %add3A_11 = arith.addi %mul3A_2, %add3A_10 : i32
    %dma_start3A_12 = arith.constant 0 : i32
    %dma_start3A_13 = tpu.memref_slice %arg2[%add3A_11, %dma_start3A_12] : memref<83200x32xf32, #tpu.memory_space<hbm>> -> memref<128x32xf32, #tpu.memory_space<hbm>>
    %dma_start3A_14 = arith.constant 0 : i32
    %dma_start3A_15 = tpu.memref_slice %arg2[%add3A_11, %dma_start3A_14] : memref<83200x32xf32, #tpu.memory_space<hbm>> -> memref<128x32xf32, #tpu.memory_space<hbm>>
    tpu.enqueue_dma source(%dma_start3A_15 : memref<128x32xf32, #tpu.memory_space<hbm>>) target(%arg10 : memref<128x32xf32, #tpu.memory_space<vmem>>) target_semaphore(%arg14 : memref<!tpu.dma_semaphore, #tpu.memory_space<semaphore_mem>>)
    %scan3A = arith.constant 0 : i32
    %scan3A_16 = arith.constant 0 : i32
    %scan3A_17 = arith.constant 10 : i32
    %scan3A_18 = arith.addi %scan3A_16, %scan3A_17 : i32
    %scan3A_19 = arith.constant 1 : i32
    scf.for %scan3A_38 = %scan3A_16 to %scan3A_18 step %scan3A_19  : i32 {
      %mul3A_39 = arith.constant 2 : i32
      %mul3A_40 = arith.muli %mul3A_39, %scan3A_38 : i32
      %dma_wait3A_41 = arith.constant 0 : i32
      %dma_wait3A_42 = tpu.memref_slice %arg2[%mul3A_2, %dma_wait3A_41] : memref<83200x32xf32, #tpu.memory_space<hbm>> -> memref<128x32xf32, #tpu.memory_space<hbm>>
      %dma_wait3A_43 = arith.constant 0 : i32
      %dma_wait3A_44 = tpu.memref_slice %arg2[%mul3A_2, %dma_wait3A_43] : memref<83200x32xf32, #tpu.memory_space<hbm>> -> memref<128x32xf32, #tpu.memory_space<hbm>>
      tpu.wait_dma2 semaphore(%arg13 : memref<!tpu.dma_semaphore, #tpu.memory_space<semaphore_mem>>) src(%dma_wait3A_44 : memref<128x32xf32, #tpu.memory_space<hbm>>) dst(%arg9 : memref<128x32xf32, #tpu.memory_space<vmem>>)
      "tpu.region"() ({
        %run_scoped3A = tpu.sem_alloc : memref<!tpu.dma_semaphore, #tpu.memory_space<semaphore_mem>>
        %dma_start3A_62 = arith.constant 0 : i32
        %dma_start3A_63 = tpu.memref_slice %arg7[%mul3A_40, %dma_start3A_62] : memref<20x128xi32, #tpu.memory_space<vmem>> -> memref<1x128xi32, #tpu.memory_space<vmem>>
        %dma_start3A_64 = tpu.memref_squeeze %dma_start3A_63 : memref<1x128xi32, #tpu.memory_space<vmem>> -> memref<128xi32, #tpu.memory_space<vmem>>
        %dma_start3A_65 = arith.constant 0 : i32
        %dma_start3A_66 = arith.constant 0 : i32
        %dma_start3A_67 = tpu.memref_slice %arg12[%dma_start3A_65, %dma_start3A_66] : memref<10240x32xf32, #tpu.memory_space<vmem_shared>> -> memref<10240x32xf32, #tpu.memory_space<vmem_shared>>
        tpu.enqueue_indirect_dma source(%arg9 : memref<128x32xf32, #tpu.memory_space<vmem>>) target(%dma_start3A_67 : memref<10240x32xf32, #tpu.memory_space<vmem_shared>>) offsets(%dma_start3A_64 : memref<128xi32, #tpu.memory_space<vmem>>) semaphore(%run_scoped3A : memref<!tpu.dma_semaphore, #tpu.memory_space<semaphore_mem>>) {add = true}
        %dma_wait3A_68 = arith.constant 0 : i32
        %dma_wait3A_69 = tpu.memref_slice %arg7[%mul3A_40, %dma_wait3A_68] : memref<20x128xi32, #tpu.memory_space<vmem>> -> memref<1x128xi32, #tpu.memory_space<vmem>>
        %dma_wait3A_70 = tpu.memref_squeeze %dma_wait3A_69 : memref<1x128xi32, #tpu.memory_space<vmem>> -> memref<128xi32, #tpu.memory_space<vmem>>
        %dma_wait3A_71 = arith.constant 0 : i32
        %dma_wait3A_72 = arith.constant 0 : i32
        %dma_wait3A_73 = tpu.memref_slice %arg12[%dma_wait3A_71, %dma_wait3A_72] : memref<10240x32xf32, #tpu.memory_space<vmem_shared>> -> memref<10240x32xf32, #tpu.memory_space<vmem_shared>>
        tpu.wait_indirect_dma semaphore(%run_scoped3A : memref<!tpu.dma_semaphore, #tpu.memory_space<semaphore_mem>>) src(%arg9 : memref<128x32xf32, #tpu.memory_space<vmem>>) dst(%dma_wait3A_73 : memref<10240x32xf32, #tpu.memory_space<vmem_shared>>)
        tpu.yield
      }) : () -> ()
      %add3A_45 = arith.constant 2 : i32
      %add3A_46 = arith.addi %mul3A_40, %add3A_45 : i32
      %lt3A = arith.constant 20 : i32
      %lt3A_47 = arith.cmpi slt, %add3A_46, %lt3A : i32
      %convert_element_type3A = arith.extui %lt3A_47 : i1 to i32
      %cond3A = arith.constant 0 : i32
      %cond3A_48 = arith.cmpi ne, %convert_element_type3A, %cond3A : i32
      scf.if %cond3A_48 {
        %add3A_62 = arith.constant 2 : i32
        %add3A_63 = arith.addi %mul3A_40, %add3A_62 : i32
        %mul3A_64 = arith.constant 128 : i32
        %mul3A_65 = arith.muli %add3A_63, %mul3A_64 : i32
        %add3A_66 = arith.addi %mul3A_2, %mul3A_65 : i32
        %dma_start3A_67 = arith.constant 0 : i32
        %dma_start3A_68 = tpu.memref_slice %arg2[%add3A_66, %dma_start3A_67] : memref<83200x32xf32, #tpu.memory_space<hbm>> -> memref<128x32xf32, #tpu.memory_space<hbm>>
        %dma_start3A_69 = arith.constant 0 : i32
        %dma_start3A_70 = tpu.memref_slice %arg2[%add3A_66, %dma_start3A_69] : memref<83200x32xf32, #tpu.memory_space<hbm>> -> memref<128x32xf32, #tpu.memory_space<hbm>>
        tpu.enqueue_dma source(%dma_start3A_70 : memref<128x32xf32, #tpu.memory_space<hbm>>) target(%arg9 : memref<128x32xf32, #tpu.memory_space<vmem>>) target_semaphore(%arg13 : memref<!tpu.dma_semaphore, #tpu.memory_space<semaphore_mem>>)
      } else {
      }
      %dma_wait3A_49 = arith.constant 0 : i32
      %dma_wait3A_50 = tpu.memref_slice %arg2[%mul3A_2, %dma_wait3A_49] : memref<83200x32xf32, #tpu.memory_space<hbm>> -> memref<128x32xf32, #tpu.memory_space<hbm>>
      %dma_wait3A_51 = arith.constant 0 : i32
      %dma_wait3A_52 = tpu.memref_slice %arg2[%mul3A_2, %dma_wait3A_51] : memref<83200x32xf32, #tpu.memory_space<hbm>> -> memref<128x32xf32, #tpu.memory_space<hbm>>
      tpu.wait_dma2 semaphore(%arg14 : memref<!tpu.dma_semaphore, #tpu.memory_space<semaphore_mem>>) src(%dma_wait3A_52 : memref<128x32xf32, #tpu.memory_space<hbm>>) dst(%arg10 : memref<128x32xf32, #tpu.memory_space<vmem>>)
      %add3A_53 = arith.constant 1 : i32
      %add3A_54 = arith.addi %mul3A_40, %add3A_53 : i32
      "tpu.region"() ({
        %run_scoped3A = tpu.sem_alloc : memref<!tpu.dma_semaphore, #tpu.memory_space<semaphore_mem>>
        %dma_start3A_62 = arith.constant 0 : i32
        %dma_start3A_63 = tpu.memref_slice %arg7[%add3A_54, %dma_start3A_62] : memref<20x128xi32, #tpu.memory_space<vmem>> -> memref<1x128xi32, #tpu.memory_space<vmem>>
        %dma_start3A_64 = tpu.memref_squeeze %dma_start3A_63 : memref<1x128xi32, #tpu.memory_space<vmem>> -> memref<128xi32, #tpu.memory_space<vmem>>
        %dma_start3A_65 = arith.constant 0 : i32
        %dma_start3A_66 = arith.constant 0 : i32
        %dma_start3A_67 = tpu.memref_slice %arg12[%dma_start3A_65, %dma_start3A_66] : memref<10240x32xf32, #tpu.memory_space<vmem_shared>> -> memref<10240x32xf32, #tpu.memory_space<vmem_shared>>
        tpu.enqueue_indirect_dma source(%arg10 : memref<128x32xf32, #tpu.memory_space<vmem>>) target(%dma_start3A_67 : memref<10240x32xf32, #tpu.memory_space<vmem_shared>>) offsets(%dma_start3A_64 : memref<128xi32, #tpu.memory_space<vmem>>) semaphore(%run_scoped3A : memref<!tpu.dma_semaphore, #tpu.memory_space<semaphore_mem>>) {add = true}
        %dma_wait3A_68 = arith.constant 0 : i32
        %dma_wait3A_69 = tpu.memref_slice %arg7[%add3A_54, %dma_wait3A_68] : memref<20x128xi32, #tpu.memory_space<vmem>> -> memref<1x128xi32, #tpu.memory_space<vmem>>
        %dma_wait3A_70 = tpu.memref_squeeze %dma_wait3A_69 : memref<1x128xi32, #tpu.memory_space<vmem>> -> memref<128xi32, #tpu.memory_space<vmem>>
        %dma_wait3A_71 = arith.constant 0 : i32
        %dma_wait3A_72 = arith.constant 0 : i32
        %dma_wait3A_73 = tpu.memref_slice %arg12[%dma_wait3A_71, %dma_wait3A_72] : memref<10240x32xf32, #tpu.memory_space<vmem_shared>> -> memref<10240x32xf32, #tpu.memory_space<vmem_shared>>
        tpu.wait_indirect_dma semaphore(%run_scoped3A : memref<!tpu.dma_semaphore, #tpu.memory_space<semaphore_mem>>) src(%arg10 : memref<128x32xf32, #tpu.memory_space<vmem>>) dst(%dma_wait3A_73 : memref<10240x32xf32, #tpu.memory_space<vmem_shared>>)
        tpu.yield
      }) : () -> ()
      %add3A_55 = arith.constant 3 : i32
      %add3A_56 = arith.addi %mul3A_40, %add3A_55 : i32
      %lt3A_57 = arith.constant 20 : i32
      %lt3A_58 = arith.cmpi slt, %add3A_56, %lt3A_57 : i32
      %convert_element_type3A_59 = arith.extui %lt3A_58 : i1 to i32
      %cond3A_60 = arith.constant 0 : i32
      %cond3A_61 = arith.cmpi ne, %convert_element_type3A_59, %cond3A_60 : i32
      scf.if %cond3A_61 {
        %add3A_62 = arith.constant 3 : i32
        %add3A_63 = arith.addi %mul3A_40, %add3A_62 : i32
        %mul3A_64 = arith.constant 128 : i32
        %mul3A_65 = arith.muli %add3A_63, %mul3A_64 : i32
        %add3A_66 = arith.addi %mul3A_2, %mul3A_65 : i32
        %dma_start3A_67 = arith.constant 0 : i32
        %dma_start3A_68 = tpu.memref_slice %arg2[%add3A_66, %dma_start3A_67] : memref<83200x32xf32, #tpu.memory_space<hbm>> -> memref<128x32xf32, #tpu.memory_space<hbm>>
        %dma_start3A_69 = arith.constant 0 : i32
        %dma_start3A_70 = tpu.memref_slice %arg2[%add3A_66, %dma_start3A_69] : memref<83200x32xf32, #tpu.memory_space<hbm>> -> memref<128x32xf32, #tpu.memory_space<hbm>>
        tpu.enqueue_dma source(%dma_start3A_70 : memref<128x32xf32, #tpu.memory_space<hbm>>) target(%arg10 : memref<128x32xf32, #tpu.memory_space<vmem>>) target_semaphore(%arg14 : memref<!tpu.dma_semaphore, #tpu.memory_space<semaphore_mem>>)
      } else {
      }
    }
    %scan3A_20 = arith.constant 10 : i32
    %add3A_21 = arith.constant 2560 : i32
    %add3A_22 = arith.addi %mul3A_2, %add3A_21 : i32
    %dma_start3A_23 = arith.constant 0 : i32
    %dma_start3A_24 = tpu.memref_slice %arg2[%add3A_22, %dma_start3A_23] : memref<83200x32xf32, #tpu.memory_space<hbm>> -> memref<40x32xf32, #tpu.memory_space<hbm>>
    %dma_start3A_25 = arith.constant 0 : i32
    %dma_start3A_26 = tpu.memref_slice %arg2[%add3A_22, %dma_start3A_25] : memref<83200x32xf32, #tpu.memory_space<hbm>> -> memref<40x32xf32, #tpu.memory_space<hbm>>
    tpu.enqueue_dma source(%dma_start3A_26 : memref<40x32xf32, #tpu.memory_space<hbm>>) target(%arg11 : memref<40x32xf32, #tpu.memory_space<vmem>>) target_semaphore(%arg15 : memref<!tpu.dma_semaphore, #tpu.memory_space<semaphore_mem>>)
    %dma_wait3A = arith.constant 0 : i32
    %dma_wait3A_27 = tpu.memref_slice %arg2[%add3A_22, %dma_wait3A] : memref<83200x32xf32, #tpu.memory_space<hbm>> -> memref<40x32xf32, #tpu.memory_space<hbm>>
    %dma_wait3A_28 = arith.constant 0 : i32
    %dma_wait3A_29 = tpu.memref_slice %arg2[%add3A_22, %dma_wait3A_28] : memref<83200x32xf32, #tpu.memory_space<hbm>> -> memref<40x32xf32, #tpu.memory_space<hbm>>
    tpu.wait_dma2 semaphore(%arg15 : memref<!tpu.dma_semaphore, #tpu.memory_space<semaphore_mem>>) src(%dma_wait3A_29 : memref<40x32xf32, #tpu.memory_space<hbm>>) dst(%arg11 : memref<40x32xf32, #tpu.memory_space<vmem>>)
    "tpu.region"() ({
      %run_scoped3A = tpu.sem_alloc : memref<!tpu.dma_semaphore, #tpu.memory_space<semaphore_mem>>
      %dma_start3A_38 = arith.constant 0 : i32
      %dma_start3A_39 = arith.constant 0 : i32
      %dma_start3A_40 = tpu.memref_slice %arg12[%dma_start3A_38, %dma_start3A_39] : memref<10240x32xf32, #tpu.memory_space<vmem_shared>> -> memref<10240x32xf32, #tpu.memory_space<vmem_shared>>
      tpu.enqueue_indirect_dma source(%arg11 : memref<40x32xf32, #tpu.memory_space<vmem>>) target(%dma_start3A_40 : memref<10240x32xf32, #tpu.memory_space<vmem_shared>>) offsets(%arg8 : memref<40xi32, #tpu.memory_space<vmem>>) semaphore(%run_scoped3A : memref<!tpu.dma_semaphore, #tpu.memory_space<semaphore_mem>>) {add = true}
      %dma_wait3A_41 = arith.constant 0 : i32
      %dma_wait3A_42 = arith.constant 0 : i32
      %dma_wait3A_43 = tpu.memref_slice %arg12[%dma_wait3A_41, %dma_wait3A_42] : memref<10240x32xf32, #tpu.memory_space<vmem_shared>> -> memref<10240x32xf32, #tpu.memory_space<vmem_shared>>
      tpu.wait_indirect_dma semaphore(%run_scoped3A : memref<!tpu.dma_semaphore, #tpu.memory_space<semaphore_mem>>) src(%arg11 : memref<40x32xf32, #tpu.memory_space<vmem>>) dst(%dma_wait3A_43 : memref<10240x32xf32, #tpu.memory_space<vmem_shared>>)
      tpu.yield
    }) : () -> ()
    %barrier3A_30 = arith.constant 0 : index
    tpu.barrier barrier_id(%barrier3A_30)
    %mul3A_31 = arith.constant 640 : i32
    %mul3A_32 = arith.muli %arg1, %mul3A_31 : i32
    %mul3A_33 = arith.constant 10240 : i32
    %mul3A_34 = arith.muli %arg0, %mul3A_33 : i32
    %mul3A_35 = arith.constant 640 : i32
    %mul3A_36 = arith.muli %arg1, %mul3A_35 : i32
    %add3A_37 = arith.addi %mul3A_34, %mul3A_36 : i32
    "tpu.region"() ({
      %run_scoped3A = tpu.sem_alloc : memref<!tpu.dma_semaphore, #tpu.memory_space<semaphore_mem>>
      %dma_start3A_38 = arith.constant 0 : i32
      %dma_start3A_39 = tpu.memref_slice %arg6[%add3A_37, %dma_start3A_38] : memref<20480x32xf32, #tpu.memory_space<hbm>> -> memref<640x32xf32, #tpu.memory_space<hbm>>
      %dma_start3A_40 = arith.constant 0 : i32
      %dma_start3A_41 = tpu.memref_slice %arg12[%mul3A_32, %dma_start3A_40] : memref<10240x32xf32, #tpu.memory_space<vmem_shared>> -> memref<640x32xf32, #tpu.memory_space<vmem_shared>>
      tpu.enqueue_dma source(%dma_start3A_41 : memref<640x32xf32, #tpu.memory_space<vmem_shared>>) target(%dma_start3A_39 : memref<640x32xf32, #tpu.memory_space<hbm>>) target_semaphore(%run_scoped3A : memref<!tpu.dma_semaphore, #tpu.memory_space<semaphore_mem>>)
      %dma_wait3A_42 = arith.constant 0 : i32
      %dma_wait3A_43 = tpu.memref_slice %arg6[%add3A_37, %dma_wait3A_42] : memref<20480x32xf32, #tpu.memory_space<hbm>> -> memref<640x32xf32, #tpu.memory_space<hbm>>
      %dma_wait3A_44 = arith.constant 0 : i32
      %dma_wait3A_45 = tpu.memref_slice %arg12[%mul3A_32, %dma_wait3A_44] : memref<10240x32xf32, #tpu.memory_space<vmem_shared>> -> memref<640x32xf32, #tpu.memory_space<vmem_shared>>
      tpu.wait_dma2 semaphore(%run_scoped3A : memref<!tpu.dma_semaphore, #tpu.memory_space<semaphore_mem>>) src(%dma_wait3A_45 : memref<640x32xf32, #tpu.memory_space<vmem_shared>>) dst(%dma_wait3A_43 : memref<640x32xf32, #tpu.memory_space<hbm>>)
      tpu.yield
    }) : () -> ()
    return
  }
}

module attributes {stable_mosaic.version = 14 : i64} {
  func.func @_lin0_body(%arg0: memref<10000x128xf32, #tpu.memory_space<vmem>>, %arg1: memref<128x32xf32, #tpu.memory_space<vmem>>, %arg2: memref<1x32xf32, #tpu.memory_space<vmem>>, %arg3: memref<10000x32xf32, #tpu.memory_space<vmem>>) attributes {dimension_semantics = [], scalar_prefetch = 0 : i64, scratch_operands = 0 : i64, tpu.core_type = #tpu.core_type<tc>} {
    %get3A = arith.constant 0 : index
    %get3A_0 = arith.constant 0 : index
    %get3A_1 = vector.load %arg0[%get3A, %get3A_0] : memref<10000x128xf32, #tpu.memory_space<vmem>>, vector<10000x128xf32>
    %get3A_2 = arith.constant 0 : index
    %get3A_3 = arith.constant 0 : index
    %get3A_4 = vector.load %arg1[%get3A_2, %get3A_3] : memref<128x32xf32, #tpu.memory_space<vmem>>, vector<128x32xf32>
    %dot_general3A = arith.constant dense<0.000000e+00> : vector<10000x32xf32>
    %dot_general3A_5 = tpu.matmul %get3A_1, %get3A_4, %dot_general3A {dimension_numbers = #tpu.dot_dimension_numbers<[1], [0], [0], [1], [0, 0, 1, 1], [], []>, transpose_lhs_hint = false} : vector<10000x128xf32>, vector<128x32xf32>, vector<10000x32xf32> -> vector<10000x32xf32>
    %get3A_6 = arith.constant 0 : index
    %get3A_7 = arith.constant 0 : index
    %get3A_8 = vector.load %arg2[%get3A_6, %get3A_7] : memref<1x32xf32, #tpu.memory_space<vmem>>, vector<1x32xf32>
    %add3A = vector.broadcast %get3A_8 : vector<1x32xf32> to vector<10000x32xf32>
    %add3A_9 = arith.addf %dot_general3A_5, %add3A : vector<10000x32xf32>
    %max3A = arith.constant 0.000000e+00 : f32
    %max3A_10 = vector.broadcast %max3A : f32 to vector<10000x32xf32>
    %max3A_11 = arith.maximumf %add3A_9, %max3A_10 : vector<10000x32xf32>
    %swap3A = arith.constant 0 : index
    %swap3A_12 = arith.constant 0 : index
    %swap3A_13 = vector.load %arg3[%swap3A, %swap3A_12] : memref<10000x32xf32, #tpu.memory_space<vmem>>, vector<10000x32xf32>
    tpu.vector_store %arg3[%swap3A, %swap3A_12], %max3A_11 {strides = array<i32>} : memref<10000x32xf32, #tpu.memory_space<vmem>>, vector<10000x32xf32>,
    return
  }
}

module attributes {stable_mosaic.version = 14 : i64} {
  func.func @_edge_body(%arg0: i32, %arg1: memref<3200x16xf32, #tpu.memory_space<vmem>>, %arg2: memref<800x128xf32, #tpu.memory_space<vmem>>, %arg3: memref<16x128xf32, #tpu.memory_space<vmem>>, %arg4: memref<1x128xf32, #tpu.memory_space<vmem>>, %arg5: memref<128x1024xbf16, #tpu.memory_space<vmem>>, %arg6: memref<32x32xf32, #tpu.memory_space<vmem>>, %arg7: memref<32x1024xbf16, #tpu.memory_space<vmem>>, %arg8: memref<800x128xf32, #tpu.memory_space<vmem>>) attributes {dimension_semantics = [#tpu.dimension_semantics<arbitrary>], iteration_bounds = array<i64: 26>, scalar_prefetch = 0 : i64, scratch_operands = 0 : i64, tpu.core_type = #tpu.core_type<tc>, window_params = [{transform_indices = @transform_0, window_bounds = array<i64: 3200, 16>}, {transform_indices = @transform_1, window_bounds = array<i64: 800, 128>}, {pipeline_mode = #tpu.pipeline_mode<synchronous>, transform_indices = @transform_2, window_bounds = array<i64: 16, 128>}, {pipeline_mode = #tpu.pipeline_mode<synchronous>, transform_indices = @transform_3, window_bounds = array<i64: 1, 128>}, {pipeline_mode = #tpu.pipeline_mode<synchronous>, transform_indices = @transform_4, window_bounds = array<i64: 128, 1024>}, {pipeline_mode = #tpu.pipeline_mode<synchronous>, transform_indices = @transform_5, window_bounds = array<i64: 32, 32>}, {pipeline_mode = #tpu.pipeline_mode<synchronous>, transform_indices = @transform_6, window_bounds = array<i64: 32, 1024>}, {transform_indices = @transform_7, window_bounds = array<i64: 800, 128>}]} {
    %get3A = arith.constant 0 : index
    %get3A_0 = arith.constant 0 : index
    %get3A_1 = vector.load %arg2[%get3A, %get3A_0] : memref<800x128xf32, #tpu.memory_space<vmem>>, vector<800x128xf32>
    %slice3A = vector.extract_strided_slice %get3A_1 {offsets = [0, 0], sizes = [800, 32], strides = [1, 1]} : vector<800x128xf32> to vector<800x32xf32>
    %slice3A_2 = vector.extract_strided_slice %get3A_1 {offsets = [0, 32], sizes = [800, 32], strides = [1, 1]} : vector<800x128xf32> to vector<800x32xf32>
    %slice3A_3 = vector.extract_strided_slice %get3A_1 {offsets = [0, 64], sizes = [800, 32], strides = [1, 1]} : vector<800x128xf32> to vector<800x32xf32>
    %slice3A_4 = vector.extract_strided_slice %get3A_1 {offsets = [0, 96], sizes = [800, 32], strides = [1, 1]} : vector<800x128xf32> to vector<800x32xf32>
    %concatenate3A = tpu.concatenate %slice3A, %slice3A_2, %slice3A_3, %slice3A_4 in 0 : vector<800x32xf32>, vector<800x32xf32>, vector<800x32xf32>, vector<800x32xf32> -> vector<3200x32xf32>
    %get3A_5 = arith.constant 0 : index
    %get3A_6 = arith.constant 0 : index
    %get3A_7 = vector.load %arg1[%get3A_5, %get3A_6] : memref<3200x16xf32, #tpu.memory_space<vmem>>, vector<3200x16xf32>
    %get3A_8 = arith.constant 0 : index
    %get3A_9 = arith.constant 0 : index
    %get3A_10 = vector.load %arg3[%get3A_8, %get3A_9] : memref<16x128xf32, #tpu.memory_space<vmem>>, vector<16x128xf32>
    %dot_general3A = arith.constant dense<0.000000e+00> : vector<3200x128xf32>
    %dot_general3A_11 = tpu.matmul %get3A_7, %get3A_10, %dot_general3A {dimension_numbers = #tpu.dot_dimension_numbers<[1], [0], [0], [1], [0, 0, 1, 1], [], []>, transpose_lhs_hint = false} : vector<3200x16xf32>, vector<16x128xf32>, vector<3200x128xf32> -> vector<3200x128xf32>
    %get3A_12 = arith.constant 0 : index
    %get3A_13 = arith.constant 0 : index
    %get3A_14 = vector.load %arg4[%get3A_12, %get3A_13] : memref<1x128xf32, #tpu.memory_space<vmem>>, vector<1x128xf32>
    %add3A = vector.broadcast %get3A_14 : vector<1x128xf32> to vector<3200x128xf32>
    %add3A_15 = arith.addf %dot_general3A_11, %add3A : vector<3200x128xf32>
    %max3A = arith.constant 0.000000e+00 : f32
    %max3A_16 = vector.broadcast %max3A : f32 to vector<3200x128xf32>
    %max3A_17 = arith.maximumf %add3A_15, %max3A_16 : vector<3200x128xf32>
    %convert_element_type3A = arith.truncf %max3A_17 : vector<3200x128xf32> to vector<3200x128xbf16>
    %get3A_18 = arith.constant 0 : index
    %get3A_19 = arith.constant 0 : index
    %get3A_20 = vector.load %arg5[%get3A_18, %get3A_19] : memref<128x1024xbf16, #tpu.memory_space<vmem>>, vector<128x1024xbf16>
    %dot_general3A_21 = arith.constant dense<0.000000e+00> : vector<3200x1024xf32>
    %dot_general3A_22 = tpu.matmul %convert_element_type3A, %get3A_20, %dot_general3A_21 {dimension_numbers = #tpu.dot_dimension_numbers<[1], [0], [0], [1], [0, 0, 1, 1], [], []>, transpose_lhs_hint = false} : vector<3200x128xbf16>, vector<128x1024xbf16>, vector<3200x1024xf32> -> vector<3200x1024xf32>
    %convert_element_type3A_23 = arith.truncf %concatenate3A : vector<3200x32xf32> to vector<3200x32xbf16>
    %get3A_24 = arith.constant 0 : index
    %get3A_25 = arith.constant 0 : index
    %get3A_26 = vector.load %arg7[%get3A_24, %get3A_25] : memref<32x1024xbf16, #tpu.memory_space<vmem>>, vector<32x1024xbf16>
    %dot_general3A_27 = arith.constant dense<0.000000e+00> : vector<3200x1024xf32>
    %dot_general3A_28 = tpu.matmul %convert_element_type3A_23, %get3A_26, %dot_general3A_27 {dimension_numbers = #tpu.dot_dimension_numbers<[1], [0], [0], [1], [0, 0, 1, 1], [], []>, transpose_lhs_hint = false} : vector<3200x32xbf16>, vector<32x1024xbf16>, vector<3200x1024xf32> -> vector<3200x1024xf32>
    %mul3A = arith.mulf %dot_general3A_28, %dot_general3A_22 : vector<3200x1024xf32>
    %slice3A_29 = vector.extract_strided_slice %mul3A {offsets = [0, 0], sizes = [3200, 128], strides = [1, 1]} : vector<3200x1024xf32> to vector<3200x128xf32>
    %slice3A_30 = vector.extract_strided_slice %mul3A {offsets = [0, 128], sizes = [3200, 128], strides = [1, 1]} : vector<3200x1024xf32> to vector<3200x128xf32>
    %add3A_31 = arith.addf %slice3A_29, %slice3A_30 : vector<3200x128xf32>
    %slice3A_32 = vector.extract_strided_slice %mul3A {offsets = [0, 256], sizes = [3200, 128], strides = [1, 1]} : vector<3200x1024xf32> to vector<3200x128xf32>
    %add3A_33 = arith.addf %add3A_31, %slice3A_32 : vector<3200x128xf32>
    %slice3A_34 = vector.extract_strided_slice %mul3A {offsets = [0, 384], sizes = [3200, 128], strides = [1, 1]} : vector<3200x1024xf32> to vector<3200x128xf32>
    %add3A_35 = arith.addf %add3A_33, %slice3A_34 : vector<3200x128xf32>
    %slice3A_36 = vector.extract_strided_slice %mul3A {offsets = [0, 512], sizes = [3200, 128], strides = [1, 1]} : vector<3200x1024xf32> to vector<3200x128xf32>
    %add3A_37 = arith.addf %add3A_35, %slice3A_36 : vector<3200x128xf32>
    %slice3A_38 = vector.extract_strided_slice %mul3A {offsets = [0, 640], sizes = [3200, 128], strides = [1, 1]} : vector<3200x1024xf32> to vector<3200x128xf32>
    %add3A_39 = arith.addf %add3A_37, %slice3A_38 : vector<3200x128xf32>
    %slice3A_40 = vector.extract_strided_slice %mul3A {offsets = [0, 768], sizes = [3200, 128], strides = [1, 1]} : vector<3200x1024xf32> to vector<3200x128xf32>
    %add3A_41 = arith.addf %add3A_39, %slice3A_40 : vector<3200x128xf32>
    %slice3A_42 = vector.extract_strided_slice %mul3A {offsets = [0, 896], sizes = [3200, 128], strides = [1, 1]} : vector<3200x1024xf32> to vector<3200x128xf32>
    %add3A_43 = arith.addf %add3A_41, %slice3A_42 : vector<3200x128xf32>
    %slice3A_44 = vector.extract_strided_slice %add3A_43 {offsets = [0, 0], sizes = [3200, 64], strides = [1, 1]} : vector<3200x128xf32> to vector<3200x64xf32>
    %slice3A_45 = vector.extract_strided_slice %add3A_43 {offsets = [0, 64], sizes = [3200, 64], strides = [1, 1]} : vector<3200x128xf32> to vector<3200x64xf32>
    %add3A_46 = arith.addf %slice3A_44, %slice3A_45 : vector<3200x64xf32>
    %get3A_47 = arith.constant 0 : index
    %get3A_48 = arith.constant 0 : index
    %get3A_49 = vector.load %arg6[%get3A_47, %get3A_48] : memref<32x32xf32, #tpu.memory_space<vmem>>, vector<32x32xf32>
    %dot_general3A_50 = arith.constant dense<0.000000e+00> : vector<3200x32xf32>
    %dot_general3A_51 = tpu.matmul %concatenate3A, %get3A_49, %dot_general3A_50 {dimension_numbers = #tpu.dot_dimension_numbers<[1], [0], [0], [1], [0, 0, 1, 1], [], []>, transpose_lhs_hint = false} : vector<3200x32xf32>, vector<32x32xf32>, vector<3200x32xf32> -> vector<3200x32xf32>
    %slice3A_52 = vector.extract_strided_slice %add3A_46 {offsets = [0, 0], sizes = [3200, 32], strides = [1, 1]} : vector<3200x64xf32> to vector<3200x32xf32>
    %slice3A_53 = vector.extract_strided_slice %add3A_46 {offsets = [0, 32], sizes = [3200, 32], strides = [1, 1]} : vector<3200x64xf32> to vector<3200x32xf32>
    %add3A_54 = arith.addf %slice3A_52, %slice3A_53 : vector<3200x32xf32>
    %add3A_55 = arith.addf %add3A_54, %dot_general3A_51 : vector<3200x32xf32>
    %slice3A_56 = vector.extract_strided_slice %add3A_55 {offsets = [0, 0], sizes = [800, 32], strides = [1, 1]} : vector<3200x32xf32> to vector<800x32xf32>
    %slice3A_57 = vector.extract_strided_slice %add3A_55 {offsets = [800, 0], sizes = [800, 32], strides = [1, 1]} : vector<3200x32xf32> to vector<800x32xf32>
    %slice3A_58 = vector.extract_strided_slice %add3A_55 {offsets = [1600, 0], sizes = [800, 32], strides = [1, 1]} : vector<3200x32xf32> to vector<800x32xf32>
    %slice3A_59 = vector.extract_strided_slice %add3A_55 {offsets = [2400, 0], sizes = [800, 32], strides = [1, 1]} : vector<3200x32xf32> to vector<800x32xf32>
    %concatenate3A_60 = tpu.concatenate %slice3A_56, %slice3A_57, %slice3A_58, %slice3A_59 in 1 : vector<800x32xf32>, vector<800x32xf32>, vector<800x32xf32>, vector<800x32xf32> -> vector<800x128xf32>
    %swap3A = arith.constant 0 : index
    %swap3A_61 = arith.constant 0 : index
    %swap3A_62 = vector.load %arg8[%swap3A, %swap3A_61] : memref<800x128xf32, #tpu.memory_space<vmem>>, vector<800x128xf32>
    tpu.vector_store %arg8[%swap3A, %swap3A_61], %concatenate3A_60 {strides = array<i32>} : memref<800x128xf32, #tpu.memory_space<vmem>>, vector<800x128xf32>,
    return
  }
  func.func @transform_0(%arg0: i32) -> (i32, i32) {
    %add3A = arith.constant 0 : i32
    %add3A_0 = arith.addi %arg0, %add3A : i32
    %c0_i32 = arith.constant 0 : i32
    %c0_i32_1 = arith.constant 0 : i32
    return %add3A_0, %c0_i32 : i32, i32
  }
  func.func @transform_1(%arg0: i32) -> (i32, i32) {
    %c0_i32 = arith.constant 0 : i32
    %c0_i32_0 = arith.constant 0 : i32
    return %arg0, %c0_i32 : i32, i32
  }
  func.func @transform_2(%arg0: i32) -> (i32, i32) {
    %c0_i32 = arith.constant 0 : i32
    %c0_i32_0 = arith.constant 0 : i32
    %c0_i32_1 = arith.constant 0 : i32
    return %c0_i32, %c0_i32_0 : i32, i32
  }
  func.func @transform_3(%arg0: i32) -> (i32, i32) {
    %c0_i32 = arith.constant 0 : i32
    %c0_i32_0 = arith.constant 0 : i32
    %c0_i32_1 = arith.constant 0 : i32
    return %c0_i32, %c0_i32_0 : i32, i32
  }
  func.func @transform_4(%arg0: i32) -> (i32, i32) {
    %c0_i32 = arith.constant 0 : i32
    %c0_i32_0 = arith.constant 0 : i32
    %c0_i32_1 = arith.constant 0 : i32
    return %c0_i32, %c0_i32_0 : i32, i32
  }
  func.func @transform_5(%arg0: i32) -> (i32, i32) {
    %c0_i32 = arith.constant 0 : i32
    %c0_i32_0 = arith.constant 0 : i32
    %c0_i32_1 = arith.constant 0 : i32
    return %c0_i32, %c0_i32_0 : i32, i32
  }
  func.func @transform_6(%arg0: i32) -> (i32, i32) {
    %c0_i32 = arith.constant 0 : i32
    %c0_i32_0 = arith.constant 0 : i32
    %c0_i32_1 = arith.constant 0 : i32
    return %c0_i32, %c0_i32_0 : i32, i32
  }
  func.func @transform_7(%arg0: i32) -> (i32, i32) {
    %c0_i32 = arith.constant 0 : i32
    %c0_i32_0 = arith.constant 0 : i32
    return %arg0, %c0_i32 : i32, i32
  }
}

module attributes {stable_mosaic.version = 14 : i64} {
  func.func @_edge_body(%arg0: i32, %arg1: memref<3200x16xf32, #tpu.memory_space<vmem>>, %arg2: memref<800x128xf32, #tpu.memory_space<vmem>>, %arg3: memref<16x128xf32, #tpu.memory_space<vmem>>, %arg4: memref<1x128xf32, #tpu.memory_space<vmem>>, %arg5: memref<128x1024xbf16, #tpu.memory_space<vmem>>, %arg6: memref<32x32xf32, #tpu.memory_space<vmem>>, %arg7: memref<32x1024xbf16, #tpu.memory_space<vmem>>, %arg8: memref<800x128xf32, #tpu.memory_space<vmem>>) attributes {dimension_semantics = [#tpu.dimension_semantics<arbitrary>], iteration_bounds = array<i64: 24>, scalar_prefetch = 0 : i64, scratch_operands = 0 : i64, tpu.core_type = #tpu.core_type<tc>, window_params = [{transform_indices = @transform_0, window_bounds = array<i64: 3200, 16>}, {transform_indices = @transform_1, window_bounds = array<i64: 800, 128>}, {pipeline_mode = #tpu.pipeline_mode<synchronous>, transform_indices = @transform_2, window_bounds = array<i64: 16, 128>}, {pipeline_mode = #tpu.pipeline_mode<synchronous>, transform_indices = @transform_3, window_bounds = array<i64: 1, 128>}, {pipeline_mode = #tpu.pipeline_mode<synchronous>, transform_indices = @transform_4, window_bounds = array<i64: 128, 1024>}, {pipeline_mode = #tpu.pipeline_mode<synchronous>, transform_indices = @transform_5, window_bounds = array<i64: 32, 32>}, {pipeline_mode = #tpu.pipeline_mode<synchronous>, transform_indices = @transform_6, window_bounds = array<i64: 32, 1024>}, {transform_indices = @transform_7, window_bounds = array<i64: 800, 128>}]} {
    %get3A = arith.constant 0 : index
    %get3A_0 = arith.constant 0 : index
    %get3A_1 = vector.load %arg2[%get3A, %get3A_0] : memref<800x128xf32, #tpu.memory_space<vmem>>, vector<800x128xf32>
    %slice3A = vector.extract_strided_slice %get3A_1 {offsets = [0, 0], sizes = [800, 32], strides = [1, 1]} : vector<800x128xf32> to vector<800x32xf32>
    %slice3A_2 = vector.extract_strided_slice %get3A_1 {offsets = [0, 32], sizes = [800, 32], strides = [1, 1]} : vector<800x128xf32> to vector<800x32xf32>
    %slice3A_3 = vector.extract_strided_slice %get3A_1 {offsets = [0, 64], sizes = [800, 32], strides = [1, 1]} : vector<800x128xf32> to vector<800x32xf32>
    %slice3A_4 = vector.extract_strided_slice %get3A_1 {offsets = [0, 96], sizes = [800, 32], strides = [1, 1]} : vector<800x128xf32> to vector<800x32xf32>
    %concatenate3A = tpu.concatenate %slice3A, %slice3A_2, %slice3A_3, %slice3A_4 in 0 : vector<800x32xf32>, vector<800x32xf32>, vector<800x32xf32>, vector<800x32xf32> -> vector<3200x32xf32>
    %get3A_5 = arith.constant 0 : index
    %get3A_6 = arith.constant 0 : index
    %get3A_7 = vector.load %arg1[%get3A_5, %get3A_6] : memref<3200x16xf32, #tpu.memory_space<vmem>>, vector<3200x16xf32>
    %get3A_8 = arith.constant 0 : index
    %get3A_9 = arith.constant 0 : index
    %get3A_10 = vector.load %arg3[%get3A_8, %get3A_9] : memref<16x128xf32, #tpu.memory_space<vmem>>, vector<16x128xf32>
    %dot_general3A = arith.constant dense<0.000000e+00> : vector<3200x128xf32>
    %dot_general3A_11 = tpu.matmul %get3A_7, %get3A_10, %dot_general3A {dimension_numbers = #tpu.dot_dimension_numbers<[1], [0], [0], [1], [0, 0, 1, 1], [], []>, transpose_lhs_hint = false} : vector<3200x16xf32>, vector<16x128xf32>, vector<3200x128xf32> -> vector<3200x128xf32>
    %get3A_12 = arith.constant 0 : index
    %get3A_13 = arith.constant 0 : index
    %get3A_14 = vector.load %arg4[%get3A_12, %get3A_13] : memref<1x128xf32, #tpu.memory_space<vmem>>, vector<1x128xf32>
    %add3A = vector.broadcast %get3A_14 : vector<1x128xf32> to vector<3200x128xf32>
    %add3A_15 = arith.addf %dot_general3A_11, %add3A : vector<3200x128xf32>
    %max3A = arith.constant 0.000000e+00 : f32
    %max3A_16 = vector.broadcast %max3A : f32 to vector<3200x128xf32>
    %max3A_17 = arith.maximumf %add3A_15, %max3A_16 : vector<3200x128xf32>
    %convert_element_type3A = arith.truncf %max3A_17 : vector<3200x128xf32> to vector<3200x128xbf16>
    %get3A_18 = arith.constant 0 : index
    %get3A_19 = arith.constant 0 : index
    %get3A_20 = vector.load %arg5[%get3A_18, %get3A_19] : memref<128x1024xbf16, #tpu.memory_space<vmem>>, vector<128x1024xbf16>
    %dot_general3A_21 = arith.constant dense<0.000000e+00> : vector<3200x1024xf32>
    %dot_general3A_22 = tpu.matmul %convert_element_type3A, %get3A_20, %dot_general3A_21 {dimension_numbers = #tpu.dot_dimension_numbers<[1], [0], [0], [1], [0, 0, 1, 1], [], []>, transpose_lhs_hint = false} : vector<3200x128xbf16>, vector<128x1024xbf16>, vector<3200x1024xf32> -> vector<3200x1024xf32>
    %convert_element_type3A_23 = arith.truncf %concatenate3A : vector<3200x32xf32> to vector<3200x32xbf16>
    %get3A_24 = arith.constant 0 : index
    %get3A_25 = arith.constant 0 : index
    %get3A_26 = vector.load %arg7[%get3A_24, %get3A_25] : memref<32x1024xbf16, #tpu.memory_space<vmem>>, vector<32x1024xbf16>
    %dot_general3A_27 = arith.constant dense<0.000000e+00> : vector<3200x1024xf32>
    %dot_general3A_28 = tpu.matmul %convert_element_type3A_23, %get3A_26, %dot_general3A_27 {dimension_numbers = #tpu.dot_dimension_numbers<[1], [0], [0], [1], [0, 0, 1, 1], [], []>, transpose_lhs_hint = false} : vector<3200x32xbf16>, vector<32x1024xbf16>, vector<3200x1024xf32> -> vector<3200x1024xf32>
    %mul3A = arith.mulf %dot_general3A_28, %dot_general3A_22 : vector<3200x1024xf32>
    %slice3A_29 = vector.extract_strided_slice %mul3A {offsets = [0, 0], sizes = [3200, 128], strides = [1, 1]} : vector<3200x1024xf32> to vector<3200x128xf32>
    %slice3A_30 = vector.extract_strided_slice %mul3A {offsets = [0, 128], sizes = [3200, 128], strides = [1, 1]} : vector<3200x1024xf32> to vector<3200x128xf32>
    %add3A_31 = arith.addf %slice3A_29, %slice3A_30 : vector<3200x128xf32>
    %slice3A_32 = vector.extract_strided_slice %mul3A {offsets = [0, 256], sizes = [3200, 128], strides = [1, 1]} : vector<3200x1024xf32> to vector<3200x128xf32>
    %add3A_33 = arith.addf %add3A_31, %slice3A_32 : vector<3200x128xf32>
    %slice3A_34 = vector.extract_strided_slice %mul3A {offsets = [0, 384], sizes = [3200, 128], strides = [1, 1]} : vector<3200x1024xf32> to vector<3200x128xf32>
    %add3A_35 = arith.addf %add3A_33, %slice3A_34 : vector<3200x128xf32>
    %slice3A_36 = vector.extract_strided_slice %mul3A {offsets = [0, 512], sizes = [3200, 128], strides = [1, 1]} : vector<3200x1024xf32> to vector<3200x128xf32>
    %add3A_37 = arith.addf %add3A_35, %slice3A_36 : vector<3200x128xf32>
    %slice3A_38 = vector.extract_strided_slice %mul3A {offsets = [0, 640], sizes = [3200, 128], strides = [1, 1]} : vector<3200x1024xf32> to vector<3200x128xf32>
    %add3A_39 = arith.addf %add3A_37, %slice3A_38 : vector<3200x128xf32>
    %slice3A_40 = vector.extract_strided_slice %mul3A {offsets = [0, 768], sizes = [3200, 128], strides = [1, 1]} : vector<3200x1024xf32> to vector<3200x128xf32>
    %add3A_41 = arith.addf %add3A_39, %slice3A_40 : vector<3200x128xf32>
    %slice3A_42 = vector.extract_strided_slice %mul3A {offsets = [0, 896], sizes = [3200, 128], strides = [1, 1]} : vector<3200x1024xf32> to vector<3200x128xf32>
    %add3A_43 = arith.addf %add3A_41, %slice3A_42 : vector<3200x128xf32>
    %slice3A_44 = vector.extract_strided_slice %add3A_43 {offsets = [0, 0], sizes = [3200, 64], strides = [1, 1]} : vector<3200x128xf32> to vector<3200x64xf32>
    %slice3A_45 = vector.extract_strided_slice %add3A_43 {offsets = [0, 64], sizes = [3200, 64], strides = [1, 1]} : vector<3200x128xf32> to vector<3200x64xf32>
    %add3A_46 = arith.addf %slice3A_44, %slice3A_45 : vector<3200x64xf32>
    %get3A_47 = arith.constant 0 : index
    %get3A_48 = arith.constant 0 : index
    %get3A_49 = vector.load %arg6[%get3A_47, %get3A_48] : memref<32x32xf32, #tpu.memory_space<vmem>>, vector<32x32xf32>
    %dot_general3A_50 = arith.constant dense<0.000000e+00> : vector<3200x32xf32>
    %dot_general3A_51 = tpu.matmul %concatenate3A, %get3A_49, %dot_general3A_50 {dimension_numbers = #tpu.dot_dimension_numbers<[1], [0], [0], [1], [0, 0, 1, 1], [], []>, transpose_lhs_hint = false} : vector<3200x32xf32>, vector<32x32xf32>, vector<3200x32xf32> -> vector<3200x32xf32>
    %slice3A_52 = vector.extract_strided_slice %add3A_46 {offsets = [0, 0], sizes = [3200, 32], strides = [1, 1]} : vector<3200x64xf32> to vector<3200x32xf32>
    %slice3A_53 = vector.extract_strided_slice %add3A_46 {offsets = [0, 32], sizes = [3200, 32], strides = [1, 1]} : vector<3200x64xf32> to vector<3200x32xf32>
    %add3A_54 = arith.addf %slice3A_52, %slice3A_53 : vector<3200x32xf32>
    %add3A_55 = arith.addf %add3A_54, %dot_general3A_51 : vector<3200x32xf32>
    %slice3A_56 = vector.extract_strided_slice %add3A_55 {offsets = [0, 0], sizes = [800, 32], strides = [1, 1]} : vector<3200x32xf32> to vector<800x32xf32>
    %slice3A_57 = vector.extract_strided_slice %add3A_55 {offsets = [800, 0], sizes = [800, 32], strides = [1, 1]} : vector<3200x32xf32> to vector<800x32xf32>
    %slice3A_58 = vector.extract_strided_slice %add3A_55 {offsets = [1600, 0], sizes = [800, 32], strides = [1, 1]} : vector<3200x32xf32> to vector<800x32xf32>
    %slice3A_59 = vector.extract_strided_slice %add3A_55 {offsets = [2400, 0], sizes = [800, 32], strides = [1, 1]} : vector<3200x32xf32> to vector<800x32xf32>
    %concatenate3A_60 = tpu.concatenate %slice3A_56, %slice3A_57, %slice3A_58, %slice3A_59 in 1 : vector<800x32xf32>, vector<800x32xf32>, vector<800x32xf32>, vector<800x32xf32> -> vector<800x128xf32>
    %swap3A = arith.constant 0 : index
    %swap3A_61 = arith.constant 0 : index
    %swap3A_62 = vector.load %arg8[%swap3A, %swap3A_61] : memref<800x128xf32, #tpu.memory_space<vmem>>, vector<800x128xf32>
    tpu.vector_store %arg8[%swap3A, %swap3A_61], %concatenate3A_60 {strides = array<i32>} : memref<800x128xf32, #tpu.memory_space<vmem>>, vector<800x128xf32>,
    return
  }
  func.func @transform_0(%arg0: i32) -> (i32, i32) {
    %add3A = arith.constant 26 : i32
    %add3A_0 = arith.addi %arg0, %add3A : i32
    %c0_i32 = arith.constant 0 : i32
    %c0_i32_1 = arith.constant 0 : i32
    return %add3A_0, %c0_i32 : i32, i32
  }
  func.func @transform_1(%arg0: i32) -> (i32, i32) {
    %c0_i32 = arith.constant 0 : i32
    %c0_i32_0 = arith.constant 0 : i32
    return %arg0, %c0_i32 : i32, i32
  }
  func.func @transform_2(%arg0: i32) -> (i32, i32) {
    %c0_i32 = arith.constant 0 : i32
    %c0_i32_0 = arith.constant 0 : i32
    %c0_i32_1 = arith.constant 0 : i32
    return %c0_i32, %c0_i32_0 : i32, i32
  }
  func.func @transform_3(%arg0: i32) -> (i32, i32) {
    %c0_i32 = arith.constant 0 : i32
    %c0_i32_0 = arith.constant 0 : i32
    %c0_i32_1 = arith.constant 0 : i32
    return %c0_i32, %c0_i32_0 : i32, i32
  }
  func.func @transform_4(%arg0: i32) -> (i32, i32) {
    %c0_i32 = arith.constant 0 : i32
    %c0_i32_0 = arith.constant 0 : i32
    %c0_i32_1 = arith.constant 0 : i32
    return %c0_i32, %c0_i32_0 : i32, i32
  }
  func.func @transform_5(%arg0: i32) -> (i32, i32) {
    %c0_i32 = arith.constant 0 : i32
    %c0_i32_0 = arith.constant 0 : i32
    %c0_i32_1 = arith.constant 0 : i32
    return %c0_i32, %c0_i32_0 : i32, i32
  }
  func.func @transform_6(%arg0: i32) -> (i32, i32) {
    %c0_i32 = arith.constant 0 : i32
    %c0_i32_0 = arith.constant 0 : i32
    %c0_i32_1 = arith.constant 0 : i32
    return %c0_i32, %c0_i32_0 : i32, i32
  }
  func.func @transform_7(%arg0: i32) -> (i32, i32) {
    %c0_i32 = arith.constant 0 : i32
    %c0_i32_0 = arith.constant 0 : i32
    return %arg0, %c0_i32 : i32, i32
  }
}

module attributes {stable_mosaic.version = 14 : i64} {
  func.func @_node_body(%arg0: memref<10000x32xf32, #tpu.memory_space<vmem>>, %arg1: memref<10000x32xf32, #tpu.memory_space<vmem>>, %arg2: memref<10000x32xf32, #tpu.memory_space<vmem>>, %arg3: memref<10000x32xf32, #tpu.memory_space<vmem>>, %arg4: memref<10000x32xf32, #tpu.memory_space<vmem>>, %arg5: memref<10000x32xf32, #tpu.memory_space<vmem>>, %arg6: memref<32x32xf32, #tpu.memory_space<vmem>>, %arg7: memref<1x32xf32, #tpu.memory_space<vmem>>, %arg8: memref<1x32xf32, #tpu.memory_space<vmem>>, %arg9: memref<10000x32xf32, #tpu.memory_space<vmem>>) attributes {dimension_semantics = [], scalar_prefetch = 0 : i64, scratch_operands = 0 : i64, tpu.core_type = #tpu.core_type<tc>} {
    %get3A = arith.constant 0 : index
    %get3A_0 = arith.constant 0 : index
    %get3A_1 = vector.load %arg0[%get3A, %get3A_0] : memref<10000x32xf32, #tpu.memory_space<vmem>>, vector<10000x32xf32>
    %get3A_2 = arith.constant 0 : index
    %get3A_3 = arith.constant 0 : index
    %get3A_4 = vector.load %arg1[%get3A_2, %get3A_3] : memref<10000x32xf32, #tpu.memory_space<vmem>>, vector<10000x32xf32>
    %add3A = arith.addf %get3A_1, %get3A_4 : vector<10000x32xf32>
    %get3A_5 = arith.constant 0 : index
    %get3A_6 = arith.constant 0 : index
    %get3A_7 = vector.load %arg2[%get3A_5, %get3A_6] : memref<10000x32xf32, #tpu.memory_space<vmem>>, vector<10000x32xf32>
    %get3A_8 = arith.constant 0 : index
    %get3A_9 = arith.constant 0 : index
    %get3A_10 = vector.load %arg3[%get3A_8, %get3A_9] : memref<10000x32xf32, #tpu.memory_space<vmem>>, vector<10000x32xf32>
    %add3A_11 = arith.addf %get3A_7, %get3A_10 : vector<10000x32xf32>
    %add3A_12 = arith.addf %add3A, %add3A_11 : vector<10000x32xf32>
    %get3A_13 = arith.constant 0 : index
    %get3A_14 = arith.constant 0 : index
    %get3A_15 = vector.load %arg4[%get3A_13, %get3A_14] : memref<10000x32xf32, #tpu.memory_space<vmem>>, vector<10000x32xf32>
    %add3A_16 = arith.addf %add3A_12, %get3A_15 : vector<10000x32xf32>
    %get3A_17 = arith.constant 0 : index
    %get3A_18 = arith.constant 0 : index
    %get3A_19 = vector.load %arg8[%get3A_17, %get3A_18] : memref<1x32xf32, #tpu.memory_space<vmem>>, vector<1x32xf32>
    %add3A_20 = vector.broadcast %get3A_19 : vector<1x32xf32> to vector<10000x32xf32>
    %add3A_21 = arith.addf %add3A_16, %add3A_20 : vector<10000x32xf32>
    %mul3A = arith.constant 1.000000e-01 : f32
    %mul3A_22 = vector.broadcast %mul3A : f32 to vector<10000x32xf32>
    %mul3A_23 = arith.mulf %mul3A_22, %add3A_21 : vector<10000x32xf32>
    %get3A_24 = arith.constant 0 : index
    %get3A_25 = arith.constant 0 : index
    %get3A_26 = vector.load %arg5[%get3A_24, %get3A_25] : memref<10000x32xf32, #tpu.memory_space<vmem>>, vector<10000x32xf32>
    %mul3A_27 = arith.constant 0.899999976 : f32
    %mul3A_28 = vector.broadcast %mul3A_27 : f32 to vector<10000x32xf32>
    %mul3A_29 = arith.mulf %mul3A_28, %get3A_26 : vector<10000x32xf32>
    %add3A_30 = arith.addf %mul3A_23, %mul3A_29 : vector<10000x32xf32>
    %get3A_31 = arith.constant 0 : index
    %get3A_32 = arith.constant 0 : index
    %get3A_33 = vector.load %arg6[%get3A_31, %get3A_32] : memref<32x32xf32, #tpu.memory_space<vmem>>, vector<32x32xf32>
    %dot_general3A = arith.constant dense<0.000000e+00> : vector<10000x32xf32>
    %dot_general3A_34 = tpu.matmul %add3A_30, %get3A_33, %dot_general3A {dimension_numbers = #tpu.dot_dimension_numbers<[1], [0], [0], [1], [0, 0, 1, 1], [], []>, transpose_lhs_hint = false} : vector<10000x32xf32>, vector<32x32xf32>, vector<10000x32xf32> -> vector<10000x32xf32>
    %get3A_35 = arith.constant 0 : index
    %get3A_36 = arith.constant 0 : index
    %get3A_37 = vector.load %arg7[%get3A_35, %get3A_36] : memref<1x32xf32, #tpu.memory_space<vmem>>, vector<1x32xf32>
    %add3A_38 = vector.broadcast %get3A_37 : vector<1x32xf32> to vector<10000x32xf32>
    %add3A_39 = arith.addf %dot_general3A_34, %add3A_38 : vector<10000x32xf32>
    %mul3A_40 = arith.constant 5.000000e-01 : f32
    %mul3A_41 = vector.broadcast %mul3A_40 : f32 to vector<10000x32xf32>
    %mul3A_42 = arith.mulf %mul3A_41, %add3A_39 : vector<10000x32xf32>
    %mul3A_43 = arith.constant 5.000000e-01 : f32
    %mul3A_44 = vector.broadcast %mul3A_43 : f32 to vector<10000x32xf32>
    %mul3A_45 = arith.mulf %mul3A_44, %add3A_30 : vector<10000x32xf32>
    %add3A_46 = arith.addf %mul3A_42, %mul3A_45 : vector<10000x32xf32>
    %max3A = arith.constant 0.000000e+00 : f32
    %max3A_47 = vector.broadcast %max3A : f32 to vector<10000x32xf32>
    %max3A_48 = arith.maximumf %add3A_46, %max3A_47 : vector<10000x32xf32>
    %swap3A = arith.constant 0 : index
    %swap3A_49 = arith.constant 0 : index
    %swap3A_50 = vector.load %arg9[%swap3A, %swap3A_49] : memref<10000x32xf32, #tpu.memory_space<vmem>>, vector<10000x32xf32>
    tpu.vector_store %arg9[%swap3A, %swap3A_49], %max3A_48 {strides = array<i32>} : memref<10000x32xf32, #tpu.memory_space<vmem>>, vector<10000x32xf32>,
    return
  }
}

module attributes {stable_mosaic.version = 14 : i64} {
  func.func @_bn_body(%arg0: memref<10000x32xf32, #tpu.memory_space<vmem>>, %arg1: memref<1x32xf32, #tpu.memory_space<vmem>>, %arg2: memref<1x32xf32, #tpu.memory_space<vmem>>, %arg3: memref<32x2xf32, #tpu.memory_space<vmem>>, %arg4: memref<1x2xf32, #tpu.memory_space<vmem>>, %arg5: memref<32x2xf32, #tpu.memory_space<vmem>>, %arg6: memref<1x2xf32, #tpu.memory_space<vmem>>, %arg7: memref<10000x2xf32, #tpu.memory_space<vmem>>, %arg8: memref<10000x2xf32, #tpu.memory_space<vmem>>) attributes {dimension_semantics = [], scalar_prefetch = 0 : i64, scratch_operands = 0 : i64, tpu.core_type = #tpu.core_type<tc>} {
    %get3A = arith.constant 0 : index
    %get3A_0 = arith.constant 0 : index
    %get3A_1 = vector.load %arg0[%get3A, %get3A_0] : memref<10000x32xf32, #tpu.memory_space<vmem>>, vector<10000x32xf32>
    %reduce_sum3A = arith.constant dense<0.000000e+00> : vector<32xf32>
    %reduce_sum3A_2 = vector.multi_reduction <add>, %get3A_1, %reduce_sum3A [0] : vector<10000x32xf32> to vector<32xf32>
    %broadcast_in_dim3A = vector.shape_cast %reduce_sum3A_2 : vector<32xf32> to vector<1x32xf32>
    %div3A = arith.constant 1.000000e+04 : f32
    %div3A_3 = vector.broadcast %div3A : f32 to vector<1x32xf32>
    %div3A_4 = arith.divf %broadcast_in_dim3A, %div3A_3 : vector<1x32xf32>
    %sub3A = vector.broadcast %div3A_4 : vector<1x32xf32> to vector<10000x32xf32>
    %sub3A_5 = arith.subf %get3A_1, %sub3A : vector<10000x32xf32>
    %mul3A = arith.mulf %sub3A_5, %sub3A_5 : vector<10000x32xf32>
    %reduce_sum3A_6 = arith.constant dense<0.000000e+00> : vector<32xf32>
    %reduce_sum3A_7 = vector.multi_reduction <add>, %mul3A, %reduce_sum3A_6 [0] : vector<10000x32xf32> to vector<32xf32>
    %broadcast_in_dim3A_8 = vector.shape_cast %reduce_sum3A_7 : vector<32xf32> to vector<1x32xf32>
    %div3A_9 = arith.constant 1.000000e+04 : f32
    %div3A_10 = vector.broadcast %div3A_9 : f32 to vector<1x32xf32>
    %div3A_11 = arith.divf %broadcast_in_dim3A_8, %div3A_10 : vector<1x32xf32>
    %get3A_12 = arith.constant 0 : index
    %get3A_13 = arith.constant 0 : index
    %get3A_14 = vector.load %arg1[%get3A_12, %get3A_13] : memref<1x32xf32, #tpu.memory_space<vmem>>, vector<1x32xf32>
    %add3A = arith.constant 9.99999974E-6 : f32
    %add3A_15 = vector.broadcast %add3A : f32 to vector<1x32xf32>
    %add3A_16 = arith.addf %div3A_11, %add3A_15 : vector<1x32xf32>
    %rsqrt3A = math.rsqrt %add3A_16 : vector<1x32xf32>
    %mul3A_17 = arith.mulf %get3A_14, %rsqrt3A : vector<1x32xf32>
    %mul3A_18 = vector.broadcast %mul3A_17 : vector<1x32xf32> to vector<10000x32xf32>
    %mul3A_19 = arith.mulf %sub3A_5, %mul3A_18 : vector<10000x32xf32>
    %get3A_20 = arith.constant 0 : index
    %get3A_21 = arith.constant 0 : index
    %get3A_22 = vector.load %arg2[%get3A_20, %get3A_21] : memref<1x32xf32, #tpu.memory_space<vmem>>, vector<1x32xf32>
    %add3A_23 = vector.broadcast %get3A_22 : vector<1x32xf32> to vector<10000x32xf32>
    %add3A_24 = arith.addf %mul3A_19, %add3A_23 : vector<10000x32xf32>
    %get3A_25 = arith.constant 0 : index
    %get3A_26 = arith.constant 0 : index
    %get3A_27 = vector.load %arg3[%get3A_25, %get3A_26] : memref<32x2xf32, #tpu.memory_space<vmem>>, vector<32x2xf32>
    %dot_general3A = arith.constant dense<0.000000e+00> : vector<10000x2xf32>
    %dot_general3A_28 = tpu.matmul %add3A_24, %get3A_27, %dot_general3A {dimension_numbers = #tpu.dot_dimension_numbers<[1], [0], [0], [1], [0, 0, 1, 1], [], []>, transpose_lhs_hint = false} : vector<10000x32xf32>, vector<32x2xf32>, vector<10000x2xf32> -> vector<10000x2xf32>
    %get3A_29 = arith.constant 0 : index
    %get3A_30 = arith.constant 0 : index
    %get3A_31 = vector.load %arg4[%get3A_29, %get3A_30] : memref<1x2xf32, #tpu.memory_space<vmem>>, vector<1x2xf32>
    %add3A_32 = vector.broadcast %get3A_31 : vector<1x2xf32> to vector<10000x2xf32>
    %add3A_33 = arith.addf %dot_general3A_28, %add3A_32 : vector<10000x2xf32>
    %logistic3A = arith.negf %add3A_33 : vector<10000x2xf32>
    %logistic3A_34 = math.exp %logistic3A : vector<10000x2xf32>
    %logistic3A_35 = arith.constant 1.000000e+00 : f32
    %logistic3A_36 = vector.broadcast %logistic3A_35 : f32 to vector<10000x2xf32>
    %logistic3A_37 = arith.addf %logistic3A_36, %logistic3A_34 : vector<10000x2xf32>
    %logistic3A_38 = arith.divf %logistic3A_36, %logistic3A_37 : vector<10000x2xf32>
    %swap3A = arith.constant 0 : index
    %swap3A_39 = arith.constant 0 : index
    %swap3A_40 = vector.load %arg7[%swap3A, %swap3A_39] : memref<10000x2xf32, #tpu.memory_space<vmem>>, vector<10000x2xf32>
    tpu.vector_store %arg7[%swap3A, %swap3A_39], %logistic3A_38 {strides = array<i32>} : memref<10000x2xf32, #tpu.memory_space<vmem>>, vector<10000x2xf32>,
    %get3A_41 = arith.constant 0 : index
    %get3A_42 = arith.constant 0 : index
    %get3A_43 = vector.load %arg5[%get3A_41, %get3A_42] : memref<32x2xf32, #tpu.memory_space<vmem>>, vector<32x2xf32>
    %dot_general3A_44 = arith.constant dense<0.000000e+00> : vector<10000x2xf32>
    %dot_general3A_45 = tpu.matmul %add3A_24, %get3A_43, %dot_general3A_44 {dimension_numbers = #tpu.dot_dimension_numbers<[1], [0], [0], [1], [0, 0, 1, 1], [], []>, transpose_lhs_hint = false} : vector<10000x32xf32>, vector<32x2xf32>, vector<10000x2xf32> -> vector<10000x2xf32>
    %get3A_46 = arith.constant 0 : index
    %get3A_47 = arith.constant 0 : index
    %get3A_48 = vector.load %arg6[%get3A_46, %get3A_47] : memref<1x2xf32, #tpu.memory_space<vmem>>, vector<1x2xf32>
    %add3A_49 = vector.broadcast %get3A_48 : vector<1x2xf32> to vector<10000x2xf32>
    %add3A_50 = arith.addf %dot_general3A_45, %add3A_49 : vector<10000x2xf32>
    %logistic3A_51 = arith.negf %add3A_50 : vector<10000x2xf32>
    %logistic3A_52 = math.exp %logistic3A_51 : vector<10000x2xf32>
    %logistic3A_53 = arith.constant 1.000000e+00 : f32
    %logistic3A_54 = vector.broadcast %logistic3A_53 : f32 to vector<10000x2xf32>
    %logistic3A_55 = arith.addf %logistic3A_54, %logistic3A_52 : vector<10000x2xf32>
    %logistic3A_56 = arith.divf %logistic3A_54, %logistic3A_55 : vector<10000x2xf32>
    %swap3A_57 = arith.constant 0 : index
    %swap3A_58 = arith.constant 0 : index
    %swap3A_59 = vector.load %arg8[%swap3A_57, %swap3A_58] : memref<10000x2xf32, #tpu.memory_space<vmem>>, vector<10000x2xf32>
    tpu.vector_store %arg8[%swap3A_57, %swap3A_58], %logistic3A_56 {strides = array<i32>} : memref<10000x2xf32, #tpu.memory_space<vmem>>, vector<10000x2xf32>,
    return
  }
}

</mosaic_0001>

<sc_bundles>
// kernel: gather_offload_async_start.1
scs
__scs_entry_jumppad:
0x0: {  	(pc) =	sbr.rel $0x88, $3  }
0x1: {  	(tag) =	ssettag $0x0;
	lr =	simm.s32 $0x1  }
0x2: {  	[smem:$0x3F8F] =	sst lr;
	_ =	strace $0xD0000000  }
0x3: {  	_ = 	snop  }
0x4: {  	_ = 	snop  }
0x5: {  	_ = 	snop  }
0x6: {  	_ = 	snop  }
0x7: {  	_ = 	snop  }
__scs_overlays_trampoline_lowered:
0x8: {  	[smem:$0x3F9E] =	sst s0  }
0x9: {  	[smem:$0x3F9F] =	sst s1  }
0xa: {  	[smem:$0x3FA0] =	sst s2  }
0xb: {  	[smem:$0x3FA1] =	sst s3  }
0xc: {  	[smem:$0x3FA2] =	sst s4  }
0xd: {  	[smem:$0x3FA3] =	sst s5  }
0xe: {  	[smem:$0x3FA4] =	sst s6  }
0xf: {  	[smem:$0x3FA5] =	sst s7  }
0x10: {  	[smem:$0x3FA6] =	sst s8  }
0x11: {  	[smem:$0x3FA7] =	sst s9;
	s0 =	simm.s32 @!p0 $0x0  }
0x12: {  	s1 =	sld [smem:$0x3F8D];
	s0 =	simm.s32 @p0 $0x1  }
0x13: {  	[smem:$0x3FA8] =	sst s0;
	s0 =	simm.s32 @!p1 $0x0  }
0x14: {  	s2 =	sld [smem:$0x3F8C];
	s0 =	simm.s32 @p1 $0x1  }
0x15: {  	[smem:$0x3FA9] =	sst s0;
	s0 =	simm.s32 @!p2 $0x0  }
0x16: {  	s3 =	sld [smem:$0x3FDB];
	s0 =	simm.s32 @p2 $0x1  }
0x17: {  	s4 =	simm.s32 $0x1BF5;
	[smem:$0x3FAB] =	sst s0  }
0x18: {  	s0 =	sld [smem:$0x3F8E];
	_ =	swait.ge [sflag:s4], $0x0  }
0x19: {  	s7 =	sld [smem:$0x3F8F]  }
0x1a: {  	s8 =	sadd.s32 $0xFFFFE003, lr  }
0x1b: {  	s9 =	sadd.s32 $0xFFFFFEF7, lr;
	s5 =	simm.s32 $0xFFFFFFFF;
	p2 =	slt.u32 s8, $0xFFFFF086  }
0x1c: {  	p1 =	slt.u32 s9, $0xF7A;
	s5 =	simm.s32 @!p2 $0x0  }
0x1d: {  	s5 =	simm.s32 @p1 $0x1;
	p0 =	seq.s32 s7, s2  }
0x1e: {  	s7 =	smul.u32 @!p0 $0xF7A, s2;
	p2 =	seq.s32 @!p0 s5, $0x0  }
0x1f: {  	s9 =	smul.u32 $0xF7A, s1;
	s8 =	simm.s32 @!p0 $0x1BF5;
	p2 =	por !p2, p0  }
0x20: {  	[sflag:s8] =	ssyncset.s32 @!p0 $0xFFFFF086;
	s6 =	sadd.s32 @!p0 s3, s7;
	s7 =	simm.s32 @!p0 $0x108  }
0x21: {  	s3 =	sadd.s32 s3, s9;
	s6 =	sadd.s32 @!p0 $0x88, s6;
	s7 =	simm.s32 @p2 $0x1082  }
0x22: {  	[simem:s7], [sflag:s8] =	dma.local @!p0 [hbm:s6], $0xF7A  }
0x23: {  	s9 =	sor.u32 $0xD0000000, s2;
	s6 =	simm.s32 $0x108;
	_ =	swait.ge @!p0 [sflag:s8], $0x0  }
0x24: {  	s3 =	sadd.s32 $0x88, s3;
	s6 =	simm.s32 @!p1 $0x1082;
	[sflag:s4] =	ssyncset.s32 $0xFFFFF086  }
0x25: {  	[simem:s6], [sflag:s4] =	dma.local [hbm:s3], $0xF7A  }
0x26: {  	[smem:$0x3F8F] =	sst s1;
	(tag) =	ssettag s2;
	_ =	strace s9  }
0x27: {  	s1 =	sld [smem:$0x3F9F]  }
0x28: {  	s2 =	sld [smem:$0x3FA0]  }
0x29: {  	s4 =	sld [smem:$0x3FA2]  }
0x2a: {  	p0 =	seq.s32 s5, $0x0;
	s5 =	sld [smem:$0x3FA3]  }
0x2b: {  	s6 =	sld [smem:$0x3FA4]  }
0x2c: {  	s7 =	sld [smem:$0x3FA5]  }
0x2d: {  	s3 =	simm.s32 $0x108;
	s8 =	sld [smem:$0x3FA6]  }
0x2e: {  	s3 =	simm.s32 @!p0 $0x1082;
	s9 =	sld [smem:$0x3FA7]  }
0x2f: {  	lr =	sadd.s32 s0, s3;
	s0 =	sld [smem:$0x3F9E]  }
0x30: {  	s3 =	sld [smem:$0x3FA1]  }
0x31: {  	[smem:$0x3FAA] =	sst s10  }
0x32: {  	s10 =	sld [smem:$0x3FA8];
	_ =	sdelay $0x3  }
0x33: {  	p0 =	seq.s32 s10, $0x1;
	s10 =	sld [smem:$0x3FAA];
	_ =	sdelay $0x3  }
0x34: {  	[smem:$0x3FAA] =	sst s10  }
0x35: {  	s10 =	sld [smem:$0x3FA9];
	_ =	sdelay $0x3  }
0x36: {  	p1 =	seq.s32 s10, $0x1;
	s10 =	sld [smem:$0x3FAA];
	_ =	sdelay $0x3  }
0x37: {  	[smem:$0x3FAA] =	sst s10  }
0x38: {  	s10 =	sld [smem:$0x3FAB]  }
0x39: {  	_ = 	snop;
	(pc) =	sbr.ind lr, $3  }
0x3a: {  	_ = 	snop  }
0x3b: {  	_ = 	snop  }
0x3c: {  	p2 =	seq.s32 s10, $0x1;
	s10 =	sld [smem:$0x3FAA]  }
0x3d: {  	_ =	shalt  }
0x3e: {  	_ =	shalt  }
0x3f: {  	_ =	shalt  }
0x40: {  	_ =	shalt  }
0x41: {  	_ =	shalt  }
0x42: {  	_ =	shalt  }
0x43: {  	_ =	shalt  }
0x44: {  	_ =	shalt  }
0x45: {  	_ =	shalt  }
0x46: {  	_ =	shalt  }
0x47: {  	_ =	shalt  }
0x48: {  	_ =	shalt  }
0x49: {  	_ =	shalt  }
0x4a: {  	_ =	shalt  }
0x4b: {  	_ =	shalt  }
0x4c: {  	_ =	shalt  }
0x4d: {  	_ =	shalt  }
0x4e: {  	_ =	shalt  }
0x4f: {  	_ =	shalt  }
0x50: {  	_ =	shalt  }
0x51: {  	_ =	shalt  }
0x52: {  	_ =	shalt  }
0x53: {  	_ =	shalt  }
0x54: {  	_ =	shalt  }
0x55: {  	_ =	shalt  }
0x56: {  	_ =	shalt  }
0x57: {  	_ =	shalt  }
0x58: {  	_ =	shalt  }
0x59: {  	_ =	shalt  }
0x5a: {  	_ =	shalt  }
0x5b: {  	_ =	shalt  }
0x5c: {  	_ =	shalt  }
0x5d: {  	_ =	shalt  }
0x5e: {  	_ =	shalt  }
0x5f: {  	_ =	shalt  }
0x60: {  	_ =	shalt  }
0x61: {  	_ =	shalt  }
0x62: {  	_ =	shalt  }
0x63: {  	_ =	shalt  }
0x64: {  	_ =	shalt  }
0x65: {  	_ =	shalt  }
0x66: {  	_ =	shalt  }
0x67: {  	_ =	shalt  }
0x68: {  	_ =	shalt  }
0x69: {  	_ =	shalt  }
0x6a: {  	_ =	shalt  }
0x6b: {  	_ =	shalt  }
0x6c: {  	_ =	shalt  }
0x6d: {  	_ =	shalt  }
0x6e: {  	_ =	shalt  }
0x6f: {  	_ =	shalt  }
0x70: {  	_ =	shalt  }
0x71: {  	_ =	shalt  }
0x72: {  	_ =	shalt  }
0x73: {  	_ =	shalt  }
0x74: {  	_ =	shalt  }
0x75: {  	_ =	shalt  }
0x76: {  	_ =	shalt  }
0x77: {  	_ =	shalt  }
0x78: {  	_ =	shalt  }
0x79: {  	_ =	shalt  }
0x7a: {  	_ =	shalt  }
0x7b: {  	_ =	shalt  }
0x7c: {  	_ =	shalt  }
0x7d: {  	_ =	shalt  }
0x7e: {  	_ =	shalt  }
0x7f: {  	_ =	shalt  }
0x80: {  	_ =	shalt  }
0x81: {  	_ =	shalt  }
0x82: {  	_ =	shalt  }
0x83: {  	_ =	shalt  }
0x84: {  	_ =	shalt  }
0x85: {  	_ =	shalt  }
0x86: {  	_ =	shalt  }
0x87: {  	_ =	shalt  }
.Lfunc_end0:
.L_simem_size_0:
called_computation.1_lowered:
.L_overlay_start_0:
0x88: {  	s2 =	sld [smem:$0x3FD9]  }
0x89: {  	s3 =	sld [smem:$0x3FFE];
	_ =	sdelay $0x1  }
0x8a: {  	s1 =	srdreg.scid  }
0x8b: {  	s0 =	sand.u32 $0x1, s1  }
0x8c: {  	s16 =	sshll.u32 s0, $0xA;
	s2 =	sadd.s32 s3, s2  }
0x8d: {  	s2 =	sadd.s32 s2, s16  }
0x8e: {  	[smem:$0x3FB6] =	sst s2  }
0x8f: {  	_ = 	snop  }
0x90: {  	(tm) =	ssettm $0x1  }
0x91: {  	s17 =	sld [smem:$0x3FFB];
	_ =	sdelay $0x3  }
0x92: {  	_ =	strace s17  }
0x93: {  	s2 =	sld [smem:$0x3FFC];
	_ =	sdelay $0x3  }
0x94: {  	_ =	strace s2  }
0x95: {  	s2 =	sld [smem:$0x3FFD];
	_ =	sdelay $0x3  }
0x96: {  	_ =	strace s2  }
0x97: {  	_ =	strace $0x8FFFFFFF  }
0x98: {  	s18 =	sld [smem:$0x3FDB];
	_ =	sdelay $0x1  }
0x99: {  	s19 =	simm.s32 $_scs_section_size  }
0x9a: {  	s4 =	simm.s32 $_size__tile_overlayer_lowered;
	s5 =	simm.s32 $_tile_overlayer_lowered  }
0x9b: {  	s22 =	simm.s32 $0x1BFF;
	s21 =	sshll.u32 s5, $0x1;
	s2 =	sadd.s32 s19, s18  }
0x9c: {  	s6 =	simm.s32 $0x0;
	s20 =	sshll.u32 s4, $0x1;
	s4 =	sadd.s32 s21, s2  }
0x9d: {  	[timem:s6], [sflag:s22] =	dma.local [hbm:s4], s20  }
0x9e: {  	_ =	swait.ge [sflag:s22], s20  }
0x9f: {  	s3 =	ssub.s32 $0x0, s20;
	[sflag:s22] =	ssyncset.done $0x0  }
0xa0: {  	[sflag:s22] =	ssyncadd.s32 s3;
	_ =	sdelay $0x1  }
0xa1: {  	s23 =	simm.s32 $0x1B8B  }
0xa2: {  	_ =	swait.ge [sflag:s23], $0x1  }
0xa3: {  	[sflag:s23] =	ssyncset.done $0x0  }
0xa4: {  	s25 =	simm.s32 $0x1B8E;
	s24 =	sld [smem:$0x3FFE];
	[sflag:s23] =	ssyncadd.s32 $0xFFFFFFFF  }
0xa5: {  	s26 =	simm.s32 $execute0_lowered;
	[smem:$0x3FD2] =	sst s25  }
0xa6: {  	s4 =	sshll.u32 s26, $0x1;
	_ =	strace $0x80000049;
	[dreg:$0x1] =	wrdreg $0xFFFFFFFF  }
0xa7: {  	s28 =	simm.s32 $_size_execute0_lowered;
	s2 =	sadd.s32 s2, s4;
	[dreg:$0x0] =	wrdreg $0x0  }
0xa8: {  	s4 =	sshll.u32 s28, $0x1;
	[dreg:$0x2] =	wrdreg s2  }
0xa9: {  	[dreg:$0x3] =	wrdreg s4  }
0xaa: {  	[dreg:$0x4] =	wrdreg $0xC0  }
0xab: {  	_ =	task [dreg:s6], $0x5FFFF  }
0xac: {  	[dreg:$0x1] =	wrdreg $0xFFFFFFFF  }
0xad: {  	[dreg:$0x0] =	wrdreg $0x60  }
0xae: {  	[dreg:$0x2] =	wrdreg s24  }
0xaf: {  	[dreg:$0x3] =	wrdreg $0xA  }
0xb0: {  	_ =	task.clear_ibuf [dreg:s6], $0x4FFFF;
	_ =	strace $0x90000049  }
0xb1: {  	s29 =	simm.s32 $0xA;
	_ =	strace $0x8000004B  }
0xb2: {  	_ =	swait.ge [sflag:s29], $0x1  }
0xb3: {  	[sflag:s29] =	ssyncadd.s32 $0xFFFFFFFF  }
0xb4: {  	_ =	strace $0x9000004B  }
0xb5: {  	_ =	sfence  }
0xb6: {  	s30 =	sld [smem:$0x0];
	_ =	sdelay $0x2  }
0xb7: {  	s31 =	sshll.u32 s1, $0xD;
	s1 =	sshrl.u32 s1, $0x2  }
0xb8: {  	s3 =	sand.u32 $0x4000, s31;
	s1 =	sadd.s32 s1, s30  }
0xb9: {  	s0 =	sor.u32 s3, s0;
	s1 =	sshll.u32 s1, $0x11  }
0xba: {  	s0 =	sor.u32 s1, s0  }
0xbb: {  	s0 =	sadd.s32 $0x8F2B, s0  }
0xbc: {  	[sflag:s0] =	ssyncadd.remote.s32 $0x1  }
0xbd: {  	_ =	sfence.sel $0xFFFF  }
0xbe: {  	[dreg:$0x0] =	wrdreg $0xFFFFFFFF;
	(pc) =	sbr.abs _section_cstart, $3  }
0xbf: {  	[dreg:$0x1] =	wrdreg $0xFFFFFFFF  }
0xc0: {  	_ =	task.clear_ibuf [dreg:s6], $0x2FFFF;
	_ =	strace $0x9FFFFFFF  }
0xc1: {  	(tm) =	ssettm $0x7FFFFFFF  }
tec
execute0_lowered:
.L_overlay_start_1:
0x0: {  	(tag) =	ssettag $0x1  }
0x1: {  	s8 =	rddreg [dreg:$0x0]  }
0x2: {  	s0 =	rddreg [dreg:$0x1];
	_ =	strace $0x8000004A;
	s1 =	stileid.u32  }
0x3: {  	s3 =	srdreg.scid;
	s4 =	simm.s32 $0x1;
	s7 =	simm.s32 $0x1  }
0x4: {  	s9 =	simm.s32 $0x1;
	s10 =	simm.s32 $0x3;
	s13 =	simm.s32 $0x0  }
0x5: {  	s12 =	simm.s32 $0x0;
	s5 =	sand.u32 $0x1, s3;
	s6 =	sshll.u32 s1, $0x1  }
0x6: {  	s2 =	sadd.s32 $0xB800, s8;
	s3 =	sadd.s32 $0x10800, s8;
	s5 =	sor.u32 s6, s5  }
.Ltmp0:
0x7: {  	[sflag:s4] =	ssyncpa.u1 $0x0;
	p0 =	slt.u32 s5, $0x9;
	(pc) =	sbr.rel .LBB2_1-.Ltmp0, $4  }
0x8: {  	s6 =	simm.s32 $0x2;
	s7 =	simm.s32 @!p0 $0x0;
	p0 =	sne.s32 s5, $0x8  }
0x9: {  	[sflag:s6] =	ssyncpa.u1 $0x0;
	s5 =	smul.u32 $0xFA0, s5;
	s9 =	simm.s32 @!p0 $0x0  }
0xa: {  	s8 =	sadd.s32 $0x4B800, s8;
	[sflag:s10] =	ssyncpa.u1 $0x0;
	s7 =	sadd.s32 s9, s7  }
0xb: {  	vm0 =	vmmov $0xffff;
	s10 =	simm.s32 $0x0;
	s11 =	smov.u32 s5;
	s9 =	sadd.s32 $0x1, s7  }
.LBB2_4:
0xc: {  	v2 =	vnsel vm1, $0x0, v2  }
0xd: {  	vm1 =	vgt.s32 v0, $0x0;
	v2 =	vmin.u32 v2, $0x270FF  }
0xe: {  	v0 =	vnsel vm1, $0x0, v0  }
0xf: {  	v0 =	vmin.u32 v0, $0x270FF  }
0x10: {  	[tilespmem:s18], [sflag:$0x1] =	stream.indirect_vreg.gather [hbm4b:s2+s10], $0x1, v1, vm0, $0x4038;
	[tilespmem:$0x3E80] =	vst v63  }
0x11: {  	(ifvalue) =	ssetifvalue $0x7FFFFFFF  }
0x12: {  	[tilespmem:s15], [sflag:$0x1] =	stream.indirect_vreg.gather [hbm4b:s2+s10], $0x1, v2, vm0, $0x4038;
	[tilespmem:$0x3E80] =	vst v63  }
0x13: {  	s29 =	sadd.s32 $0x10, s15;
	(ifvalue) =	ssetifvalue $0x7FFFFFFF  }
0x14: {  	[tilespmem:s29], [sflag:$0x1] =	stream.indirect_vreg.gather [hbm4b:s2+s10], $0x1, v0, vm0, $0x4038;
	[tilespmem:$0x3E80] =	vst v63  }
0x15: {  	_ =	swait.ge [sflag:s4], $0xFA0  }
0x16: {  	s30 =	sshrl.u32 s13, $0x3;
	[sflag:s4] =	ssyncset.done $0x0  }
0x17: {  	s31 =	sand.u32 $0x7, s13;
	s15 =	sadd.s32 s8, s30;
	[sflag:s4] =	ssyncadd.s32 $0xFFFFF060  }
0x18: {  	[hbm4b:s15+s31] =	stream.linear.scatter [tilespmem:s14], [sflag:$0x3], $0xFA0, $0x38;
	[tilespmem:$0x3E80] =	vst v63  }
.LBB2_5:
0x19: {  	s15 =	sadd.s32 $0x1F400, s11  }
0x1a: {  	p1 =	sgt.s32 s15, $0x270FF  }
0x1b: {  	s15 =	smov.u32 @p1 s5;
	p1 =	sne.s32 s12, s9  }
.Ltmp1:
0x1c: {  	p0 =	slt.u32 s12, $0x2;
	(pc) =	sbr.rel @!p1 .LBB2_6-.Ltmp1, $4  }
0x1d: {  	s14 =	simm.s32 @!p0 $0x3  }
0x1e: {  	_ =	swait.ge @!p0 [sflag:s14], $0xFA0  }
0x1f: {  	s16 =	sadd.s32 $0x1, s12;
	s13 =	smov.u32 s11;
	[sflag:s14] =	ssyncset.done @!p0 $0x0  }
0x20: {  	s12 =	smov.u32 s16;
	s11 =	smov.u32 s15;
	[sflag:s14] =	ssyncadd.s32 @!p0 $0xFFFFF060  }
.LBB2_1:
0x21: {  	p0 =	sge.u32 s12, s7  }
0x22: {  	s14 =	sxor.u32 @!p0 $0x1, s12  }
0x23: {  	s14 =	smul.u32 @!p0 $0x3E80, s14  }
0x24: {  	s31 =	sadd.s32 $0xFFFFFFFF, s12;
	s15 =	sshrl.u32 @!p0 s11, $0x3  }
0x25: {  	s16 =	sand.u32 @!p0 $0x7, s11;
	s15 =	sadd.s32 @!p0 s3, s15;
	s14 =	sshra.s32 @!p0 s14, $0x2  }
0x26: {  	[tilespmem:s14], [sflag:$0x2] =	stream.linear.gather @!p0 [hbm4b:s15+s16], $0xFA0, $0x38;
	[tilespmem:$0x3E80] =	vst v63  }
0x27: {  	p0 =	sge.u32 s31, s7  }
.Ltmp2:
0x28: {  	_ = 	snop;
	(pc) =	sbr.rel @p0 .LBB2_5-.Ltmp2, $1  }
0x29: {  	_ =	sdelay $0x3  }
0x2a: {  	s14 =	sand.u32 $0x1, s12  }
0x2b: {  	_ =	swait.ge [sflag:s6], $0xFA0;
	p0 =	seq.s32 s14, $0x1;
	s14 =	simm.s32 $0xFA0  }
0x2c: {  	[sflag:s6] =	ssyncset.done $0x0;
	s14 =	simm.s32 @!p0 $0x0  }
0x2d: {  	[sflag:s6] =	ssyncadd.s32 $0xFFFFF060;
	(ifvalue) =	ssetifvalue $0x7FFFFFFF;
	v0 =	vld.msk [tilespmem:s14+$0x0 ss:$0x1], $0xffff;
	_ =	sdelay $0x4  }
0x2e: {  	s15 =	sadd.s32 $0x10, s14;
	vm1 =	vgt.s32 v0, $0x0  }
0x2f: {  	v2 =	vld.msk [tilespmem:s15+$0x0 ss:$0x1], $0xffff;
	v1 =	vnsel vm1, $0x0, v0  }
0x30: {  	v1 =	vmin.u32 v1, $0x270FF;
	_ =	sdelay $0x2  }
0x31: {  	s17 =	simm.s32 $0x20;
	s14 =	sadd.s32 $0x1F40, s14;
	s16 =	sadd.s32 $0x10, s15  }
0x32: {  	s15 =	sadd.s32 $0x10, s14;
	s18 =	smov.u32 s14;
	v0 =	vld.msk [tilespmem:s16+$0x0 ss:$0x1], $0xffff;
	vm1 =	vgt.s32 v2, $0x0;
	(ifvalue) =	ssetifvalue $0x7FFFFFFF  }
.LBB2_3:
0x33: {  	[tilespmem:s18], [sflag:$0x1] =	stream.indirect_vreg.gather [hbm4b:s2+s10], $0x1, v1, vm0, $0x4038;
	[tilespmem:$0x3E80] =	vst v63  }
0x34: {  	s17 =	sadd.s32 $0x10, s17  }
0x35: {  	v2 =	vnsel vm1, $0x0, v2;
	p0 =	slt.u32 s17, $0xF90  }
.Ltmp3:
0x36: {  	s18 =	smov.u32 s15;
	v1 =	vmin.u32 v2, $0x270FF;
	(pc) =	sbr.rel @p0 .LBB2_3-.Ltmp3, $3  }
0x37: {  	_ =	sdelay $0x1  }
0x38: {  	s16 =	sadd.s32 $0x10, s16  }
0x39: {  	vm1 =	vgt.s32 v0, $0x0;
	s15 =	sadd.s32 $0x10, s15;
	v2 =	vmov v0;
	(ifvalue) =	ssetifvalue $0x7FFFFFFF;
	v0 =	vld.msk [tilespmem:s16+$0x0 ss:$0x1], $0xffff  }
.Ltmp4:
0x3a: {  	_ = 	snop;
	(pc) =	sbr.rel .LBB2_4-.Ltmp4, $1  }
0x3b: {  	_ =	sdelay $0x3  }
.LBB2_6:
0x3c: {  	_ =	sfence.sel $0x180000  }
0x3d: {  	s2 =	simm.s32 $0x2;
	[bflag:$0x0] =	sbarrier.arrive $0xFFFF  }
0x3e: {  	s30 =	simm.s32 $0x3;
	[sflag:s2] =	ssyncpa.u1 $0x1  }
0x3f: {  	s31 =	simm.s32 $0x1;
	[sflag:s30] =	ssyncpa.u1 $0x1  }
0x40: {  	[sflag:s31] =	ssyncpa.u1 $0x1  }
0x41: {  	p0 =	sne.s32 s1, $0x0;
	_ =	strace $0x9000004A  }
0x42: {  	s0 =	sadd.s32 @!p0 $0x100000, s0;
	[bflag:$0x2] =	sbarrier.arrive $0xFFFF  }
0x43: {  	[sflag:s0] =	ssyncadd.tile.s32 @!p0 $0x1;
	_ =	shalt  }
.Lfunc_end2:
_tile_overlayer_lowered:
.L_overlay_start_2:
0x44: {  	(tag) =	ssettag $0x2  }
0x45: {  	s0 =	rddreg [dreg:$0x0];
	s2 =	stileid.u32  }
0x46: {  	s1 =	rddreg [dreg:$0x1];
	p0 =	sne.s32 s2, $0x0  }
0x47: {  	s3 =	rddreg [dreg:$0x2];
	[bflag:$0x3] =	sbarrier.arrive $0xFFFF;
	s2 =	simm.s32 @!p0 $0x1C01  }
0x48: {  	[timem:s3], [sflag:s2] =	dma.local @!p0 [hbm:s0], s1  }
0x49: {  	s0 =	simm.s32 @!p0 $0x1  }
0x4a: {  	_ =	swait.ge @!p0 [sflag:s0], s1  }
0x4b: {  	s1 =	ssub.s32 @!p0 $0x0, s1;
	[sflag:s0] =	ssyncset.done @!p0 $0x0  }
0x4c: {  	[sflag:s0] =	ssyncadd.s32 @!p0 s1  }
0x4d: {  	[bflag:$0x3] =	sbarrier.arrive $0xFFFF  }
0x4e: {  	_ =	shalt  }

// kernel: gather_offload_async_start
scs
__scs_entry_jumppad:
0x0: {  	(pc) =	sbr.rel $0x88, $3  }
0x1: {  	(tag) =	ssettag $0x0;
	lr =	simm.s32 $0x1  }
0x2: {  	[smem:$0x3F8F] =	sst lr;
	_ =	strace $0xD0000000  }
0x3: {  	_ = 	snop  }
0x4: {  	_ = 	snop  }
0x5: {  	_ = 	snop  }
0x6: {  	_ = 	snop  }
0x7: {  	_ = 	snop  }
__scs_overlays_trampoline_lowered:
0x8: {  	[smem:$0x3F9E] =	sst s0  }
0x9: {  	[smem:$0x3F9F] =	sst s1  }
0xa: {  	[smem:$0x3FA0] =	sst s2  }
0xb: {  	[smem:$0x3FA1] =	sst s3  }
0xc: {  	[smem:$0x3FA2] =	sst s4  }
0xd: {  	[smem:$0x3FA3] =	sst s5  }
0xe: {  	[smem:$0x3FA4] =	sst s6  }
0xf: {  	[smem:$0x3FA5] =	sst s7  }
0x10: {  	[smem:$0x3FA6] =	sst s8  }
0x11: {  	[smem:$0x3FA7] =	sst s9;
	s0 =	simm.s32 @!p0 $0x0  }
0x12: {  	s1 =	sld [smem:$0x3F8D];
	s0 =	simm.s32 @p0 $0x1  }
0x13: {  	[smem:$0x3FA8] =	sst s0;
	s0 =	simm.s32 @!p1 $0x0  }
0x14: {  	s2 =	sld [smem:$0x3F8C];
	s0 =	simm.s32 @p1 $0x1  }
0x15: {  	[smem:$0x3FA9] =	sst s0;
	s0 =	simm.s32 @!p2 $0x0  }
0x16: {  	s3 =	sld [smem:$0x3FDB];
	s0 =	simm.s32 @p2 $0x1  }
0x17: {  	s4 =	simm.s32 $0x1BF5;
	[smem:$0x3FAB] =	sst s0  }
0x18: {  	s0 =	sld [smem:$0x3F8E];
	_ =	swait.ge [sflag:s4], $0x0  }
0x19: {  	s7 =	sld [smem:$0x3F8F]  }
0x1a: {  	s8 =	sadd.s32 $0xFFFFE003, lr  }
0x1b: {  	s9 =	sadd.s32 $0xFFFFFEF7, lr;
	s5 =	simm.s32 $0xFFFFFFFF;
	p2 =	slt.u32 s8, $0xFFFFF086  }
0x1c: {  	p1 =	slt.u32 s9, $0xF7A;
	s5 =	simm.s32 @!p2 $0x0  }
0x1d: {  	s5 =	simm.s32 @p1 $0x1;
	p0 =	seq.s32 s7, s2  }
0x1e: {  	s7 =	smul.u32 @!p0 $0xF7A, s2;
	p2 =	seq.s32 @!p0 s5, $0x0  }
0x1f: {  	s9 =	smul.u32 $0xF7A, s1;
	s8 =	simm.s32 @!p0 $0x1BF5;
	p2 =	por !p2, p0  }
0x20: {  	[sflag:s8] =	ssyncset.s32 @!p0 $0xFFFFF086;
	s6 =	sadd.s32 @!p0 s3, s7;
	s7 =	simm.s32 @!p0 $0x108  }
0x21: {  	s3 =	sadd.s32 s3, s9;
	s6 =	sadd.s32 @!p0 $0x88, s6;
	s7 =	simm.s32 @p2 $0x1082  }
0x22: {  	[simem:s7], [sflag:s8] =	dma.local @!p0 [hbm:s6], $0xF7A  }
0x23: {  	s9 =	sor.u32 $0xD0000000, s2;
	s6 =	simm.s32 $0x108;
	_ =	swait.ge @!p0 [sflag:s8], $0x0  }
0x24: {  	s3 =	sadd.s32 $0x88, s3;
	s6 =	simm.s32 @!p1 $0x1082;
	[sflag:s4] =	ssyncset.s32 $0xFFFFF086  }
0x25: {  	[simem:s6], [sflag:s4] =	dma.local [hbm:s3], $0xF7A  }
0x26: {  	[smem:$0x3F8F] =	sst s1;
	(tag) =	ssettag s2;
	_ =	strace s9  }
0x27: {  	s1 =	sld [smem:$0x3F9F]  }
0x28: {  	s2 =	sld [smem:$0x3FA0]  }
0x29: {  	s4 =	sld [smem:$0x3FA2]  }
0x2a: {  	p0 =	seq.s32 s5, $0x0;
	s5 =	sld [smem:$0x3FA3]  }
0x2b: {  	s6 =	sld [smem:$0x3FA4]  }
0x2c: {  	s7 =	sld [smem:$0x3FA5]  }
0x2d: {  	s3 =	simm.s32 $0x108;
	s8 =	sld [smem:$0x3FA6]  }
0x2e: {  	s3 =	simm.s32 @!p0 $0x1082;
	s9 =	sld [smem:$0x3FA7]  }
0x2f: {  	lr =	sadd.s32 s0, s3;
	s0 =	sld [smem:$0x3F9E]  }
0x30: {  	s3 =	sld [smem:$0x3FA1]  }
0x31: {  	[smem:$0x3FAA] =	sst s10  }
0x32: {  	s10 =	sld [smem:$0x3FA8];
	_ =	sdelay $0x3  }
0x33: {  	p0 =	seq.s32 s10, $0x1;
	s10 =	sld [smem:$0x3FAA];
	_ =	sdelay $0x3  }
0x34: {  	[smem:$0x3FAA] =	sst s10  }
0x35: {  	s10 =	sld [smem:$0x3FA9];
	_ =	sdelay $0x3  }
0x36: {  	p1 =	seq.s32 s10, $0x1;
	s10 =	sld [smem:$0x3FAA];
	_ =	sdelay $0x3  }
0x37: {  	[smem:$0x3FAA] =	sst s10  }
0x38: {  	s10 =	sld [smem:$0x3FAB]  }
0x39: {  	_ = 	snop;
	(pc) =	sbr.ind lr, $3  }
0x3a: {  	_ = 	snop  }
0x3b: {  	_ = 	snop  }
0x3c: {  	p2 =	seq.s32 s10, $0x1;
	s10 =	sld [smem:$0x3FAA]  }
0x3d: {  	_ =	shalt  }
0x3e: {  	_ =	shalt  }
0x3f: {  	_ =	shalt  }
0x40: {  	_ =	shalt  }
0x41: {  	_ =	shalt  }
0x42: {  	_ =	shalt  }
0x43: {  	_ =	shalt  }
0x44: {  	_ =	shalt  }
0x45: {  	_ =	shalt  }
0x46: {  	_ =	shalt  }
0x47: {  	_ =	shalt  }
0x48: {  	_ =	shalt  }
0x49: {  	_ =	shalt  }
0x4a: {  	_ =	shalt  }
0x4b: {  	_ =	shalt  }
0x4c: {  	_ =	shalt  }
0x4d: {  	_ =	shalt  }
0x4e: {  	_ =	shalt  }
0x4f: {  	_ =	shalt  }
0x50: {  	_ =	shalt  }
0x51: {  	_ =	shalt  }
0x52: {  	_ =	shalt  }
0x53: {  	_ =	shalt  }
0x54: {  	_ =	shalt  }
0x55: {  	_ =	shalt  }
0x56: {  	_ =	shalt  }
0x57: {  	_ =	shalt  }
0x58: {  	_ =	shalt  }
0x59: {  	_ =	shalt  }
0x5a: {  	_ =	shalt  }
0x5b: {  	_ =	shalt  }
0x5c: {  	_ =	shalt  }
0x5d: {  	_ =	shalt  }
0x5e: {  	_ =	shalt  }
0x5f: {  	_ =	shalt  }
0x60: {  	_ =	shalt  }
0x61: {  	_ =	shalt  }
0x62: {  	_ =	shalt  }
0x63: {  	_ =	shalt  }
0x64: {  	_ =	shalt  }
0x65: {  	_ =	shalt  }
0x66: {  	_ =	shalt  }
0x67: {  	_ =	shalt  }
0x68: {  	_ =	shalt  }
0x69: {  	_ =	shalt  }
0x6a: {  	_ =	shalt  }
0x6b: {  	_ =	shalt  }
0x6c: {  	_ =	shalt  }
0x6d: {  	_ =	shalt  }
0x6e: {  	_ =	shalt  }
0x6f: {  	_ =	shalt  }
0x70: {  	_ =	shalt  }
0x71: {  	_ =	shalt  }
0x72: {  	_ =	shalt  }
0x73: {  	_ =	shalt  }
0x74: {  	_ =	shalt  }
0x75: {  	_ =	shalt  }
0x76: {  	_ =	shalt  }
0x77: {  	_ =	shalt  }
0x78: {  	_ =	shalt  }
0x79: {  	_ =	shalt  }
0x7a: {  	_ =	shalt  }
0x7b: {  	_ =	shalt  }
0x7c: {  	_ =	shalt  }
0x7d: {  	_ =	shalt  }
0x7e: {  	_ =	shalt  }
0x7f: {  	_ =	shalt  }
0x80: {  	_ =	shalt  }
0x81: {  	_ =	shalt  }
0x82: {  	_ =	shalt  }
0x83: {  	_ =	shalt  }
0x84: {  	_ =	shalt  }
0x85: {  	_ =	shalt  }
0x86: {  	_ =	shalt  }
0x87: {  	_ =	shalt  }
.Lfunc_end0:
.L_simem_size_0:
called_computation_lowered:
.L_overlay_start_0:
0x88: {  	s2 =	sld [smem:$0x3FD9]  }
0x89: {  	s3 =	sld [smem:$0x3FFE];
	_ =	sdelay $0x1  }
0x8a: {  	s1 =	srdreg.scid  }
0x8b: {  	s0 =	sand.u32 $0x1, s1  }
0x8c: {  	s16 =	sshll.u32 s0, $0xA;
	s2 =	sadd.s32 s3, s2  }
0x8d: {  	s2 =	sadd.s32 s2, s16  }
0x8e: {  	[smem:$0x3FB6] =	sst s2  }
0x8f: {  	_ = 	snop  }
0x90: {  	(tm) =	ssettm $0x1  }
0x91: {  	s17 =	sld [smem:$0x3FFB];
	_ =	sdelay $0x3  }
0x92: {  	_ =	strace s17  }
0x93: {  	s2 =	sld [smem:$0x3FFC];
	_ =	sdelay $0x3  }
0x94: {  	_ =	strace s2  }
0x95: {  	s2 =	sld [smem:$0x3FFD];
	_ =	sdelay $0x3  }
0x96: {  	_ =	strace s2  }
0x97: {  	_ =	strace $0x8FFFFFFF  }
0x98: {  	s18 =	sld [smem:$0x3FDB];
	_ =	sdelay $0x1  }
0x99: {  	s19 =	simm.s32 $_scs_section_size  }
0x9a: {  	s4 =	simm.s32 $_size__tile_overlayer_lowered;
	s5 =	simm.s32 $_tile_overlayer_lowered  }
0x9b: {  	s22 =	simm.s32 $0x1BFF;
	s21 =	sshll.u32 s5, $0x1;
	s2 =	sadd.s32 s19, s18  }
0x9c: {  	s6 =	simm.s32 $0x0;
	s20 =	sshll.u32 s4, $0x1;
	s4 =	sadd.s32 s21, s2  }
0x9d: {  	[timem:s6], [sflag:s22] =	dma.local [hbm:s4], s20  }
0x9e: {  	_ =	swait.ge [sflag:s22], s20  }
0x9f: {  	s3 =	ssub.s32 $0x0, s20;
	[sflag:s22] =	ssyncset.done $0x0  }
0xa0: {  	[sflag:s22] =	ssyncadd.s32 s3;
	_ =	sdelay $0x1  }
0xa1: {  	s23 =	simm.s32 $0x1B8B  }
0xa2: {  	_ =	swait.ge [sflag:s23], $0x1  }
0xa3: {  	[sflag:s23] =	ssyncset.done $0x0  }
0xa4: {  	s25 =	simm.s32 $0x1B8E;
	s24 =	sld [smem:$0x3FFE];
	[sflag:s23] =	ssyncadd.s32 $0xFFFFFFFF  }
0xa5: {  	s26 =	simm.s32 $execute0_lowered;
	[smem:$0x3FD2] =	sst s25  }
0xa6: {  	s4 =	sshll.u32 s26, $0x1;
	_ =	strace $0x80000046;
	[dreg:$0x1] =	wrdreg $0xFFFFFFFF  }
0xa7: {  	s28 =	simm.s32 $_size_execute0_lowered;
	s2 =	sadd.s32 s2, s4;
	[dreg:$0x0] =	wrdreg $0x0  }
0xa8: {  	s4 =	sshll.u32 s28, $0x1;
	[dreg:$0x2] =	wrdreg s2  }
0xa9: {  	[dreg:$0x3] =	wrdreg s4  }
0xaa: {  	[dreg:$0x4] =	wrdreg $0xC0  }
0xab: {  	_ =	task [dreg:s6], $0x5FFFF  }
0xac: {  	[dreg:$0x1] =	wrdreg $0xFFFFFFFF  }
0xad: {  	[dreg:$0x0] =	wrdreg $0x60  }
0xae: {  	[dreg:$0x2] =	wrdreg s24  }
0xaf: {  	[dreg:$0x3] =	wrdreg $0x9  }
0xb0: {  	_ =	task.clear_ibuf [dreg:s6], $0x4FFFF;
	_ =	strace $0x90000046  }
0xb1: {  	s29 =	simm.s32 $0x9;
	_ =	strace $0x80000048  }
0xb2: {  	_ =	swait.ge [sflag:s29], $0x1  }
0xb3: {  	[sflag:s29] =	ssyncadd.s32 $0xFFFFFFFF  }
0xb4: {  	_ =	strace $0x90000048  }
0xb5: {  	_ =	sfence  }
0xb6: {  	s30 =	sld [smem:$0x0];
	_ =	sdelay $0x2  }
0xb7: {  	s31 =	sshll.u32 s1, $0xD;
	s1 =	sshrl.u32 s1, $0x2  }
0xb8: {  	s3 =	sand.u32 $0x4000, s31;
	s1 =	sadd.s32 s1, s30  }
0xb9: {  	s0 =	sor.u32 s3, s0;
	s1 =	sshll.u32 s1, $0x11  }
0xba: {  	s0 =	sor.u32 s1, s0  }
0xbb: {  	s0 =	sadd.s32 $0x8F2B, s0  }
0xbc: {  	[sflag:s0] =	ssyncadd.remote.s32 $0x1  }
0xbd: {  	_ =	sfence.sel $0xFFFF  }
0xbe: {  	[dreg:$0x0] =	wrdreg $0xFFFFFFFF;
	(pc) =	sbr.abs _section_cstart, $3  }
0xbf: {  	[dreg:$0x1] =	wrdreg $0xFFFFFFFF  }
0xc0: {  	_ =	task.clear_ibuf [dreg:s6], $0x2FFFF;
	_ =	strace $0x9FFFFFFF  }
0xc1: {  	(tm) =	ssettm $0x7FFFFFFF  }
tec
execute0_lowered:
.L_overlay_start_1:
0x0: {  	(tag) =	ssettag $0x1  }
0x1: {  	s8 =	rddreg [dreg:$0x0]  }
0x2: {  	s0 =	rddreg [dreg:$0x1];
	_ =	strace $0x80000047;
	s1 =	stileid.u32  }
0x3: {  	s3 =	srdreg.scid;
	s4 =	simm.s32 $0x1;
	s7 =	simm.s32 $0x1  }
0x4: {  	s9 =	simm.s32 $0x1;
	s10 =	simm.s32 $0x3;
	s13 =	simm.s32 $0x0  }
0x5: {  	s12 =	simm.s32 $0x0;
	s5 =	sand.u32 $0x1, s3;
	s6 =	sshll.u32 s1, $0x1  }
0x6: {  	s2 =	sadd.s32 $0x6800, s8;
	s3 =	sadd.s32 $0x10800, s8;
	s5 =	sor.u32 s6, s5  }
.Ltmp0:
0x7: {  	[sflag:s4] =	ssyncpa.u1 $0x0;
	p0 =	slt.u32 s5, $0x9;
	(pc) =	sbr.rel .LBB2_1-.Ltmp0, $4  }
0x8: {  	s6 =	simm.s32 $0x2;
	s7 =	simm.s32 @!p0 $0x0;
	p0 =	sne.s32 s5, $0x8  }
0x9: {  	[sflag:s6] =	ssyncpa.u1 $0x0;
	s5 =	smul.u32 $0xFA0, s5;
	s9 =	simm.s32 @!p0 $0x0  }
0xa: {  	s8 =	sadd.s32 $0x3CA00, s8;
	[sflag:s10] =	ssyncpa.u1 $0x0;
	s7 =	sadd.s32 s9, s7  }
0xb: {  	vm0 =	vmmov $0xffff;
	s10 =	simm.s32 $0x0;
	s11 =	smov.u32 s5;
	s9 =	sadd.s32 $0x1, s7  }
.LBB2_4:
0xc: {  	v2 =	vnsel vm1, $0x0, v2  }
0xd: {  	vm1 =	vgt.s32 v0, $0x0;
	v2 =	vmin.u32 v2, $0x270FF  }
0xe: {  	v0 =	vnsel vm1, $0x0, v0  }
0xf: {  	v0 =	vmin.u32 v0, $0x270FF  }
0x10: {  	[tilespmem:s18], [sflag:$0x1] =	stream.indirect_vreg.gather [hbm4b:s2+s10], $0x1, v1, vm0, $0x4038;
	[tilespmem:$0x3E80] =	vst v63  }
0x11: {  	(ifvalue) =	ssetifvalue $0x7FFFFFFF  }
0x12: {  	[tilespmem:s15], [sflag:$0x1] =	stream.indirect_vreg.gather [hbm4b:s2+s10], $0x1, v2, vm0, $0x4038;
	[tilespmem:$0x3E80] =	vst v63  }
0x13: {  	s29 =	sadd.s32 $0x10, s15;
	(ifvalue) =	ssetifvalue $0x7FFFFFFF  }
0x14: {  	[tilespmem:s29], [sflag:$0x1] =	stream.indirect_vreg.gather [hbm4b:s2+s10], $0x1, v0, vm0, $0x4038;
	[tilespmem:$0x3E80] =	vst v63  }
0x15: {  	_ =	swait.ge [sflag:s4], $0xFA0  }
0x16: {  	s30 =	sshrl.u32 s13, $0x3;
	[sflag:s4] =	ssyncset.done $0x0  }
0x17: {  	s31 =	sand.u32 $0x7, s13;
	s15 =	sadd.s32 s8, s30;
	[sflag:s4] =	ssyncadd.s32 $0xFFFFF060  }
0x18: {  	[hbm4b:s15+s31] =	stream.linear.scatter [tilespmem:s14], [sflag:$0x3], $0xFA0, $0x38;
	[tilespmem:$0x3E80] =	vst v63  }
.LBB2_5:
0x19: {  	s15 =	sadd.s32 $0x1F400, s11  }
0x1a: {  	p1 =	sgt.s32 s15, $0x270FF  }
0x1b: {  	s15 =	smov.u32 @p1 s5;
	p1 =	sne.s32 s12, s9  }
.Ltmp1:
0x1c: {  	p0 =	slt.u32 s12, $0x2;
	(pc) =	sbr.rel @!p1 .LBB2_6-.Ltmp1, $4  }
0x1d: {  	s14 =	simm.s32 @!p0 $0x3  }
0x1e: {  	_ =	swait.ge @!p0 [sflag:s14], $0xFA0  }
0x1f: {  	s16 =	sadd.s32 $0x1, s12;
	s13 =	smov.u32 s11;
	[sflag:s14] =	ssyncset.done @!p0 $0x0  }
0x20: {  	s12 =	smov.u32 s16;
	s11 =	smov.u32 s15;
	[sflag:s14] =	ssyncadd.s32 @!p0 $0xFFFFF060  }
.LBB2_1:
0x21: {  	p0 =	sge.u32 s12, s7  }
0x22: {  	s14 =	sxor.u32 @!p0 $0x1, s12  }
0x23: {  	s14 =	smul.u32 @!p0 $0x3E80, s14  }
0x24: {  	s31 =	sadd.s32 $0xFFFFFFFF, s12;
	s15 =	sshrl.u32 @!p0 s11, $0x3  }
0x25: {  	s16 =	sand.u32 @!p0 $0x7, s11;
	s15 =	sadd.s32 @!p0 s3, s15;
	s14 =	sshra.s32 @!p0 s14, $0x2  }
0x26: {  	[tilespmem:s14], [sflag:$0x2] =	stream.linear.gather @!p0 [hbm4b:s15+s16], $0xFA0, $0x38;
	[tilespmem:$0x3E80] =	vst v63  }
0x27: {  	p0 =	sge.u32 s31, s7  }
.Ltmp2:
0x28: {  	_ = 	snop;
	(pc) =	sbr.rel @p0 .LBB2_5-.Ltmp2, $1  }
0x29: {  	_ =	sdelay $0x3  }
0x2a: {  	s14 =	sand.u32 $0x1, s12  }
0x2b: {  	_ =	swait.ge [sflag:s6], $0xFA0;
	p0 =	seq.s32 s14, $0x1;
	s14 =	simm.s32 $0xFA0  }
0x2c: {  	[sflag:s6] =	ssyncset.done $0x0;
	s14 =	simm.s32 @!p0 $0x0  }
0x2d: {  	[sflag:s6] =	ssyncadd.s32 $0xFFFFF060;
	(ifvalue) =	ssetifvalue $0x7FFFFFFF;
	v0 =	vld.msk [tilespmem:s14+$0x0 ss:$0x1], $0xffff;
	_ =	sdelay $0x4  }
0x2e: {  	s15 =	sadd.s32 $0x10, s14;
	vm1 =	vgt.s32 v0, $0x0  }
0x2f: {  	v2 =	vld.msk [tilespmem:s15+$0x0 ss:$0x1], $0xffff;
	v1 =	vnsel vm1, $0x0, v0  }
0x30: {  	v1 =	vmin.u32 v1, $0x270FF;
	_ =	sdelay $0x2  }
0x31: {  	s17 =	simm.s32 $0x20;
	s14 =	sadd.s32 $0x1F40, s14;
	s16 =	sadd.s32 $0x10, s15  }
0x32: {  	s15 =	sadd.s32 $0x10, s14;
	s18 =	smov.u32 s14;
	v0 =	vld.msk [tilespmem:s16+$0x0 ss:$0x1], $0xffff;
	vm1 =	vgt.s32 v2, $0x0;
	(ifvalue) =	ssetifvalue $0x7FFFFFFF  }
.LBB2_3:
0x33: {  	[tilespmem:s18], [sflag:$0x1] =	stream.indirect_vreg.gather [hbm4b:s2+s10], $0x1, v1, vm0, $0x4038;
	[tilespmem:$0x3E80] =	vst v63  }
0x34: {  	s17 =	sadd.s32 $0x10, s17  }
0x35: {  	v2 =	vnsel vm1, $0x0, v2;
	p0 =	slt.u32 s17, $0xF90  }
.Ltmp3:
0x36: {  	s18 =	smov.u32 s15;
	v1 =	vmin.u32 v2, $0x270FF;
	(pc) =	sbr.rel @p0 .LBB2_3-.Ltmp3, $3  }
0x37: {  	_ =	sdelay $0x1  }
0x38: {  	s16 =	sadd.s32 $0x10, s16  }
0x39: {  	vm1 =	vgt.s32 v0, $0x0;
	s15 =	sadd.s32 $0x10, s15;
	v2 =	vmov v0;
	(ifvalue) =	ssetifvalue $0x7FFFFFFF;
	v0 =	vld.msk [tilespmem:s16+$0x0 ss:$0x1], $0xffff  }
.Ltmp4:
0x3a: {  	_ = 	snop;
	(pc) =	sbr.rel .LBB2_4-.Ltmp4, $1  }
0x3b: {  	_ =	sdelay $0x3  }
.LBB2_6:
0x3c: {  	_ =	sfence.sel $0x180000  }
0x3d: {  	s2 =	simm.s32 $0x2;
	[bflag:$0x0] =	sbarrier.arrive $0xFFFF  }
0x3e: {  	s30 =	simm.s32 $0x3;
	[sflag:s2] =	ssyncpa.u1 $0x1  }
0x3f: {  	s31 =	simm.s32 $0x1;
	[sflag:s30] =	ssyncpa.u1 $0x1  }
0x40: {  	[sflag:s31] =	ssyncpa.u1 $0x1  }
0x41: {  	p0 =	sne.s32 s1, $0x0;
	_ =	strace $0x90000047  }
0x42: {  	s0 =	sadd.s32 @!p0 $0x100000, s0;
	[bflag:$0x2] =	sbarrier.arrive $0xFFFF  }
0x43: {  	[sflag:s0] =	ssyncadd.tile.s32 @!p0 $0x1;
	_ =	shalt  }
.Lfunc_end2:
_tile_overlayer_lowered:
.L_overlay_start_2:
0x44: {  	(tag) =	ssettag $0x2  }
0x45: {  	s0 =	rddreg [dreg:$0x0];
	s2 =	stileid.u32  }
0x46: {  	s1 =	rddreg [dreg:$0x1];
	p0 =	sne.s32 s2, $0x0  }
0x47: {  	s3 =	rddreg [dreg:$0x2];
	[bflag:$0x3] =	sbarrier.arrive $0xFFFF;
	s2 =	simm.s32 @!p0 $0x1C01  }
0x48: {  	[timem:s3], [sflag:s2] =	dma.local @!p0 [hbm:s0], s1  }
0x49: {  	s0 =	simm.s32 @!p0 $0x1  }
0x4a: {  	_ =	swait.ge @!p0 [sflag:s0], s1  }
0x4b: {  	s1 =	ssub.s32 @!p0 $0x0, s1;
	[sflag:s0] =	ssyncset.done @!p0 $0x0  }
0x4c: {  	[sflag:s0] =	ssyncadd.s32 @!p0 s1  }
0x4d: {  	[bflag:$0x3] =	sbarrier.arrive $0xFFFF  }
0x4e: {  	_ =	shalt  }

// kernel: kernel.18.cloned.1.call-start
scs
__scs_entry_jumppad:
0x0: {  	(pc) =	sbr.rel $0x88, $3  }
0x1: {  	(tag) =	ssettag $0x0;
	lr =	simm.s32 $0x1  }
0x2: {  	[smem:$0x3F8F] =	sst lr;
	_ =	strace $0xD0000000  }
0x3: {  	_ = 	snop  }
0x4: {  	_ = 	snop  }
0x5: {  	_ = 	snop  }
0x6: {  	_ = 	snop  }
0x7: {  	_ = 	snop  }
__scs_overlays_trampoline_lowered:
0x8: {  	[smem:$0x3F9E] =	sst s0  }
0x9: {  	[smem:$0x3F9F] =	sst s1  }
0xa: {  	[smem:$0x3FA0] =	sst s2  }
0xb: {  	[smem:$0x3FA1] =	sst s3  }
0xc: {  	[smem:$0x3FA2] =	sst s4  }
0xd: {  	[smem:$0x3FA3] =	sst s5  }
0xe: {  	[smem:$0x3FA4] =	sst s6  }
0xf: {  	[smem:$0x3FA5] =	sst s7  }
0x10: {  	[smem:$0x3FA6] =	sst s8  }
0x11: {  	[smem:$0x3FA7] =	sst s9;
	s0 =	simm.s32 @!p0 $0x0  }
0x12: {  	s1 =	sld [smem:$0x3F8D];
	s0 =	simm.s32 @p0 $0x1  }
0x13: {  	[smem:$0x3FA8] =	sst s0;
	s0 =	simm.s32 @!p1 $0x0  }
0x14: {  	s2 =	sld [smem:$0x3F8C];
	s0 =	simm.s32 @p1 $0x1  }
0x15: {  	[smem:$0x3FA9] =	sst s0;
	s0 =	simm.s32 @!p2 $0x0  }
0x16: {  	s3 =	sld [smem:$0x3FDB];
	s0 =	simm.s32 @p2 $0x1  }
0x17: {  	s4 =	simm.s32 $0x1BF5;
	[smem:$0x3FAB] =	sst s0  }
0x18: {  	s0 =	sld [smem:$0x3F8E];
	_ =	swait.ge [sflag:s4], $0x0  }
0x19: {  	s7 =	sld [smem:$0x3F8F]  }
0x1a: {  	s8 =	sadd.s32 $0xFFFFE003, lr  }
0x1b: {  	s9 =	sadd.s32 $0xFFFFFEF7, lr;
	s5 =	simm.s32 $0xFFFFFFFF;
	p2 =	slt.u32 s8, $0xFFFFF086  }
0x1c: {  	p1 =	slt.u32 s9, $0xF7A;
	s5 =	simm.s32 @!p2 $0x0  }
0x1d: {  	s5 =	simm.s32 @p1 $0x1;
	p0 =	seq.s32 s7, s2  }
0x1e: {  	s7 =	smul.u32 @!p0 $0xF7A, s2;
	p2 =	seq.s32 @!p0 s5, $0x0  }
0x1f: {  	s9 =	smul.u32 $0xF7A, s1;
	s8 =	simm.s32 @!p0 $0x1BF5;
	p2 =	por !p2, p0  }
0x20: {  	[sflag:s8] =	ssyncset.s32 @!p0 $0xFFFFF086;
	s6 =	sadd.s32 @!p0 s3, s7;
	s7 =	simm.s32 @!p0 $0x108  }
0x21: {  	s3 =	sadd.s32 s3, s9;
	s6 =	sadd.s32 @!p0 $0x88, s6;
	s7 =	simm.s32 @p2 $0x1082  }
0x22: {  	[simem:s7], [sflag:s8] =	dma.local @!p0 [hbm:s6], $0xF7A  }
0x23: {  	s9 =	sor.u32 $0xD0000000, s2;
	s6 =	simm.s32 $0x108;
	_ =	swait.ge @!p0 [sflag:s8], $0x0  }
0x24: {  	s3 =	sadd.s32 $0x88, s3;
	s6 =	simm.s32 @!p1 $0x1082;
	[sflag:s4] =	ssyncset.s32 $0xFFFFF086  }
0x25: {  	[simem:s6], [sflag:s4] =	dma.local [hbm:s3], $0xF7A  }
0x26: {  	[smem:$0x3F8F] =	sst s1;
	(tag) =	ssettag s2;
	_ =	strace s9  }
0x27: {  	s1 =	sld [smem:$0x3F9F]  }
0x28: {  	s2 =	sld [smem:$0x3FA0]  }
0x29: {  	s4 =	sld [smem:$0x3FA2]  }
0x2a: {  	p0 =	seq.s32 s5, $0x0;
	s5 =	sld [smem:$0x3FA3]  }
0x2b: {  	s6 =	sld [smem:$0x3FA4]  }
0x2c: {  	s7 =	sld [smem:$0x3FA5]  }
0x2d: {  	s3 =	simm.s32 $0x108;
	s8 =	sld [smem:$0x3FA6]  }
0x2e: {  	s3 =	simm.s32 @!p0 $0x1082;
	s9 =	sld [smem:$0x3FA7]  }
0x2f: {  	lr =	sadd.s32 s0, s3;
	s0 =	sld [smem:$0x3F9E]  }
0x30: {  	s3 =	sld [smem:$0x3FA1]  }
0x31: {  	[smem:$0x3FAA] =	sst s10  }
0x32: {  	s10 =	sld [smem:$0x3FA8];
	_ =	sdelay $0x3  }
0x33: {  	p0 =	seq.s32 s10, $0x1;
	s10 =	sld [smem:$0x3FAA];
	_ =	sdelay $0x3  }
0x34: {  	[smem:$0x3FAA] =	sst s10  }
0x35: {  	s10 =	sld [smem:$0x3FA9];
	_ =	sdelay $0x3  }
0x36: {  	p1 =	seq.s32 s10, $0x1;
	s10 =	sld [smem:$0x3FAA];
	_ =	sdelay $0x3  }
0x37: {  	[smem:$0x3FAA] =	sst s10  }
0x38: {  	s10 =	sld [smem:$0x3FAB]  }
0x39: {  	_ = 	snop;
	(pc) =	sbr.ind lr, $3  }
0x3a: {  	_ = 	snop  }
0x3b: {  	_ = 	snop  }
0x3c: {  	p2 =	seq.s32 s10, $0x1;
	s10 =	sld [smem:$0x3FAA]  }
0x3d: {  	_ =	shalt  }
0x3e: {  	_ =	shalt  }
0x3f: {  	_ =	shalt  }
0x40: {  	_ =	shalt  }
0x41: {  	_ =	shalt  }
0x42: {  	_ =	shalt  }
0x43: {  	_ =	shalt  }
0x44: {  	_ =	shalt  }
0x45: {  	_ =	shalt  }
0x46: {  	_ =	shalt  }
0x47: {  	_ =	shalt  }
0x48: {  	_ =	shalt  }
0x49: {  	_ =	shalt  }
0x4a: {  	_ =	shalt  }
0x4b: {  	_ =	shalt  }
0x4c: {  	_ =	shalt  }
0x4d: {  	_ =	shalt  }
0x4e: {  	_ =	shalt  }
0x4f: {  	_ =	shalt  }
0x50: {  	_ =	shalt  }
0x51: {  	_ =	shalt  }
0x52: {  	_ =	shalt  }
0x53: {  	_ =	shalt  }
0x54: {  	_ =	shalt  }
0x55: {  	_ =	shalt  }
0x56: {  	_ =	shalt  }
0x57: {  	_ =	shalt  }
0x58: {  	_ =	shalt  }
0x59: {  	_ =	shalt  }
0x5a: {  	_ =	shalt  }
0x5b: {  	_ =	shalt  }
0x5c: {  	_ =	shalt  }
0x5d: {  	_ =	shalt  }
0x5e: {  	_ =	shalt  }
0x5f: {  	_ =	shalt  }
0x60: {  	_ =	shalt  }
0x61: {  	_ =	shalt  }
0x62: {  	_ =	shalt  }
0x63: {  	_ =	shalt  }
0x64: {  	_ =	shalt  }
0x65: {  	_ =	shalt  }
0x66: {  	_ =	shalt  }
0x67: {  	_ =	shalt  }
0x68: {  	_ =	shalt  }
0x69: {  	_ =	shalt  }
0x6a: {  	_ =	shalt  }
0x6b: {  	_ =	shalt  }
0x6c: {  	_ =	shalt  }
0x6d: {  	_ =	shalt  }
0x6e: {  	_ =	shalt  }
0x6f: {  	_ =	shalt  }
0x70: {  	_ =	shalt  }
0x71: {  	_ =	shalt  }
0x72: {  	_ =	shalt  }
0x73: {  	_ =	shalt  }
0x74: {  	_ =	shalt  }
0x75: {  	_ =	shalt  }
0x76: {  	_ =	shalt  }
0x77: {  	_ =	shalt  }
0x78: {  	_ =	shalt  }
0x79: {  	_ =	shalt  }
0x7a: {  	_ =	shalt  }
0x7b: {  	_ =	shalt  }
0x7c: {  	_ =	shalt  }
0x7d: {  	_ =	shalt  }
0x7e: {  	_ =	shalt  }
0x7f: {  	_ =	shalt  }
0x80: {  	_ =	shalt  }
0x81: {  	_ =	shalt  }
0x82: {  	_ =	shalt  }
0x83: {  	_ =	shalt  }
0x84: {  	_ =	shalt  }
0x85: {  	_ =	shalt  }
0x86: {  	_ =	shalt  }
0x87: {  	_ =	shalt  }
.Lfunc_end0:
.L_simem_size_0:
called_computation.2_lowered:
.L_overlay_start_0:
0x88: {  	s2 =	sld [smem:$0x3FD9]  }
0x89: {  	s3 =	sld [smem:$0x3FFE];
	_ =	sdelay $0x1  }
0x8a: {  	s1 =	srdreg.scid  }
0x8b: {  	s0 =	sand.u32 $0x1, s1  }
0x8c: {  	s17 =	sshll.u32 s0, $0xA;
	s2 =	sadd.s32 s3, s2  }
0x8d: {  	s2 =	sadd.s32 s2, s17  }
0x8e: {  	[smem:$0x3FB6] =	sst s2  }
0x8f: {  	_ = 	snop  }
0x90: {  	(tm) =	ssettm $0x1  }
0x91: {  	s18 =	sld [smem:$0x3FFB];
	_ =	sdelay $0x3  }
0x92: {  	_ =	strace s18  }
0x93: {  	s2 =	sld [smem:$0x3FFC];
	_ =	sdelay $0x3  }
0x94: {  	_ =	strace s2  }
0x95: {  	s2 =	sld [smem:$0x3FFD];
	_ =	sdelay $0x3  }
0x96: {  	_ =	strace s2  }
0x97: {  	_ =	strace $0x8FFFFFFF  }
0x98: {  	s19 =	sld [smem:$0x3FDB];
	_ =	sdelay $0x1  }
0x99: {  	s20 =	simm.s32 $_scs_section_size  }
0x9a: {  	s4 =	simm.s32 $_size__tile_overlayer_lowered;
	s5 =	simm.s32 $_tile_overlayer_lowered  }
0x9b: {  	s6 =	simm.s32 $0x1BFF;
	s21 =	sshll.u32 s5, $0x1;
	s3 =	sadd.s32 s20, s19  }
0x9c: {  	s22 =	simm.s32 $0x0;
	s4 =	sshll.u32 s4, $0x1;
	s5 =	sadd.s32 s21, s3  }
0x9d: {  	[timem:s22], [sflag:s6] =	dma.local [hbm:s5], s4  }
0x9e: {  	_ =	swait.ge [sflag:s6], s4  }
0x9f: {  	s4 =	ssub.s32 $0x0, s4;
	[sflag:s6] =	ssyncset.done $0x0  }
0xa0: {  	[sflag:s6] =	ssyncadd.s32 s4;
	_ =	sdelay $0x1  }
0xa1: {  	s23 =	simm.s32 $0x1B8B  }
0xa2: {  	_ =	swait.ge [sflag:s23], $0x1  }
0xa3: {  	[sflag:s23] =	ssyncset.done $0x0  }
0xa4: {  	[sflag:s23] =	ssyncadd.s32 $0xFFFFFFFF  }
0xa5: {  	s4 =	sld [smem:$0x0]  }
0xa6: {  	s5 =	sand.u32 $0xFFFFFFFE, s1  }
0xa7: {  	p0 =	sne.s32 s1, s5  }
0xa8: {  	s5 =	sshll.u32 @p0 s5, $0xE  }
0xa9: {  	s5 =	sadd.s32 @p0 $0x11B8D, s5;
	s6 =	sshll.u32 @p0 s4, $0x11  }
0xaa: {  	s5 =	sor.u32 @p0 s6, s5  }
0xab: {  	[sflag:s5] =	ssyncadd.remote.s32 @p0 $0x1;
	_ =	sdelay $0x1  }
0xac: {  	s5 =	simm.s32 @p0 $0x1B8D  }
0xad: {  	_ =	swait.eq @p0 [sflag:s5], $0x1  }
0xae: {  	[sflag:s5] =	ssyncadd.s32 @p0 $0xFFFFFFFF  }
0xaf: {  	s6 =	sshll.u32 @!p0 s1, $0xE  }
0xb0: {  	s6 =	sor.u32 @!p0 $0x4000, s6;
	s5 =	simm.s32 @!p0 $0x1B8D  }
0xb1: {  	s4 =	sshll.u32 @!p0 s4, $0x11;
	s6 =	sadd.s32 @!p0 $0x11B8D, s6;
	_ =	swait.eq @!p0 [sflag:s5], $0x1  }
0xb2: {  	s4 =	sor.u32 @!p0 s4, s6;
	[sflag:s5] =	ssyncadd.s32 @!p0 $0xFFFFFFFF  }
0xb3: {  	s25 =	simm.s32 $0x1B8E;
	s24 =	sld [smem:$0x3FFE];
	[sflag:s4] =	ssyncadd.remote.s32 @!p0 $0x1  }
0xb4: {  	s26 =	simm.s32 $execute0_lowered;
	[smem:$0x3FD2] =	sst s25  }
0xb5: {  	s5 =	sshll.u32 s26, $0x1;
	_ =	strace $0x8000004C;
	[dreg:$0x1] =	wrdreg $0xFFFFFFFF  }
0xb6: {  	s28 =	simm.s32 $_size_execute0_lowered;
	s3 =	sadd.s32 s3, s5;
	[dreg:$0x0] =	wrdreg $0x0  }
0xb7: {  	s5 =	sshll.u32 s28, $0x1;
	[dreg:$0x2] =	wrdreg s3  }
0xb8: {  	[dreg:$0x3] =	wrdreg s5  }
0xb9: {  	[dreg:$0x4] =	wrdreg $0xC0  }
0xba: {  	_ =	task [dreg:s22], $0x5FFFF  }
0xbb: {  	[dreg:$0x1] =	wrdreg $0xFFFFFFFF  }
0xbc: {  	[dreg:$0x0] =	wrdreg $0x60  }
0xbd: {  	[dreg:$0x2] =	wrdreg s24  }
0xbe: {  	[dreg:$0x3] =	wrdreg $0xB  }
0xbf: {  	_ =	task.clear_ibuf [dreg:s22], $0x4FFFF;
	_ =	strace $0x9000004C  }
0xc0: {  	s29 =	simm.s32 $0xB;
	_ =	strace $0x8000004E  }
0xc1: {  	_ =	swait.ge [sflag:s29], $0x1  }
0xc2: {  	[sflag:s29] =	ssyncadd.s32 $0xFFFFFFFF  }
0xc3: {  	_ =	strace $0x9000004E  }
0xc4: {  	_ =	sfence  }
0xc5: {  	s30 =	sld [smem:$0x0];
	_ =	sdelay $0x2  }
0xc6: {  	s31 =	sshll.u32 s1, $0xD;
	s1 =	sshrl.u32 s1, $0x2  }
0xc7: {  	s4 =	sand.u32 $0x4000, s31;
	s1 =	sadd.s32 s1, s30  }
0xc8: {  	s0 =	sor.u32 s4, s0;
	s1 =	sshll.u32 s1, $0x11  }
0xc9: {  	s0 =	sor.u32 s1, s0  }
0xca: {  	s0 =	sadd.s32 $0x8F2B, s0  }
0xcb: {  	[sflag:s0] =	ssyncadd.remote.s32 $0x1  }
0xcc: {  	_ =	sfence.sel $0xFFFF  }
0xcd: {  	[dreg:$0x0] =	wrdreg $0xFFFFFFFF;
	(pc) =	sbr.abs _section_cstart, $3  }
0xce: {  	[dreg:$0x1] =	wrdreg $0xFFFFFFFF  }
0xcf: {  	_ =	task.clear_ibuf [dreg:s22], $0x2FFFF;
	_ =	strace $0x9FFFFFFF  }
0xd0: {  	(tm) =	ssettm $0x7FFFFFFF  }
0xd1: {  	_ =	shalt  }
tec
execute0_lowered:
.L_overlay_start_1:
0x0: {  	(tag) =	ssettag $0x1  }
0x1: {  	s1 =	srdreg.scid;
	s0 =	stileid.u32  }
0x2: {  	s4 =	rddreg [dreg:$0x0];
	s2 =	simm.s32 $0x0;
	s16 =	simm.s32 $0x1A28  }
0x3: {  	s17 =	simm.s32 $0x1;
	s18 =	simm.s32 $0x2;
	s19 =	simm.s32 $0x3  }
0x4: {  	s20 =	simm.s32 $0x4;
	s21 =	simm.s32 $0x28;
	s28 =	smul.u32 $0x5140, s0  }
0x5: {  	s22 =	simm.s32 $0x2A28;
	s9 =	sand.u32 $0x1, s1;
	s14 =	smul.u32 $0x28A00, s0  }
0x6: {  	s23 =	simm.s32 $0x5;
	s24 =	sshll.u32 s0, $0x1;
	s15 =	smul.u32 $0x14500, s9  }
0x7: {  	s1 =	rddreg [dreg:$0x1];
	s5 =	sor.u32 s9, s24;
	s29 =	smul.u32 $0x28A0, s9  }
0x8: {  	[smem:$0x7FF] =	sst s2;
	s3 =	sadd.s32 $0x41A00, s4;
	s6 =	smul.u32 $0x140, s5  }
0x9: {  	s11 =	sadd.s32 $0x50800, s4;
	s8 =	ssub.s32 $0x2, s9;
	s7 =	smul.u32 $0x5, s5  }
0xa: {  	_ =	strace $0x8000004D;
	s10 =	smul.u32 $0x14500, s5;
	s25 =	sshrl.u32 s8, $0x1  }
0xb: {  	s24 =	simm.s32 $0x0;
	s12 =	smul.u32 $0x28A0, s5;
	s8 =	ssub.s32 s8, s25  }
0xc: {  	s31 =	sadd.s32 s15, s14;
	s14 =	simm.s32 $0x80;
	s15 =	simm.s32 $0xA28  }
0xd: {  	s6 =	sadd.s32 s6, s4;
	s7 =	sadd.s32 s7, s4;
	s26 =	sshrl.u32 s10, $0x3  }
0xe: {  	s30 =	sadd.s32 s12, s11;
	s10 =	sadd.s32 s28, s11;
	s12 =	sshrl.u32 s31, $0x3  }
0xf: {  	s4 =	sadd.s32 $0x3CA00, s6;
	s13 =	sadd.s32 s11, s26;
	s5 =	sadd.s32 $0x3F200, s7  }
0x10: {  	s7 =	smax.u32 s8, $0x1;
	s9 =	sadd.s32 $0x2600, s30;
	s10 =	sadd.s32 s29, s10  }
0x11: {  	s11 =	sadd.s32 s12, s11;
	s12 =	simm.s32 $0x6;
	s6 =	sadd.s32 $0x2800, s13  }
0x12: {  	s8 =	sadd.s32 $0x2400, s13;
	s10 =	sadd.s32 $0x200, s10;
	s13 =	simm.s32 $0xA00  }
.LBB2_1:
0x13: {  	[tilespmem:s2], [sflag:$0x6] =	stream.linear.gather [hbm4b:s4+s2], $0xA00, $0x38;
	[tilespmem:$0x2F28] =	vst v63  }
0x14: {  	_ =	swait.ge [sflag:s12], $0xA00  }
0x15: {  	[sflag:s12] =	ssyncset.done $0x0  }
0x16: {  	[sflag:s12] =	ssyncadd.s32 $0xFFFFF600  }
0x17: {  	[tilespmem:s13], [sflag:$0x6] =	stream.linear.gather [hbm4b:s5+s2], $0x28, $0x38;
	[tilespmem:$0x2F28] =	vst v63  }
0x18: {  	_ =	swait.ge [sflag:s12], $0x28  }
0x19: {  	[sflag:s12] =	ssyncset.done $0x0  }
0x1a: {  	[sflag:s12] =	ssyncadd.s32 $0xFFFFFFD8  }
0x1b: {  	[tilespmem:s15], [sflag:$0x1] =	stream.indirect.gather [hbm4b:s3+s14], $0x20, s2, s14, $0xb8;
	[tilespmem:$0x2F28] =	vst v63  }
0x1c: {  	_ = 	snop  }
0x1d: {  	[tilespmem:s16], [sflag:$0x2] =	stream.indirect.gather [hbm4b:s3+s14], $0x20, s14, s14, $0xb8;
	[tilespmem:$0x2F28] =	vst v63  }
0x1e: {  	_ =	swait.ge [sflag:s17], $0x1000  }
0x1f: {  	[sflag:s17] =	ssyncset.done $0x0  }
0x20: {  	s25 =	sadd.s32 $0x0, s11;
	[sflag:s17] =	ssyncadd.s32 $0xFFFFF000  }
0x21: {  	[hbm4b:s25+s2] =	stream.linear.scatter [tilespmem:s15], [sflag:$0x3], $0x1000, $0x38;
	[tilespmem:$0x2F28] =	vst v63  }
0x22: {  	_ =	swait.ge [sflag:s18], $0x1000  }
0x23: {  	[sflag:s18] =	ssyncset.done $0x0  }
0x24: {  	s30 =	sadd.s32 $0x0, s10;
	[sflag:s18] =	ssyncadd.s32 $0xFFFFF000  }
0x25: {  	[hbm4b:s30+s2] =	stream.linear.scatter [tilespmem:s16], [sflag:$0x4], $0x1000, $0x38;
	[tilespmem:$0x2F28] =	vst v63  }
0x26: {  	_ =	swait.ge [sflag:s19], $0x1000  }
0x27: {  	[sflag:s19] =	ssyncset.done $0x0  }
0x28: {  	s31 =	simm.s32 $0x100;
	[sflag:s19] =	ssyncadd.s32 $0xFFFFF000  }
0x29: {  	[tilespmem:s15], [sflag:$0x1] =	stream.indirect.gather [hbm4b:s3+s14], $0x20, s31, s14, $0xb8;
	[tilespmem:$0x2F28] =	vst v63  }
0x2a: {  	_ =	swait.ge [sflag:s20], $0x1000  }
0x2b: {  	[sflag:s20] =	ssyncset.done $0x0  }
0x2c: {  	s26 =	simm.s32 $0x180;
	s25 =	simm.s32 $0x400;
	[sflag:s20] =	ssyncadd.s32 $0xFFFFF000  }
.LBB2_2:
0x2d: {  	[tilespmem:s16], [sflag:$0x2] =	stream.indirect.gather [hbm4b:s3+s14], $0x20, s26, s14, $0xb8;
	[tilespmem:$0x2F28] =	vst v63  }
0x2e: {  	s26 =	smov.u32 s25  }
0x2f: {  	p0 =	sne.s32 s25, $0x2000;
	s25 =	sadd.s32 $0x400, s25;
	_ =	swait.ge [sflag:s17], $0x1000  }
0x30: {  	[sflag:s17] =	ssyncset.done $0x0  }
0x31: {  	s28 =	sadd.s32 s26, s11;
	[sflag:s17] =	ssyncadd.s32 $0xFFFFF000  }
0x32: {  	[hbm4b:s28+s2] =	stream.linear.scatter [tilespmem:s15], [sflag:$0x3], $0x1000, $0x38;
	[tilespmem:$0x2F28] =	vst v63  }
0x33: {  	_ =	swait.ge [sflag:s18], $0x1000  }
0x34: {  	[sflag:s18] =	ssyncset.done $0x0  }
0x35: {  	s28 =	sadd.s32 s26, s10;
	[sflag:s18] =	ssyncadd.s32 $0xFFFFF000  }
0x36: {  	[hbm4b:s28+s2] =	stream.linear.scatter [tilespmem:s16], [sflag:$0x4], $0x1000, $0x38;
	[tilespmem:$0x2F28] =	vst v63  }
0x37: {  	_ =	swait.ge [sflag:s19], $0x1000  }
0x38: {  	s26 =	sshra.s32 s26, $0x2;
	[sflag:s19] =	ssyncset.done $0x0  }
.Ltmp0:
0x39: {  	s28 =	sadd.s32 $0x100, s26;
	[sflag:s19] =	ssyncadd.s32 $0xFFFFF000;
	(pc) =	sbr.rel @p0 .LBB2_2-.Ltmp0, $4  }
0x3a: {  	[tilespmem:s15], [sflag:$0x1] =	stream.indirect.gather [hbm4b:s3+s14], $0x20, s28, s14, $0xb8;
	[tilespmem:$0x2F28] =	vst v63  }
0x3b: {  	_ =	swait.ge [sflag:s20], $0x1000  }
0x3c: {  	[sflag:s20] =	ssyncset.done $0x0  }
0x3d: {  	s26 =	sadd.s32 $0x180, s26;
	[sflag:s20] =	ssyncadd.s32 $0xFFFFF000  }
0x3e: {  	[tilespmem:s16], [sflag:$0x2] =	stream.indirect.gather [hbm4b:s3+s14], $0x20, s26, s14, $0xb8;
	[tilespmem:$0x2F28] =	vst v63  }
0x3f: {  	_ =	swait.ge [sflag:s17], $0x1000  }
0x40: {  	[sflag:s17] =	ssyncset.done $0x0  }
0x41: {  	[sflag:s17] =	ssyncadd.s32 $0xFFFFF000  }
0x42: {  	[hbm4b:s8+s2] =	stream.linear.scatter [tilespmem:s15], [sflag:$0x3], $0x1000, $0x38;
	[tilespmem:$0x2F28] =	vst v63  }
0x43: {  	_ =	swait.ge [sflag:s18], $0x1000  }
0x44: {  	[sflag:s18] =	ssyncset.done $0x0  }
0x45: {  	[sflag:s18] =	ssyncadd.s32 $0xFFFFF000  }
0x46: {  	[hbm4b:s9+s2] =	stream.linear.scatter [tilespmem:s16], [sflag:$0x4], $0x1000, $0x38;
	[tilespmem:$0x2F28] =	vst v63  }
0x47: {  	_ = 	snop  }
0x48: {  	[tilespmem:s22], [sflag:$0x5] =	stream.indirect.gather [hbm4b:s3+s21], $0x20, s13, s21, $0xb8;
	[tilespmem:$0x2F28] =	vst v63  }
0x49: {  	_ =	swait.ge [sflag:s23], $0x500  }
0x4a: {  	[sflag:s23] =	ssyncset.done $0x0  }
0x4b: {  	[sflag:s23] =	ssyncadd.s32 $0xFFFFFB00  }
0x4c: {  	[hbm4b:s6+s2] =	stream.linear.scatter [tilespmem:s22], [sflag:$0x6], $0x500, $0x38;
	[tilespmem:$0x2F28] =	vst v63  }
0x4d: {  	_ =	swait.ge [sflag:s12], $0x500  }
0x4e: {  	[sflag:s12] =	ssyncset.done $0x0  }
0x4f: {  	s24 =	sadd.s32 $0x1, s24;
	[sflag:s12] =	ssyncadd.s32 $0xFFFFFB00  }
0x50: {  	p0 =	sne.s32 s24, s7;
	_ =	swait.ge [sflag:s19], $0x1000  }
.Ltmp1:
0x51: {  	[sflag:s19] =	ssyncset.done $0x0;
	(pc) =	sbr.rel @p0 .LBB2_1-.Ltmp1, $4  }
0x52: {  	[sflag:s19] =	ssyncadd.s32 $0xFFFFF000  }
0x53: {  	_ =	swait.ge [sflag:s20], $0x1000  }
0x54: {  	[sflag:s20] =	ssyncset.done $0x0  }
0x55: {  	[sflag:s20] =	ssyncadd.s32 $0xFFFFF000  }
0x56: {  	_ =	sfence.sel $0x180000  }
0x57: {  	[bflag:$0x0] =	sbarrier.arrive $0xFFFF  }
0x58: {  	p0 =	sne.s32 s0, $0x0;
	_ =	strace $0x9000004D  }
0x59: {  	s0 =	sadd.s32 @!p0 $0x100000, s1;
	[bflag:$0x2] =	sbarrier.arrive $0xFFFF  }
0x5a: {  	[sflag:s0] =	ssyncadd.tile.s32 @!p0 $0x1;
	_ =	shalt  }
.Lfunc_end2:
_tile_overlayer_lowered:
.L_overlay_start_2:
0x5b: {  	(tag) =	ssettag $0x2  }
0x5c: {  	s0 =	rddreg [dreg:$0x0];
	s2 =	stileid.u32  }
0x5d: {  	s1 =	rddreg [dreg:$0x1];
	p0 =	sne.s32 s2, $0x0  }
0x5e: {  	s3 =	rddreg [dreg:$0x2];
	[bflag:$0x3] =	sbarrier.arrive $0xFFFF;
	s2 =	simm.s32 @!p0 $0x1C06  }
0x5f: {  	[timem:s3], [sflag:s2] =	dma.local @!p0 [hbm:s0], s1  }
0x60: {  	s0 =	simm.s32 @!p0 $0x6  }
0x61: {  	_ =	swait.ge @!p0 [sflag:s0], s1  }
0x62: {  	s1 =	ssub.s32 @!p0 $0x0, s1;
	[sflag:s0] =	ssyncset.done @!p0 $0x0  }
0x63: {  	[sflag:s0] =	ssyncadd.s32 @!p0 s1  }
0x64: {  	[bflag:$0x3] =	sbarrier.arrive $0xFFFF  }
0x65: {  	_ =	shalt  }

// kernel: kernel.21.cloned.1.call-start
scs
__scs_entry_jumppad:
0x0: {  	(pc) =	sbr.rel $0x88, $3  }
0x1: {  	(tag) =	ssettag $0x0;
	lr =	simm.s32 $0x1  }
0x2: {  	[smem:$0x3F8F] =	sst lr;
	_ =	strace $0xD0000000  }
0x3: {  	_ = 	snop  }
0x4: {  	_ = 	snop  }
0x5: {  	_ = 	snop  }
0x6: {  	_ = 	snop  }
0x7: {  	_ = 	snop  }
__scs_overlays_trampoline_lowered:
0x8: {  	[smem:$0x3F9E] =	sst s0  }
0x9: {  	[smem:$0x3F9F] =	sst s1  }
0xa: {  	[smem:$0x3FA0] =	sst s2  }
0xb: {  	[smem:$0x3FA1] =	sst s3  }
0xc: {  	[smem:$0x3FA2] =	sst s4  }
0xd: {  	[smem:$0x3FA3] =	sst s5  }
0xe: {  	[smem:$0x3FA4] =	sst s6  }
0xf: {  	[smem:$0x3FA5] =	sst s7  }
0x10: {  	[smem:$0x3FA6] =	sst s8  }
0x11: {  	[smem:$0x3FA7] =	sst s9;
	s0 =	simm.s32 @!p0 $0x0  }
0x12: {  	s1 =	sld [smem:$0x3F8D];
	s0 =	simm.s32 @p0 $0x1  }
0x13: {  	[smem:$0x3FA8] =	sst s0;
	s0 =	simm.s32 @!p1 $0x0  }
0x14: {  	s2 =	sld [smem:$0x3F8C];
	s0 =	simm.s32 @p1 $0x1  }
0x15: {  	[smem:$0x3FA9] =	sst s0;
	s0 =	simm.s32 @!p2 $0x0  }
0x16: {  	s3 =	sld [smem:$0x3FDB];
	s0 =	simm.s32 @p2 $0x1  }
0x17: {  	s4 =	simm.s32 $0x1BF5;
	[smem:$0x3FAB] =	sst s0  }
0x18: {  	s0 =	sld [smem:$0x3F8E];
	_ =	swait.ge [sflag:s4], $0x0  }
0x19: {  	s7 =	sld [smem:$0x3F8F]  }
0x1a: {  	s8 =	sadd.s32 $0xFFFFE003, lr  }
0x1b: {  	s9 =	sadd.s32 $0xFFFFFEF7, lr;
	s5 =	simm.s32 $0xFFFFFFFF;
	p2 =	slt.u32 s8, $0xFFFFF086  }
0x1c: {  	p1 =	slt.u32 s9, $0xF7A;
	s5 =	simm.s32 @!p2 $0x0  }
0x1d: {  	s5 =	simm.s32 @p1 $0x1;
	p0 =	seq.s32 s7, s2  }
0x1e: {  	s7 =	smul.u32 @!p0 $0xF7A, s2;
	p2 =	seq.s32 @!p0 s5, $0x0  }
0x1f: {  	s9 =	smul.u32 $0xF7A, s1;
	s8 =	simm.s32 @!p0 $0x1BF5;
	p2 =	por !p2, p0  }
0x20: {  	[sflag:s8] =	ssyncset.s32 @!p0 $0xFFFFF086;
	s6 =	sadd.s32 @!p0 s3, s7;
	s7 =	simm.s32 @!p0 $0x108  }
0x21: {  	s3 =	sadd.s32 s3, s9;
	s6 =	sadd.s32 @!p0 $0x88, s6;
	s7 =	simm.s32 @p2 $0x1082  }
0x22: {  	[simem:s7], [sflag:s8] =	dma.local @!p0 [hbm:s6], $0xF7A  }
0x23: {  	s9 =	sor.u32 $0xD0000000, s2;
	s6 =	simm.s32 $0x108;
	_ =	swait.ge @!p0 [sflag:s8], $0x0  }
0x24: {  	s3 =	sadd.s32 $0x88, s3;
	s6 =	simm.s32 @!p1 $0x1082;
	[sflag:s4] =	ssyncset.s32 $0xFFFFF086  }
0x25: {  	[simem:s6], [sflag:s4] =	dma.local [hbm:s3], $0xF7A  }
0x26: {  	[smem:$0x3F8F] =	sst s1;
	(tag) =	ssettag s2;
	_ =	strace s9  }
0x27: {  	s1 =	sld [smem:$0x3F9F]  }
0x28: {  	s2 =	sld [smem:$0x3FA0]  }
0x29: {  	s4 =	sld [smem:$0x3FA2]  }
0x2a: {  	p0 =	seq.s32 s5, $0x0;
	s5 =	sld [smem:$0x3FA3]  }
0x2b: {  	s6 =	sld [smem:$0x3FA4]  }
0x2c: {  	s7 =	sld [smem:$0x3FA5]  }
0x2d: {  	s3 =	simm.s32 $0x108;
	s8 =	sld [smem:$0x3FA6]  }
0x2e: {  	s3 =	simm.s32 @!p0 $0x1082;
	s9 =	sld [smem:$0x3FA7]  }
0x2f: {  	lr =	sadd.s32 s0, s3;
	s0 =	sld [smem:$0x3F9E]  }
0x30: {  	s3 =	sld [smem:$0x3FA1]  }
0x31: {  	[smem:$0x3FAA] =	sst s10  }
0x32: {  	s10 =	sld [smem:$0x3FA8];
	_ =	sdelay $0x3  }
0x33: {  	p0 =	seq.s32 s10, $0x1;
	s10 =	sld [smem:$0x3FAA];
	_ =	sdelay $0x3  }
0x34: {  	[smem:$0x3FAA] =	sst s10  }
0x35: {  	s10 =	sld [smem:$0x3FA9];
	_ =	sdelay $0x3  }
0x36: {  	p1 =	seq.s32 s10, $0x1;
	s10 =	sld [smem:$0x3FAA];
	_ =	sdelay $0x3  }
0x37: {  	[smem:$0x3FAA] =	sst s10  }
0x38: {  	s10 =	sld [smem:$0x3FAB]  }
0x39: {  	_ = 	snop;
	(pc) =	sbr.ind lr, $3  }
0x3a: {  	_ = 	snop  }
0x3b: {  	_ = 	snop  }
0x3c: {  	p2 =	seq.s32 s10, $0x1;
	s10 =	sld [smem:$0x3FAA]  }
0x3d: {  	_ =	shalt  }
0x3e: {  	_ =	shalt  }
0x3f: {  	_ =	shalt  }
0x40: {  	_ =	shalt  }
0x41: {  	_ =	shalt  }
0x42: {  	_ =	shalt  }
0x43: {  	_ =	shalt  }
0x44: {  	_ =	shalt  }
0x45: {  	_ =	shalt  }
0x46: {  	_ =	shalt  }
0x47: {  	_ =	shalt  }
0x48: {  	_ =	shalt  }
0x49: {  	_ =	shalt  }
0x4a: {  	_ =	shalt  }
0x4b: {  	_ =	shalt  }
0x4c: {  	_ =	shalt  }
0x4d: {  	_ =	shalt  }
0x4e: {  	_ =	shalt  }
0x4f: {  	_ =	shalt  }
0x50: {  	_ =	shalt  }
0x51: {  	_ =	shalt  }
0x52: {  	_ =	shalt  }
0x53: {  	_ =	shalt  }
0x54: {  	_ =	shalt  }
0x55: {  	_ =	shalt  }
0x56: {  	_ =	shalt  }
0x57: {  	_ =	shalt  }
0x58: {  	_ =	shalt  }
0x59: {  	_ =	shalt  }
0x5a: {  	_ =	shalt  }
0x5b: {  	_ =	shalt  }
0x5c: {  	_ =	shalt  }
0x5d: {  	_ =	shalt  }
0x5e: {  	_ =	shalt  }
0x5f: {  	_ =	shalt  }
0x60: {  	_ =	shalt  }
0x61: {  	_ =	shalt  }
0x62: {  	_ =	shalt  }
0x63: {  	_ =	shalt  }
0x64: {  	_ =	shalt  }
0x65: {  	_ =	shalt  }
0x66: {  	_ =	shalt  }
0x67: {  	_ =	shalt  }
0x68: {  	_ =	shalt  }
0x69: {  	_ =	shalt  }
0x6a: {  	_ =	shalt  }
0x6b: {  	_ =	shalt  }
0x6c: {  	_ =	shalt  }
0x6d: {  	_ =	shalt  }
0x6e: {  	_ =	shalt  }
0x6f: {  	_ =	shalt  }
0x70: {  	_ =	shalt  }
0x71: {  	_ =	shalt  }
0x72: {  	_ =	shalt  }
0x73: {  	_ =	shalt  }
0x74: {  	_ =	shalt  }
0x75: {  	_ =	shalt  }
0x76: {  	_ =	shalt  }
0x77: {  	_ =	shalt  }
0x78: {  	_ =	shalt  }
0x79: {  	_ =	shalt  }
0x7a: {  	_ =	shalt  }
0x7b: {  	_ =	shalt  }
0x7c: {  	_ =	shalt  }
0x7d: {  	_ =	shalt  }
0x7e: {  	_ =	shalt  }
0x7f: {  	_ =	shalt  }
0x80: {  	_ =	shalt  }
0x81: {  	_ =	shalt  }
0x82: {  	_ =	shalt  }
0x83: {  	_ =	shalt  }
0x84: {  	_ =	shalt  }
0x85: {  	_ =	shalt  }
0x86: {  	_ =	shalt  }
0x87: {  	_ =	shalt  }
.Lfunc_end0:
.L_simem_size_0:
called_computation.3_lowered:
.L_overlay_start_0:
0x88: {  	s2 =	sld [smem:$0x3FD9]  }
0x89: {  	s3 =	sld [smem:$0x3FFE];
	_ =	sdelay $0x1  }
0x8a: {  	s1 =	srdreg.scid  }
0x8b: {  	s0 =	sand.u32 $0x1, s1  }
0x8c: {  	s15 =	sshll.u32 s0, $0xA;
	s2 =	sadd.s32 s3, s2  }
0x8d: {  	s2 =	sadd.s32 s2, s15  }
0x8e: {  	[smem:$0x3FB6] =	sst s2  }
0x8f: {  	_ = 	snop  }
0x90: {  	s2 =	sld [smem:$0x3FD0];
	_ =	sdelay $0x2  }
0x91: {  	s16 =	simm.s32 $0xC;
	s4 =	simm.s32 $0x10  }
0x92: {  	[smem:s4], [sflag:s16] =	dma.local [hbm:s2], $0x1  }
0x93: {  	_ =	swait.eq [sflag:s16], $0x1  }
0x94: {  	[sflag:s16] =	ssyncset.done $0x0  }
0x95: {  	[sflag:s16] =	ssyncadd.s32 $0xFFFFFFFF  }
0x96: {  	s17 =	sld [smem:$0x11];
	(tm) =	ssettm $0x1  }
0x97: {  	s18 =	sld [smem:$0x3FFB];
	_ =	sdelay $0x3  }
0x98: {  	_ =	strace s18  }
0x99: {  	s2 =	sld [smem:$0x3FFC];
	_ =	sdelay $0x3  }
0x9a: {  	_ =	strace s2  }
0x9b: {  	s2 =	sld [smem:$0x3FFD];
	_ =	sdelay $0x3  }
0x9c: {  	_ =	strace s2  }
0x9d: {  	_ =	strace $0x8FFFFFFF  }
0x9e: {  	s19 =	sld [smem:$0x3FDB];
	_ =	sdelay $0x1  }
0x9f: {  	s20 =	simm.s32 $_scs_section_size  }
0xa0: {  	s5 =	simm.s32 $_size__tile_overlayer_lowered;
	s6 =	simm.s32 $_tile_overlayer_lowered  }
0xa1: {  	s7 =	simm.s32 $0x1BFF;
	s21 =	sshll.u32 s6, $0x1;
	s4 =	sadd.s32 s20, s19  }
0xa2: {  	s22 =	simm.s32 $0x0;
	s5 =	sshll.u32 s5, $0x1;
	s6 =	sadd.s32 s21, s4  }
0xa3: {  	[timem:s22], [sflag:s7] =	dma.local [hbm:s6], s5  }
0xa4: {  	_ =	swait.ge [sflag:s7], s5  }
0xa5: {  	s5 =	ssub.s32 $0x0, s5;
	[sflag:s7] =	ssyncset.done $0x0  }
0xa6: {  	[sflag:s7] =	ssyncadd.s32 s5;
	_ =	sdelay $0x1  }
0xa7: {  	s23 =	simm.s32 $0x1B8B  }
0xa8: {  	_ =	swait.ge [sflag:s23], $0x1  }
0xa9: {  	[sflag:s23] =	ssyncset.done $0x0  }
0xaa: {  	[sflag:s23] =	ssyncadd.s32 $0xFFFFFFFF  }
0xab: {  	s5 =	sld [smem:$0x0]  }
0xac: {  	s6 =	sand.u32 $0xFFFFFFFE, s1  }
0xad: {  	p0 =	sne.s32 s1, s6  }
0xae: {  	s6 =	sshll.u32 @p0 s6, $0xE  }
0xaf: {  	s6 =	sadd.s32 @p0 $0x11B8D, s6;
	s7 =	sshll.u32 @p0 s5, $0x11  }
0xb0: {  	s6 =	sor.u32 @p0 s7, s6  }
0xb1: {  	[sflag:s6] =	ssyncadd.remote.s32 @p0 $0x1;
	_ =	sdelay $0x1  }
0xb2: {  	s6 =	simm.s32 @p0 $0x1B8D  }
0xb3: {  	_ =	swait.eq @p0 [sflag:s6], $0x1  }
0xb4: {  	[sflag:s6] =	ssyncadd.s32 @p0 $0xFFFFFFFF  }
0xb5: {  	s7 =	sshll.u32 @!p0 s1, $0xE  }
0xb6: {  	s7 =	sor.u32 @!p0 $0x4000, s7;
	s6 =	simm.s32 @!p0 $0x1B8D  }
0xb7: {  	s5 =	sshll.u32 @!p0 s5, $0x11;
	s7 =	sadd.s32 @!p0 $0x11B8D, s7;
	_ =	swait.eq @!p0 [sflag:s6], $0x1  }
0xb8: {  	s5 =	sor.u32 @!p0 s5, s7;
	[sflag:s6] =	ssyncadd.s32 @!p0 $0xFFFFFFFF  }
0xb9: {  	s25 =	simm.s32 $0x1B8E;
	s24 =	sld [smem:$0x3FFE];
	[sflag:s5] =	ssyncadd.remote.s32 @!p0 $0x1  }
0xba: {  	s26 =	simm.s32 $execute0_lowered;
	[smem:$0x3FD2] =	sst s25  }
0xbb: {  	s6 =	sshll.u32 s26, $0x1;
	_ =	strace $0x8000004F;
	[dreg:$0x1] =	wrdreg $0xFFFFFFFF  }
0xbc: {  	s28 =	simm.s32 $_size_execute0_lowered;
	s4 =	sadd.s32 s4, s6;
	[dreg:$0x0] =	wrdreg $0x0  }
0xbd: {  	s6 =	sshll.u32 s28, $0x1;
	[dreg:$0x2] =	wrdreg s4  }
0xbe: {  	[dreg:$0x3] =	wrdreg s6  }
0xbf: {  	[dreg:$0x4] =	wrdreg $0xC0  }
0xc0: {  	_ =	task [dreg:s22], $0x5FFFF  }
0xc1: {  	[dreg:$0x1] =	wrdreg $0xFFFFFFFF  }
0xc2: {  	[dreg:$0x0] =	wrdreg $0x60  }
0xc3: {  	[dreg:$0x2] =	wrdreg s24  }
0xc4: {  	[dreg:$0x3] =	wrdreg s17  }
0xc5: {  	[dreg:$0x4] =	wrdreg $0x9  }
0xc6: {  	_ =	task.clear_ibuf [dreg:s22], $0x5FFFF;
	_ =	strace $0x9000004F  }
0xc7: {  	s29 =	simm.s32 $0x9;
	_ =	strace $0x80000051  }
0xc8: {  	_ =	swait.ge [sflag:s29], $0x1  }
0xc9: {  	[sflag:s29] =	ssyncadd.s32 $0xFFFFFFFF  }
0xca: {  	_ =	strace $0x90000051  }
0xcb: {  	_ =	sfence  }
0xcc: {  	s30 =	sld [smem:$0x0];
	_ =	sdelay $0x2  }
0xcd: {  	s31 =	sshll.u32 s1, $0xD;
	s1 =	sshrl.u32 s1, $0x2  }
0xce: {  	s4 =	sand.u32 $0x4000, s31;
	s1 =	sadd.s32 s1, s30  }
0xcf: {  	s0 =	sor.u32 s4, s0;
	s1 =	sshll.u32 s1, $0x11  }
0xd0: {  	s0 =	sor.u32 s1, s0  }
0xd1: {  	s0 =	sadd.s32 $0x8F2B, s0  }
0xd2: {  	[sflag:s0] =	ssyncadd.remote.s32 $0x1  }
0xd3: {  	_ =	sfence.sel $0xFFFF  }
0xd4: {  	[dreg:$0x0] =	wrdreg $0xFFFFFFFF;
	(pc) =	sbr.abs _section_cstart, $3  }
0xd5: {  	[dreg:$0x1] =	wrdreg $0xFFFFFFFF  }
0xd6: {  	_ =	task.clear_ibuf [dreg:s22], $0x2FFFF;
	_ =	strace $0x9FFFFFFF  }
0xd7: {  	(tm) =	ssettm $0x7FFFFFFF  }
tec
execute0_lowered:
.L_overlay_start_1:
0x0: {  	(tag) =	ssettag $0x1  }
0x1: {  	s4 =	rddreg [dreg:$0x0];
	s1 =	srdreg.scid  }
0x2: {  	s0 =	stileid.u32;
	s5 =	rddreg [dreg:$0x1];
	s2 =	simm.s32 $0x0  }
0x3: {  	s17 =	simm.s32 $0x1;
	s18 =	simm.s32 $0x2;
	s19 =	simm.s32 $0x3  }
0x4: {  	s20 =	simm.s32 $0x4;
	s21 =	simm.s32 $0x60;
	s26 =	smul.u32 $0x4B00, s0  }
0x5: {  	s22 =	simm.s32 $0x2960;
	s9 =	sand.u32 $0x1, s1;
	s15 =	smul.u32 $0x25800, s0  }
0x6: {  	s23 =	simm.s32 $0x5;
	s3 =	sshll.u32 s0, $0x1;
	s16 =	smul.u32 $0x12C00, s9  }
0x7: {  	s1 =	rddreg [dreg:$0x2];
	s6 =	sor.u32 s9, s3;
	s28 =	smul.u32 $0x2580, s9  }
0x8: {  	[smem:$0x7FF] =	sst s2;
	s12 =	sadd.s32 $0xA1C00, s4;
	s7 =	smul.u32 $0x120, s6  }
0x9: {  	_ =	strace $0x80000050;
	s10 =	ssub.s32 $0x2, s9;
	s8 =	smul.u32 $0xC, s6  }
0xa: {  	s3 =	sadd.s32 $0x41A00, s4;
	s11 =	smul.u32 $0x12C00, s6;
	s24 =	sshrl.u32 s10, $0x1  }
0xb: {  	s13 =	smul.u32 $0x2580, s6;
	s10 =	ssub.s32 s10, s24;
	s30 =	sadd.s32 s16, s15  }
0xc: {  	s15 =	simm.s32 $0x960;
	s16 =	simm.s32 $0x1960;
	s24 =	simm.s32 $0x0  }
0xd: {  	s7 =	sadd.s32 s7, s4;
	s25 =	sshrl.u32 s11, $0x3;
	s5 =	sadd.s32 s5, s8  }
0xe: {  	s29 =	sadd.s32 s13, s12;
	s11 =	sadd.s32 s26, s12;
	s31 =	sshrl.u32 s30, $0x3  }
0xf: {  	s13 =	simm.s32 $0x900;
	s4 =	sadd.s32 $0x3F400, s7;
	s14 =	sadd.s32 s12, s25  }
0x10: {  	s7 =	smax.u32 s10, $0x1;
	s9 =	sadd.s32 $0x2200, s29;
	s10 =	sadd.s32 s28, s11  }
0x11: {  	s11 =	sadd.s32 s31, s12;
	s12 =	simm.s32 $0x6;
	s6 =	sadd.s32 $0x2400, s14  }
0x12: {  	s8 =	sadd.s32 $0x2000, s14;
	s10 =	sadd.s32 $0x200, s10;
	s14 =	simm.s32 $0x80  }
.LBB2_1:
0x13: {  	[tilespmem:s2], [sflag:$0x6] =	stream.linear.gather [hbm4b:s4+s2], $0x900, $0x38;
	[tilespmem:$0x3560] =	vst v63  }
0x14: {  	_ =	swait.ge [sflag:s12], $0x900  }
0x15: {  	[sflag:s12] =	ssyncset.done $0x0  }
0x16: {  	[sflag:s12] =	ssyncadd.s32 $0xFFFFF700  }
0x17: {  	[tilespmem:s13], [sflag:$0x6] =	stream.linear.gather [hbm4b:s5+s2], $0x60, $0x38;
	[tilespmem:$0x3560] =	vst v63  }
0x18: {  	_ =	swait.ge [sflag:s12], $0x60  }
0x19: {  	[sflag:s12] =	ssyncset.done $0x0  }
0x1a: {  	[sflag:s12] =	ssyncadd.s32 $0xFFFFFFA0  }
0x1b: {  	[tilespmem:s15], [sflag:$0x1] =	stream.indirect.gather [hbm4b:s3+s14], $0x20, s2, s14, $0xb8;
	[tilespmem:$0x3560] =	vst v63  }
0x1c: {  	_ = 	snop  }
0x1d: {  	[tilespmem:s16], [sflag:$0x2] =	stream.indirect.gather [hbm4b:s3+s14], $0x20, s14, s14, $0xb8;
	[tilespmem:$0x3560] =	vst v63  }
0x1e: {  	_ =	swait.ge [sflag:s17], $0x1000  }
0x1f: {  	[sflag:s17] =	ssyncset.done $0x0  }
0x20: {  	s25 =	sadd.s32 $0x0, s11;
	[sflag:s17] =	ssyncadd.s32 $0xFFFFF000  }
0x21: {  	[hbm4b:s25+s2] =	stream.linear.scatter [tilespmem:s15], [sflag:$0x3], $0x1000, $0x38;
	[tilespmem:$0x3560] =	vst v63  }
0x22: {  	_ =	swait.ge [sflag:s18], $0x1000  }
0x23: {  	[sflag:s18] =	ssyncset.done $0x0  }
0x24: {  	s30 =	sadd.s32 $0x0, s10;
	[sflag:s18] =	ssyncadd.s32 $0xFFFFF000  }
0x25: {  	[hbm4b:s30+s2] =	stream.linear.scatter [tilespmem:s16], [sflag:$0x4], $0x1000, $0x38;
	[tilespmem:$0x3560] =	vst v63  }
0x26: {  	_ =	swait.ge [sflag:s19], $0x1000  }
0x27: {  	[sflag:s19] =	ssyncset.done $0x0  }
0x28: {  	s31 =	simm.s32 $0x100;
	[sflag:s19] =	ssyncadd.s32 $0xFFFFF000  }
0x29: {  	[tilespmem:s15], [sflag:$0x1] =	stream.indirect.gather [hbm4b:s3+s14], $0x20, s31, s14, $0xb8;
	[tilespmem:$0x3560] =	vst v63  }
0x2a: {  	_ =	swait.ge [sflag:s20], $0x1000  }
0x2b: {  	[sflag:s20] =	ssyncset.done $0x0  }
0x2c: {  	s26 =	simm.s32 $0x180;
	s25 =	simm.s32 $0x400;
	[sflag:s20] =	ssyncadd.s32 $0xFFFFF000  }
.LBB2_2:
0x2d: {  	[tilespmem:s16], [sflag:$0x2] =	stream.indirect.gather [hbm4b:s3+s14], $0x20, s26, s14, $0xb8;
	[tilespmem:$0x3560] =	vst v63  }
0x2e: {  	s26 =	smov.u32 s25  }
0x2f: {  	p0 =	sne.s32 s25, $0x1C00;
	s25 =	sadd.s32 $0x400, s25;
	_ =	swait.ge [sflag:s17], $0x1000  }
0x30: {  	[sflag:s17] =	ssyncset.done $0x0  }
0x31: {  	s28 =	sadd.s32 s26, s11;
	[sflag:s17] =	ssyncadd.s32 $0xFFFFF000  }
0x32: {  	[hbm4b:s28+s2] =	stream.linear.scatter [tilespmem:s15], [sflag:$0x3], $0x1000, $0x38;
	[tilespmem:$0x3560] =	vst v63  }
0x33: {  	_ =	swait.ge [sflag:s18], $0x1000  }
0x34: {  	[sflag:s18] =	ssyncset.done $0x0  }
0x35: {  	s28 =	sadd.s32 s26, s10;
	[sflag:s18] =	ssyncadd.s32 $0xFFFFF000  }
0x36: {  	[hbm4b:s28+s2] =	stream.linear.scatter [tilespmem:s16], [sflag:$0x4], $0x1000, $0x38;
	[tilespmem:$0x3560] =	vst v63  }
0x37: {  	_ =	swait.ge [sflag:s19], $0x1000  }
0x38: {  	s26 =	sshra.s32 s26, $0x2;
	[sflag:s19] =	ssyncset.done $0x0  }
.Ltmp0:
0x39: {  	s28 =	sadd.s32 $0x100, s26;
	[sflag:s19] =	ssyncadd.s32 $0xFFFFF000;
	(pc) =	sbr.rel @p0 .LBB2_2-.Ltmp0, $4  }
0x3a: {  	[tilespmem:s15], [sflag:$0x1] =	stream.indirect.gather [hbm4b:s3+s14], $0x20, s28, s14, $0xb8;
	[tilespmem:$0x3560] =	vst v63  }
0x3b: {  	_ =	swait.ge [sflag:s20], $0x1000  }
0x3c: {  	[sflag:s20] =	ssyncset.done $0x0  }
0x3d: {  	s26 =	sadd.s32 $0x180, s26;
	[sflag:s20] =	ssyncadd.s32 $0xFFFFF000  }
0x3e: {  	[tilespmem:s16], [sflag:$0x2] =	stream.indirect.gather [hbm4b:s3+s14], $0x20, s26, s14, $0xb8;
	[tilespmem:$0x3560] =	vst v63  }
0x3f: {  	_ =	swait.ge [sflag:s17], $0x1000  }
0x40: {  	[sflag:s17] =	ssyncset.done $0x0  }
0x41: {  	[sflag:s17] =	ssyncadd.s32 $0xFFFFF000  }
0x42: {  	[hbm4b:s8+s2] =	stream.linear.scatter [tilespmem:s15], [sflag:$0x3], $0x1000, $0x38;
	[tilespmem:$0x3560] =	vst v63  }
0x43: {  	_ =	swait.ge [sflag:s18], $0x1000  }
0x44: {  	[sflag:s18] =	ssyncset.done $0x0  }
0x45: {  	[sflag:s18] =	ssyncadd.s32 $0xFFFFF000  }
0x46: {  	[hbm4b:s9+s2] =	stream.linear.scatter [tilespmem:s16], [sflag:$0x4], $0x1000, $0x38;
	[tilespmem:$0x3560] =	vst v63  }
0x47: {  	_ = 	snop  }
0x48: {  	[tilespmem:s22], [sflag:$0x5] =	stream.indirect.gather [hbm4b:s3+s21], $0x20, s13, s21, $0xb8;
	[tilespmem:$0x3560] =	vst v63  }
0x49: {  	_ =	swait.ge [sflag:s23], $0xC00  }
0x4a: {  	[sflag:s23] =	ssyncset.done $0x0  }
0x4b: {  	[sflag:s23] =	ssyncadd.s32 $0xFFFFF400  }
0x4c: {  	[hbm4b:s6+s2] =	stream.linear.scatter [tilespmem:s22], [sflag:$0x6], $0xC00, $0x38;
	[tilespmem:$0x3560] =	vst v63  }
0x4d: {  	_ =	swait.ge [sflag:s12], $0xC00  }
0x4e: {  	[sflag:s12] =	ssyncset.done $0x0  }
0x4f: {  	s24 =	sadd.s32 $0x1, s24;
	[sflag:s12] =	ssyncadd.s32 $0xFFFFF400  }
0x50: {  	p0 =	sne.s32 s24, s7;
	_ =	swait.ge [sflag:s19], $0x1000  }
.Ltmp1:
0x51: {  	[sflag:s19] =	ssyncset.done $0x0;
	(pc) =	sbr.rel @p0 .LBB2_1-.Ltmp1, $4  }
0x52: {  	[sflag:s19] =	ssyncadd.s32 $0xFFFFF000  }
0x53: {  	_ =	swait.ge [sflag:s20], $0x1000  }
0x54: {  	[sflag:s20] =	ssyncset.done $0x0  }
0x55: {  	[sflag:s20] =	ssyncadd.s32 $0xFFFFF000  }
0x56: {  	_ =	sfence.sel $0x180000  }
0x57: {  	[bflag:$0x0] =	sbarrier.arrive $0xFFFF  }
0x58: {  	p0 =	sne.s32 s0, $0x0;
	_ =	strace $0x90000050  }
0x59: {  	s0 =	sadd.s32 @!p0 $0x100000, s1;
	[bflag:$0x2] =	sbarrier.arrive $0xFFFF  }
0x5a: {  	[sflag:s0] =	ssyncadd.tile.s32 @!p0 $0x1;
	_ =	shalt  }
.Lfunc_end2:
_tile_overlayer_lowered:
.L_overlay_start_2:
0x5b: {  	(tag) =	ssettag $0x2  }
0x5c: {  	s0 =	rddreg [dreg:$0x0];
	s2 =	stileid.u32  }
0x5d: {  	s1 =	rddreg [dreg:$0x1];
	p0 =	sne.s32 s2, $0x0  }
0x5e: {  	s3 =	rddreg [dreg:$0x2];
	[bflag:$0x3] =	sbarrier.arrive $0xFFFF;
	s2 =	simm.s32 @!p0 $0x1C06  }
0x5f: {  	[timem:s3], [sflag:s2] =	dma.local @!p0 [hbm:s0], s1  }
0x60: {  	s0 =	simm.s32 @!p0 $0x6  }
0x61: {  	_ =	swait.ge @!p0 [sflag:s0], s1  }
0x62: {  	s1 =	ssub.s32 @!p0 $0x0, s1;
	[sflag:s0] =	ssyncset.done @!p0 $0x0  }
0x63: {  	[sflag:s0] =	ssyncadd.s32 @!p0 s1  }
0x64: {  	[bflag:$0x3] =	sbarrier.arrive $0xFFFF  }
0x65: {  	_ =	shalt  }

// kernel: kernel.24.cloned.1.call-start
scs
__scs_entry_jumppad:
0x0: {  	(pc) =	sbr.rel $0x88, $3  }
0x1: {  	(tag) =	ssettag $0x0;
	lr =	simm.s32 $0x1  }
0x2: {  	[smem:$0x3F8F] =	sst lr;
	_ =	strace $0xD0000000  }
0x3: {  	_ = 	snop  }
0x4: {  	_ = 	snop  }
0x5: {  	_ = 	snop  }
0x6: {  	_ = 	snop  }
0x7: {  	_ = 	snop  }
__scs_overlays_trampoline_lowered:
0x8: {  	[smem:$0x3F9E] =	sst s0  }
0x9: {  	[smem:$0x3F9F] =	sst s1  }
0xa: {  	[smem:$0x3FA0] =	sst s2  }
0xb: {  	[smem:$0x3FA1] =	sst s3  }
0xc: {  	[smem:$0x3FA2] =	sst s4  }
0xd: {  	[smem:$0x3FA3] =	sst s5  }
0xe: {  	[smem:$0x3FA4] =	sst s6  }
0xf: {  	[smem:$0x3FA5] =	sst s7  }
0x10: {  	[smem:$0x3FA6] =	sst s8  }
0x11: {  	[smem:$0x3FA7] =	sst s9;
	s0 =	simm.s32 @!p0 $0x0  }
0x12: {  	s1 =	sld [smem:$0x3F8D];
	s0 =	simm.s32 @p0 $0x1  }
0x13: {  	[smem:$0x3FA8] =	sst s0;
	s0 =	simm.s32 @!p1 $0x0  }
0x14: {  	s2 =	sld [smem:$0x3F8C];
	s0 =	simm.s32 @p1 $0x1  }
0x15: {  	[smem:$0x3FA9] =	sst s0;
	s0 =	simm.s32 @!p2 $0x0  }
0x16: {  	s3 =	sld [smem:$0x3FDB];
	s0 =	simm.s32 @p2 $0x1  }
0x17: {  	s4 =	simm.s32 $0x1BF5;
	[smem:$0x3FAB] =	sst s0  }
0x18: {  	s0 =	sld [smem:$0x3F8E];
	_ =	swait.ge [sflag:s4], $0x0  }
0x19: {  	s7 =	sld [smem:$0x3F8F]  }
0x1a: {  	s8 =	sadd.s32 $0xFFFFE003, lr  }
0x1b: {  	s9 =	sadd.s32 $0xFFFFFEF7, lr;
	s5 =	simm.s32 $0xFFFFFFFF;
	p2 =	slt.u32 s8, $0xFFFFF086  }
0x1c: {  	p1 =	slt.u32 s9, $0xF7A;
	s5 =	simm.s32 @!p2 $0x0  }
0x1d: {  	s5 =	simm.s32 @p1 $0x1;
	p0 =	seq.s32 s7, s2  }
0x1e: {  	s7 =	smul.u32 @!p0 $0xF7A, s2;
	p2 =	seq.s32 @!p0 s5, $0x0  }
0x1f: {  	s9 =	smul.u32 $0xF7A, s1;
	s8 =	simm.s32 @!p0 $0x1BF5;
	p2 =	por !p2, p0  }
0x20: {  	[sflag:s8] =	ssyncset.s32 @!p0 $0xFFFFF086;
	s6 =	sadd.s32 @!p0 s3, s7;
	s7 =	simm.s32 @!p0 $0x108  }
0x21: {  	s3 =	sadd.s32 s3, s9;
	s6 =	sadd.s32 @!p0 $0x88, s6;
	s7 =	simm.s32 @p2 $0x1082  }
0x22: {  	[simem:s7], [sflag:s8] =	dma.local @!p0 [hbm:s6], $0xF7A  }
0x23: {  	s9 =	sor.u32 $0xD0000000, s2;
	s6 =	simm.s32 $0x108;
	_ =	swait.ge @!p0 [sflag:s8], $0x0  }
0x24: {  	s3 =	sadd.s32 $0x88, s3;
	s6 =	simm.s32 @!p1 $0x1082;
	[sflag:s4] =	ssyncset.s32 $0xFFFFF086  }
0x25: {  	[simem:s6], [sflag:s4] =	dma.local [hbm:s3], $0xF7A  }
0x26: {  	[smem:$0x3F8F] =	sst s1;
	(tag) =	ssettag s2;
	_ =	strace s9  }
0x27: {  	s1 =	sld [smem:$0x3F9F]  }
0x28: {  	s2 =	sld [smem:$0x3FA0]  }
0x29: {  	s4 =	sld [smem:$0x3FA2]  }
0x2a: {  	p0 =	seq.s32 s5, $0x0;
	s5 =	sld [smem:$0x3FA3]  }
0x2b: {  	s6 =	sld [smem:$0x3FA4]  }
0x2c: {  	s7 =	sld [smem:$0x3FA5]  }
0x2d: {  	s3 =	simm.s32 $0x108;
	s8 =	sld [smem:$0x3FA6]  }
0x2e: {  	s3 =	simm.s32 @!p0 $0x1082;
	s9 =	sld [smem:$0x3FA7]  }
0x2f: {  	lr =	sadd.s32 s0, s3;
	s0 =	sld [smem:$0x3F9E]  }
0x30: {  	s3 =	sld [smem:$0x3FA1]  }
0x31: {  	[smem:$0x3FAA] =	sst s10  }
0x32: {  	s10 =	sld [smem:$0x3FA8];
	_ =	sdelay $0x3  }
0x33: {  	p0 =	seq.s32 s10, $0x1;
	s10 =	sld [smem:$0x3FAA];
	_ =	sdelay $0x3  }
0x34: {  	[smem:$0x3FAA] =	sst s10  }
0x35: {  	s10 =	sld [smem:$0x3FA9];
	_ =	sdelay $0x3  }
0x36: {  	p1 =	seq.s32 s10, $0x1;
	s10 =	sld [smem:$0x3FAA];
	_ =	sdelay $0x3  }
0x37: {  	[smem:$0x3FAA] =	sst s10  }
0x38: {  	s10 =	sld [smem:$0x3FAB]  }
0x39: {  	_ = 	snop;
	(pc) =	sbr.ind lr, $3  }
0x3a: {  	_ = 	snop  }
0x3b: {  	_ = 	snop  }
0x3c: {  	p2 =	seq.s32 s10, $0x1;
	s10 =	sld [smem:$0x3FAA]  }
0x3d: {  	_ =	shalt  }
0x3e: {  	_ =	shalt  }
0x3f: {  	_ =	shalt  }
0x40: {  	_ =	shalt  }
0x41: {  	_ =	shalt  }
0x42: {  	_ =	shalt  }
0x43: {  	_ =	shalt  }
0x44: {  	_ =	shalt  }
0x45: {  	_ =	shalt  }
0x46: {  	_ =	shalt  }
0x47: {  	_ =	shalt  }
0x48: {  	_ =	shalt  }
0x49: {  	_ =	shalt  }
0x4a: {  	_ =	shalt  }
0x4b: {  	_ =	shalt  }
0x4c: {  	_ =	shalt  }
0x4d: {  	_ =	shalt  }
0x4e: {  	_ =	shalt  }
0x4f: {  	_ =	shalt  }
0x50: {  	_ =	shalt  }
0x51: {  	_ =	shalt  }
0x52: {  	_ =	shalt  }
0x53: {  	_ =	shalt  }
0x54: {  	_ =	shalt  }
0x55: {  	_ =	shalt  }
0x56: {  	_ =	shalt  }
0x57: {  	_ =	shalt  }
0x58: {  	_ =	shalt  }
0x59: {  	_ =	shalt  }
0x5a: {  	_ =	shalt  }
0x5b: {  	_ =	shalt  }
0x5c: {  	_ =	shalt  }
0x5d: {  	_ =	shalt  }
0x5e: {  	_ =	shalt  }
0x5f: {  	_ =	shalt  }
0x60: {  	_ =	shalt  }
0x61: {  	_ =	shalt  }
0x62: {  	_ =	shalt  }
0x63: {  	_ =	shalt  }
0x64: {  	_ =	shalt  }
0x65: {  	_ =	shalt  }
0x66: {  	_ =	shalt  }
0x67: {  	_ =	shalt  }
0x68: {  	_ =	shalt  }
0x69: {  	_ =	shalt  }
0x6a: {  	_ =	shalt  }
0x6b: {  	_ =	shalt  }
0x6c: {  	_ =	shalt  }
0x6d: {  	_ =	shalt  }
0x6e: {  	_ =	shalt  }
0x6f: {  	_ =	shalt  }
0x70: {  	_ =	shalt  }
0x71: {  	_ =	shalt  }
0x72: {  	_ =	shalt  }
0x73: {  	_ =	shalt  }
0x74: {  	_ =	shalt  }
0x75: {  	_ =	shalt  }
0x76: {  	_ =	shalt  }
0x77: {  	_ =	shalt  }
0x78: {  	_ =	shalt  }
0x79: {  	_ =	shalt  }
0x7a: {  	_ =	shalt  }
0x7b: {  	_ =	shalt  }
0x7c: {  	_ =	shalt  }
0x7d: {  	_ =	shalt  }
0x7e: {  	_ =	shalt  }
0x7f: {  	_ =	shalt  }
0x80: {  	_ =	shalt  }
0x81: {  	_ =	shalt  }
0x82: {  	_ =	shalt  }
0x83: {  	_ =	shalt  }
0x84: {  	_ =	shalt  }
0x85: {  	_ =	shalt  }
0x86: {  	_ =	shalt  }
0x87: {  	_ =	shalt  }
.Lfunc_end0:
.L_simem_size_0:
called_computation.4_lowered:
.L_overlay_start_0:
0x88: {  	s2 =	sld [smem:$0x3FD9]  }
0x89: {  	s3 =	sld [smem:$0x3FFE];
	_ =	sdelay $0x1  }
0x8a: {  	s1 =	srdreg.scid  }
0x8b: {  	s0 =	sand.u32 $0x1, s1  }
0x8c: {  	s17 =	sshll.u32 s0, $0xA;
	s2 =	sadd.s32 s3, s2  }
0x8d: {  	s2 =	sadd.s32 s2, s17  }
0x8e: {  	[smem:$0x3FB6] =	sst s2  }
0x8f: {  	_ = 	snop  }
0x90: {  	(tm) =	ssettm $0x1  }
0x91: {  	s18 =	sld [smem:$0x3FFB];
	_ =	sdelay $0x3  }
0x92: {  	_ =	strace s18  }
0x93: {  	s2 =	sld [smem:$0x3FFC];
	_ =	sdelay $0x3  }
0x94: {  	_ =	strace s2  }
0x95: {  	s2 =	sld [smem:$0x3FFD];
	_ =	sdelay $0x3  }
0x96: {  	_ =	strace s2  }
0x97: {  	_ =	strace $0x8FFFFFFF  }
0x98: {  	s19 =	sld [smem:$0x3FDB];
	_ =	sdelay $0x1  }
0x99: {  	s20 =	simm.s32 $_scs_section_size  }
0x9a: {  	s4 =	simm.s32 $_size__tile_overlayer_lowered;
	s5 =	simm.s32 $_tile_overlayer_lowered  }
0x9b: {  	s6 =	simm.s32 $0x1BFF;
	s21 =	sshll.u32 s5, $0x1;
	s3 =	sadd.s32 s20, s19  }
0x9c: {  	s22 =	simm.s32 $0x0;
	s4 =	sshll.u32 s4, $0x1;
	s5 =	sadd.s32 s21, s3  }
0x9d: {  	[timem:s22], [sflag:s6] =	dma.local [hbm:s5], s4  }
0x9e: {  	_ =	swait.ge [sflag:s6], s4  }
0x9f: {  	s4 =	ssub.s32 $0x0, s4;
	[sflag:s6] =	ssyncset.done $0x0  }
0xa0: {  	[sflag:s6] =	ssyncadd.s32 s4;
	_ =	sdelay $0x1  }
0xa1: {  	s23 =	simm.s32 $0x1B8B  }
0xa2: {  	_ =	swait.ge [sflag:s23], $0x1  }
0xa3: {  	[sflag:s23] =	ssyncset.done $0x0  }
0xa4: {  	[sflag:s23] =	ssyncadd.s32 $0xFFFFFFFF  }
0xa5: {  	s4 =	sld [smem:$0x0]  }
0xa6: {  	s5 =	sand.u32 $0xFFFFFFFE, s1  }
0xa7: {  	p0 =	sne.s32 s1, s5  }
0xa8: {  	s5 =	sshll.u32 @p0 s5, $0xE  }
0xa9: {  	s5 =	sadd.s32 @p0 $0x11B8D, s5;
	s6 =	sshll.u32 @p0 s4, $0x11  }
0xaa: {  	s5 =	sor.u32 @p0 s6, s5  }
0xab: {  	[sflag:s5] =	ssyncadd.remote.s32 @p0 $0x1;
	_ =	sdelay $0x1  }
0xac: {  	s5 =	simm.s32 @p0 $0x1B8D  }
0xad: {  	_ =	swait.eq @p0 [sflag:s5], $0x1  }
0xae: {  	[sflag:s5] =	ssyncadd.s32 @p0 $0xFFFFFFFF  }
0xaf: {  	s6 =	sshll.u32 @!p0 s1, $0xE  }
0xb0: {  	s6 =	sor.u32 @!p0 $0x4000, s6;
	s5 =	simm.s32 @!p0 $0x1B8D  }
0xb1: {  	s4 =	sshll.u32 @!p0 s4, $0x11;
	s6 =	sadd.s32 @!p0 $0x11B8D, s6;
	_ =	swait.eq @!p0 [sflag:s5], $0x1  }
0xb2: {  	s4 =	sor.u32 @!p0 s4, s6;
	[sflag:s5] =	ssyncadd.s32 @!p0 $0xFFFFFFFF  }
0xb3: {  	s25 =	simm.s32 $0x1B8E;
	s24 =	sld [smem:$0x3FFE];
	[sflag:s4] =	ssyncadd.remote.s32 @!p0 $0x1  }
0xb4: {  	s26 =	simm.s32 $execute0_lowered;
	[smem:$0x3FD2] =	sst s25  }
0xb5: {  	s5 =	sshll.u32 s26, $0x1;
	_ =	strace $0x80000052;
	[dreg:$0x1] =	wrdreg $0xFFFFFFFF  }
0xb6: {  	s28 =	simm.s32 $_size_execute0_lowered;
	s3 =	sadd.s32 s3, s5;
	[dreg:$0x0] =	wrdreg $0x0  }
0xb7: {  	s5 =	sshll.u32 s28, $0x1;
	[dreg:$0x2] =	wrdreg s3  }
0xb8: {  	[dreg:$0x3] =	wrdreg s5  }
0xb9: {  	[dreg:$0x4] =	wrdreg $0xC0  }
0xba: {  	_ =	task [dreg:s22], $0x5FFFF  }
0xbb: {  	[dreg:$0x1] =	wrdreg $0xFFFFFFFF  }
0xbc: {  	[dreg:$0x0] =	wrdreg $0x60  }
0xbd: {  	[dreg:$0x2] =	wrdreg s24  }
0xbe: {  	[dreg:$0x3] =	wrdreg $0x2F280  }
0xbf: {  	[dreg:$0x4] =	wrdreg $0xA  }
0xc0: {  	_ =	task.clear_ibuf [dreg:s22], $0x5FFFF;
	_ =	strace $0x90000052  }
0xc1: {  	s29 =	simm.s32 $0xA;
	_ =	strace $0x80000054  }
0xc2: {  	_ =	swait.ge [sflag:s29], $0x1  }
0xc3: {  	[sflag:s29] =	ssyncadd.s32 $0xFFFFFFFF  }
0xc4: {  	_ =	strace $0x90000054  }
0xc5: {  	_ =	sfence  }
0xc6: {  	s30 =	sld [smem:$0x0];
	_ =	sdelay $0x2  }
0xc7: {  	s31 =	sshll.u32 s1, $0xD;
	s1 =	sshrl.u32 s1, $0x2  }
0xc8: {  	s4 =	sand.u32 $0x4000, s31;
	s1 =	sadd.s32 s1, s30  }
0xc9: {  	s0 =	sor.u32 s4, s0;
	s1 =	sshll.u32 s1, $0x11  }
0xca: {  	s0 =	sor.u32 s1, s0  }
0xcb: {  	s0 =	sadd.s32 $0x8F2B, s0  }
0xcc: {  	[sflag:s0] =	ssyncadd.remote.s32 $0x1  }
0xcd: {  	_ =	sfence.sel $0xFFFF  }
0xce: {  	[dreg:$0x0] =	wrdreg $0xFFFFFFFF;
	(pc) =	sbr.abs _section_cstart, $3  }
0xcf: {  	[dreg:$0x1] =	wrdreg $0xFFFFFFFF  }
0xd0: {  	_ =	task.clear_ibuf [dreg:s22], $0x2FFFF;
	_ =	strace $0x9FFFFFFF  }
0xd1: {  	(tm) =	ssettm $0x7FFFFFFF  }
tec
execute0_lowered:
.L_overlay_start_1:
0x0: {  	(tag) =	ssettag $0x1  }
0x1: {  	s0 =	srdreg.scid;
	s15 =	stileid.u32  }
0x2: {  	s6 =	rddreg [dreg:$0x0];
	s8 =	smul.u32 $0xA00, s15  }
0x3: {  	s2 =	rddreg [dreg:$0x1];
	s3 =	simm.s32 $0x0;
	s19 =	smul.u32 $0x14000, s15  }
0x4: {  	s28 =	simm.s32 $0x3;
	s0 =	sand.u32 $0x1, s0;
	s22 =	smul.u32 $0x28A00, s15  }
0x5: {  	s29 =	simm.s32 $0x28;
	s1 =	sshll.u32 s15, $0x1;
	s9 =	smul.u32 $0xA000, s0  }
0x6: {  	s1 =	sor.u32 s0, s1;
	s18 =	ssub.s32 $0x2, s0;
	s0 =	smul.u32 $0x14500, s0  }
0x7: {  	s30 =	simm.s32 $0x0;
	[smem:$0x7FF] =	sst s3;
	s5 =	smul.u32 $0x140, s1  }
0x8: {  	s4 =	sadd.s32 $0x4E200, s6;
	s23 =	sshll.u32 s15, $0x6;
	s7 =	smul.u32 $0x5, s1  }
0x9: {  	_ =	strace $0x80000053;
	s20 =	sshrl.u32 s18, $0x1;
	s13 =	smul.u32 $0x14500, s1  }
0xa: {  	s21 =	sshrl.u32 s19, $0x2;
	s1 =	smul.u32 $0x28A0, s1;
	s19 =	simm.s32 $0xA28  }
0xb: {  	s17 =	sadd.s32 s8, s9;
	s14 =	ssub.s32 s18, s20;
	s16 =	sadd.s32 s21, s2  }
0xc: {  	s0 =	sadd.s32 s0, s22;
	s18 =	simm.s32 $0xA00;
	s20 =	simm.s32 $0x1A28  }
0xd: {  	s21 =	simm.s32 $0x1;
	s22 =	simm.s32 $0x80;
	s10 =	sadd.s32 s5, s6  }
0xe: {  	s11 =	sadd.s32 s7, s6;
	s5 =	sadd.s32 $0x9F600, s6;
	s12 =	sadd.s32 s17, s6  }
0xf: {  	s6 =	sor.u32 $0x1C04, s23;
	s24 =	sshrl.u32 s13, $0x3;
	s9 =	sadd.s32 s4, s1  }
0x10: {  	s26 =	sadd.s32 $0x3000, s0;
	s13 =	smax.u32 s14, $0x1;
	s15 =	sadd.s32 $0x2000, s0  }
0x11: {  	s16 =	sshrl.u32 s16, $0x3;
	s17 =	simm.s32 $0x4;
	s23 =	simm.s32 $0x2  }
0x12: {  	s7 =	sadd.s32 $0x4B800, s10;
	s8 =	sadd.s32 $0x4E000, s11;
	s25 =	sadd.s32 s4, s24  }
0x13: {  	s31 =	sshrl.u32 s26, $0x3;
	s12 =	sadd.s32 $0x35DC00, s12;
	s26 =	simm.s32 $0x2A28  }
0x14: {  	s10 =	sadd.s32 $0x200, s25;
	s11 =	sadd.s32 $0x2800, s25;
	s14 =	sadd.s32 s31, s4  }
.LBB2_1:
0x15: {  	[spmem:s16], [sflag:s6] =	dma.local [hbm:s5], $0xA00  }
0x16: {  	_ =	swait.ge [sflag:s17], $0xA00  }
0x17: {  	[sflag:s17] =	ssyncset.done $0x0  }
0x18: {  	[sflag:s17] =	ssyncadd.s32 $0xFFFFF600  }
0x19: {  	[tilespmem:s3], [sflag:$0x4] =	stream.linear.gather [hbm4b:s7+s3], $0xA00, $0x38;
	[tilespmem:$0x7F28] =	vst v63  }
0x1a: {  	_ =	swait.ge [sflag:s17], $0xA00  }
0x1b: {  	[sflag:s17] =	ssyncset.done $0x0  }
0x1c: {  	[sflag:s17] =	ssyncadd.s32 $0xFFFFF600  }
0x1d: {  	[tilespmem:s18], [sflag:$0x4] =	stream.linear.gather [hbm4b:s8+s3], $0x28, $0x38;
	[tilespmem:$0x7F28] =	vst v63  }
0x1e: {  	_ =	swait.ge [sflag:s17], $0x28  }
0x1f: {  	[sflag:s17] =	ssyncset.done $0x0  }
0x20: {  	[sflag:s17] =	ssyncadd.s32 $0xFFFFFFD8  }
0x21: {  	[bflag:$0x0] =	sbarrier.arrive $0xFFFF  }
0x22: {  	[tilespmem:s19], [sflag:$0x1] =	stream.linear.gather [hbm4b:s9+s3], $0x1000, $0x38;
	[tilespmem:$0x7F28] =	vst v63  }
0x23: {  	_ = 	snop  }
0x24: {  	[tilespmem:s20], [sflag:$0x2] =	stream.linear.gather [hbm4b:s10+s3], $0x1000, $0x38;
	[tilespmem:$0x7F28] =	vst v63  }
0x25: {  	_ =	swait.ge [sflag:s21], $0x1000  }
0x26: {  	[sflag:s21] =	ssyncset.done $0x0  }
0x27: {  	s0 =	simm.s32 $0x0;
	[sflag:s21] =	ssyncadd.s32 $0xFFFFF000  }
0x28: {  	[spmem:s2] =	stream.indirect.scatter.add.f32 [tilespmem:s19], [sflag:$0x4], $0x20, s0, s22, $0xb8;
	[tilespmem:$0x7F28] =	vst v63  }
0x29: {  	_ =	swait.ge [sflag:s17], $0x1000  }
0x2a: {  	s24 =	sshrl.u32 s15, $0x3;
	[sflag:s17] =	ssyncset.done $0x0  }
0x2b: {  	s0 =	sadd.s32 s4, s24;
	[sflag:s17] =	ssyncadd.s32 $0xFFFFF000  }
0x2c: {  	[tilespmem:s19], [sflag:$0x1] =	stream.linear.gather [hbm4b:s0+s3], $0x1000, $0x38;
	[tilespmem:$0x7F28] =	vst v63  }
0x2d: {  	_ =	swait.ge [sflag:s23], $0x1000  }
0x2e: {  	[sflag:s23] =	ssyncset.done $0x0  }
0x2f: {  	s25 =	simm.s32 $0x80;
	[sflag:s23] =	ssyncadd.s32 $0xFFFFF000  }
0x30: {  	[spmem:s2] =	stream.indirect.scatter.add.f32 [tilespmem:s20], [sflag:$0x4], $0x20, s25, s22, $0xb8;
	[tilespmem:$0x7F28] =	vst v63  }
0x31: {  	_ =	swait.ge [sflag:s17], $0x1000  }
0x32: {  	s31 =	simm.s32 $0x400;
	[sflag:s17] =	ssyncset.done $0x0  }
0x33: {  	s1 =	sadd.s32 $0x2000, s15;
	s0 =	sadd.s32 $0x0, s14;
	[sflag:s17] =	ssyncadd.s32 $0xFFFFF000  }
.LBB2_2:
0x34: {  	[tilespmem:s20], [sflag:$0x2] =	stream.linear.gather [hbm4b:s0+s3], $0x1000, $0x38;
	[tilespmem:$0x7F28] =	vst v63  }
0x35: {  	s0 =	smov.u32 s31  }
0x36: {  	p0 =	sne.s32 s31, $0x2000;
	s31 =	sadd.s32 $0x400, s31;
	_ =	swait.ge [sflag:s21], $0x1000  }
0x37: {  	[sflag:s21] =	ssyncset.done $0x0  }
0x38: {  	s24 =	sshra.s32 s0, $0x2;
	[sflag:s21] =	ssyncadd.s32 $0xFFFFF000  }
0x39: {  	[spmem:s2] =	stream.indirect.scatter.add.f32 [tilespmem:s19], [sflag:$0x4], $0x20, s24, s22, $0xb8;
	[tilespmem:$0x7F28] =	vst v63  }
0x3a: {  	_ =	swait.ge [sflag:s17], $0x1000  }
0x3b: {  	s25 =	sshrl.u32 s1, $0x3;
	[sflag:s17] =	ssyncset.done $0x0  }
0x3c: {  	s25 =	sadd.s32 s4, s25;
	[sflag:s17] =	ssyncadd.s32 $0xFFFFF000  }
0x3d: {  	[tilespmem:s19], [sflag:$0x1] =	stream.linear.gather [hbm4b:s25+s3], $0x1000, $0x38;
	[tilespmem:$0x7F28] =	vst v63  }
0x3e: {  	_ =	swait.ge [sflag:s23], $0x1000  }
0x3f: {  	[sflag:s23] =	ssyncset.done $0x0  }
.Ltmp0:
0x40: {  	s24 =	sadd.s32 $0x80, s24;
	[sflag:s23] =	ssyncadd.s32 $0xFFFFF000;
	(pc) =	sbr.rel @p0 .LBB2_2-.Ltmp0, $4  }
0x41: {  	[spmem:s2] =	stream.indirect.scatter.add.f32 [tilespmem:s20], [sflag:$0x4], $0x20, s24, s22, $0xb8;
	[tilespmem:$0x7F28] =	vst v63  }
0x42: {  	_ =	swait.ge [sflag:s17], $0x1000  }
0x43: {  	[sflag:s17] =	ssyncset.done $0x0  }
0x44: {  	s1 =	sadd.s32 $0x2000, s1;
	s0 =	sadd.s32 s0, s14;
	[sflag:s17] =	ssyncadd.s32 $0xFFFFF000  }
0x45: {  	[tilespmem:s20], [sflag:$0x2] =	stream.linear.gather [hbm4b:s0+s3], $0x1000, $0x38;
	[tilespmem:$0x7F28] =	vst v63  }
0x46: {  	_ =	swait.ge [sflag:s21], $0x1000  }
0x47: {  	[sflag:s21] =	ssyncset.done $0x0  }
0x48: {  	s25 =	simm.s32 $0x900;
	[sflag:s21] =	ssyncadd.s32 $0xFFFFF000  }
0x49: {  	[spmem:s2] =	stream.indirect.scatter.add.f32 [tilespmem:s19], [sflag:$0x4], $0x20, s25, s22, $0xb8;
	[tilespmem:$0x7F28] =	vst v63  }
0x4a: {  	_ =	swait.ge [sflag:s17], $0x1000  }
0x4b: {  	[sflag:s17] =	ssyncset.done $0x0  }
0x4c: {  	[sflag:s17] =	ssyncadd.s32 $0xFFFFF000  }
0x4d: {  	_ =	swait.ge [sflag:s23], $0x1000  }
0x4e: {  	[sflag:s23] =	ssyncset.done $0x0  }
0x4f: {  	s31 =	simm.s32 $0x980;
	[sflag:s23] =	ssyncadd.s32 $0xFFFFF000  }
0x50: {  	[spmem:s2] =	stream.indirect.scatter.add.f32 [tilespmem:s20], [sflag:$0x4], $0x20, s31, s22, $0xb8;
	[tilespmem:$0x7F28] =	vst v63  }
0x51: {  	_ =	swait.ge [sflag:s17], $0x1000  }
0x52: {  	[sflag:s17] =	ssyncset.done $0x0  }
0x53: {  	[sflag:s17] =	ssyncadd.s32 $0xFFFFF000  }
0x54: {  	[tilespmem:s26], [sflag:$0x3] =	stream.linear.gather [hbm4b:s11+s3], $0x500, $0x38;
	[tilespmem:$0x7F28] =	vst v63  }
0x55: {  	_ =	swait.ge [sflag:s28], $0x500  }
0x56: {  	[sflag:s28] =	ssyncset.done $0x0  }
0x57: {  	[sflag:s28] =	ssyncadd.s32 $0xFFFFFB00  }
0x58: {  	[spmem:s2] =	stream.indirect.scatter.add.f32 [tilespmem:s26], [sflag:$0x4], $0x20, s18, s29, $0xb8;
	[tilespmem:$0x7F28] =	vst v63  }
0x59: {  	_ =	swait.ge [sflag:s17], $0x500  }
0x5a: {  	s30 =	sadd.s32 $0x1, s30;
	[sflag:s17] =	ssyncset.done $0x0  }
0x5b: {  	p0 =	sne.s32 s30, s13;
	[sflag:s17] =	ssyncadd.s32 $0xFFFFFB00  }
.Ltmp1:
0x5c: {  	[bflag:$0x0] =	sbarrier.arrive $0xFFFF;
	(pc) =	sbr.rel @p0 .LBB2_1-.Ltmp1, $4  }
0x5d: {  	[hbm:s12], [sflag:s6] =	dma.local [spmem:s16], $0xA00  }
0x5e: {  	_ =	swait.ge [sflag:s17], $0xA00  }
0x5f: {  	[sflag:s17] =	ssyncset.done $0x0  }
0x60: {  	[sflag:s17] =	ssyncadd.s32 $0xFFFFF600  }
0x61: {  	_ =	sfence.sel $0x180000  }
0x62: {  	[bflag:$0x0] =	sbarrier.arrive $0xFFFF  }
0x63: {  	_ =	strace $0x90000053  }
0x64: {  	s0 =	stileid.u32;
	[bflag:$0x2] =	sbarrier.arrive $0xFFFF  }
0x65: {  	p0 =	sne.s32 s0, $0x0;
	s0 =	rddreg [dreg:$0x2]  }
0x66: {  	s0 =	sadd.s32 @!p0 $0x100000, s0  }
0x67: {  	[sflag:s0] =	ssyncadd.tile.s32 @!p0 $0x1;
	_ =	shalt  }
.Lfunc_end2:
_tile_overlayer_lowered:
.L_overlay_start_2:
0x68: {  	(tag) =	ssettag $0x2  }
0x69: {  	s0 =	rddreg [dreg:$0x0];
	s2 =	stileid.u32  }
0x6a: {  	s1 =	rddreg [dreg:$0x1];
	p0 =	sne.s32 s2, $0x0  }
0x6b: {  	s3 =	rddreg [dreg:$0x2];
	[bflag:$0x3] =	sbarrier.arrive $0xFFFF;
	s2 =	simm.s32 @!p0 $0x1C04  }
0x6c: {  	[timem:s3], [sflag:s2] =	dma.local @!p0 [hbm:s0], s1  }
0x6d: {  	s0 =	simm.s32 @!p0 $0x4  }
0x6e: {  	_ =	swait.ge @!p0 [sflag:s0], s1  }
0x6f: {  	s1 =	ssub.s32 @!p0 $0x0, s1;
	[sflag:s0] =	ssyncset.done @!p0 $0x0  }
0x70: {  	[sflag:s0] =	ssyncadd.s32 @!p0 s1  }
0x71: {  	[bflag:$0x3] =	sbarrier.arrive $0xFFFF  }
0x72: {  	_ =	shalt  }

// kernel: kernel.27.cloned.1.call-start
scs
__scs_entry_jumppad:
0x0: {  	(pc) =	sbr.rel $0x88, $3  }
0x1: {  	(tag) =	ssettag $0x0;
	lr =	simm.s32 $0x1  }
0x2: {  	[smem:$0x3F8F] =	sst lr;
	_ =	strace $0xD0000000  }
0x3: {  	_ = 	snop  }
0x4: {  	_ = 	snop  }
0x5: {  	_ = 	snop  }
0x6: {  	_ = 	snop  }
0x7: {  	_ = 	snop  }
__scs_overlays_trampoline_lowered:
0x8: {  	[smem:$0x3F9E] =	sst s0  }
0x9: {  	[smem:$0x3F9F] =	sst s1  }
0xa: {  	[smem:$0x3FA0] =	sst s2  }
0xb: {  	[smem:$0x3FA1] =	sst s3  }
0xc: {  	[smem:$0x3FA2] =	sst s4  }
0xd: {  	[smem:$0x3FA3] =	sst s5  }
0xe: {  	[smem:$0x3FA4] =	sst s6  }
0xf: {  	[smem:$0x3FA5] =	sst s7  }
0x10: {  	[smem:$0x3FA6] =	sst s8  }
0x11: {  	[smem:$0x3FA7] =	sst s9;
	s0 =	simm.s32 @!p0 $0x0  }
0x12: {  	s1 =	sld [smem:$0x3F8D];
	s0 =	simm.s32 @p0 $0x1  }
0x13: {  	[smem:$0x3FA8] =	sst s0;
	s0 =	simm.s32 @!p1 $0x0  }
0x14: {  	s2 =	sld [smem:$0x3F8C];
	s0 =	simm.s32 @p1 $0x1  }
0x15: {  	[smem:$0x3FA9] =	sst s0;
	s0 =	simm.s32 @!p2 $0x0  }
0x16: {  	s3 =	sld [smem:$0x3FDB];
	s0 =	simm.s32 @p2 $0x1  }
0x17: {  	s4 =	simm.s32 $0x1BF5;
	[smem:$0x3FAB] =	sst s0  }
0x18: {  	s0 =	sld [smem:$0x3F8E];
	_ =	swait.ge [sflag:s4], $0x0  }
0x19: {  	s7 =	sld [smem:$0x3F8F]  }
0x1a: {  	s8 =	sadd.s32 $0xFFFFE003, lr  }
0x1b: {  	s9 =	sadd.s32 $0xFFFFFEF7, lr;
	s5 =	simm.s32 $0xFFFFFFFF;
	p2 =	slt.u32 s8, $0xFFFFF086  }
0x1c: {  	p1 =	slt.u32 s9, $0xF7A;
	s5 =	simm.s32 @!p2 $0x0  }
0x1d: {  	s5 =	simm.s32 @p1 $0x1;
	p0 =	seq.s32 s7, s2  }
0x1e: {  	s7 =	smul.u32 @!p0 $0xF7A, s2;
	p2 =	seq.s32 @!p0 s5, $0x0  }
0x1f: {  	s9 =	smul.u32 $0xF7A, s1;
	s8 =	simm.s32 @!p0 $0x1BF5;
	p2 =	por !p2, p0  }
0x20: {  	[sflag:s8] =	ssyncset.s32 @!p0 $0xFFFFF086;
	s6 =	sadd.s32 @!p0 s3, s7;
	s7 =	simm.s32 @!p0 $0x108  }
0x21: {  	s3 =	sadd.s32 s3, s9;
	s6 =	sadd.s32 @!p0 $0x88, s6;
	s7 =	simm.s32 @p2 $0x1082  }
0x22: {  	[simem:s7], [sflag:s8] =	dma.local @!p0 [hbm:s6], $0xF7A  }
0x23: {  	s9 =	sor.u32 $0xD0000000, s2;
	s6 =	simm.s32 $0x108;
	_ =	swait.ge @!p0 [sflag:s8], $0x0  }
0x24: {  	s3 =	sadd.s32 $0x88, s3;
	s6 =	simm.s32 @!p1 $0x1082;
	[sflag:s4] =	ssyncset.s32 $0xFFFFF086  }
0x25: {  	[simem:s6], [sflag:s4] =	dma.local [hbm:s3], $0xF7A  }
0x26: {  	[smem:$0x3F8F] =	sst s1;
	(tag) =	ssettag s2;
	_ =	strace s9  }
0x27: {  	s1 =	sld [smem:$0x3F9F]  }
0x28: {  	s2 =	sld [smem:$0x3FA0]  }
0x29: {  	s4 =	sld [smem:$0x3FA2]  }
0x2a: {  	p0 =	seq.s32 s5, $0x0;
	s5 =	sld [smem:$0x3FA3]  }
0x2b: {  	s6 =	sld [smem:$0x3FA4]  }
0x2c: {  	s7 =	sld [smem:$0x3FA5]  }
0x2d: {  	s3 =	simm.s32 $0x108;
	s8 =	sld [smem:$0x3FA6]  }
0x2e: {  	s3 =	simm.s32 @!p0 $0x1082;
	s9 =	sld [smem:$0x3FA7]  }
0x2f: {  	lr =	sadd.s32 s0, s3;
	s0 =	sld [smem:$0x3F9E]  }
0x30: {  	s3 =	sld [smem:$0x3FA1]  }
0x31: {  	[smem:$0x3FAA] =	sst s10  }
0x32: {  	s10 =	sld [smem:$0x3FA8];
	_ =	sdelay $0x3  }
0x33: {  	p0 =	seq.s32 s10, $0x1;
	s10 =	sld [smem:$0x3FAA];
	_ =	sdelay $0x3  }
0x34: {  	[smem:$0x3FAA] =	sst s10  }
0x35: {  	s10 =	sld [smem:$0x3FA9];
	_ =	sdelay $0x3  }
0x36: {  	p1 =	seq.s32 s10, $0x1;
	s10 =	sld [smem:$0x3FAA];
	_ =	sdelay $0x3  }
0x37: {  	[smem:$0x3FAA] =	sst s10  }
0x38: {  	s10 =	sld [smem:$0x3FAB]  }
0x39: {  	_ = 	snop;
	(pc) =	sbr.ind lr, $3  }
0x3a: {  	_ = 	snop  }
0x3b: {  	_ = 	snop  }
0x3c: {  	p2 =	seq.s32 s10, $0x1;
	s10 =	sld [smem:$0x3FAA]  }
0x3d: {  	_ =	shalt  }
0x3e: {  	_ =	shalt  }
0x3f: {  	_ =	shalt  }
0x40: {  	_ =	shalt  }
0x41: {  	_ =	shalt  }
0x42: {  	_ =	shalt  }
0x43: {  	_ =	shalt  }
0x44: {  	_ =	shalt  }
0x45: {  	_ =	shalt  }
0x46: {  	_ =	shalt  }
0x47: {  	_ =	shalt  }
0x48: {  	_ =	shalt  }
0x49: {  	_ =	shalt  }
0x4a: {  	_ =	shalt  }
0x4b: {  	_ =	shalt  }
0x4c: {  	_ =	shalt  }
0x4d: {  	_ =	shalt  }
0x4e: {  	_ =	shalt  }
0x4f: {  	_ =	shalt  }
0x50: {  	_ =	shalt  }
0x51: {  	_ =	shalt  }
0x52: {  	_ =	shalt  }
0x53: {  	_ =	shalt  }
0x54: {  	_ =	shalt  }
0x55: {  	_ =	shalt  }
0x56: {  	_ =	shalt  }
0x57: {  	_ =	shalt  }
0x58: {  	_ =	shalt  }
0x59: {  	_ =	shalt  }
0x5a: {  	_ =	shalt  }
0x5b: {  	_ =	shalt  }
0x5c: {  	_ =	shalt  }
0x5d: {  	_ =	shalt  }
0x5e: {  	_ =	shalt  }
0x5f: {  	_ =	shalt  }
0x60: {  	_ =	shalt  }
0x61: {  	_ =	shalt  }
0x62: {  	_ =	shalt  }
0x63: {  	_ =	shalt  }
0x64: {  	_ =	shalt  }
0x65: {  	_ =	shalt  }
0x66: {  	_ =	shalt  }
0x67: {  	_ =	shalt  }
0x68: {  	_ =	shalt  }
0x69: {  	_ =	shalt  }
0x6a: {  	_ =	shalt  }
0x6b: {  	_ =	shalt  }
0x6c: {  	_ =	shalt  }
0x6d: {  	_ =	shalt  }
0x6e: {  	_ =	shalt  }
0x6f: {  	_ =	shalt  }
0x70: {  	_ =	shalt  }
0x71: {  	_ =	shalt  }
0x72: {  	_ =	shalt  }
0x73: {  	_ =	shalt  }
0x74: {  	_ =	shalt  }
0x75: {  	_ =	shalt  }
0x76: {  	_ =	shalt  }
0x77: {  	_ =	shalt  }
0x78: {  	_ =	shalt  }
0x79: {  	_ =	shalt  }
0x7a: {  	_ =	shalt  }
0x7b: {  	_ =	shalt  }
0x7c: {  	_ =	shalt  }
0x7d: {  	_ =	shalt  }
0x7e: {  	_ =	shalt  }
0x7f: {  	_ =	shalt  }
0x80: {  	_ =	shalt  }
0x81: {  	_ =	shalt  }
0x82: {  	_ =	shalt  }
0x83: {  	_ =	shalt  }
0x84: {  	_ =	shalt  }
0x85: {  	_ =	shalt  }
0x86: {  	_ =	shalt  }
0x87: {  	_ =	shalt  }
.Lfunc_end0:
.L_simem_size_0:
called_computation.5_lowered:
.L_overlay_start_0:
0x88: {  	s2 =	sld [smem:$0x3FD9]  }
0x89: {  	s3 =	sld [smem:$0x3FFE];
	_ =	sdelay $0x1  }
0x8a: {  	s1 =	srdreg.scid  }
0x8b: {  	s0 =	sand.u32 $0x1, s1  }
0x8c: {  	s15 =	sshll.u32 s0, $0xA;
	s2 =	sadd.s32 s3, s2  }
0x8d: {  	s2 =	sadd.s32 s2, s15  }
0x8e: {  	[smem:$0x3FB6] =	sst s2  }
0x8f: {  	_ = 	snop  }
0x90: {  	s2 =	sld [smem:$0x3FD0];
	_ =	sdelay $0x2  }
0x91: {  	s16 =	simm.s32 $0xC;
	s4 =	simm.s32 $0x10  }
0x92: {  	[smem:s4], [sflag:s16] =	dma.local [hbm:s2], $0x1  }
0x93: {  	_ =	swait.eq [sflag:s16], $0x1  }
0x94: {  	[sflag:s16] =	ssyncset.done $0x0  }
0x95: {  	[sflag:s16] =	ssyncadd.s32 $0xFFFFFFFF  }
0x96: {  	s17 =	sld [smem:$0x10];
	(tm) =	ssettm $0x1  }
0x97: {  	s18 =	sld [smem:$0x3FFB];
	_ =	sdelay $0x3  }
0x98: {  	_ =	strace s18  }
0x99: {  	s2 =	sld [smem:$0x3FFC];
	_ =	sdelay $0x3  }
0x9a: {  	_ =	strace s2  }
0x9b: {  	s2 =	sld [smem:$0x3FFD];
	_ =	sdelay $0x3  }
0x9c: {  	_ =	strace s2  }
0x9d: {  	_ =	strace $0x8FFFFFFF  }
0x9e: {  	s19 =	sld [smem:$0x3FDB];
	_ =	sdelay $0x1  }
0x9f: {  	s20 =	simm.s32 $_scs_section_size  }
0xa0: {  	s5 =	simm.s32 $_size__tile_overlayer_lowered;
	s6 =	simm.s32 $_tile_overlayer_lowered  }
0xa1: {  	s7 =	simm.s32 $0x1BFF;
	s21 =	sshll.u32 s6, $0x1;
	s4 =	sadd.s32 s20, s19  }
0xa2: {  	s22 =	simm.s32 $0x0;
	s5 =	sshll.u32 s5, $0x1;
	s6 =	sadd.s32 s21, s4  }
0xa3: {  	[timem:s22], [sflag:s7] =	dma.local [hbm:s6], s5  }
0xa4: {  	_ =	swait.ge [sflag:s7], s5  }
0xa5: {  	s5 =	ssub.s32 $0x0, s5;
	[sflag:s7] =	ssyncset.done $0x0  }
0xa6: {  	[sflag:s7] =	ssyncadd.s32 s5;
	_ =	sdelay $0x1  }
0xa7: {  	s23 =	simm.s32 $0x1B8B  }
0xa8: {  	_ =	swait.ge [sflag:s23], $0x1  }
0xa9: {  	[sflag:s23] =	ssyncset.done $0x0  }
0xaa: {  	[sflag:s23] =	ssyncadd.s32 $0xFFFFFFFF  }
0xab: {  	s5 =	sld [smem:$0x0]  }
0xac: {  	s6 =	sand.u32 $0xFFFFFFFE, s1  }
0xad: {  	p0 =	sne.s32 s1, s6  }
0xae: {  	s6 =	sshll.u32 @p0 s6, $0xE  }
0xaf: {  	s6 =	sadd.s32 @p0 $0x11B8D, s6;
	s7 =	sshll.u32 @p0 s5, $0x11  }
0xb0: {  	s6 =	sor.u32 @p0 s7, s6  }
0xb1: {  	[sflag:s6] =	ssyncadd.remote.s32 @p0 $0x1;
	_ =	sdelay $0x1  }
0xb2: {  	s6 =	simm.s32 @p0 $0x1B8D  }
0xb3: {  	_ =	swait.eq @p0 [sflag:s6], $0x1  }
0xb4: {  	[sflag:s6] =	ssyncadd.s32 @p0 $0xFFFFFFFF  }
0xb5: {  	s7 =	sshll.u32 @!p0 s1, $0xE  }
0xb6: {  	s7 =	sor.u32 @!p0 $0x4000, s7;
	s6 =	simm.s32 @!p0 $0x1B8D  }
0xb7: {  	s5 =	sshll.u32 @!p0 s5, $0x11;
	s7 =	sadd.s32 @!p0 $0x11B8D, s7;
	_ =	swait.eq @!p0 [sflag:s6], $0x1  }
0xb8: {  	s5 =	sor.u32 @!p0 s5, s7;
	[sflag:s6] =	ssyncadd.s32 @!p0 $0xFFFFFFFF  }
0xb9: {  	s25 =	simm.s32 $0x1B8E;
	s24 =	sld [smem:$0x3FFE];
	[sflag:s5] =	ssyncadd.remote.s32 @!p0 $0x1  }
0xba: {  	s26 =	simm.s32 $execute0_lowered;
	[smem:$0x3FD2] =	sst s25  }
0xbb: {  	s6 =	sshll.u32 s26, $0x1;
	_ =	strace $0x80000055;
	[dreg:$0x1] =	wrdreg $0xFFFFFFFF  }
0xbc: {  	s28 =	simm.s32 $_size_execute0_lowered;
	s4 =	sadd.s32 s4, s6;
	[dreg:$0x0] =	wrdreg $0x0  }
0xbd: {  	s6 =	sshll.u32 s28, $0x1;
	[dreg:$0x2] =	wrdreg s4  }
0xbe: {  	[dreg:$0x3] =	wrdreg s6  }
0xbf: {  	[dreg:$0x4] =	wrdreg $0xC0  }
0xc0: {  	_ =	task [dreg:s22], $0x5FFFF  }
0xc1: {  	[dreg:$0x1] =	wrdreg $0xFFFFFFFF  }
0xc2: {  	[dreg:$0x0] =	wrdreg $0x60  }
0xc3: {  	[dreg:$0x2] =	wrdreg s24  }
0xc4: {  	[dreg:$0x3] =	wrdreg s17  }
0xc5: {  	[dreg:$0x4] =	wrdreg $0x35600  }
0xc6: {  	[dreg:$0x5] =	wrdreg $0x9  }
0xc7: {  	_ =	task.clear_ibuf [dreg:s22], $0x6FFFF;
	_ =	strace $0x90000055  }
0xc8: {  	s29 =	simm.s32 $0x9;
	_ =	strace $0x80000057  }
0xc9: {  	_ =	swait.ge [sflag:s29], $0x1  }
0xca: {  	[sflag:s29] =	ssyncadd.s32 $0xFFFFFFFF  }
0xcb: {  	_ =	strace $0x90000057  }
0xcc: {  	_ =	sfence  }
0xcd: {  	s30 =	sld [smem:$0x0];
	_ =	sdelay $0x2  }
0xce: {  	s31 =	sshll.u32 s1, $0xD;
	s1 =	sshrl.u32 s1, $0x2  }
0xcf: {  	s4 =	sand.u32 $0x4000, s31;
	s1 =	sadd.s32 s1, s30  }
0xd0: {  	s0 =	sor.u32 s4, s0;
	s1 =	sshll.u32 s1, $0x11  }
0xd1: {  	s0 =	sor.u32 s1, s0  }
0xd2: {  	s0 =	sadd.s32 $0x8F2B, s0  }
0xd3: {  	[sflag:s0] =	ssyncadd.remote.s32 $0x1  }
0xd4: {  	_ =	sfence.sel $0xFFFF  }
0xd5: {  	[dreg:$0x0] =	wrdreg $0xFFFFFFFF;
	(pc) =	sbr.abs _section_cstart, $3  }
0xd6: {  	[dreg:$0x1] =	wrdreg $0xFFFFFFFF  }
0xd7: {  	_ =	task.clear_ibuf [dreg:s22], $0x2FFFF;
	_ =	strace $0x9FFFFFFF  }
0xd8: {  	(tm) =	ssettm $0x7FFFFFFF  }
0xd9: {  	_ =	shalt  }
tec
execute0_lowered:
.L_overlay_start_1:
0x0: {  	(tag) =	ssettag $0x1  }
0x1: {  	s0 =	rddreg [dreg:$0x0];
	s1 =	srdreg.scid  }
0x2: {  	s15 =	stileid.u32;
	s8 =	rddreg [dreg:$0x1]  }
0x3: {  	s2 =	rddreg [dreg:$0x2];
	s17 =	simm.s32 $0x4;
	s6 =	smul.u32 $0xA00, s15  }
0x4: {  	s18 =	simm.s32 $0x900;
	s28 =	simm.s32 $0x3;
	s11 =	smul.u32 $0x14000, s15  }
0x5: {  	s29 =	simm.s32 $0x60;
	s1 =	sand.u32 $0x1, s1;
	s22 =	smul.u32 $0x25800, s15  }
0x6: {  	s30 =	simm.s32 $0x0;
	s3 =	sshll.u32 s15, $0x1;
	s7 =	smul.u32 $0xA000, s1  }
0x7: {  	s9 =	sor.u32 s1, s3;
	s19 =	ssub.s32 $0x2, s1;
	s1 =	smul.u32 $0x12C00, s1  }
0x8: {  	s4 =	sadd.s32 $0xA0000, s0;
	s3 =	simm.s32 $0x0;
	s5 =	smul.u32 $0x120, s9  }
0x9: {  	s23 =	sshll.u32 s15, $0x6;
	[smem:$0x7FF] =	sst s3;
	s12 =	smul.u32 $0xC, s9  }
0xa: {  	s20 =	sshrl.u32 s19, $0x1;
	s13 =	smul.u32 $0x12C00, s9;
	s21 =	sshrl.u32 s11, $0x2  }
0xb: {  	s9 =	smul.u32 $0x2580, s9;
	_ =	strace $0x80000056;
	s6 =	sadd.s32 s6, s7  }
0xc: {  	s14 =	ssub.s32 s19, s20;
	s16 =	sadd.s32 s21, s2;
	s1 =	sadd.s32 s1, s22  }
0xd: {  	s19 =	simm.s32 $0x960;
	s20 =	simm.s32 $0x1960;
	s21 =	simm.s32 $0x1  }
0xe: {  	s22 =	simm.s32 $0x80;
	s10 =	sadd.s32 s5, s0;
	s5 =	sadd.s32 $0x9F600, s0  }
0xf: {  	s0 =	sadd.s32 s6, s0;
	s6 =	sor.u32 $0x1C04, s23;
	s8 =	sadd.s32 s8, s12  }
0x10: {  	s24 =	sshrl.u32 s13, $0x3;
	s9 =	sadd.s32 s4, s9;
	s26 =	sadd.s32 $0x3000, s1  }
0x11: {  	s13 =	smax.u32 s14, $0x1;
	s15 =	sadd.s32 $0x2000, s1;
	s16 =	sshrl.u32 s16, $0x3  }
0x12: {  	s23 =	simm.s32 $0x2;
	s7 =	sadd.s32 $0x6800, s10;
	s25 =	sadd.s32 s4, s24  }
0x13: {  	s31 =	sshrl.u32 s26, $0x3;
	s12 =	sadd.s32 $0x371C00, s0;
	s26 =	simm.s32 $0x2960  }
0x14: {  	s10 =	sadd.s32 $0x200, s25;
	s11 =	sadd.s32 $0x2400, s25;
	s14 =	sadd.s32 s31, s4  }
.LBB2_1:
0x15: {  	[spmem:s16], [sflag:s6] =	dma.local [hbm:s5], $0xA00  }
0x16: {  	_ =	swait.ge [sflag:s17], $0xA00  }
0x17: {  	[sflag:s17] =	ssyncset.done $0x0  }
0x18: {  	[sflag:s17] =	ssyncadd.s32 $0xFFFFF600  }
0x19: {  	[tilespmem:s3], [sflag:$0x4] =	stream.linear.gather [hbm4b:s7+s3], $0x900, $0x38;
	[tilespmem:$0x8560] =	vst v63  }
0x1a: {  	_ =	swait.ge [sflag:s17], $0x900  }
0x1b: {  	[sflag:s17] =	ssyncset.done $0x0  }
0x1c: {  	[sflag:s17] =	ssyncadd.s32 $0xFFFFF700  }
0x1d: {  	[tilespmem:s18], [sflag:$0x4] =	stream.linear.gather [hbm4b:s8+s3], $0x60, $0x38;
	[tilespmem:$0x8560] =	vst v63  }
0x1e: {  	_ =	swait.ge [sflag:s17], $0x60  }
0x1f: {  	[sflag:s17] =	ssyncset.done $0x0  }
0x20: {  	[sflag:s17] =	ssyncadd.s32 $0xFFFFFFA0  }
0x21: {  	[bflag:$0x0] =	sbarrier.arrive $0xFFFF  }
0x22: {  	[tilespmem:s19], [sflag:$0x1] =	stream.linear.gather [hbm4b:s9+s3], $0x1000, $0x38;
	[tilespmem:$0x8560] =	vst v63  }
0x23: {  	_ = 	snop  }
0x24: {  	[tilespmem:s20], [sflag:$0x2] =	stream.linear.gather [hbm4b:s10+s3], $0x1000, $0x38;
	[tilespmem:$0x8560] =	vst v63  }
0x25: {  	_ =	swait.ge [sflag:s21], $0x1000  }
0x26: {  	[sflag:s21] =	ssyncset.done $0x0  }
0x27: {  	s0 =	simm.s32 $0x0;
	[sflag:s21] =	ssyncadd.s32 $0xFFFFF000  }
0x28: {  	[spmem:s2] =	stream.indirect.scatter.add.f32 [tilespmem:s19], [sflag:$0x4], $0x20, s0, s22, $0xb8;
	[tilespmem:$0x8560] =	vst v63  }
0x29: {  	_ =	swait.ge [sflag:s17], $0x1000  }
0x2a: {  	s24 =	sshrl.u32 s15, $0x3;
	[sflag:s17] =	ssyncset.done $0x0  }
0x2b: {  	s0 =	sadd.s32 s4, s24;
	[sflag:s17] =	ssyncadd.s32 $0xFFFFF000  }
0x2c: {  	[tilespmem:s19], [sflag:$0x1] =	stream.linear.gather [hbm4b:s0+s3], $0x1000, $0x38;
	[tilespmem:$0x8560] =	vst v63  }
0x2d: {  	_ =	swait.ge [sflag:s23], $0x1000  }
0x2e: {  	[sflag:s23] =	ssyncset.done $0x0  }
0x2f: {  	s25 =	simm.s32 $0x80;
	[sflag:s23] =	ssyncadd.s32 $0xFFFFF000  }
0x30: {  	[spmem:s2] =	stream.indirect.scatter.add.f32 [tilespmem:s20], [sflag:$0x4], $0x20, s25, s22, $0xb8;
	[tilespmem:$0x8560] =	vst v63  }
0x31: {  	_ =	swait.ge [sflag:s17], $0x1000  }
0x32: {  	s31 =	simm.s32 $0x400;
	[sflag:s17] =	ssyncset.done $0x0  }
0x33: {  	s1 =	sadd.s32 $0x2000, s15;
	s0 =	sadd.s32 $0x0, s14;
	[sflag:s17] =	ssyncadd.s32 $0xFFFFF000  }
.LBB2_2:
0x34: {  	[tilespmem:s20], [sflag:$0x2] =	stream.linear.gather [hbm4b:s0+s3], $0x1000, $0x38;
	[tilespmem:$0x8560] =	vst v63  }
0x35: {  	s0 =	smov.u32 s31  }
0x36: {  	p0 =	sne.s32 s31, $0x1C00;
	s31 =	sadd.s32 $0x400, s31;
	_ =	swait.ge [sflag:s21], $0x1000  }
0x37: {  	[sflag:s21] =	ssyncset.done $0x0  }
0x38: {  	s24 =	sshra.s32 s0, $0x2;
	[sflag:s21] =	ssyncadd.s32 $0xFFFFF000  }
0x39: {  	[spmem:s2] =	stream.indirect.scatter.add.f32 [tilespmem:s19], [sflag:$0x4], $0x20, s24, s22, $0xb8;
	[tilespmem:$0x8560] =	vst v63  }
0x3a: {  	_ =	swait.ge [sflag:s17], $0x1000  }
0x3b: {  	s25 =	sshrl.u32 s1, $0x3;
	[sflag:s17] =	ssyncset.done $0x0  }
0x3c: {  	s25 =	sadd.s32 s4, s25;
	[sflag:s17] =	ssyncadd.s32 $0xFFFFF000  }
0x3d: {  	[tilespmem:s19], [sflag:$0x1] =	stream.linear.gather [hbm4b:s25+s3], $0x1000, $0x38;
	[tilespmem:$0x8560] =	vst v63  }
0x3e: {  	_ =	swait.ge [sflag:s23], $0x1000  }
0x3f: {  	[sflag:s23] =	ssyncset.done $0x0  }
.Ltmp0:
0x40: {  	s24 =	sadd.s32 $0x80, s24;
	[sflag:s23] =	ssyncadd.s32 $0xFFFFF000;
	(pc) =	sbr.rel @p0 .LBB2_2-.Ltmp0, $4  }
0x41: {  	[spmem:s2] =	stream.indirect.scatter.add.f32 [tilespmem:s20], [sflag:$0x4], $0x20, s24, s22, $0xb8;
	[tilespmem:$0x8560] =	vst v63  }
0x42: {  	_ =	swait.ge [sflag:s17], $0x1000  }
0x43: {  	[sflag:s17] =	ssyncset.done $0x0  }
0x44: {  	s1 =	sadd.s32 $0x2000, s1;
	s0 =	sadd.s32 s0, s14;
	[sflag:s17] =	ssyncadd.s32 $0xFFFFF000  }
0x45: {  	[tilespmem:s20], [sflag:$0x2] =	stream.linear.gather [hbm4b:s0+s3], $0x1000, $0x38;
	[tilespmem:$0x8560] =	vst v63  }
0x46: {  	_ =	swait.ge [sflag:s21], $0x1000  }
0x47: {  	[sflag:s21] =	ssyncset.done $0x0  }
0x48: {  	s25 =	simm.s32 $0x800;
	[sflag:s21] =	ssyncadd.s32 $0xFFFFF000  }
0x49: {  	[spmem:s2] =	stream.indirect.scatter.add.f32 [tilespmem:s19], [sflag:$0x4], $0x20, s25, s22, $0xb8;
	[tilespmem:$0x8560] =	vst v63  }
0x4a: {  	_ =	swait.ge [sflag:s17], $0x1000  }
0x4b: {  	[sflag:s17] =	ssyncset.done $0x0  }
0x4c: {  	[sflag:s17] =	ssyncadd.s32 $0xFFFFF000  }
0x4d: {  	_ =	swait.ge [sflag:s23], $0x1000  }
0x4e: {  	[sflag:s23] =	ssyncset.done $0x0  }
0x4f: {  	s31 =	simm.s32 $0x880;
	[sflag:s23] =	ssyncadd.s32 $0xFFFFF000  }
0x50: {  	[spmem:s2] =	stream.indirect.scatter.add.f32 [tilespmem:s20], [sflag:$0x4], $0x20, s31, s22, $0xb8;
	[tilespmem:$0x8560] =	vst v63  }
0x51: {  	_ =	swait.ge [sflag:s17], $0x1000  }
0x52: {  	[sflag:s17] =	ssyncset.done $0x0  }
0x53: {  	[sflag:s17] =	ssyncadd.s32 $0xFFFFF000  }
0x54: {  	[tilespmem:s26], [sflag:$0x3] =	stream.linear.gather [hbm4b:s11+s3], $0xC00, $0x38;
	[tilespmem:$0x8560] =	vst v63  }
0x55: {  	_ =	swait.ge [sflag:s28], $0xC00  }
0x56: {  	[sflag:s28] =	ssyncset.done $0x0  }
0x57: {  	[sflag:s28] =	ssyncadd.s32 $0xFFFFF400  }
0x58: {  	[spmem:s2] =	stream.indirect.scatter.add.f32 [tilespmem:s26], [sflag:$0x4], $0x20, s18, s29, $0xb8;
	[tilespmem:$0x8560] =	vst v63  }
0x59: {  	_ =	swait.ge [sflag:s17], $0xC00  }
0x5a: {  	s30 =	sadd.s32 $0x1, s30;
	[sflag:s17] =	ssyncset.done $0x0  }
0x5b: {  	p0 =	sne.s32 s30, s13;
	[sflag:s17] =	ssyncadd.s32 $0xFFFFF400  }
.Ltmp1:
0x5c: {  	[bflag:$0x0] =	sbarrier.arrive $0xFFFF;
	(pc) =	sbr.rel @p0 .LBB2_1-.Ltmp1, $4  }
0x5d: {  	[hbm:s12], [sflag:s6] =	dma.local [spmem:s16], $0xA00  }
0x5e: {  	_ =	swait.ge [sflag:s17], $0xA00  }
0x5f: {  	[sflag:s17] =	ssyncset.done $0x0  }
0x60: {  	[sflag:s17] =	ssyncadd.s32 $0xFFFFF600  }
0x61: {  	_ =	sfence.sel $0x180000  }
0x62: {  	[bflag:$0x0] =	sbarrier.arrive $0xFFFF  }
0x63: {  	_ =	strace $0x90000056  }
0x64: {  	s0 =	stileid.u32;
	[bflag:$0x2] =	sbarrier.arrive $0xFFFF  }
0x65: {  	p0 =	sne.s32 s0, $0x0;
	s0 =	rddreg [dreg:$0x3]  }
0x66: {  	s0 =	sadd.s32 @!p0 $0x100000, s0  }
0x67: {  	[sflag:s0] =	ssyncadd.tile.s32 @!p0 $0x1;
	_ =	shalt  }
.Lfunc_end2:
_tile_overlayer_lowered:
.L_overlay_start_2:
0x68: {  	(tag) =	ssettag $0x2  }
0x69: {  	s0 =	rddreg [dreg:$0x0];
	s2 =	stileid.u32  }
0x6a: {  	s1 =	rddreg [dreg:$0x1];
	p0 =	sne.s32 s2, $0x0  }
0x6b: {  	s3 =	rddreg [dreg:$0x2];
	[bflag:$0x3] =	sbarrier.arrive $0xFFFF;
	s2 =	simm.s32 @!p0 $0x1C04  }
0x6c: {  	[timem:s3], [sflag:s2] =	dma.local @!p0 [hbm:s0], s1  }
0x6d: {  	s0 =	simm.s32 @!p0 $0x4  }
0x6e: {  	_ =	swait.ge @!p0 [sflag:s0], s1  }
0x6f: {  	s1 =	ssub.s32 @!p0 $0x0, s1;
	[sflag:s0] =	ssyncset.done @!p0 $0x0  }
0x70: {  	[sflag:s0] =	ssyncadd.s32 @!p0 s1  }
0x71: {  	[bflag:$0x3] =	sbarrier.arrive $0xFFFF  }
0x72: {  	_ =	shalt  }

// kernel: kernel.30.cloned.1.call-start
scs
__scs_entry_jumppad:
0x0: {  	(pc) =	sbr.rel $0x88, $3  }
0x1: {  	(tag) =	ssettag $0x0;
	lr =	simm.s32 $0x1  }
0x2: {  	[smem:$0x3F8F] =	sst lr;
	_ =	strace $0xD0000000  }
0x3: {  	_ = 	snop  }
0x4: {  	_ = 	snop  }
0x5: {  	_ = 	snop  }
0x6: {  	_ = 	snop  }
0x7: {  	_ = 	snop  }
__scs_overlays_trampoline_lowered:
0x8: {  	[smem:$0x3F9E] =	sst s0  }
0x9: {  	[smem:$0x3F9F] =	sst s1  }
0xa: {  	[smem:$0x3FA0] =	sst s2  }
0xb: {  	[smem:$0x3FA1] =	sst s3  }
0xc: {  	[smem:$0x3FA2] =	sst s4  }
0xd: {  	[smem:$0x3FA3] =	sst s5  }
0xe: {  	[smem:$0x3FA4] =	sst s6  }
0xf: {  	[smem:$0x3FA5] =	sst s7  }
0x10: {  	[smem:$0x3FA6] =	sst s8  }
0x11: {  	[smem:$0x3FA7] =	sst s9;
	s0 =	simm.s32 @!p0 $0x0  }
0x12: {  	s1 =	sld [smem:$0x3F8D];
	s0 =	simm.s32 @p0 $0x1  }
0x13: {  	[smem:$0x3FA8] =	sst s0;
	s0 =	simm.s32 @!p1 $0x0  }
0x14: {  	s2 =	sld [smem:$0x3F8C];
	s0 =	simm.s32 @p1 $0x1  }
0x15: {  	[smem:$0x3FA9] =	sst s0;
	s0 =	simm.s32 @!p2 $0x0  }
0x16: {  	s3 =	sld [smem:$0x3FDB];
	s0 =	simm.s32 @p2 $0x1  }
0x17: {  	s4 =	simm.s32 $0x1BF5;
	[smem:$0x3FAB] =	sst s0  }
0x18: {  	s0 =	sld [smem:$0x3F8E];
	_ =	swait.ge [sflag:s4], $0x0  }
0x19: {  	s7 =	sld [smem:$0x3F8F]  }
0x1a: {  	s8 =	sadd.s32 $0xFFFFE003, lr  }
0x1b: {  	s9 =	sadd.s32 $0xFFFFFEF7, lr;
	s5 =	simm.s32 $0xFFFFFFFF;
	p2 =	slt.u32 s8, $0xFFFFF086  }
0x1c: {  	p1 =	slt.u32 s9, $0xF7A;
	s5 =	simm.s32 @!p2 $0x0  }
0x1d: {  	s5 =	simm.s32 @p1 $0x1;
	p0 =	seq.s32 s7, s2  }
0x1e: {  	s7 =	smul.u32 @!p0 $0xF7A, s2;
	p2 =	seq.s32 @!p0 s5, $0x0  }
0x1f: {  	s9 =	smul.u32 $0xF7A, s1;
	s8 =	simm.s32 @!p0 $0x1BF5;
	p2 =	por !p2, p0  }
0x20: {  	[sflag:s8] =	ssyncset.s32 @!p0 $0xFFFFF086;
	s6 =	sadd.s32 @!p0 s3, s7;
	s7 =	simm.s32 @!p0 $0x108  }
0x21: {  	s3 =	sadd.s32 s3, s9;
	s6 =	sadd.s32 @!p0 $0x88, s6;
	s7 =	simm.s32 @p2 $0x1082  }
0x22: {  	[simem:s7], [sflag:s8] =	dma.local @!p0 [hbm:s6], $0xF7A  }
0x23: {  	s9 =	sor.u32 $0xD0000000, s2;
	s6 =	simm.s32 $0x108;
	_ =	swait.ge @!p0 [sflag:s8], $0x0  }
0x24: {  	s3 =	sadd.s32 $0x88, s3;
	s6 =	simm.s32 @!p1 $0x1082;
	[sflag:s4] =	ssyncset.s32 $0xFFFFF086  }
0x25: {  	[simem:s6], [sflag:s4] =	dma.local [hbm:s3], $0xF7A  }
0x26: {  	[smem:$0x3F8F] =	sst s1;
	(tag) =	ssettag s2;
	_ =	strace s9  }
0x27: {  	s1 =	sld [smem:$0x3F9F]  }
0x28: {  	s2 =	sld [smem:$0x3FA0]  }
0x29: {  	s4 =	sld [smem:$0x3FA2]  }
0x2a: {  	p0 =	seq.s32 s5, $0x0;
	s5 =	sld [smem:$0x3FA3]  }
0x2b: {  	s6 =	sld [smem:$0x3FA4]  }
0x2c: {  	s7 =	sld [smem:$0x3FA5]  }
0x2d: {  	s3 =	simm.s32 $0x108;
	s8 =	sld [smem:$0x3FA6]  }
0x2e: {  	s3 =	simm.s32 @!p0 $0x1082;
	s9 =	sld [smem:$0x3FA7]  }
0x2f: {  	lr =	sadd.s32 s0, s3;
	s0 =	sld [smem:$0x3F9E]  }
0x30: {  	s3 =	sld [smem:$0x3FA1]  }
0x31: {  	[smem:$0x3FAA] =	sst s10  }
0x32: {  	s10 =	sld [smem:$0x3FA8];
	_ =	sdelay $0x3  }
0x33: {  	p0 =	seq.s32 s10, $0x1;
	s10 =	sld [smem:$0x3FAA];
	_ =	sdelay $0x3  }
0x34: {  	[smem:$0x3FAA] =	sst s10  }
0x35: {  	s10 =	sld [smem:$0x3FA9];
	_ =	sdelay $0x3  }
0x36: {  	p1 =	seq.s32 s10, $0x1;
	s10 =	sld [smem:$0x3FAA];
	_ =	sdelay $0x3  }
0x37: {  	[smem:$0x3FAA] =	sst s10  }
0x38: {  	s10 =	sld [smem:$0x3FAB]  }
0x39: {  	_ = 	snop;
	(pc) =	sbr.ind lr, $3  }
0x3a: {  	_ = 	snop  }
0x3b: {  	_ = 	snop  }
0x3c: {  	p2 =	seq.s32 s10, $0x1;
	s10 =	sld [smem:$0x3FAA]  }
0x3d: {  	_ =	shalt  }
0x3e: {  	_ =	shalt  }
0x3f: {  	_ =	shalt  }
0x40: {  	_ =	shalt  }
0x41: {  	_ =	shalt  }
0x42: {  	_ =	shalt  }
0x43: {  	_ =	shalt  }
0x44: {  	_ =	shalt  }
0x45: {  	_ =	shalt  }
0x46: {  	_ =	shalt  }
0x47: {  	_ =	shalt  }
0x48: {  	_ =	shalt  }
0x49: {  	_ =	shalt  }
0x4a: {  	_ =	shalt  }
0x4b: {  	_ =	shalt  }
0x4c: {  	_ =	shalt  }
0x4d: {  	_ =	shalt  }
0x4e: {  	_ =	shalt  }
0x4f: {  	_ =	shalt  }
0x50: {  	_ =	shalt  }
0x51: {  	_ =	shalt  }
0x52: {  	_ =	shalt  }
0x53: {  	_ =	shalt  }
0x54: {  	_ =	shalt  }
0x55: {  	_ =	shalt  }
0x56: {  	_ =	shalt  }
0x57: {  	_ =	shalt  }
0x58: {  	_ =	shalt  }
0x59: {  	_ =	shalt  }
0x5a: {  	_ =	shalt  }
0x5b: {  	_ =	shalt  }
0x5c: {  	_ =	shalt  }
0x5d: {  	_ =	shalt  }
0x5e: {  	_ =	shalt  }
0x5f: {  	_ =	shalt  }
0x60: {  	_ =	shalt  }
0x61: {  	_ =	shalt  }
0x62: {  	_ =	shalt  }
0x63: {  	_ =	shalt  }
0x64: {  	_ =	shalt  }
0x65: {  	_ =	shalt  }
0x66: {  	_ =	shalt  }
0x67: {  	_ =	shalt  }
0x68: {  	_ =	shalt  }
0x69: {  	_ =	shalt  }
0x6a: {  	_ =	shalt  }
0x6b: {  	_ =	shalt  }
0x6c: {  	_ =	shalt  }
0x6d: {  	_ =	shalt  }
0x6e: {  	_ =	shalt  }
0x6f: {  	_ =	shalt  }
0x70: {  	_ =	shalt  }
0x71: {  	_ =	shalt  }
0x72: {  	_ =	shalt  }
0x73: {  	_ =	shalt  }
0x74: {  	_ =	shalt  }
0x75: {  	_ =	shalt  }
0x76: {  	_ =	shalt  }
0x77: {  	_ =	shalt  }
0x78: {  	_ =	shalt  }
0x79: {  	_ =	shalt  }
0x7a: {  	_ =	shalt  }
0x7b: {  	_ =	shalt  }
0x7c: {  	_ =	shalt  }
0x7d: {  	_ =	shalt  }
0x7e: {  	_ =	shalt  }
0x7f: {  	_ =	shalt  }
0x80: {  	_ =	shalt  }
0x81: {  	_ =	shalt  }
0x82: {  	_ =	shalt  }
0x83: {  	_ =	shalt  }
0x84: {  	_ =	shalt  }
0x85: {  	_ =	shalt  }
0x86: {  	_ =	shalt  }
0x87: {  	_ =	shalt  }
.Lfunc_end0:
.L_simem_size_0:
called_computation.6_lowered:
.L_overlay_start_0:
0x88: {  	s2 =	sld [smem:$0x3FD9]  }
0x89: {  	s3 =	sld [smem:$0x3FFE];
	_ =	sdelay $0x1  }
0x8a: {  	s1 =	srdreg.scid  }
0x8b: {  	s0 =	sand.u32 $0x1, s1  }
0x8c: {  	s17 =	sshll.u32 s0, $0xA;
	s2 =	sadd.s32 s3, s2  }
0x8d: {  	s2 =	sadd.s32 s2, s17  }
0x8e: {  	[smem:$0x3FB6] =	sst s2  }
0x8f: {  	_ = 	snop  }
0x90: {  	(tm) =	ssettm $0x1  }
0x91: {  	s18 =	sld [smem:$0x3FFB];
	_ =	sdelay $0x3  }
0x92: {  	_ =	strace s18  }
0x93: {  	s2 =	sld [smem:$0x3FFC];
	_ =	sdelay $0x3  }
0x94: {  	_ =	strace s2  }
0x95: {  	s2 =	sld [smem:$0x3FFD];
	_ =	sdelay $0x3  }
0x96: {  	_ =	strace s2  }
0x97: {  	_ =	strace $0x8FFFFFFF  }
0x98: {  	s19 =	sld [smem:$0x3FDB];
	_ =	sdelay $0x1  }
0x99: {  	s20 =	simm.s32 $_scs_section_size  }
0x9a: {  	s4 =	simm.s32 $_size__tile_overlayer_lowered;
	s5 =	simm.s32 $_tile_overlayer_lowered  }
0x9b: {  	s6 =	simm.s32 $0x1BFF;
	s21 =	sshll.u32 s5, $0x1;
	s3 =	sadd.s32 s20, s19  }
0x9c: {  	s22 =	simm.s32 $0x0;
	s4 =	sshll.u32 s4, $0x1;
	s5 =	sadd.s32 s21, s3  }
0x9d: {  	[timem:s22], [sflag:s6] =	dma.local [hbm:s5], s4  }
0x9e: {  	_ =	swait.ge [sflag:s6], s4  }
0x9f: {  	s4 =	ssub.s32 $0x0, s4;
	[sflag:s6] =	ssyncset.done $0x0  }
0xa0: {  	[sflag:s6] =	ssyncadd.s32 s4;
	_ =	sdelay $0x1  }
0xa1: {  	s23 =	simm.s32 $0x1B8B  }
0xa2: {  	_ =	swait.ge [sflag:s23], $0x1  }
0xa3: {  	[sflag:s23] =	ssyncset.done $0x0  }
0xa4: {  	[sflag:s23] =	ssyncadd.s32 $0xFFFFFFFF  }
0xa5: {  	s4 =	sld [smem:$0x0]  }
0xa6: {  	s5 =	sand.u32 $0xFFFFFFFE, s1  }
0xa7: {  	p0 =	sne.s32 s1, s5  }
0xa8: {  	s5 =	sshll.u32 @p0 s5, $0xE  }
0xa9: {  	s5 =	sadd.s32 @p0 $0x11B8D, s5;
	s6 =	sshll.u32 @p0 s4, $0x11  }
0xaa: {  	s5 =	sor.u32 @p0 s6, s5  }
0xab: {  	[sflag:s5] =	ssyncadd.remote.s32 @p0 $0x1;
	_ =	sdelay $0x1  }
0xac: {  	s5 =	simm.s32 @p0 $0x1B8D  }
0xad: {  	_ =	swait.eq @p0 [sflag:s5], $0x1  }
0xae: {  	[sflag:s5] =	ssyncadd.s32 @p0 $0xFFFFFFFF  }
0xaf: {  	s6 =	sshll.u32 @!p0 s1, $0xE  }
0xb0: {  	s6 =	sor.u32 @!p0 $0x4000, s6;
	s5 =	simm.s32 @!p0 $0x1B8D  }
0xb1: {  	s4 =	sshll.u32 @!p0 s4, $0x11;
	s6 =	sadd.s32 @!p0 $0x11B8D, s6;
	_ =	swait.eq @!p0 [sflag:s5], $0x1  }
0xb2: {  	s4 =	sor.u32 @!p0 s4, s6;
	[sflag:s5] =	ssyncadd.s32 @!p0 $0xFFFFFFFF  }
0xb3: {  	s25 =	simm.s32 $0x1B8E;
	s24 =	sld [smem:$0x3FFE];
	[sflag:s4] =	ssyncadd.remote.s32 @!p0 $0x1  }
0xb4: {  	s26 =	simm.s32 $execute0_lowered;
	[smem:$0x3FD2] =	sst s25  }
0xb5: {  	s5 =	sshll.u32 s26, $0x1;
	_ =	strace $0x8000005B;
	[dreg:$0x1] =	wrdreg $0xFFFFFFFF  }
0xb6: {  	s28 =	simm.s32 $_size_execute0_lowered;
	s3 =	sadd.s32 s3, s5;
	[dreg:$0x0] =	wrdreg $0x0  }
0xb7: {  	s5 =	sshll.u32 s28, $0x1;
	[dreg:$0x2] =	wrdreg s3  }
0xb8: {  	[dreg:$0x3] =	wrdreg s5  }
0xb9: {  	[dreg:$0x4] =	wrdreg $0xC0  }
0xba: {  	_ =	task [dreg:s22], $0x5FFFF  }
0xbb: {  	[dreg:$0x1] =	wrdreg $0xFFFFFFFF  }
0xbc: {  	[dreg:$0x0] =	wrdreg $0x60  }
0xbd: {  	[dreg:$0x2] =	wrdreg s24  }
0xbe: {  	[dreg:$0x3] =	wrdreg $0x9  }
0xbf: {  	_ =	task.clear_ibuf [dreg:s22], $0x4FFFF;
	_ =	strace $0x9000005B  }
0xc0: {  	s29 =	simm.s32 $0x9;
	_ =	strace $0x8000005D  }
0xc1: {  	_ =	swait.ge [sflag:s29], $0x1  }
0xc2: {  	[sflag:s29] =	ssyncadd.s32 $0xFFFFFFFF  }
0xc3: {  	_ =	strace $0x9000005D  }
0xc4: {  	_ =	sfence  }
0xc5: {  	s30 =	sld [smem:$0x0];
	_ =	sdelay $0x2  }
0xc6: {  	s31 =	sshll.u32 s1, $0xD;
	s1 =	sshrl.u32 s1, $0x2  }
0xc7: {  	s4 =	sand.u32 $0x4000, s31;
	s1 =	sadd.s32 s1, s30  }
0xc8: {  	s0 =	sor.u32 s4, s0;
	s1 =	sshll.u32 s1, $0x11  }
0xc9: {  	s0 =	sor.u32 s1, s0  }
0xca: {  	s0 =	sadd.s32 $0x8F2B, s0  }
0xcb: {  	[sflag:s0] =	ssyncadd.remote.s32 $0x1  }
0xcc: {  	_ =	sfence.sel $0xFFFF  }
0xcd: {  	[dreg:$0x0] =	wrdreg $0xFFFFFFFF;
	(pc) =	sbr.abs _section_cstart, $3  }
0xce: {  	[dreg:$0x1] =	wrdreg $0xFFFFFFFF  }
0xcf: {  	_ =	task.clear_ibuf [dreg:s22], $0x2FFFF;
	_ =	strace $0x9FFFFFFF  }
0xd0: {  	(tm) =	ssettm $0x7FFFFFFF  }
0xd1: {  	_ =	shalt  }
tec
execute0_lowered:
.L_overlay_start_1:
0x0: {  	(tag) =	ssettag $0x1  }
0x1: {  	s1 =	srdreg.scid;
	s0 =	stileid.u32  }
0x2: {  	s4 =	rddreg [dreg:$0x0];
	s2 =	simm.s32 $0x0;
	s16 =	simm.s32 $0x1A28  }
0x3: {  	s17 =	simm.s32 $0x1;
	s18 =	simm.s32 $0x2;
	s19 =	simm.s32 $0x3  }
0x4: {  	s20 =	simm.s32 $0x4;
	s21 =	simm.s32 $0x28;
	s28 =	smul.u32 $0x5140, s0  }
0x5: {  	s22 =	simm.s32 $0x2A28;
	s9 =	sand.u32 $0x1, s1;
	s14 =	smul.u32 $0x28A00, s0  }
0x6: {  	s23 =	simm.s32 $0x5;
	s24 =	sshll.u32 s0, $0x1;
	s15 =	smul.u32 $0x14500, s9  }
0x7: {  	s1 =	rddreg [dreg:$0x1];
	s5 =	sor.u32 s9, s24;
	s29 =	smul.u32 $0x28A0, s9  }
0x8: {  	[smem:$0x7FF] =	sst s2;
	s3 =	sadd.s32 $0x41800, s4;
	s6 =	smul.u32 $0x140, s5  }
0x9: {  	s11 =	sadd.s32 $0x35DC00, s4;
	s8 =	ssub.s32 $0x2, s9;
	s7 =	smul.u32 $0x5, s5  }
0xa: {  	_ =	strace $0x8000005C;
	s10 =	smul.u32 $0x14500, s5;
	s25 =	sshrl.u32 s8, $0x1  }
0xb: {  	s24 =	simm.s32 $0x0;
	s12 =	smul.u32 $0x28A0, s5;
	s8 =	ssub.s32 s8, s25  }
0xc: {  	s31 =	sadd.s32 s15, s14;
	s14 =	simm.s32 $0x80;
	s15 =	simm.s32 $0xA28  }
0xd: {  	s6 =	sadd.s32 s6, s4;
	s7 =	sadd.s32 s7, s4;
	s26 =	sshrl.u32 s10, $0x3  }
0xe: {  	s30 =	sadd.s32 s12, s11;
	s10 =	sadd.s32 s28, s11;
	s12 =	sshrl.u32 s31, $0x3  }
0xf: {  	s4 =	sadd.s32 $0x3CA00, s6;
	s13 =	sadd.s32 s11, s26;
	s5 =	sadd.s32 $0x3F200, s7  }
0x10: {  	s7 =	smax.u32 s8, $0x1;
	s9 =	sadd.s32 $0x2600, s30;
	s10 =	sadd.s32 s29, s10  }
0x11: {  	s11 =	sadd.s32 s12, s11;
	s12 =	simm.s32 $0x6;
	s6 =	sadd.s32 $0x2800, s13  }
0x12: {  	s8 =	sadd.s32 $0x2400, s13;
	s10 =	sadd.s32 $0x200, s10;
	s13 =	simm.s32 $0xA00  }
.LBB2_1:
0x13: {  	[tilespmem:s2], [sflag:$0x6] =	stream.linear.gather [hbm4b:s4+s2], $0xA00, $0x38;
	[tilespmem:$0x2F28] =	vst v63  }
0x14: {  	_ =	swait.ge [sflag:s12], $0xA00  }
0x15: {  	[sflag:s12] =	ssyncset.done $0x0  }
0x16: {  	[sflag:s12] =	ssyncadd.s32 $0xFFFFF600  }
0x17: {  	[tilespmem:s13], [sflag:$0x6] =	stream.linear.gather [hbm4b:s5+s2], $0x28, $0x38;
	[tilespmem:$0x2F28] =	vst v63  }
0x18: {  	_ =	swait.ge [sflag:s12], $0x28  }
0x19: {  	[sflag:s12] =	ssyncset.done $0x0  }
0x1a: {  	[sflag:s12] =	ssyncadd.s32 $0xFFFFFFD8  }
0x1b: {  	[tilespmem:s15], [sflag:$0x1] =	stream.indirect.gather [hbm4b:s3+s14], $0x20, s2, s14, $0xb8;
	[tilespmem:$0x2F28] =	vst v63  }
0x1c: {  	_ = 	snop  }
0x1d: {  	[tilespmem:s16], [sflag:$0x2] =	stream.indirect.gather [hbm4b:s3+s14], $0x20, s14, s14, $0xb8;
	[tilespmem:$0x2F28] =	vst v63  }
0x1e: {  	_ =	swait.ge [sflag:s17], $0x1000  }
0x1f: {  	[sflag:s17] =	ssyncset.done $0x0  }
0x20: {  	s25 =	sadd.s32 $0x0, s11;
	[sflag:s17] =	ssyncadd.s32 $0xFFFFF000  }
0x21: {  	[hbm4b:s25+s2] =	stream.linear.scatter [tilespmem:s15], [sflag:$0x3], $0x1000, $0x38;
	[tilespmem:$0x2F28] =	vst v63  }
0x22: {  	_ =	swait.ge [sflag:s18], $0x1000  }
0x23: {  	[sflag:s18] =	ssyncset.done $0x0  }
0x24: {  	s30 =	sadd.s32 $0x0, s10;
	[sflag:s18] =	ssyncadd.s32 $0xFFFFF000  }
0x25: {  	[hbm4b:s30+s2] =	stream.linear.scatter [tilespmem:s16], [sflag:$0x4], $0x1000, $0x38;
	[tilespmem:$0x2F28] =	vst v63  }
0x26: {  	_ =	swait.ge [sflag:s19], $0x1000  }
0x27: {  	[sflag:s19] =	ssyncset.done $0x0  }
0x28: {  	s31 =	simm.s32 $0x100;
	[sflag:s19] =	ssyncadd.s32 $0xFFFFF000  }
0x29: {  	[tilespmem:s15], [sflag:$0x1] =	stream.indirect.gather [hbm4b:s3+s14], $0x20, s31, s14, $0xb8;
	[tilespmem:$0x2F28] =	vst v63  }
0x2a: {  	_ =	swait.ge [sflag:s20], $0x1000  }
0x2b: {  	[sflag:s20] =	ssyncset.done $0x0  }
0x2c: {  	s26 =	simm.s32 $0x180;
	s25 =	simm.s32 $0x400;
	[sflag:s20] =	ssyncadd.s32 $0xFFFFF000  }
.LBB2_2:
0x2d: {  	[tilespmem:s16], [sflag:$0x2] =	stream.indirect.gather [hbm4b:s3+s14], $0x20, s26, s14, $0xb8;
	[tilespmem:$0x2F28] =	vst v63  }
0x2e: {  	s26 =	smov.u32 s25  }
0x2f: {  	p0 =	sne.s32 s25, $0x2000;
	s25 =	sadd.s32 $0x400, s25;
	_ =	swait.ge [sflag:s17], $0x1000  }
0x30: {  	[sflag:s17] =	ssyncset.done $0x0  }
0x31: {  	s28 =	sadd.s32 s26, s11;
	[sflag:s17] =	ssyncadd.s32 $0xFFFFF000  }
0x32: {  	[hbm4b:s28+s2] =	stream.linear.scatter [tilespmem:s15], [sflag:$0x3], $0x1000, $0x38;
	[tilespmem:$0x2F28] =	vst v63  }
0x33: {  	_ =	swait.ge [sflag:s18], $0x1000  }
0x34: {  	[sflag:s18] =	ssyncset.done $0x0  }
0x35: {  	s28 =	sadd.s32 s26, s10;
	[sflag:s18] =	ssyncadd.s32 $0xFFFFF000  }
0x36: {  	[hbm4b:s28+s2] =	stream.linear.scatter [tilespmem:s16], [sflag:$0x4], $0x1000, $0x38;
	[tilespmem:$0x2F28] =	vst v63  }
0x37: {  	_ =	swait.ge [sflag:s19], $0x1000  }
0x38: {  	s26 =	sshra.s32 s26, $0x2;
	[sflag:s19] =	ssyncset.done $0x0  }
.Ltmp0:
0x39: {  	s28 =	sadd.s32 $0x100, s26;
	[sflag:s19] =	ssyncadd.s32 $0xFFFFF000;
	(pc) =	sbr.rel @p0 .LBB2_2-.Ltmp0, $4  }
0x3a: {  	[tilespmem:s15], [sflag:$0x1] =	stream.indirect.gather [hbm4b:s3+s14], $0x20, s28, s14, $0xb8;
	[tilespmem:$0x2F28] =	vst v63  }
0x3b: {  	_ =	swait.ge [sflag:s20], $0x1000  }
0x3c: {  	[sflag:s20] =	ssyncset.done $0x0  }
0x3d: {  	s26 =	sadd.s32 $0x180, s26;
	[sflag:s20] =	ssyncadd.s32 $0xFFFFF000  }
0x3e: {  	[tilespmem:s16], [sflag:$0x2] =	stream.indirect.gather [hbm4b:s3+s14], $0x20, s26, s14, $0xb8;
	[tilespmem:$0x2F28] =	vst v63  }
0x3f: {  	_ =	swait.ge [sflag:s17], $0x1000  }
0x40: {  	[sflag:s17] =	ssyncset.done $0x0  }
0x41: {  	[sflag:s17] =	ssyncadd.s32 $0xFFFFF000  }
0x42: {  	[hbm4b:s8+s2] =	stream.linear.scatter [tilespmem:s15], [sflag:$0x3], $0x1000, $0x38;
	[tilespmem:$0x2F28] =	vst v63  }
0x43: {  	_ =	swait.ge [sflag:s18], $0x1000  }
0x44: {  	[sflag:s18] =	ssyncset.done $0x0  }
0x45: {  	[sflag:s18] =	ssyncadd.s32 $0xFFFFF000  }
0x46: {  	[hbm4b:s9+s2] =	stream.linear.scatter [tilespmem:s16], [sflag:$0x4], $0x1000, $0x38;
	[tilespmem:$0x2F28] =	vst v63  }
0x47: {  	_ = 	snop  }
0x48: {  	[tilespmem:s22], [sflag:$0x5] =	stream.indirect.gather [hbm4b:s3+s21], $0x20, s13, s21, $0xb8;
	[tilespmem:$0x2F28] =	vst v63  }
0x49: {  	_ =	swait.ge [sflag:s23], $0x500  }
0x4a: {  	[sflag:s23] =	ssyncset.done $0x0  }
0x4b: {  	[sflag:s23] =	ssyncadd.s32 $0xFFFFFB00  }
0x4c: {  	[hbm4b:s6+s2] =	stream.linear.scatter [tilespmem:s22], [sflag:$0x6], $0x500, $0x38;
	[tilespmem:$0x2F28] =	vst v63  }
0x4d: {  	_ =	swait.ge [sflag:s12], $0x500  }
0x4e: {  	[sflag:s12] =	ssyncset.done $0x0  }
0x4f: {  	s24 =	sadd.s32 $0x1, s24;
	[sflag:s12] =	ssyncadd.s32 $0xFFFFFB00  }
0x50: {  	p0 =	sne.s32 s24, s7;
	_ =	swait.ge [sflag:s19], $0x1000  }
.Ltmp1:
0x51: {  	[sflag:s19] =	ssyncset.done $0x0;
	(pc) =	sbr.rel @p0 .LBB2_1-.Ltmp1, $4  }
0x52: {  	[sflag:s19] =	ssyncadd.s32 $0xFFFFF000  }
0x53: {  	_ =	swait.ge [sflag:s20], $0x1000  }
0x54: {  	[sflag:s20] =	ssyncset.done $0x0  }
0x55: {  	[sflag:s20] =	ssyncadd.s32 $0xFFFFF000  }
0x56: {  	_ =	sfence.sel $0x180000  }
0x57: {  	[bflag:$0x0] =	sbarrier.arrive $0xFFFF  }
0x58: {  	p0 =	sne.s32 s0, $0x0;
	_ =	strace $0x9000005C  }
0x59: {  	s0 =	sadd.s32 @!p0 $0x100000, s1;
	[bflag:$0x2] =	sbarrier.arrive $0xFFFF  }
0x5a: {  	[sflag:s0] =	ssyncadd.tile.s32 @!p0 $0x1;
	_ =	shalt  }
.Lfunc_end2:
_tile_overlayer_lowered:
.L_overlay_start_2:
0x5b: {  	(tag) =	ssettag $0x2  }
0x5c: {  	s0 =	rddreg [dreg:$0x0];
	s2 =	stileid.u32  }
0x5d: {  	s1 =	rddreg [dreg:$0x1];
	p0 =	sne.s32 s2, $0x0  }
0x5e: {  	s3 =	rddreg [dreg:$0x2];
	[bflag:$0x3] =	sbarrier.arrive $0xFFFF;
	s2 =	simm.s32 @!p0 $0x1C06  }
0x5f: {  	[timem:s3], [sflag:s2] =	dma.local @!p0 [hbm:s0], s1  }
0x60: {  	s0 =	simm.s32 @!p0 $0x6  }
0x61: {  	_ =	swait.ge @!p0 [sflag:s0], s1  }
0x62: {  	s1 =	ssub.s32 @!p0 $0x0, s1;
	[sflag:s0] =	ssyncset.done @!p0 $0x0  }
0x63: {  	[sflag:s0] =	ssyncadd.s32 @!p0 s1  }
0x64: {  	[bflag:$0x3] =	sbarrier.arrive $0xFFFF  }
0x65: {  	_ =	shalt  }

// kernel: kernel.33.cloned.1.call-start
scs
__scs_entry_jumppad:
0x0: {  	(pc) =	sbr.rel $0x88, $3  }
0x1: {  	(tag) =	ssettag $0x0;
	lr =	simm.s32 $0x1  }
0x2: {  	[smem:$0x3F8F] =	sst lr;
	_ =	strace $0xD0000000  }
0x3: {  	_ = 	snop  }
0x4: {  	_ = 	snop  }
0x5: {  	_ = 	snop  }
0x6: {  	_ = 	snop  }
0x7: {  	_ = 	snop  }
__scs_overlays_trampoline_lowered:
0x8: {  	[smem:$0x3F9E] =	sst s0  }
0x9: {  	[smem:$0x3F9F] =	sst s1  }
0xa: {  	[smem:$0x3FA0] =	sst s2  }
0xb: {  	[smem:$0x3FA1] =	sst s3  }
0xc: {  	[smem:$0x3FA2] =	sst s4  }
0xd: {  	[smem:$0x3FA3] =	sst s5  }
0xe: {  	[smem:$0x3FA4] =	sst s6  }
0xf: {  	[smem:$0x3FA5] =	sst s7  }
0x10: {  	[smem:$0x3FA6] =	sst s8  }
0x11: {  	[smem:$0x3FA7] =	sst s9;
	s0 =	simm.s32 @!p0 $0x0  }
0x12: {  	s1 =	sld [smem:$0x3F8D];
	s0 =	simm.s32 @p0 $0x1  }
0x13: {  	[smem:$0x3FA8] =	sst s0;
	s0 =	simm.s32 @!p1 $0x0  }
0x14: {  	s2 =	sld [smem:$0x3F8C];
	s0 =	simm.s32 @p1 $0x1  }
0x15: {  	[smem:$0x3FA9] =	sst s0;
	s0 =	simm.s32 @!p2 $0x0  }
0x16: {  	s3 =	sld [smem:$0x3FDB];
	s0 =	simm.s32 @p2 $0x1  }
0x17: {  	s4 =	simm.s32 $0x1BF5;
	[smem:$0x3FAB] =	sst s0  }
0x18: {  	s0 =	sld [smem:$0x3F8E];
	_ =	swait.ge [sflag:s4], $0x0  }
0x19: {  	s7 =	sld [smem:$0x3F8F]  }
0x1a: {  	s8 =	sadd.s32 $0xFFFFE003, lr  }
0x1b: {  	s9 =	sadd.s32 $0xFFFFFEF7, lr;
	s5 =	simm.s32 $0xFFFFFFFF;
	p2 =	slt.u32 s8, $0xFFFFF086  }
0x1c: {  	p1 =	slt.u32 s9, $0xF7A;
	s5 =	simm.s32 @!p2 $0x0  }
0x1d: {  	s5 =	simm.s32 @p1 $0x1;
	p0 =	seq.s32 s7, s2  }
0x1e: {  	s7 =	smul.u32 @!p0 $0xF7A, s2;
	p2 =	seq.s32 @!p0 s5, $0x0  }
0x1f: {  	s9 =	smul.u32 $0xF7A, s1;
	s8 =	simm.s32 @!p0 $0x1BF5;
	p2 =	por !p2, p0  }
0x20: {  	[sflag:s8] =	ssyncset.s32 @!p0 $0xFFFFF086;
	s6 =	sadd.s32 @!p0 s3, s7;
	s7 =	simm.s32 @!p0 $0x108  }
0x21: {  	s3 =	sadd.s32 s3, s9;
	s6 =	sadd.s32 @!p0 $0x88, s6;
	s7 =	simm.s32 @p2 $0x1082  }
0x22: {  	[simem:s7], [sflag:s8] =	dma.local @!p0 [hbm:s6], $0xF7A  }
0x23: {  	s9 =	sor.u32 $0xD0000000, s2;
	s6 =	simm.s32 $0x108;
	_ =	swait.ge @!p0 [sflag:s8], $0x0  }
0x24: {  	s3 =	sadd.s32 $0x88, s3;
	s6 =	simm.s32 @!p1 $0x1082;
	[sflag:s4] =	ssyncset.s32 $0xFFFFF086  }
0x25: {  	[simem:s6], [sflag:s4] =	dma.local [hbm:s3], $0xF7A  }
0x26: {  	[smem:$0x3F8F] =	sst s1;
	(tag) =	ssettag s2;
	_ =	strace s9  }
0x27: {  	s1 =	sld [smem:$0x3F9F]  }
0x28: {  	s2 =	sld [smem:$0x3FA0]  }
0x29: {  	s4 =	sld [smem:$0x3FA2]  }
0x2a: {  	p0 =	seq.s32 s5, $0x0;
	s5 =	sld [smem:$0x3FA3]  }
0x2b: {  	s6 =	sld [smem:$0x3FA4]  }
0x2c: {  	s7 =	sld [smem:$0x3FA5]  }
0x2d: {  	s3 =	simm.s32 $0x108;
	s8 =	sld [smem:$0x3FA6]  }
0x2e: {  	s3 =	simm.s32 @!p0 $0x1082;
	s9 =	sld [smem:$0x3FA7]  }
0x2f: {  	lr =	sadd.s32 s0, s3;
	s0 =	sld [smem:$0x3F9E]  }
0x30: {  	s3 =	sld [smem:$0x3FA1]  }
0x31: {  	[smem:$0x3FAA] =	sst s10  }
0x32: {  	s10 =	sld [smem:$0x3FA8];
	_ =	sdelay $0x3  }
0x33: {  	p0 =	seq.s32 s10, $0x1;
	s10 =	sld [smem:$0x3FAA];
	_ =	sdelay $0x3  }
0x34: {  	[smem:$0x3FAA] =	sst s10  }
0x35: {  	s10 =	sld [smem:$0x3FA9];
	_ =	sdelay $0x3  }
0x36: {  	p1 =	seq.s32 s10, $0x1;
	s10 =	sld [smem:$0x3FAA];
	_ =	sdelay $0x3  }
0x37: {  	[smem:$0x3FAA] =	sst s10  }
0x38: {  	s10 =	sld [smem:$0x3FAB]  }
0x39: {  	_ = 	snop;
	(pc) =	sbr.ind lr, $3  }
0x3a: {  	_ = 	snop  }
0x3b: {  	_ = 	snop  }
0x3c: {  	p2 =	seq.s32 s10, $0x1;
	s10 =	sld [smem:$0x3FAA]  }
0x3d: {  	_ =	shalt  }
0x3e: {  	_ =	shalt  }
0x3f: {  	_ =	shalt  }
0x40: {  	_ =	shalt  }
0x41: {  	_ =	shalt  }
0x42: {  	_ =	shalt  }
0x43: {  	_ =	shalt  }
0x44: {  	_ =	shalt  }
0x45: {  	_ =	shalt  }
0x46: {  	_ =	shalt  }
0x47: {  	_ =	shalt  }
0x48: {  	_ =	shalt  }
0x49: {  	_ =	shalt  }
0x4a: {  	_ =	shalt  }
0x4b: {  	_ =	shalt  }
0x4c: {  	_ =	shalt  }
0x4d: {  	_ =	shalt  }
0x4e: {  	_ =	shalt  }
0x4f: {  	_ =	shalt  }
0x50: {  	_ =	shalt  }
0x51: {  	_ =	shalt  }
0x52: {  	_ =	shalt  }
0x53: {  	_ =	shalt  }
0x54: {  	_ =	shalt  }
0x55: {  	_ =	shalt  }
0x56: {  	_ =	shalt  }
0x57: {  	_ =	shalt  }
0x58: {  	_ =	shalt  }
0x59: {  	_ =	shalt  }
0x5a: {  	_ =	shalt  }
0x5b: {  	_ =	shalt  }
0x5c: {  	_ =	shalt  }
0x5d: {  	_ =	shalt  }
0x5e: {  	_ =	shalt  }
0x5f: {  	_ =	shalt  }
0x60: {  	_ =	shalt  }
0x61: {  	_ =	shalt  }
0x62: {  	_ =	shalt  }
0x63: {  	_ =	shalt  }
0x64: {  	_ =	shalt  }
0x65: {  	_ =	shalt  }
0x66: {  	_ =	shalt  }
0x67: {  	_ =	shalt  }
0x68: {  	_ =	shalt  }
0x69: {  	_ =	shalt  }
0x6a: {  	_ =	shalt  }
0x6b: {  	_ =	shalt  }
0x6c: {  	_ =	shalt  }
0x6d: {  	_ =	shalt  }
0x6e: {  	_ =	shalt  }
0x6f: {  	_ =	shalt  }
0x70: {  	_ =	shalt  }
0x71: {  	_ =	shalt  }
0x72: {  	_ =	shalt  }
0x73: {  	_ =	shalt  }
0x74: {  	_ =	shalt  }
0x75: {  	_ =	shalt  }
0x76: {  	_ =	shalt  }
0x77: {  	_ =	shalt  }
0x78: {  	_ =	shalt  }
0x79: {  	_ =	shalt  }
0x7a: {  	_ =	shalt  }
0x7b: {  	_ =	shalt  }
0x7c: {  	_ =	shalt  }
0x7d: {  	_ =	shalt  }
0x7e: {  	_ =	shalt  }
0x7f: {  	_ =	shalt  }
0x80: {  	_ =	shalt  }
0x81: {  	_ =	shalt  }
0x82: {  	_ =	shalt  }
0x83: {  	_ =	shalt  }
0x84: {  	_ =	shalt  }
0x85: {  	_ =	shalt  }
0x86: {  	_ =	shalt  }
0x87: {  	_ =	shalt  }
.Lfunc_end0:
.L_simem_size_0:
called_computation.7_lowered:
.L_overlay_start_0:
0x88: {  	s2 =	sld [smem:$0x3FD9]  }
0x89: {  	s3 =	sld [smem:$0x3FFE];
	_ =	sdelay $0x1  }
0x8a: {  	s1 =	srdreg.scid  }
0x8b: {  	s0 =	sand.u32 $0x1, s1  }
0x8c: {  	s14 =	sshll.u32 s0, $0xA;
	s2 =	sadd.s32 s3, s2  }
0x8d: {  	s2 =	sadd.s32 s2, s14  }
0x8e: {  	[smem:$0x3FB6] =	sst s2  }
0x8f: {  	_ = 	snop  }
0x90: {  	s2 =	sld [smem:$0x3FD0];
	_ =	sdelay $0x2  }
0x91: {  	s15 =	simm.s32 $0xC;
	s4 =	simm.s32 $0x10  }
0x92: {  	[smem:s4], [sflag:s15] =	dma.local [hbm:s2], $0x1  }
0x93: {  	_ =	swait.eq [sflag:s15], $0x1  }
0x94: {  	[sflag:s15] =	ssyncset.done $0x0  }
0x95: {  	[sflag:s15] =	ssyncadd.s32 $0xFFFFFFFF  }
0x96: {  	s16 =	sld [smem:$0x11];
	(tm) =	ssettm $0x1  }
0x97: {  	s17 =	sld [smem:$0x3FFB];
	_ =	sdelay $0x3  }
0x98: {  	_ =	strace s17  }
0x99: {  	s3 =	sld [smem:$0x3FFC];
	_ =	sdelay $0x3  }
0x9a: {  	_ =	strace s3  }
0x9b: {  	s3 =	sld [smem:$0x3FFD];
	_ =	sdelay $0x3  }
0x9c: {  	_ =	strace s3  }
0x9d: {  	_ =	strace $0x8FFFFFFF  }
0x9e: {  	s18 =	sld [smem:$0x3FDB];
	_ =	sdelay $0x1  }
0x9f: {  	s19 =	simm.s32 $_scs_section_size  }
0xa0: {  	s5 =	simm.s32 $_size__tile_overlayer_lowered;
	s6 =	simm.s32 $_tile_overlayer_lowered  }
0xa1: {  	s22 =	simm.s32 $0x1BFF;
	s21 =	sshll.u32 s6, $0x1;
	s3 =	sadd.s32 s19, s18  }
0xa2: {  	s7 =	simm.s32 $0x0;
	s20 =	sshll.u32 s5, $0x1;
	s5 =	sadd.s32 s21, s3  }
0xa3: {  	[timem:s7], [sflag:s22] =	dma.local [hbm:s5], s20  }
0xa4: {  	_ =	swait.ge [sflag:s22], s20  }
0xa5: {  	s4 =	ssub.s32 $0x0, s20;
	[sflag:s22] =	ssyncset.done $0x0  }
0xa6: {  	[sflag:s22] =	ssyncadd.s32 s4;
	_ =	sdelay $0x1  }
0xa7: {  	s23 =	simm.s32 $0x1B8B  }
0xa8: {  	_ =	swait.ge [sflag:s23], $0x1  }
0xa9: {  	[sflag:s23] =	ssyncset.done $0x0  }
0xaa: {  	s25 =	simm.s32 $0x1B8E;
	s24 =	sld [smem:$0x3FFE];
	[sflag:s23] =	ssyncadd.s32 $0xFFFFFFFF  }
0xab: {  	s26 =	simm.s32 $execute0_lowered;
	[smem:$0x3FD2] =	sst s25  }
0xac: {  	s5 =	sshll.u32 s26, $0x1;
	_ =	strace $0x80000058;
	[dreg:$0x1] =	wrdreg $0xFFFFFFFF  }
0xad: {  	s28 =	simm.s32 $_size_execute0_lowered;
	s3 =	sadd.s32 s3, s5;
	[dreg:$0x0] =	wrdreg $0x0  }
0xae: {  	s5 =	sshll.u32 s28, $0x1;
	[dreg:$0x2] =	wrdreg s3  }
0xaf: {  	[dreg:$0x3] =	wrdreg s5  }
0xb0: {  	[dreg:$0x4] =	wrdreg $0xC0  }
0xb1: {  	_ =	task [dreg:s7], $0x5FFFF  }
0xb2: {  	[dreg:$0x1] =	wrdreg $0xFFFFFFFF  }
0xb3: {  	[dreg:$0x0] =	wrdreg $0x60  }
0xb4: {  	[dreg:$0x2] =	wrdreg s24  }
0xb5: {  	[dreg:$0x3] =	wrdreg s16  }
0xb6: {  	[dreg:$0x4] =	wrdreg $0xA  }
0xb7: {  	_ =	task.clear_ibuf [dreg:s7], $0x5FFFF;
	_ =	strace $0x90000058  }
0xb8: {  	s29 =	simm.s32 $0xA;
	_ =	strace $0x8000005A  }
0xb9: {  	_ =	swait.ge [sflag:s29], $0x1  }
0xba: {  	[sflag:s29] =	ssyncadd.s32 $0xFFFFFFFF  }
0xbb: {  	_ =	strace $0x9000005A  }
0xbc: {  	_ =	sfence  }
0xbd: {  	s30 =	sld [smem:$0x0];
	_ =	sdelay $0x2  }
0xbe: {  	s31 =	sshll.u32 s1, $0xD;
	s1 =	sshrl.u32 s1, $0x2  }
0xbf: {  	s3 =	sand.u32 $0x4000, s31;
	s1 =	sadd.s32 s1, s30  }
0xc0: {  	s0 =	sor.u32 s3, s0;
	s1 =	sshll.u32 s1, $0x11  }
0xc1: {  	s0 =	sor.u32 s1, s0  }
0xc2: {  	s0 =	sadd.s32 $0x8F2B, s0  }
0xc3: {  	[sflag:s0] =	ssyncadd.remote.s32 $0x1  }
0xc4: {  	_ =	sfence.sel $0xFFFF  }
0xc5: {  	[dreg:$0x0] =	wrdreg $0xFFFFFFFF;
	(pc) =	sbr.abs _section_cstart, $3  }
0xc6: {  	[dreg:$0x1] =	wrdreg $0xFFFFFFFF  }
0xc7: {  	_ =	task.clear_ibuf [dreg:s7], $0x2FFFF;
	_ =	strace $0x9FFFFFFF  }
0xc8: {  	(tm) =	ssettm $0x7FFFFFFF  }
0xc9: {  	_ =	shalt  }
tec
execute0_lowered:
.L_overlay_start_1:
0x0: {  	(tag) =	ssettag $0x1  }
0x1: {  	s4 =	rddreg [dreg:$0x0];
	s1 =	srdreg.scid  }
0x2: {  	s0 =	stileid.u32;
	s5 =	rddreg [dreg:$0x1];
	s2 =	simm.s32 $0x0  }
0x3: {  	s17 =	simm.s32 $0x1;
	s18 =	simm.s32 $0x2;
	s19 =	simm.s32 $0x3  }
0x4: {  	s20 =	simm.s32 $0x4;
	s21 =	simm.s32 $0x60;
	s26 =	smul.u32 $0x4B00, s0  }
0x5: {  	s22 =	simm.s32 $0x2960;
	s9 =	sand.u32 $0x1, s1;
	s15 =	smul.u32 $0x25800, s0  }
0x6: {  	s23 =	simm.s32 $0x5;
	s3 =	sshll.u32 s0, $0x1;
	s16 =	smul.u32 $0x12C00, s9  }
0x7: {  	s1 =	rddreg [dreg:$0x2];
	s6 =	sor.u32 s9, s3;
	s28 =	smul.u32 $0x2580, s9  }
0x8: {  	[smem:$0x7FF] =	sst s2;
	s12 =	sadd.s32 $0x4E200, s4;
	s7 =	smul.u32 $0x120, s6  }
0x9: {  	_ =	strace $0x80000059;
	s10 =	ssub.s32 $0x2, s9;
	s8 =	smul.u32 $0xC, s6  }
0xa: {  	s3 =	sadd.s32 $0x41800, s4;
	s11 =	smul.u32 $0x12C00, s6;
	s24 =	sshrl.u32 s10, $0x1  }
0xb: {  	s13 =	smul.u32 $0x2580, s6;
	s10 =	ssub.s32 s10, s24;
	s30 =	sadd.s32 s16, s15  }
0xc: {  	s15 =	simm.s32 $0x960;
	s16 =	simm.s32 $0x1960;
	s24 =	simm.s32 $0x0  }
0xd: {  	s7 =	sadd.s32 s7, s4;
	s25 =	sshrl.u32 s11, $0x3;
	s5 =	sadd.s32 s5, s8  }
0xe: {  	s29 =	sadd.s32 s13, s12;
	s11 =	sadd.s32 s26, s12;
	s31 =	sshrl.u32 s30, $0x3  }
0xf: {  	s13 =	simm.s32 $0x900;
	s4 =	sadd.s32 $0x3F400, s7;
	s14 =	sadd.s32 s12, s25  }
0x10: {  	s7 =	smax.u32 s10, $0x1;
	s9 =	sadd.s32 $0x2200, s29;
	s10 =	sadd.s32 s28, s11  }
0x11: {  	s11 =	sadd.s32 s31, s12;
	s12 =	simm.s32 $0x6;
	s6 =	sadd.s32 $0x2400, s14  }
0x12: {  	s8 =	sadd.s32 $0x2000, s14;
	s10 =	sadd.s32 $0x200, s10;
	s14 =	simm.s32 $0x80  }
.LBB2_1:
0x13: {  	[tilespmem:s2], [sflag:$0x6] =	stream.linear.gather [hbm4b:s4+s2], $0x900, $0x38;
	[tilespmem:$0x3560] =	vst v63  }
0x14: {  	_ =	swait.ge [sflag:s12], $0x900  }
0x15: {  	[sflag:s12] =	ssyncset.done $0x0  }
0x16: {  	[sflag:s12] =	ssyncadd.s32 $0xFFFFF700  }
0x17: {  	[tilespmem:s13], [sflag:$0x6] =	stream.linear.gather [hbm4b:s5+s2], $0x60, $0x38;
	[tilespmem:$0x3560] =	vst v63  }
0x18: {  	_ =	swait.ge [sflag:s12], $0x60  }
0x19: {  	[sflag:s12] =	ssyncset.done $0x0  }
0x1a: {  	[sflag:s12] =	ssyncadd.s32 $0xFFFFFFA0  }
0x1b: {  	[tilespmem:s15], [sflag:$0x1] =	stream.indirect.gather [hbm4b:s3+s14], $0x20, s2, s14, $0xb8;
	[tilespmem:$0x3560] =	vst v63  }
0x1c: {  	_ = 	snop  }
0x1d: {  	[tilespmem:s16], [sflag:$0x2] =	stream.indirect.gather [hbm4b:s3+s14], $0x20, s14, s14, $0xb8;
	[tilespmem:$0x3560] =	vst v63  }
0x1e: {  	_ =	swait.ge [sflag:s17], $0x1000  }
0x1f: {  	[sflag:s17] =	ssyncset.done $0x0  }
0x20: {  	s25 =	sadd.s32 $0x0, s11;
	[sflag:s17] =	ssyncadd.s32 $0xFFFFF000  }
0x21: {  	[hbm4b:s25+s2] =	stream.linear.scatter [tilespmem:s15], [sflag:$0x3], $0x1000, $0x38;
	[tilespmem:$0x3560] =	vst v63  }
0x22: {  	_ =	swait.ge [sflag:s18], $0x1000  }
0x23: {  	[sflag:s18] =	ssyncset.done $0x0  }
0x24: {  	s30 =	sadd.s32 $0x0, s10;
	[sflag:s18] =	ssyncadd.s32 $0xFFFFF000  }
0x25: {  	[hbm4b:s30+s2] =	stream.linear.scatter [tilespmem:s16], [sflag:$0x4], $0x1000, $0x38;
	[tilespmem:$0x3560] =	vst v63  }
0x26: {  	_ =	swait.ge [sflag:s19], $0x1000  }
0x27: {  	[sflag:s19] =	ssyncset.done $0x0  }
0x28: {  	s31 =	simm.s32 $0x100;
	[sflag:s19] =	ssyncadd.s32 $0xFFFFF000  }
0x29: {  	[tilespmem:s15], [sflag:$0x1] =	stream.indirect.gather [hbm4b:s3+s14], $0x20, s31, s14, $0xb8;
	[tilespmem:$0x3560] =	vst v63  }
0x2a: {  	_ =	swait.ge [sflag:s20], $0x1000  }
0x2b: {  	[sflag:s20] =	ssyncset.done $0x0  }
0x2c: {  	s26 =	simm.s32 $0x180;
	s25 =	simm.s32 $0x400;
	[sflag:s20] =	ssyncadd.s32 $0xFFFFF000  }
.LBB2_2:
0x2d: {  	[tilespmem:s16], [sflag:$0x2] =	stream.indirect.gather [hbm4b:s3+s14], $0x20, s26, s14, $0xb8;
	[tilespmem:$0x3560] =	vst v63  }
0x2e: {  	s26 =	smov.u32 s25  }
0x2f: {  	p0 =	sne.s32 s25, $0x1C00;
	s25 =	sadd.s32 $0x400, s25;
	_ =	swait.ge [sflag:s17], $0x1000  }
0x30: {  	[sflag:s17] =	ssyncset.done $0x0  }
0x31: {  	s28 =	sadd.s32 s26, s11;
	[sflag:s17] =	ssyncadd.s32 $0xFFFFF000  }
0x32: {  	[hbm4b:s28+s2] =	stream.linear.scatter [tilespmem:s15], [sflag:$0x3], $0x1000, $0x38;
	[tilespmem:$0x3560] =	vst v63  }
0x33: {  	_ =	swait.ge [sflag:s18], $0x1000  }
0x34: {  	[sflag:s18] =	ssyncset.done $0x0  }
0x35: {  	s28 =	sadd.s32 s26, s10;
	[sflag:s18] =	ssyncadd.s32 $0xFFFFF000  }
0x36: {  	[hbm4b:s28+s2] =	stream.linear.scatter [tilespmem:s16], [sflag:$0x4], $0x1000, $0x38;
	[tilespmem:$0x3560] =	vst v63  }
0x37: {  	_ =	swait.ge [sflag:s19], $0x1000  }
0x38: {  	s26 =	sshra.s32 s26, $0x2;
	[sflag:s19] =	ssyncset.done $0x0  }
.Ltmp0:
0x39: {  	s28 =	sadd.s32 $0x100, s26;
	[sflag:s19] =	ssyncadd.s32 $0xFFFFF000;
	(pc) =	sbr.rel @p0 .LBB2_2-.Ltmp0, $4  }
0x3a: {  	[tilespmem:s15], [sflag:$0x1] =	stream.indirect.gather [hbm4b:s3+s14], $0x20, s28, s14, $0xb8;
	[tilespmem:$0x3560] =	vst v63  }
0x3b: {  	_ =	swait.ge [sflag:s20], $0x1000  }
0x3c: {  	[sflag:s20] =	ssyncset.done $0x0  }
0x3d: {  	s26 =	sadd.s32 $0x180, s26;
	[sflag:s20] =	ssyncadd.s32 $0xFFFFF000  }
0x3e: {  	[tilespmem:s16], [sflag:$0x2] =	stream.indirect.gather [hbm4b:s3+s14], $0x20, s26, s14, $0xb8;
	[tilespmem:$0x3560] =	vst v63  }
0x3f: {  	_ =	swait.ge [sflag:s17], $0x1000  }
0x40: {  	[sflag:s17] =	ssyncset.done $0x0  }
0x41: {  	[sflag:s17] =	ssyncadd.s32 $0xFFFFF000  }
0x42: {  	[hbm4b:s8+s2] =	stream.linear.scatter [tilespmem:s15], [sflag:$0x3], $0x1000, $0x38;
	[tilespmem:$0x3560] =	vst v63  }
0x43: {  	_ =	swait.ge [sflag:s18], $0x1000  }
0x44: {  	[sflag:s18] =	ssyncset.done $0x0  }
0x45: {  	[sflag:s18] =	ssyncadd.s32 $0xFFFFF000  }
0x46: {  	[hbm4b:s9+s2] =	stream.linear.scatter [tilespmem:s16], [sflag:$0x4], $0x1000, $0x38;
	[tilespmem:$0x3560] =	vst v63  }
0x47: {  	_ = 	snop  }
0x48: {  	[tilespmem:s22], [sflag:$0x5] =	stream.indirect.gather [hbm4b:s3+s21], $0x20, s13, s21, $0xb8;
	[tilespmem:$0x3560] =	vst v63  }
0x49: {  	_ =	swait.ge [sflag:s23], $0xC00  }
0x4a: {  	[sflag:s23] =	ssyncset.done $0x0  }
0x4b: {  	[sflag:s23] =	ssyncadd.s32 $0xFFFFF400  }
0x4c: {  	[hbm4b:s6+s2] =	stream.linear.scatter [tilespmem:s22], [sflag:$0x6], $0xC00, $0x38;
	[tilespmem:$0x3560] =	vst v63  }
0x4d: {  	_ =	swait.ge [sflag:s12], $0xC00  }
0x4e: {  	[sflag:s12] =	ssyncset.done $0x0  }
0x4f: {  	s24 =	sadd.s32 $0x1, s24;
	[sflag:s12] =	ssyncadd.s32 $0xFFFFF400  }
0x50: {  	p0 =	sne.s32 s24, s7;
	_ =	swait.ge [sflag:s19], $0x1000  }
.Ltmp1:
0x51: {  	[sflag:s19] =	ssyncset.done $0x0;
	(pc) =	sbr.rel @p0 .LBB2_1-.Ltmp1, $4  }
0x52: {  	[sflag:s19] =	ssyncadd.s32 $0xFFFFF000  }
0x53: {  	_ =	swait.ge [sflag:s20], $0x1000  }
0x54: {  	[sflag:s20] =	ssyncset.done $0x0  }
0x55: {  	[sflag:s20] =	ssyncadd.s32 $0xFFFFF000  }
0x56: {  	_ =	sfence.sel $0x180000  }
0x57: {  	[bflag:$0x0] =	sbarrier.arrive $0xFFFF  }
0x58: {  	p0 =	sne.s32 s0, $0x0;
	_ =	strace $0x90000059  }
0x59: {  	s0 =	sadd.s32 @!p0 $0x100000, s1;
	[bflag:$0x2] =	sbarrier.arrive $0xFFFF  }
0x5a: {  	[sflag:s0] =	ssyncadd.tile.s32 @!p0 $0x1;
	_ =	shalt  }
.Lfunc_end2:
_tile_overlayer_lowered:
.L_overlay_start_2:
0x5b: {  	(tag) =	ssettag $0x2  }
0x5c: {  	s0 =	rddreg [dreg:$0x0];
	s2 =	stileid.u32  }
0x5d: {  	s1 =	rddreg [dreg:$0x1];
	p0 =	sne.s32 s2, $0x0  }
0x5e: {  	s3 =	rddreg [dreg:$0x2];
	[bflag:$0x3] =	sbarrier.arrive $0xFFFF;
	s2 =	simm.s32 @!p0 $0x1C06  }
0x5f: {  	[timem:s3], [sflag:s2] =	dma.local @!p0 [hbm:s0], s1  }
0x60: {  	s0 =	simm.s32 @!p0 $0x6  }
0x61: {  	_ =	swait.ge @!p0 [sflag:s0], s1  }
0x62: {  	s1 =	ssub.s32 @!p0 $0x0, s1;
	[sflag:s0] =	ssyncset.done @!p0 $0x0  }
0x63: {  	[sflag:s0] =	ssyncadd.s32 @!p0 s1  }
0x64: {  	[bflag:$0x3] =	sbarrier.arrive $0xFFFF  }
0x65: {  	_ =	shalt  }

// kernel: kernel.36.cloned.1.call-start
scs
__scs_entry_jumppad:
0x0: {  	(pc) =	sbr.rel $0x88, $3  }
0x1: {  	(tag) =	ssettag $0x0;
	lr =	simm.s32 $0x1  }
0x2: {  	[smem:$0x3F8F] =	sst lr;
	_ =	strace $0xD0000000  }
0x3: {  	_ = 	snop  }
0x4: {  	_ = 	snop  }
0x5: {  	_ = 	snop  }
0x6: {  	_ = 	snop  }
0x7: {  	_ = 	snop  }
__scs_overlays_trampoline_lowered:
0x8: {  	[smem:$0x3F9E] =	sst s0  }
0x9: {  	[smem:$0x3F9F] =	sst s1  }
0xa: {  	[smem:$0x3FA0] =	sst s2  }
0xb: {  	[smem:$0x3FA1] =	sst s3  }
0xc: {  	[smem:$0x3FA2] =	sst s4  }
0xd: {  	[smem:$0x3FA3] =	sst s5  }
0xe: {  	[smem:$0x3FA4] =	sst s6  }
0xf: {  	[smem:$0x3FA5] =	sst s7  }
0x10: {  	[smem:$0x3FA6] =	sst s8  }
0x11: {  	[smem:$0x3FA7] =	sst s9;
	s0 =	simm.s32 @!p0 $0x0  }
0x12: {  	s1 =	sld [smem:$0x3F8D];
	s0 =	simm.s32 @p0 $0x1  }
0x13: {  	[smem:$0x3FA8] =	sst s0;
	s0 =	simm.s32 @!p1 $0x0  }
0x14: {  	s2 =	sld [smem:$0x3F8C];
	s0 =	simm.s32 @p1 $0x1  }
0x15: {  	[smem:$0x3FA9] =	sst s0;
	s0 =	simm.s32 @!p2 $0x0  }
0x16: {  	s3 =	sld [smem:$0x3FDB];
	s0 =	simm.s32 @p2 $0x1  }
0x17: {  	s4 =	simm.s32 $0x1BF5;
	[smem:$0x3FAB] =	sst s0  }
0x18: {  	s0 =	sld [smem:$0x3F8E];
	_ =	swait.ge [sflag:s4], $0x0  }
0x19: {  	s7 =	sld [smem:$0x3F8F]  }
0x1a: {  	s8 =	sadd.s32 $0xFFFFE003, lr  }
0x1b: {  	s9 =	sadd.s32 $0xFFFFFEF7, lr;
	s5 =	simm.s32 $0xFFFFFFFF;
	p2 =	slt.u32 s8, $0xFFFFF086  }
0x1c: {  	p1 =	slt.u32 s9, $0xF7A;
	s5 =	simm.s32 @!p2 $0x0  }
0x1d: {  	s5 =	simm.s32 @p1 $0x1;
	p0 =	seq.s32 s7, s2  }
0x1e: {  	s7 =	smul.u32 @!p0 $0xF7A, s2;
	p2 =	seq.s32 @!p0 s5, $0x0  }
0x1f: {  	s9 =	smul.u32 $0xF7A, s1;
	s8 =	simm.s32 @!p0 $0x1BF5;
	p2 =	por !p2, p0  }
0x20: {  	[sflag:s8] =	ssyncset.s32 @!p0 $0xFFFFF086;
	s6 =	sadd.s32 @!p0 s3, s7;
	s7 =	simm.s32 @!p0 $0x108  }
0x21: {  	s3 =	sadd.s32 s3, s9;
	s6 =	sadd.s32 @!p0 $0x88, s6;
	s7 =	simm.s32 @p2 $0x1082  }
0x22: {  	[simem:s7], [sflag:s8] =	dma.local @!p0 [hbm:s6], $0xF7A  }
0x23: {  	s9 =	sor.u32 $0xD0000000, s2;
	s6 =	simm.s32 $0x108;
	_ =	swait.ge @!p0 [sflag:s8], $0x0  }
0x24: {  	s3 =	sadd.s32 $0x88, s3;
	s6 =	simm.s32 @!p1 $0x1082;
	[sflag:s4] =	ssyncset.s32 $0xFFFFF086  }
0x25: {  	[simem:s6], [sflag:s4] =	dma.local [hbm:s3], $0xF7A  }
0x26: {  	[smem:$0x3F8F] =	sst s1;
	(tag) =	ssettag s2;
	_ =	strace s9  }
0x27: {  	s1 =	sld [smem:$0x3F9F]  }
0x28: {  	s2 =	sld [smem:$0x3FA0]  }
0x29: {  	s4 =	sld [smem:$0x3FA2]  }
0x2a: {  	p0 =	seq.s32 s5, $0x0;
	s5 =	sld [smem:$0x3FA3]  }
0x2b: {  	s6 =	sld [smem:$0x3FA4]  }
0x2c: {  	s7 =	sld [smem:$0x3FA5]  }
0x2d: {  	s3 =	simm.s32 $0x108;
	s8 =	sld [smem:$0x3FA6]  }
0x2e: {  	s3 =	simm.s32 @!p0 $0x1082;
	s9 =	sld [smem:$0x3FA7]  }
0x2f: {  	lr =	sadd.s32 s0, s3;
	s0 =	sld [smem:$0x3F9E]  }
0x30: {  	s3 =	sld [smem:$0x3FA1]  }
0x31: {  	[smem:$0x3FAA] =	sst s10  }
0x32: {  	s10 =	sld [smem:$0x3FA8];
	_ =	sdelay $0x3  }
0x33: {  	p0 =	seq.s32 s10, $0x1;
	s10 =	sld [smem:$0x3FAA];
	_ =	sdelay $0x3  }
0x34: {  	[smem:$0x3FAA] =	sst s10  }
0x35: {  	s10 =	sld [smem:$0x3FA9];
	_ =	sdelay $0x3  }
0x36: {  	p1 =	seq.s32 s10, $0x1;
	s10 =	sld [smem:$0x3FAA];
	_ =	sdelay $0x3  }
0x37: {  	[smem:$0x3FAA] =	sst s10  }
0x38: {  	s10 =	sld [smem:$0x3FAB]  }
0x39: {  	_ = 	snop;
	(pc) =	sbr.ind lr, $3  }
0x3a: {  	_ = 	snop  }
0x3b: {  	_ = 	snop  }
0x3c: {  	p2 =	seq.s32 s10, $0x1;
	s10 =	sld [smem:$0x3FAA]  }
0x3d: {  	_ =	shalt  }
0x3e: {  	_ =	shalt  }
0x3f: {  	_ =	shalt  }
0x40: {  	_ =	shalt  }
0x41: {  	_ =	shalt  }
0x42: {  	_ =	shalt  }
0x43: {  	_ =	shalt  }
0x44: {  	_ =	shalt  }
0x45: {  	_ =	shalt  }
0x46: {  	_ =	shalt  }
0x47: {  	_ =	shalt  }
0x48: {  	_ =	shalt  }
0x49: {  	_ =	shalt  }
0x4a: {  	_ =	shalt  }
0x4b: {  	_ =	shalt  }
0x4c: {  	_ =	shalt  }
0x4d: {  	_ =	shalt  }
0x4e: {  	_ =	shalt  }
0x4f: {  	_ =	shalt  }
0x50: {  	_ =	shalt  }
0x51: {  	_ =	shalt  }
0x52: {  	_ =	shalt  }
0x53: {  	_ =	shalt  }
0x54: {  	_ =	shalt  }
0x55: {  	_ =	shalt  }
0x56: {  	_ =	shalt  }
0x57: {  	_ =	shalt  }
0x58: {  	_ =	shalt  }
0x59: {  	_ =	shalt  }
0x5a: {  	_ =	shalt  }
0x5b: {  	_ =	shalt  }
0x5c: {  	_ =	shalt  }
0x5d: {  	_ =	shalt  }
0x5e: {  	_ =	shalt  }
0x5f: {  	_ =	shalt  }
0x60: {  	_ =	shalt  }
0x61: {  	_ =	shalt  }
0x62: {  	_ =	shalt  }
0x63: {  	_ =	shalt  }
0x64: {  	_ =	shalt  }
0x65: {  	_ =	shalt  }
0x66: {  	_ =	shalt  }
0x67: {  	_ =	shalt  }
0x68: {  	_ =	shalt  }
0x69: {  	_ =	shalt  }
0x6a: {  	_ =	shalt  }
0x6b: {  	_ =	shalt  }
0x6c: {  	_ =	shalt  }
0x6d: {  	_ =	shalt  }
0x6e: {  	_ =	shalt  }
0x6f: {  	_ =	shalt  }
0x70: {  	_ =	shalt  }
0x71: {  	_ =	shalt  }
0x72: {  	_ =	shalt  }
0x73: {  	_ =	shalt  }
0x74: {  	_ =	shalt  }
0x75: {  	_ =	shalt  }
0x76: {  	_ =	shalt  }
0x77: {  	_ =	shalt  }
0x78: {  	_ =	shalt  }
0x79: {  	_ =	shalt  }
0x7a: {  	_ =	shalt  }
0x7b: {  	_ =	shalt  }
0x7c: {  	_ =	shalt  }
0x7d: {  	_ =	shalt  }
0x7e: {  	_ =	shalt  }
0x7f: {  	_ =	shalt  }
0x80: {  	_ =	shalt  }
0x81: {  	_ =	shalt  }
0x82: {  	_ =	shalt  }
0x83: {  	_ =	shalt  }
0x84: {  	_ =	shalt  }
0x85: {  	_ =	shalt  }
0x86: {  	_ =	shalt  }
0x87: {  	_ =	shalt  }
.Lfunc_end0:
.L_simem_size_0:
called_computation.8_lowered:
.L_overlay_start_0:
0x88: {  	s2 =	sld [smem:$0x3FD9]  }
0x89: {  	s3 =	sld [smem:$0x3FFE];
	_ =	sdelay $0x1  }
0x8a: {  	s1 =	srdreg.scid  }
0x8b: {  	s0 =	sand.u32 $0x1, s1  }
0x8c: {  	s17 =	sshll.u32 s0, $0xA;
	s2 =	sadd.s32 s3, s2  }
0x8d: {  	s2 =	sadd.s32 s2, s17  }
0x8e: {  	[smem:$0x3FB6] =	sst s2  }
0x8f: {  	_ = 	snop  }
0x90: {  	(tm) =	ssettm $0x1  }
0x91: {  	s18 =	sld [smem:$0x3FFB];
	_ =	sdelay $0x3  }
0x92: {  	_ =	strace s18  }
0x93: {  	s2 =	sld [smem:$0x3FFC];
	_ =	sdelay $0x3  }
0x94: {  	_ =	strace s2  }
0x95: {  	s2 =	sld [smem:$0x3FFD];
	_ =	sdelay $0x3  }
0x96: {  	_ =	strace s2  }
0x97: {  	_ =	strace $0x8FFFFFFF  }
0x98: {  	s19 =	sld [smem:$0x3FDB];
	_ =	sdelay $0x1  }
0x99: {  	s20 =	simm.s32 $_scs_section_size  }
0x9a: {  	s4 =	simm.s32 $_size__tile_overlayer_lowered;
	s5 =	simm.s32 $_tile_overlayer_lowered  }
0x9b: {  	s6 =	simm.s32 $0x1BFF;
	s21 =	sshll.u32 s5, $0x1;
	s3 =	sadd.s32 s20, s19  }
0x9c: {  	s22 =	simm.s32 $0x0;
	s4 =	sshll.u32 s4, $0x1;
	s5 =	sadd.s32 s21, s3  }
0x9d: {  	[timem:s22], [sflag:s6] =	dma.local [hbm:s5], s4  }
0x9e: {  	_ =	swait.ge [sflag:s6], s4  }
0x9f: {  	s4 =	ssub.s32 $0x0, s4;
	[sflag:s6] =	ssyncset.done $0x0  }
0xa0: {  	[sflag:s6] =	ssyncadd.s32 s4;
	_ =	sdelay $0x1  }
0xa1: {  	s23 =	simm.s32 $0x1B8B  }
0xa2: {  	_ =	swait.ge [sflag:s23], $0x1  }
0xa3: {  	[sflag:s23] =	ssyncset.done $0x0  }
0xa4: {  	[sflag:s23] =	ssyncadd.s32 $0xFFFFFFFF  }
0xa5: {  	s4 =	sld [smem:$0x0]  }
0xa6: {  	s5 =	sand.u32 $0xFFFFFFFE, s1  }
0xa7: {  	p0 =	sne.s32 s1, s5  }
0xa8: {  	s5 =	sshll.u32 @p0 s5, $0xE  }
0xa9: {  	s5 =	sadd.s32 @p0 $0x11B8D, s5;
	s6 =	sshll.u32 @p0 s4, $0x11  }
0xaa: {  	s5 =	sor.u32 @p0 s6, s5  }
0xab: {  	[sflag:s5] =	ssyncadd.remote.s32 @p0 $0x1;
	_ =	sdelay $0x1  }
0xac: {  	s5 =	simm.s32 @p0 $0x1B8D  }
0xad: {  	_ =	swait.eq @p0 [sflag:s5], $0x1  }
0xae: {  	[sflag:s5] =	ssyncadd.s32 @p0 $0xFFFFFFFF  }
0xaf: {  	s6 =	sshll.u32 @!p0 s1, $0xE  }
0xb0: {  	s6 =	sor.u32 @!p0 $0x4000, s6;
	s5 =	simm.s32 @!p0 $0x1B8D  }
0xb1: {  	s4 =	sshll.u32 @!p0 s4, $0x11;
	s6 =	sadd.s32 @!p0 $0x11B8D, s6;
	_ =	swait.eq @!p0 [sflag:s5], $0x1  }
0xb2: {  	s4 =	sor.u32 @!p0 s4, s6;
	[sflag:s5] =	ssyncadd.s32 @!p0 $0xFFFFFFFF  }
0xb3: {  	s25 =	simm.s32 $0x1B8E;
	s24 =	sld [smem:$0x3FFE];
	[sflag:s4] =	ssyncadd.remote.s32 @!p0 $0x1  }
0xb4: {  	s26 =	simm.s32 $execute0_lowered;
	[smem:$0x3FD2] =	sst s25  }
0xb5: {  	s5 =	sshll.u32 s26, $0x1;
	_ =	strace $0x80000061;
	[dreg:$0x1] =	wrdreg $0xFFFFFFFF  }
0xb6: {  	s28 =	simm.s32 $_size_execute0_lowered;
	s3 =	sadd.s32 s3, s5;
	[dreg:$0x0] =	wrdreg $0x0  }
0xb7: {  	s5 =	sshll.u32 s28, $0x1;
	[dreg:$0x2] =	wrdreg s3  }
0xb8: {  	[dreg:$0x3] =	wrdreg s5  }
0xb9: {  	[dreg:$0x4] =	wrdreg $0xC0  }
0xba: {  	_ =	task [dreg:s22], $0x5FFFF  }
0xbb: {  	[dreg:$0x1] =	wrdreg $0xFFFFFFFF  }
0xbc: {  	[dreg:$0x0] =	wrdreg $0x60  }
0xbd: {  	[dreg:$0x2] =	wrdreg s24  }
0xbe: {  	[dreg:$0x3] =	wrdreg $0x2F280  }
0xbf: {  	[dreg:$0x4] =	wrdreg $0x9  }
0xc0: {  	_ =	task.clear_ibuf [dreg:s22], $0x5FFFF;
	_ =	strace $0x90000061  }
0xc1: {  	s29 =	simm.s32 $0x9;
	_ =	strace $0x80000063  }
0xc2: {  	_ =	swait.ge [sflag:s29], $0x1  }
0xc3: {  	[sflag:s29] =	ssyncadd.s32 $0xFFFFFFFF  }
0xc4: {  	_ =	strace $0x90000063  }
0xc5: {  	_ =	sfence  }
0xc6: {  	s30 =	sld [smem:$0x0];
	_ =	sdelay $0x2  }
0xc7: {  	s31 =	sshll.u32 s1, $0xD;
	s1 =	sshrl.u32 s1, $0x2  }
0xc8: {  	s4 =	sand.u32 $0x4000, s31;
	s1 =	sadd.s32 s1, s30  }
0xc9: {  	s0 =	sor.u32 s4, s0;
	s1 =	sshll.u32 s1, $0x11  }
0xca: {  	s0 =	sor.u32 s1, s0  }
0xcb: {  	s0 =	sadd.s32 $0x8F2B, s0  }
0xcc: {  	[sflag:s0] =	ssyncadd.remote.s32 $0x1  }
0xcd: {  	_ =	sfence.sel $0xFFFF  }
0xce: {  	[dreg:$0x0] =	wrdreg $0xFFFFFFFF;
	(pc) =	sbr.abs _section_cstart, $3  }
0xcf: {  	[dreg:$0x1] =	wrdreg $0xFFFFFFFF  }
0xd0: {  	_ =	task.clear_ibuf [dreg:s22], $0x2FFFF;
	_ =	strace $0x9FFFFFFF  }
0xd1: {  	(tm) =	ssettm $0x7FFFFFFF  }
tec
execute0_lowered:
.L_overlay_start_1:
0x0: {  	(tag) =	ssettag $0x1  }
0x1: {  	s0 =	srdreg.scid;
	s15 =	stileid.u32  }
0x2: {  	s6 =	rddreg [dreg:$0x0];
	s8 =	smul.u32 $0xA00, s15  }
0x3: {  	s2 =	rddreg [dreg:$0x1];
	s3 =	simm.s32 $0x0;
	s19 =	smul.u32 $0x14000, s15  }
0x4: {  	s28 =	simm.s32 $0x3;
	s0 =	sand.u32 $0x1, s0;
	s22 =	smul.u32 $0x28A00, s15  }
0x5: {  	s29 =	simm.s32 $0x28;
	s1 =	sshll.u32 s15, $0x1;
	s9 =	smul.u32 $0xA000, s0  }
0x6: {  	s1 =	sor.u32 s0, s1;
	s18 =	ssub.s32 $0x2, s0;
	s0 =	smul.u32 $0x14500, s0  }
0x7: {  	s30 =	simm.s32 $0x0;
	[smem:$0x7FF] =	sst s3;
	s5 =	smul.u32 $0x140, s1  }
0x8: {  	s4 =	sadd.s32 $0xDB200, s6;
	s23 =	sshll.u32 s15, $0x6;
	s7 =	smul.u32 $0x5, s1  }
0x9: {  	_ =	strace $0x80000062;
	s20 =	sshrl.u32 s18, $0x1;
	s13 =	smul.u32 $0x14500, s1  }
0xa: {  	s21 =	sshrl.u32 s19, $0x2;
	s1 =	smul.u32 $0x28A0, s1;
	s19 =	simm.s32 $0xA28  }
0xb: {  	s17 =	sadd.s32 s8, s9;
	s14 =	ssub.s32 s18, s20;
	s16 =	sadd.s32 s21, s2  }
0xc: {  	s0 =	sadd.s32 s0, s22;
	s18 =	simm.s32 $0xA00;
	s20 =	simm.s32 $0x1A28  }
0xd: {  	s21 =	simm.s32 $0x1;
	s22 =	simm.s32 $0x80;
	s10 =	sadd.s32 s5, s6  }
0xe: {  	s11 =	sadd.s32 s7, s6;
	s5 =	sadd.s32 $0x9F600, s6;
	s12 =	sadd.s32 s17, s6  }
0xf: {  	s6 =	sor.u32 $0x1C04, s23;
	s24 =	sshrl.u32 s13, $0x3;
	s9 =	sadd.s32 s4, s1  }
0x10: {  	s26 =	sadd.s32 $0x3000, s0;
	s13 =	smax.u32 s14, $0x1;
	s15 =	sadd.s32 $0x2000, s0  }
0x11: {  	s16 =	sshrl.u32 s16, $0x3;
	s17 =	simm.s32 $0x4;
	s23 =	simm.s32 $0x2  }
0x12: {  	s7 =	sadd.s32 $0x4B800, s10;
	s8 =	sadd.s32 $0x4E000, s11;
	s25 =	sadd.s32 s4, s24  }
0x13: {  	s31 =	sshrl.u32 s26, $0x3;
	s12 =	sadd.s32 $0x12C600, s12;
	s26 =	simm.s32 $0x2A28  }
0x14: {  	s10 =	sadd.s32 $0x200, s25;
	s11 =	sadd.s32 $0x2800, s25;
	s14 =	sadd.s32 s31, s4  }
.LBB2_1:
0x15: {  	[spmem:s16], [sflag:s6] =	dma.local [hbm:s5], $0xA00  }
0x16: {  	_ =	swait.ge [sflag:s17], $0xA00  }
0x17: {  	[sflag:s17] =	ssyncset.done $0x0  }
0x18: {  	[sflag:s17] =	ssyncadd.s32 $0xFFFFF600  }
0x19: {  	[tilespmem:s3], [sflag:$0x4] =	stream.linear.gather [hbm4b:s7+s3], $0xA00, $0x38;
	[tilespmem:$0x7F28] =	vst v63  }
0x1a: {  	_ =	swait.ge [sflag:s17], $0xA00  }
0x1b: {  	[sflag:s17] =	ssyncset.done $0x0  }
0x1c: {  	[sflag:s17] =	ssyncadd.s32 $0xFFFFF600  }
0x1d: {  	[tilespmem:s18], [sflag:$0x4] =	stream.linear.gather [hbm4b:s8+s3], $0x28, $0x38;
	[tilespmem:$0x7F28] =	vst v63  }
0x1e: {  	_ =	swait.ge [sflag:s17], $0x28  }
0x1f: {  	[sflag:s17] =	ssyncset.done $0x0  }
0x20: {  	[sflag:s17] =	ssyncadd.s32 $0xFFFFFFD8  }
0x21: {  	[bflag:$0x0] =	sbarrier.arrive $0xFFFF  }
0x22: {  	[tilespmem:s19], [sflag:$0x1] =	stream.linear.gather [hbm4b:s9+s3], $0x1000, $0x38;
	[tilespmem:$0x7F28] =	vst v63  }
0x23: {  	_ = 	snop  }
0x24: {  	[tilespmem:s20], [sflag:$0x2] =	stream.linear.gather [hbm4b:s10+s3], $0x1000, $0x38;
	[tilespmem:$0x7F28] =	vst v63  }
0x25: {  	_ =	swait.ge [sflag:s21], $0x1000  }
0x26: {  	[sflag:s21] =	ssyncset.done $0x0  }
0x27: {  	s0 =	simm.s32 $0x0;
	[sflag:s21] =	ssyncadd.s32 $0xFFFFF000  }
0x28: {  	[spmem:s2] =	stream.indirect.scatter.add.f32 [tilespmem:s19], [sflag:$0x4], $0x20, s0, s22, $0xb8;
	[tilespmem:$0x7F28] =	vst v63  }
0x29: {  	_ =	swait.ge [sflag:s17], $0x1000  }
0x2a: {  	s24 =	sshrl.u32 s15, $0x3;
	[sflag:s17] =	ssyncset.done $0x0  }
0x2b: {  	s0 =	sadd.s32 s4, s24;
	[sflag:s17] =	ssyncadd.s32 $0xFFFFF000  }
0x2c: {  	[tilespmem:s19], [sflag:$0x1] =	stream.linear.gather [hbm4b:s0+s3], $0x1000, $0x38;
	[tilespmem:$0x7F28] =	vst v63  }
0x2d: {  	_ =	swait.ge [sflag:s23], $0x1000  }
0x2e: {  	[sflag:s23] =	ssyncset.done $0x0  }
0x2f: {  	s25 =	simm.s32 $0x80;
	[sflag:s23] =	ssyncadd.s32 $0xFFFFF000  }
0x30: {  	[spmem:s2] =	stream.indirect.scatter.add.f32 [tilespmem:s20], [sflag:$0x4], $0x20, s25, s22, $0xb8;
	[tilespmem:$0x7F28] =	vst v63  }
0x31: {  	_ =	swait.ge [sflag:s17], $0x1000  }
0x32: {  	s31 =	simm.s32 $0x400;
	[sflag:s17] =	ssyncset.done $0x0  }
0x33: {  	s1 =	sadd.s32 $0x2000, s15;
	s0 =	sadd.s32 $0x0, s14;
	[sflag:s17] =	ssyncadd.s32 $0xFFFFF000  }
.LBB2_2:
0x34: {  	[tilespmem:s20], [sflag:$0x2] =	stream.linear.gather [hbm4b:s0+s3], $0x1000, $0x38;
	[tilespmem:$0x7F28] =	vst v63  }
0x35: {  	s0 =	smov.u32 s31  }
0x36: {  	p0 =	sne.s32 s31, $0x2000;
	s31 =	sadd.s32 $0x400, s31;
	_ =	swait.ge [sflag:s21], $0x1000  }
0x37: {  	[sflag:s21] =	ssyncset.done $0x0  }
0x38: {  	s24 =	sshra.s32 s0, $0x2;
	[sflag:s21] =	ssyncadd.s32 $0xFFFFF000  }
0x39: {  	[spmem:s2] =	stream.indirect.scatter.add.f32 [tilespmem:s19], [sflag:$0x4], $0x20, s24, s22, $0xb8;
	[tilespmem:$0x7F28] =	vst v63  }
0x3a: {  	_ =	swait.ge [sflag:s17], $0x1000  }
0x3b: {  	s25 =	sshrl.u32 s1, $0x3;
	[sflag:s17] =	ssyncset.done $0x0  }
0x3c: {  	s25 =	sadd.s32 s4, s25;
	[sflag:s17] =	ssyncadd.s32 $0xFFFFF000  }
0x3d: {  	[tilespmem:s19], [sflag:$0x1] =	stream.linear.gather [hbm4b:s25+s3], $0x1000, $0x38;
	[tilespmem:$0x7F28] =	vst v63  }
0x3e: {  	_ =	swait.ge [sflag:s23], $0x1000  }
0x3f: {  	[sflag:s23] =	ssyncset.done $0x0  }
.Ltmp0:
0x40: {  	s24 =	sadd.s32 $0x80, s24;
	[sflag:s23] =	ssyncadd.s32 $0xFFFFF000;
	(pc) =	sbr.rel @p0 .LBB2_2-.Ltmp0, $4  }
0x41: {  	[spmem:s2] =	stream.indirect.scatter.add.f32 [tilespmem:s20], [sflag:$0x4], $0x20, s24, s22, $0xb8;
	[tilespmem:$0x7F28] =	vst v63  }
0x42: {  	_ =	swait.ge [sflag:s17], $0x1000  }
0x43: {  	[sflag:s17] =	ssyncset.done $0x0  }
0x44: {  	s1 =	sadd.s32 $0x2000, s1;
	s0 =	sadd.s32 s0, s14;
	[sflag:s17] =	ssyncadd.s32 $0xFFFFF000  }
0x45: {  	[tilespmem:s20], [sflag:$0x2] =	stream.linear.gather [hbm4b:s0+s3], $0x1000, $0x38;
	[tilespmem:$0x7F28] =	vst v63  }
0x46: {  	_ =	swait.ge [sflag:s21], $0x1000  }
0x47: {  	[sflag:s21] =	ssyncset.done $0x0  }
0x48: {  	s25 =	simm.s32 $0x900;
	[sflag:s21] =	ssyncadd.s32 $0xFFFFF000  }
0x49: {  	[spmem:s2] =	stream.indirect.scatter.add.f32 [tilespmem:s19], [sflag:$0x4], $0x20, s25, s22, $0xb8;
	[tilespmem:$0x7F28] =	vst v63  }
0x4a: {  	_ =	swait.ge [sflag:s17], $0x1000  }
0x4b: {  	[sflag:s17] =	ssyncset.done $0x0  }
0x4c: {  	[sflag:s17] =	ssyncadd.s32 $0xFFFFF000  }
0x4d: {  	_ =	swait.ge [sflag:s23], $0x1000  }
0x4e: {  	[sflag:s23] =	ssyncset.done $0x0  }
0x4f: {  	s31 =	simm.s32 $0x980;
	[sflag:s23] =	ssyncadd.s32 $0xFFFFF000  }
0x50: {  	[spmem:s2] =	stream.indirect.scatter.add.f32 [tilespmem:s20], [sflag:$0x4], $0x20, s31, s22, $0xb8;
	[tilespmem:$0x7F28] =	vst v63  }
0x51: {  	_ =	swait.ge [sflag:s17], $0x1000  }
0x52: {  	[sflag:s17] =	ssyncset.done $0x0  }
0x53: {  	[sflag:s17] =	ssyncadd.s32 $0xFFFFF000  }
0x54: {  	[tilespmem:s26], [sflag:$0x3] =	stream.linear.gather [hbm4b:s11+s3], $0x500, $0x38;
	[tilespmem:$0x7F28] =	vst v63  }
0x55: {  	_ =	swait.ge [sflag:s28], $0x500  }
0x56: {  	[sflag:s28] =	ssyncset.done $0x0  }
0x57: {  	[sflag:s28] =	ssyncadd.s32 $0xFFFFFB00  }
0x58: {  	[spmem:s2] =	stream.indirect.scatter.add.f32 [tilespmem:s26], [sflag:$0x4], $0x20, s18, s29, $0xb8;
	[tilespmem:$0x7F28] =	vst v63  }
0x59: {  	_ =	swait.ge [sflag:s17], $0x500  }
0x5a: {  	s30 =	sadd.s32 $0x1, s30;
	[sflag:s17] =	ssyncset.done $0x0  }
0x5b: {  	p0 =	sne.s32 s30, s13;
	[sflag:s17] =	ssyncadd.s32 $0xFFFFFB00  }
.Ltmp1:
0x5c: {  	[bflag:$0x0] =	sbarrier.arrive $0xFFFF;
	(pc) =	sbr.rel @p0 .LBB2_1-.Ltmp1, $4  }
0x5d: {  	[hbm:s12], [sflag:s6] =	dma.local [spmem:s16], $0xA00  }
0x5e: {  	_ =	swait.ge [sflag:s17], $0xA00  }
0x5f: {  	[sflag:s17] =	ssyncset.done $0x0  }
0x60: {  	[sflag:s17] =	ssyncadd.s32 $0xFFFFF600  }
0x61: {  	_ =	sfence.sel $0x180000  }
0x62: {  	[bflag:$0x0] =	sbarrier.arrive $0xFFFF  }
0x63: {  	_ =	strace $0x90000062  }
0x64: {  	s0 =	stileid.u32;
	[bflag:$0x2] =	sbarrier.arrive $0xFFFF  }
0x65: {  	p0 =	sne.s32 s0, $0x0;
	s0 =	rddreg [dreg:$0x2]  }
0x66: {  	s0 =	sadd.s32 @!p0 $0x100000, s0  }
0x67: {  	[sflag:s0] =	ssyncadd.tile.s32 @!p0 $0x1;
	_ =	shalt  }
.Lfunc_end2:
_tile_overlayer_lowered:
.L_overlay_start_2:
0x68: {  	(tag) =	ssettag $0x2  }
0x69: {  	s0 =	rddreg [dreg:$0x0];
	s2 =	stileid.u32  }
0x6a: {  	s1 =	rddreg [dreg:$0x1];
	p0 =	sne.s32 s2, $0x0  }
0x6b: {  	s3 =	rddreg [dreg:$0x2];
	[bflag:$0x3] =	sbarrier.arrive $0xFFFF;
	s2 =	simm.s32 @!p0 $0x1C04  }
0x6c: {  	[timem:s3], [sflag:s2] =	dma.local @!p0 [hbm:s0], s1  }
0x6d: {  	s0 =	simm.s32 @!p0 $0x4  }
0x6e: {  	_ =	swait.ge @!p0 [sflag:s0], s1  }
0x6f: {  	s1 =	ssub.s32 @!p0 $0x0, s1;
	[sflag:s0] =	ssyncset.done @!p0 $0x0  }
0x70: {  	[sflag:s0] =	ssyncadd.s32 @!p0 s1  }
0x71: {  	[bflag:$0x3] =	sbarrier.arrive $0xFFFF  }
0x72: {  	_ =	shalt  }

// kernel: kernel.39.cloned.1.call-start
scs
__scs_entry_jumppad:
0x0: {  	(pc) =	sbr.rel $0x88, $3  }
0x1: {  	(tag) =	ssettag $0x0;
	lr =	simm.s32 $0x1  }
0x2: {  	[smem:$0x3F8F] =	sst lr;
	_ =	strace $0xD0000000  }
0x3: {  	_ = 	snop  }
0x4: {  	_ = 	snop  }
0x5: {  	_ = 	snop  }
0x6: {  	_ = 	snop  }
0x7: {  	_ = 	snop  }
__scs_overlays_trampoline_lowered:
0x8: {  	[smem:$0x3F9E] =	sst s0  }
0x9: {  	[smem:$0x3F9F] =	sst s1  }
0xa: {  	[smem:$0x3FA0] =	sst s2  }
0xb: {  	[smem:$0x3FA1] =	sst s3  }
0xc: {  	[smem:$0x3FA2] =	sst s4  }
0xd: {  	[smem:$0x3FA3] =	sst s5  }
0xe: {  	[smem:$0x3FA4] =	sst s6  }
0xf: {  	[smem:$0x3FA5] =	sst s7  }
0x10: {  	[smem:$0x3FA6] =	sst s8  }
0x11: {  	[smem:$0x3FA7] =	sst s9;
	s0 =	simm.s32 @!p0 $0x0  }
0x12: {  	s1 =	sld [smem:$0x3F8D];
	s0 =	simm.s32 @p0 $0x1  }
0x13: {  	[smem:$0x3FA8] =	sst s0;
	s0 =	simm.s32 @!p1 $0x0  }
0x14: {  	s2 =	sld [smem:$0x3F8C];
	s0 =	simm.s32 @p1 $0x1  }
0x15: {  	[smem:$0x3FA9] =	sst s0;
	s0 =	simm.s32 @!p2 $0x0  }
0x16: {  	s3 =	sld [smem:$0x3FDB];
	s0 =	simm.s32 @p2 $0x1  }
0x17: {  	s4 =	simm.s32 $0x1BF5;
	[smem:$0x3FAB] =	sst s0  }
0x18: {  	s0 =	sld [smem:$0x3F8E];
	_ =	swait.ge [sflag:s4], $0x0  }
0x19: {  	s7 =	sld [smem:$0x3F8F]  }
0x1a: {  	s8 =	sadd.s32 $0xFFFFE003, lr  }
0x1b: {  	s9 =	sadd.s32 $0xFFFFFEF7, lr;
	s5 =	simm.s32 $0xFFFFFFFF;
	p2 =	slt.u32 s8, $0xFFFFF086  }
0x1c: {  	p1 =	slt.u32 s9, $0xF7A;
	s5 =	simm.s32 @!p2 $0x0  }
0x1d: {  	s5 =	simm.s32 @p1 $0x1;
	p0 =	seq.s32 s7, s2  }
0x1e: {  	s7 =	smul.u32 @!p0 $0xF7A, s2;
	p2 =	seq.s32 @!p0 s5, $0x0  }
0x1f: {  	s9 =	smul.u32 $0xF7A, s1;
	s8 =	simm.s32 @!p0 $0x1BF5;
	p2 =	por !p2, p0  }
0x20: {  	[sflag:s8] =	ssyncset.s32 @!p0 $0xFFFFF086;
	s6 =	sadd.s32 @!p0 s3, s7;
	s7 =	simm.s32 @!p0 $0x108  }
0x21: {  	s3 =	sadd.s32 s3, s9;
	s6 =	sadd.s32 @!p0 $0x88, s6;
	s7 =	simm.s32 @p2 $0x1082  }
0x22: {  	[simem:s7], [sflag:s8] =	dma.local @!p0 [hbm:s6], $0xF7A  }
0x23: {  	s9 =	sor.u32 $0xD0000000, s2;
	s6 =	simm.s32 $0x108;
	_ =	swait.ge @!p0 [sflag:s8], $0x0  }
0x24: {  	s3 =	sadd.s32 $0x88, s3;
	s6 =	simm.s32 @!p1 $0x1082;
	[sflag:s4] =	ssyncset.s32 $0xFFFFF086  }
0x25: {  	[simem:s6], [sflag:s4] =	dma.local [hbm:s3], $0xF7A  }
0x26: {  	[smem:$0x3F8F] =	sst s1;
	(tag) =	ssettag s2;
	_ =	strace s9  }
0x27: {  	s1 =	sld [smem:$0x3F9F]  }
0x28: {  	s2 =	sld [smem:$0x3FA0]  }
0x29: {  	s4 =	sld [smem:$0x3FA2]  }
0x2a: {  	p0 =	seq.s32 s5, $0x0;
	s5 =	sld [smem:$0x3FA3]  }
0x2b: {  	s6 =	sld [smem:$0x3FA4]  }
0x2c: {  	s7 =	sld [smem:$0x3FA5]  }
0x2d: {  	s3 =	simm.s32 $0x108;
	s8 =	sld [smem:$0x3FA6]  }
0x2e: {  	s3 =	simm.s32 @!p0 $0x1082;
	s9 =	sld [smem:$0x3FA7]  }
0x2f: {  	lr =	sadd.s32 s0, s3;
	s0 =	sld [smem:$0x3F9E]  }
0x30: {  	s3 =	sld [smem:$0x3FA1]  }
0x31: {  	[smem:$0x3FAA] =	sst s10  }
0x32: {  	s10 =	sld [smem:$0x3FA8];
	_ =	sdelay $0x3  }
0x33: {  	p0 =	seq.s32 s10, $0x1;
	s10 =	sld [smem:$0x3FAA];
	_ =	sdelay $0x3  }
0x34: {  	[smem:$0x3FAA] =	sst s10  }
0x35: {  	s10 =	sld [smem:$0x3FA9];
	_ =	sdelay $0x3  }
0x36: {  	p1 =	seq.s32 s10, $0x1;
	s10 =	sld [smem:$0x3FAA];
	_ =	sdelay $0x3  }
0x37: {  	[smem:$0x3FAA] =	sst s10  }
0x38: {  	s10 =	sld [smem:$0x3FAB]  }
0x39: {  	_ = 	snop;
	(pc) =	sbr.ind lr, $3  }
0x3a: {  	_ = 	snop  }
0x3b: {  	_ = 	snop  }
0x3c: {  	p2 =	seq.s32 s10, $0x1;
	s10 =	sld [smem:$0x3FAA]  }
0x3d: {  	_ =	shalt  }
0x3e: {  	_ =	shalt  }
0x3f: {  	_ =	shalt  }
0x40: {  	_ =	shalt  }
0x41: {  	_ =	shalt  }
0x42: {  	_ =	shalt  }
0x43: {  	_ =	shalt  }
0x44: {  	_ =	shalt  }
0x45: {  	_ =	shalt  }
0x46: {  	_ =	shalt  }
0x47: {  	_ =	shalt  }
0x48: {  	_ =	shalt  }
0x49: {  	_ =	shalt  }
0x4a: {  	_ =	shalt  }
0x4b: {  	_ =	shalt  }
0x4c: {  	_ =	shalt  }
0x4d: {  	_ =	shalt  }
0x4e: {  	_ =	shalt  }
0x4f: {  	_ =	shalt  }
0x50: {  	_ =	shalt  }
0x51: {  	_ =	shalt  }
0x52: {  	_ =	shalt  }
0x53: {  	_ =	shalt  }
0x54: {  	_ =	shalt  }
0x55: {  	_ =	shalt  }
0x56: {  	_ =	shalt  }
0x57: {  	_ =	shalt  }
0x58: {  	_ =	shalt  }
0x59: {  	_ =	shalt  }
0x5a: {  	_ =	shalt  }
0x5b: {  	_ =	shalt  }
0x5c: {  	_ =	shalt  }
0x5d: {  	_ =	shalt  }
0x5e: {  	_ =	shalt  }
0x5f: {  	_ =	shalt  }
0x60: {  	_ =	shalt  }
0x61: {  	_ =	shalt  }
0x62: {  	_ =	shalt  }
0x63: {  	_ =	shalt  }
0x64: {  	_ =	shalt  }
0x65: {  	_ =	shalt  }
0x66: {  	_ =	shalt  }
0x67: {  	_ =	shalt  }
0x68: {  	_ =	shalt  }
0x69: {  	_ =	shalt  }
0x6a: {  	_ =	shalt  }
0x6b: {  	_ =	shalt  }
0x6c: {  	_ =	shalt  }
0x6d: {  	_ =	shalt  }
0x6e: {  	_ =	shalt  }
0x6f: {  	_ =	shalt  }
0x70: {  	_ =	shalt  }
0x71: {  	_ =	shalt  }
0x72: {  	_ =	shalt  }
0x73: {  	_ =	shalt  }
0x74: {  	_ =	shalt  }
0x75: {  	_ =	shalt  }
0x76: {  	_ =	shalt  }
0x77: {  	_ =	shalt  }
0x78: {  	_ =	shalt  }
0x79: {  	_ =	shalt  }
0x7a: {  	_ =	shalt  }
0x7b: {  	_ =	shalt  }
0x7c: {  	_ =	shalt  }
0x7d: {  	_ =	shalt  }
0x7e: {  	_ =	shalt  }
0x7f: {  	_ =	shalt  }
0x80: {  	_ =	shalt  }
0x81: {  	_ =	shalt  }
0x82: {  	_ =	shalt  }
0x83: {  	_ =	shalt  }
0x84: {  	_ =	shalt  }
0x85: {  	_ =	shalt  }
0x86: {  	_ =	shalt  }
0x87: {  	_ =	shalt  }
.Lfunc_end0:
.L_simem_size_0:
called_computation.9_lowered:
.L_overlay_start_0:
0x88: {  	s2 =	sld [smem:$0x3FD9]  }
0x89: {  	s3 =	sld [smem:$0x3FFE];
	_ =	sdelay $0x1  }
0x8a: {  	s1 =	srdreg.scid  }
0x8b: {  	s0 =	sand.u32 $0x1, s1  }
0x8c: {  	s15 =	sshll.u32 s0, $0xA;
	s2 =	sadd.s32 s3, s2  }
0x8d: {  	s2 =	sadd.s32 s2, s15  }
0x8e: {  	[smem:$0x3FB6] =	sst s2  }
0x8f: {  	_ = 	snop  }
0x90: {  	s2 =	sld [smem:$0x3FD0];
	_ =	sdelay $0x2  }
0x91: {  	s16 =	simm.s32 $0xC;
	s4 =	simm.s32 $0x10  }
0x92: {  	[smem:s4], [sflag:s16] =	dma.local [hbm:s2], $0x1  }
0x93: {  	_ =	swait.eq [sflag:s16], $0x1  }
0x94: {  	[sflag:s16] =	ssyncset.done $0x0  }
0x95: {  	[sflag:s16] =	ssyncadd.s32 $0xFFFFFFFF  }
0x96: {  	s17 =	sld [smem:$0x10];
	(tm) =	ssettm $0x1  }
0x97: {  	s18 =	sld [smem:$0x3FFB];
	_ =	sdelay $0x3  }
0x98: {  	_ =	strace s18  }
0x99: {  	s2 =	sld [smem:$0x3FFC];
	_ =	sdelay $0x3  }
0x9a: {  	_ =	strace s2  }
0x9b: {  	s2 =	sld [smem:$0x3FFD];
	_ =	sdelay $0x3  }
0x9c: {  	_ =	strace s2  }
0x9d: {  	_ =	strace $0x8FFFFFFF  }
0x9e: {  	s19 =	sld [smem:$0x3FDB];
	_ =	sdelay $0x1  }
0x9f: {  	s20 =	simm.s32 $_scs_section_size  }
0xa0: {  	s5 =	simm.s32 $_size__tile_overlayer_lowered;
	s6 =	simm.s32 $_tile_overlayer_lowered  }
0xa1: {  	s7 =	simm.s32 $0x1BFF;
	s21 =	sshll.u32 s6, $0x1;
	s4 =	sadd.s32 s20, s19  }
0xa2: {  	s22 =	simm.s32 $0x0;
	s5 =	sshll.u32 s5, $0x1;
	s6 =	sadd.s32 s21, s4  }
0xa3: {  	[timem:s22], [sflag:s7] =	dma.local [hbm:s6], s5  }
0xa4: {  	_ =	swait.ge [sflag:s7], s5  }
0xa5: {  	s5 =	ssub.s32 $0x0, s5;
	[sflag:s7] =	ssyncset.done $0x0  }
0xa6: {  	[sflag:s7] =	ssyncadd.s32 s5;
	_ =	sdelay $0x1  }
0xa7: {  	s23 =	simm.s32 $0x1B8B  }
0xa8: {  	_ =	swait.ge [sflag:s23], $0x1  }
0xa9: {  	[sflag:s23] =	ssyncset.done $0x0  }
0xaa: {  	[sflag:s23] =	ssyncadd.s32 $0xFFFFFFFF  }
0xab: {  	s5 =	sld [smem:$0x0]  }
0xac: {  	s6 =	sand.u32 $0xFFFFFFFE, s1  }
0xad: {  	p0 =	sne.s32 s1, s6  }
0xae: {  	s6 =	sshll.u32 @p0 s6, $0xE  }
0xaf: {  	s6 =	sadd.s32 @p0 $0x11B8D, s6;
	s7 =	sshll.u32 @p0 s5, $0x11  }
0xb0: {  	s6 =	sor.u32 @p0 s7, s6  }
0xb1: {  	[sflag:s6] =	ssyncadd.remote.s32 @p0 $0x1;
	_ =	sdelay $0x1  }
0xb2: {  	s6 =	simm.s32 @p0 $0x1B8D  }
0xb3: {  	_ =	swait.eq @p0 [sflag:s6], $0x1  }
0xb4: {  	[sflag:s6] =	ssyncadd.s32 @p0 $0xFFFFFFFF  }
0xb5: {  	s7 =	sshll.u32 @!p0 s1, $0xE  }
0xb6: {  	s7 =	sor.u32 @!p0 $0x4000, s7;
	s6 =	simm.s32 @!p0 $0x1B8D  }
0xb7: {  	s5 =	sshll.u32 @!p0 s5, $0x11;
	s7 =	sadd.s32 @!p0 $0x11B8D, s7;
	_ =	swait.eq @!p0 [sflag:s6], $0x1  }
0xb8: {  	s5 =	sor.u32 @!p0 s5, s7;
	[sflag:s6] =	ssyncadd.s32 @!p0 $0xFFFFFFFF  }
0xb9: {  	s25 =	simm.s32 $0x1B8E;
	s24 =	sld [smem:$0x3FFE];
	[sflag:s5] =	ssyncadd.remote.s32 @!p0 $0x1  }
0xba: {  	s26 =	simm.s32 $execute0_lowered;
	[smem:$0x3FD2] =	sst s25  }
0xbb: {  	s6 =	sshll.u32 s26, $0x1;
	_ =	strace $0x8000005E;
	[dreg:$0x1] =	wrdreg $0xFFFFFFFF  }
0xbc: {  	s28 =	simm.s32 $_size_execute0_lowered;
	s4 =	sadd.s32 s4, s6;
	[dreg:$0x0] =	wrdreg $0x0  }
0xbd: {  	s6 =	sshll.u32 s28, $0x1;
	[dreg:$0x2] =	wrdreg s4  }
0xbe: {  	[dreg:$0x3] =	wrdreg s6  }
0xbf: {  	[dreg:$0x4] =	wrdreg $0xC0  }
0xc0: {  	_ =	task [dreg:s22], $0x5FFFF  }
0xc1: {  	[dreg:$0x1] =	wrdreg $0xFFFFFFFF  }
0xc2: {  	[dreg:$0x0] =	wrdreg $0x60  }
0xc3: {  	[dreg:$0x2] =	wrdreg s24  }
0xc4: {  	[dreg:$0x3] =	wrdreg s17  }
0xc5: {  	[dreg:$0x4] =	wrdreg $0x35600  }
0xc6: {  	[dreg:$0x5] =	wrdreg $0xA  }
0xc7: {  	_ =	task.clear_ibuf [dreg:s22], $0x6FFFF;
	_ =	strace $0x9000005E  }
0xc8: {  	s29 =	simm.s32 $0xA;
	_ =	strace $0x80000060  }
0xc9: {  	_ =	swait.ge [sflag:s29], $0x1  }
0xca: {  	[sflag:s29] =	ssyncadd.s32 $0xFFFFFFFF  }
0xcb: {  	_ =	strace $0x90000060  }
0xcc: {  	_ =	sfence  }
0xcd: {  	s30 =	sld [smem:$0x0];
	_ =	sdelay $0x2  }
0xce: {  	s31 =	sshll.u32 s1, $0xD;
	s1 =	sshrl.u32 s1, $0x2  }
0xcf: {  	s4 =	sand.u32 $0x4000, s31;
	s1 =	sadd.s32 s1, s30  }
0xd0: {  	s0 =	sor.u32 s4, s0;
	s1 =	sshll.u32 s1, $0x11  }
0xd1: {  	s0 =	sor.u32 s1, s0  }
0xd2: {  	s0 =	sadd.s32 $0x8F2B, s0  }
0xd3: {  	[sflag:s0] =	ssyncadd.remote.s32 $0x1  }
0xd4: {  	_ =	sfence.sel $0xFFFF  }
0xd5: {  	[dreg:$0x0] =	wrdreg $0xFFFFFFFF;
	(pc) =	sbr.abs _section_cstart, $3  }
0xd6: {  	[dreg:$0x1] =	wrdreg $0xFFFFFFFF  }
0xd7: {  	_ =	task.clear_ibuf [dreg:s22], $0x2FFFF;
	_ =	strace $0x9FFFFFFF  }
0xd8: {  	(tm) =	ssettm $0x7FFFFFFF  }
0xd9: {  	_ =	shalt  }
tec
execute0_lowered:
.L_overlay_start_1:
0x0: {  	(tag) =	ssettag $0x1  }
0x1: {  	s0 =	rddreg [dreg:$0x0];
	s1 =	srdreg.scid  }
0x2: {  	s15 =	stileid.u32;
	s8 =	rddreg [dreg:$0x1]  }
0x3: {  	s2 =	rddreg [dreg:$0x2];
	s17 =	simm.s32 $0x4;
	s6 =	smul.u32 $0xA00, s15  }
0x4: {  	s18 =	simm.s32 $0x900;
	s28 =	simm.s32 $0x3;
	s11 =	smul.u32 $0x14000, s15  }
0x5: {  	s29 =	simm.s32 $0x60;
	s1 =	sand.u32 $0x1, s1;
	s22 =	smul.u32 $0x25800, s15  }
0x6: {  	s30 =	simm.s32 $0x0;
	s3 =	sshll.u32 s15, $0x1;
	s7 =	smul.u32 $0xA000, s1  }
0x7: {  	s9 =	sor.u32 s1, s3;
	s19 =	ssub.s32 $0x2, s1;
	s1 =	smul.u32 $0x12C00, s1  }
0x8: {  	s4 =	sadd.s32 $0x4E200, s0;
	s3 =	simm.s32 $0x0;
	s5 =	smul.u32 $0x120, s9  }
0x9: {  	s23 =	sshll.u32 s15, $0x6;
	[smem:$0x7FF] =	sst s3;
	s12 =	smul.u32 $0xC, s9  }
0xa: {  	s20 =	sshrl.u32 s19, $0x1;
	s13 =	smul.u32 $0x12C00, s9;
	s21 =	sshrl.u32 s11, $0x2  }
0xb: {  	s9 =	smul.u32 $0x2580, s9;
	_ =	strace $0x8000005F;
	s6 =	sadd.s32 s6, s7  }
0xc: {  	s14 =	ssub.s32 s19, s20;
	s16 =	sadd.s32 s21, s2;
	s1 =	sadd.s32 s1, s22  }
0xd: {  	s19 =	simm.s32 $0x960;
	s20 =	simm.s32 $0x1960;
	s21 =	simm.s32 $0x1  }
0xe: {  	s22 =	simm.s32 $0x80;
	s10 =	sadd.s32 s5, s0;
	s5 =	sadd.s32 $0x9F600, s0  }
0xf: {  	s0 =	sadd.s32 s6, s0;
	s6 =	sor.u32 $0x1C04, s23;
	s8 =	sadd.s32 s8, s12  }
0x10: {  	s24 =	sshrl.u32 s13, $0x3;
	s9 =	sadd.s32 s4, s9;
	s26 =	sadd.s32 $0x3000, s1  }
0x11: {  	s13 =	smax.u32 s14, $0x1;
	s15 =	sadd.s32 $0x2000, s1;
	s16 =	sshrl.u32 s16, $0x3  }
0x12: {  	s23 =	simm.s32 $0x2;
	s7 =	sadd.s32 $0x6800, s10;
	s25 =	sadd.s32 s4, s24  }
0x13: {  	s31 =	sshrl.u32 s26, $0x3;
	s12 =	sadd.s32 $0xC7200, s0;
	s26 =	simm.s32 $0x2960  }
0x14: {  	s10 =	sadd.s32 $0x200, s25;
	s11 =	sadd.s32 $0x2400, s25;
	s14 =	sadd.s32 s31, s4  }
.LBB2_1:
0x15: {  	[spmem:s16], [sflag:s6] =	dma.local [hbm:s5], $0xA00  }
0x16: {  	_ =	swait.ge [sflag:s17], $0xA00  }
0x17: {  	[sflag:s17] =	ssyncset.done $0x0  }
0x18: {  	[sflag:s17] =	ssyncadd.s32 $0xFFFFF600  }
0x19: {  	[tilespmem:s3], [sflag:$0x4] =	stream.linear.gather [hbm4b:s7+s3], $0x900, $0x38;
	[tilespmem:$0x8560] =	vst v63  }
0x1a: {  	_ =	swait.ge [sflag:s17], $0x900  }
0x1b: {  	[sflag:s17] =	ssyncset.done $0x0  }
0x1c: {  	[sflag:s17] =	ssyncadd.s32 $0xFFFFF700  }
0x1d: {  	[tilespmem:s18], [sflag:$0x4] =	stream.linear.gather [hbm4b:s8+s3], $0x60, $0x38;
	[tilespmem:$0x8560] =	vst v63  }
0x1e: {  	_ =	swait.ge [sflag:s17], $0x60  }
0x1f: {  	[sflag:s17] =	ssyncset.done $0x0  }
0x20: {  	[sflag:s17] =	ssyncadd.s32 $0xFFFFFFA0  }
0x21: {  	[bflag:$0x0] =	sbarrier.arrive $0xFFFF  }
0x22: {  	[tilespmem:s19], [sflag:$0x1] =	stream.linear.gather [hbm4b:s9+s3], $0x1000, $0x38;
	[tilespmem:$0x8560] =	vst v63  }
0x23: {  	_ = 	snop  }
0x24: {  	[tilespmem:s20], [sflag:$0x2] =	stream.linear.gather [hbm4b:s10+s3], $0x1000, $0x38;
	[tilespmem:$0x8560] =	vst v63  }
0x25: {  	_ =	swait.ge [sflag:s21], $0x1000  }
0x26: {  	[sflag:s21] =	ssyncset.done $0x0  }
0x27: {  	s0 =	simm.s32 $0x0;
	[sflag:s21] =	ssyncadd.s32 $0xFFFFF000  }
0x28: {  	[spmem:s2] =	stream.indirect.scatter.add.f32 [tilespmem:s19], [sflag:$0x4], $0x20, s0, s22, $0xb8;
	[tilespmem:$0x8560] =	vst v63  }
0x29: {  	_ =	swait.ge [sflag:s17], $0x1000  }
0x2a: {  	s24 =	sshrl.u32 s15, $0x3;
	[sflag:s17] =	ssyncset.done $0x0  }
0x2b: {  	s0 =	sadd.s32 s4, s24;
	[sflag:s17] =	ssyncadd.s32 $0xFFFFF000  }
0x2c: {  	[tilespmem:s19], [sflag:$0x1] =	stream.linear.gather [hbm4b:s0+s3], $0x1000, $0x38;
	[tilespmem:$0x8560] =	vst v63  }
0x2d: {  	_ =	swait.ge [sflag:s23], $0x1000  }
0x2e: {  	[sflag:s23] =	ssyncset.done $0x0  }
0x2f: {  	s25 =	simm.s32 $0x80;
	[sflag:s23] =	ssyncadd.s32 $0xFFFFF000  }
0x30: {  	[spmem:s2] =	stream.indirect.scatter.add.f32 [tilespmem:s20], [sflag:$0x4], $0x20, s25, s22, $0xb8;
	[tilespmem:$0x8560] =	vst v63  }
0x31: {  	_ =	swait.ge [sflag:s17], $0x1000  }
0x32: {  	s31 =	simm.s32 $0x400;
	[sflag:s17] =	ssyncset.done $0x0  }
0x33: {  	s1 =	sadd.s32 $0x2000, s15;
	s0 =	sadd.s32 $0x0, s14;
	[sflag:s17] =	ssyncadd.s32 $0xFFFFF000  }
.LBB2_2:
0x34: {  	[tilespmem:s20], [sflag:$0x2] =	stream.linear.gather [hbm4b:s0+s3], $0x1000, $0x38;
	[tilespmem:$0x8560] =	vst v63  }
0x35: {  	s0 =	smov.u32 s31  }
0x36: {  	p0 =	sne.s32 s31, $0x1C00;
	s31 =	sadd.s32 $0x400, s31;
	_ =	swait.ge [sflag:s21], $0x1000  }
0x37: {  	[sflag:s21] =	ssyncset.done $0x0  }
0x38: {  	s24 =	sshra.s32 s0, $0x2;
	[sflag:s21] =	ssyncadd.s32 $0xFFFFF000  }
0x39: {  	[spmem:s2] =	stream.indirect.scatter.add.f32 [tilespmem:s19], [sflag:$0x4], $0x20, s24, s22, $0xb8;
	[tilespmem:$0x8560] =	vst v63  }
0x3a: {  	_ =	swait.ge [sflag:s17], $0x1000  }
0x3b: {  	s25 =	sshrl.u32 s1, $0x3;
	[sflag:s17] =	ssyncset.done $0x0  }
0x3c: {  	s25 =	sadd.s32 s4, s25;
	[sflag:s17] =	ssyncadd.s32 $0xFFFFF000  }
0x3d: {  	[tilespmem:s19], [sflag:$0x1] =	stream.linear.gather [hbm4b:s25+s3], $0x1000, $0x38;
	[tilespmem:$0x8560] =	vst v63  }
0x3e: {  	_ =	swait.ge [sflag:s23], $0x1000  }
0x3f: {  	[sflag:s23] =	ssyncset.done $0x0  }
.Ltmp0:
0x40: {  	s24 =	sadd.s32 $0x80, s24;
	[sflag:s23] =	ssyncadd.s32 $0xFFFFF000;
	(pc) =	sbr.rel @p0 .LBB2_2-.Ltmp0, $4  }
0x41: {  	[spmem:s2] =	stream.indirect.scatter.add.f32 [tilespmem:s20], [sflag:$0x4], $0x20, s24, s22, $0xb8;
	[tilespmem:$0x8560] =	vst v63  }
0x42: {  	_ =	swait.ge [sflag:s17], $0x1000  }
0x43: {  	[sflag:s17] =	ssyncset.done $0x0  }
0x44: {  	s1 =	sadd.s32 $0x2000, s1;
	s0 =	sadd.s32 s0, s14;
	[sflag:s17] =	ssyncadd.s32 $0xFFFFF000  }
0x45: {  	[tilespmem:s20], [sflag:$0x2] =	stream.linear.gather [hbm4b:s0+s3], $0x1000, $0x38;
	[tilespmem:$0x8560] =	vst v63  }
0x46: {  	_ =	swait.ge [sflag:s21], $0x1000  }
0x47: {  	[sflag:s21] =	ssyncset.done $0x0  }
0x48: {  	s25 =	simm.s32 $0x800;
	[sflag:s21] =	ssyncadd.s32 $0xFFFFF000  }
0x49: {  	[spmem:s2] =	stream.indirect.scatter.add.f32 [tilespmem:s19], [sflag:$0x4], $0x20, s25, s22, $0xb8;
	[tilespmem:$0x8560] =	vst v63  }
0x4a: {  	_ =	swait.ge [sflag:s17], $0x1000  }
0x4b: {  	[sflag:s17] =	ssyncset.done $0x0  }
0x4c: {  	[sflag:s17] =	ssyncadd.s32 $0xFFFFF000  }
0x4d: {  	_ =	swait.ge [sflag:s23], $0x1000  }
0x4e: {  	[sflag:s23] =	ssyncset.done $0x0  }
0x4f: {  	s31 =	simm.s32 $0x880;
	[sflag:s23] =	ssyncadd.s32 $0xFFFFF000  }
0x50: {  	[spmem:s2] =	stream.indirect.scatter.add.f32 [tilespmem:s20], [sflag:$0x4], $0x20, s31, s22, $0xb8;
	[tilespmem:$0x8560] =	vst v63  }
0x51: {  	_ =	swait.ge [sflag:s17], $0x1000  }
0x52: {  	[sflag:s17] =	ssyncset.done $0x0  }
0x53: {  	[sflag:s17] =	ssyncadd.s32 $0xFFFFF000  }
0x54: {  	[tilespmem:s26], [sflag:$0x3] =	stream.linear.gather [hbm4b:s11+s3], $0xC00, $0x38;
	[tilespmem:$0x8560] =	vst v63  }
0x55: {  	_ =	swait.ge [sflag:s28], $0xC00  }
0x56: {  	[sflag:s28] =	ssyncset.done $0x0  }
0x57: {  	[sflag:s28] =	ssyncadd.s32 $0xFFFFF400  }
0x58: {  	[spmem:s2] =	stream.indirect.scatter.add.f32 [tilespmem:s26], [sflag:$0x4], $0x20, s18, s29, $0xb8;
	[tilespmem:$0x8560] =	vst v63  }
0x59: {  	_ =	swait.ge [sflag:s17], $0xC00  }
0x5a: {  	s30 =	sadd.s32 $0x1, s30;
	[sflag:s17] =	ssyncset.done $0x0  }
0x5b: {  	p0 =	sne.s32 s30, s13;
	[sflag:s17] =	ssyncadd.s32 $0xFFFFF400  }
.Ltmp1:
0x5c: {  	[bflag:$0x0] =	sbarrier.arrive $0xFFFF;
	(pc) =	sbr.rel @p0 .LBB2_1-.Ltmp1, $4  }
0x5d: {  	[hbm:s12], [sflag:s6] =	dma.local [spmem:s16], $0xA00  }
0x5e: {  	_ =	swait.ge [sflag:s17], $0xA00  }
0x5f: {  	[sflag:s17] =	ssyncset.done $0x0  }
0x60: {  	[sflag:s17] =	ssyncadd.s32 $0xFFFFF600  }
0x61: {  	_ =	sfence.sel $0x180000  }
0x62: {  	[bflag:$0x0] =	sbarrier.arrive $0xFFFF  }
0x63: {  	_ =	strace $0x9000005F  }
0x64: {  	s0 =	stileid.u32;
	[bflag:$0x2] =	sbarrier.arrive $0xFFFF  }
0x65: {  	p0 =	sne.s32 s0, $0x0;
	s0 =	rddreg [dreg:$0x3]  }
0x66: {  	s0 =	sadd.s32 @!p0 $0x100000, s0  }
0x67: {  	[sflag:s0] =	ssyncadd.tile.s32 @!p0 $0x1;
	_ =	shalt  }
.Lfunc_end2:
_tile_overlayer_lowered:
.L_overlay_start_2:
0x68: {  	(tag) =	ssettag $0x2  }
0x69: {  	s0 =	rddreg [dreg:$0x0];
	s2 =	stileid.u32  }
0x6a: {  	s1 =	rddreg [dreg:$0x1];
	p0 =	sne.s32 s2, $0x0  }
0x6b: {  	s3 =	rddreg [dreg:$0x2];
	[bflag:$0x3] =	sbarrier.arrive $0xFFFF;
	s2 =	simm.s32 @!p0 $0x1C04  }
0x6c: {  	[timem:s3], [sflag:s2] =	dma.local @!p0 [hbm:s0], s1  }
0x6d: {  	s0 =	simm.s32 @!p0 $0x4  }
0x6e: {  	_ =	swait.ge @!p0 [sflag:s0], s1  }
0x6f: {  	s1 =	ssub.s32 @!p0 $0x0, s1;
	[sflag:s0] =	ssyncset.done @!p0 $0x0  }
0x70: {  	[sflag:s0] =	ssyncadd.s32 @!p0 s1  }
0x71: {  	[bflag:$0x3] =	sbarrier.arrive $0xFFFF  }
0x72: {  	_ =	shalt  }

</sc_bundles>
